<compile_context>
chip_gen: v7x
topology: tpu7x:2x2x1
jax: 0.10.2.dev20260603
libtpu: 0.0.44.dev20260713+nightly
codegen_flags: <defaults>
</compile_context>

<pallas_src>
import functools

import numpy as np
import jax
import jax.numpy as jnp
from jax import lax
from jax.experimental import pallas as pl
from jax.experimental.pallas import tpu as pltpu
from jax.experimental.pallas import tpu_sc as plsc

_OH, _OW, _G = 7, 7, 2
_SCALE = 0.25
_B, _C, _H, _W = 2, 128, 200, 200
_N = 1024

_PTS = _OH * _OW * _G * _G
_PPTS = 224
_NCH = _PPTS // 16
_ROWS = 2 * _PTS
_NC, _NS = 2, 16
_NWORK = _NC * _NS
_RPW = _N // _NWORK
_OUTF = _C * _OH * _OW
_CW = _C // 2

_PCHUNK = 160
_CPW = 16
_TBL = _NWORK * _CPW * _PCHUNK
_NPIX = _B * _H * _W


def _point_consts():
    ay = np.zeros(_PPTS, np.float32)
    ax = np.zeros(_PPTS, np.float32)
    for p in range(_PTS):
        b, s = divmod(p, _G * _G)
        oh, ow = divmod(b, _OW)
        gy, gx = divmod(s, _G)
        ay[p] = (oh + (gy + 0.5) / _G) / _OH - 0.5
        ax[p] = (ow + (gx + 0.5) / _G) / _OW - 0.5
    ay[_PTS:] = ay[_PTS - 1]
    ax[_PTS:] = ax[_PTS - 1]
    return ay, ax

_AY_CONST, _AX_CONST = _point_consts()


def _pack_body(src_hbm, pair_hbm, in0_v, out0_v, sem_in0, sem_out0):
    wid = lax.axis_index("s") * _NC + lax.axis_index("c")
    base_row = wid * (_CPW * _PCHUNK)

    def in_copies(ci, in_v, sem):
        a = base_row + ci * _PCHUNK
        o1 = jnp.minimum(a, _NPIX - _PCHUNK)
        o2 = jnp.minimum(a + _PCHUNK, _NPIX - 8)
        return (pltpu.make_async_copy(src_hbm.at[pl.ds(o1, _PCHUNK)],
                                      in_v.at[pl.ds(0, _PCHUNK)], sem),
                pltpu.make_async_copy(src_hbm.at[pl.ds(o2, 8)],
                                      in_v.at[pl.ds(_PCHUNK, 8)], sem))

    def out_copy(ci, out_v, sem):
        a = base_row + ci * _PCHUNK
        return pltpu.make_async_copy(out_v, pair_hbm.at[pl.ds(a, _PCHUNK)],
                                     sem)

    def pack(in_v, out_v):
        def word(jj, g):
            lo = lax.bitcast_convert_type(
                in_v[jj, pl.ds(g * 32, 16)], jnp.int32)
            hi = lax.bitcast_convert_type(
                in_v[jj, pl.ds(g * 32 + 16, 16)], jnp.int32)
            return (lax.shift_right_logical(lo + 32768, 16)
                    | ((hi + 32768) & jnp.int32(-65536)))

        for g in range(4):
            out_v[0, pl.ds(g * 16, 16)] = word(0, g)
            w_last = word(_PCHUNK, g)
            out_v[_PCHUNK - 1, pl.ds(_CW + g * 16, 16)] = w_last

        def pix_body(jj, _):
            for g in range(4):
                w = word(jj, g)
                out_v[jj, pl.ds(g * 16, 16)] = w
                out_v[jj - 1, pl.ds(_CW + g * 16, 16)] = w
            return _

        lax.fori_loop(1, _PCHUNK, pix_body, None)

    def chunk_body(ci, _):
        cps = in_copies(ci, in0_v, sem_in0)
        for cp in cps:
            cp.start()
        for cp in cps:
            cp.wait()
        pack(in0_v, out0_v)
        ocp = out_copy(ci, out0_v, sem_out0)
        ocp.start()
        ocp.wait()
        return _

    lax.fori_loop(0, _CPW, chunk_body, None)


def _sc_body(tbl_hbm, par_hbm, ay_hbm, ax_hbm, out_hbm,
             par_v, ay_v, ax_v, idx0_v, w0_v, g0_v, o0_v, sg0, sg1):
    wid = lax.axis_index("s") * _NC + lax.axis_index("c")
    pltpu.sync_copy(ay_hbm, ay_v)
    pltpu.sync_copy(ax_hbm, ax_v)
    pltpu.sync_copy(par_hbm.at[pl.ds(wid * (_RPW * 8), _RPW * 8)], par_v)

    lanes = lax.iota(jnp.int32, 16)

    def splat_par(j, k):
        return plsc.load_gather(par_v, [jnp.full((16,), j * 8 + k, jnp.int32)])

    def coords(j, idx_v, w_v):
        cx = splat_par(j, 0)
        cy = splat_par(j, 1)
        rw = splat_par(j, 2)
        rh = splat_par(j, 3)
        cs = splat_par(j, 4)
        sn = splat_par(j, 5)
        base = splat_par(j, 6).astype(jnp.int32)
        for c in range(_NCH):
            ay = ay_v[pl.ds(c * 16, 16)]
            ax = ax_v[pl.ds(c * 16, 16)]
            yy = rh * ay
            xx = rw * ax
            x = xx * cs - yy * sn + cx
            y = xx * sn + yy * cs + cy
            valid = ((y > -1.0) & (y < float(_H))
                     & (x > -1.0) & (x < float(_W)))
            xc = jnp.minimum(jnp.maximum(x, 0.0), float(_W - 1))
            yc = jnp.minimum(jnp.maximum(y, 0.0), float(_H - 1))
            x0 = xc.astype(jnp.int32)
            y0 = yc.astype(jnp.int32)
            lx = xc - x0.astype(jnp.float32)
            ly = yc - y0.astype(jnp.float32)
            hx = 1.0 - lx
            hy = 1.0 - ly
            vm = jnp.where(valid, 0.25, 0.0)
            r00 = base + y0 * _W + x0
            half = c // 7
            col = (c % 7) * 16
            ws = (hy * hx * vm, hy * lx * vm, ly * hx * vm, ly * lx * vm)
            rs = (r00, r00 + _W)
            for k in range(2):
                idx_v[2 * k + half, pl.ds(col, 16)] = rs[k]
            for k in range(4):
                w_v[pl.ds(k * _PPTS + c * 16, 16)] = ws[k]

    def accumulate(g_v, w_v, out_v, b_lo, b_hi):
        def bin_body(b, _):
            accs = None
            for s in range(4):
                for k in range(2):
                    r = k * _PTS + 4 * b + s
                    wx0 = plsc.load_gather(
                        w_v, [jnp.full((16,), 2 * k * _PPTS + 4 * b + s,
                                       jnp.int32)])
                    wx1 = plsc.load_gather(
                        w_v, [jnp.full((16,), (2 * k + 1) * _PPTS + 4 * b + s,
                                       jnp.int32)])
                    terms = []
                    for g8 in range(8):
                        pk = g_v[r, pl.ds(g8 * 16, 16)]
                        w = wx0 if g8 < 4 else wx1
                        ev = lax.bitcast_convert_type(pk << 16, jnp.float32)
                        od = lax.bitcast_convert_type(pk, jnp.float32)
                        terms.append(w * ev)
                        terms.append(w * od)
                    if accs is None:
                        accs = terms
                    else:
                        accs = [a + t for a, t in zip(accs, terms)]
            accs = [accs[i] + accs[i + 8] for i in range(8)]
            for g4 in range(4):
                for par in range(2):
                    sidx = (lanes + g4 * 32 + par * 16) * (_OH * _OW) + b
                    plsc.store_scatter(out_v, [sidx], accs[g4 * 2 + par])
            return _

        lax.fori_loop(b_lo, b_hi, bin_body, None)

    def roi_body(j, _):
        coords(j, idx0_v, w0_v)
        cps_a = [pltpu.async_copy(tbl_hbm.at[idx0_v.at[2 * k]],
                                  g0_v.at[pl.ds(k * _PTS, 112)], sg0)
                 for k in range(2)]
        cps_b = [pltpu.async_copy(tbl_hbm.at[idx0_v.at[2 * k + 1,
                                                       pl.ds(0, 84)]],
                                  g0_v.at[pl.ds(k * _PTS + 112, 84)], sg1)
                 for k in range(2)]
        for cp in cps_a:
            cp.wait()
        accumulate(g0_v, w0_v, o0_v, 0, 28)
        for cp in cps_b:
            cp.wait()
        accumulate(g0_v, w0_v, o0_v, 28, _OH * _OW)
        pltpu.sync_copy(o0_v, out_hbm.at[wid * _RPW + j])
        return _

    lax.fori_loop(0, _RPW, roi_body, None)


@jax.jit
def _roi_align_sc(tblf, params, ayc, axc):
    mesh = plsc.VectorSubcoreMesh(core_axis_name="c", subcore_axis_name="s")
    pair = functools.partial(
        pl.kernel,
        out_type=jax.ShapeDtypeStruct((_TBL, _C), jnp.int32),
        mesh=mesh,
        compiler_params=pltpu.CompilerParams(needs_layout_passes=False),
        scratch_types=[
            pltpu.VMEM((_PCHUNK + 8, _C), jnp.float32),
            pltpu.VMEM((_PCHUNK, _C), jnp.int32),
            pltpu.SemaphoreType.DMA,
            pltpu.SemaphoreType.DMA,
        ],
    )(_pack_body)(tblf)
    f = functools.partial(
        pl.kernel,
        out_type=jax.ShapeDtypeStruct((_N, _OUTF), jnp.float32),
        mesh=mesh,
        compiler_params=pltpu.CompilerParams(needs_layout_passes=False),
        scratch_types=[
            pltpu.VMEM((_RPW * 8,), jnp.float32),
            pltpu.VMEM((_PPTS,), jnp.float32),
            pltpu.VMEM((_PPTS,), jnp.float32),
            pltpu.VMEM((4, 112), jnp.int32),
            pltpu.VMEM((4 * _PPTS,), jnp.float32),
            pltpu.VMEM((_ROWS, _C), jnp.int32),
            pltpu.VMEM((_OUTF,), jnp.float32),
            pltpu.SemaphoreType.DMA,
            pltpu.SemaphoreType.DMA,
        ],
    )(_sc_body)
    return f(pair, params, ayc, axc)


def kernel(inputs, rois):
    tbl = jnp.transpose(inputs, (0, 2, 3, 1)).reshape(_NPIX, _C)
    cx = rois[:, 1] * _SCALE
    cy = rois[:, 2] * _SCALE
    rw = jnp.maximum(rois[:, 3] * _SCALE, 1.0)
    rh = jnp.maximum(rois[:, 4] * _SCALE, 1.0)
    cs = jnp.cos(rois[:, 5])
    sn = jnp.sin(rois[:, 5])
    base = rois[:, 0] * float(_H * _W)
    zero = jnp.zeros_like(cx)
    params = jnp.stack([cx, cy, rw, rh, cs, sn, base, zero], 1).reshape(-1)
    out = _roi_align_sc(tbl, params,
                        jnp.asarray(_AY_CONST), jnp.asarray(_AX_CONST))
    return out.reshape(_N, _C, _OH, _OW)

# --- scband reference (transcript-rebuilt; emitter-appended) ---
"""Pipeline reference for scband-roialign-rotated-27178553049519 (READ-ONLY COPY).

The authoritative reference and input builder live on the scoring server;
editing this copy changes nothing except your own understanding.
"""

import jax, jax.numpy as jnp
import numpy as np

OUT_H = 7
OUT_W = 7
SPATIAL_SCALE = 0.25
SAMPLING_RATIO = 2


def setup_inputs(seed: int = 0) -> dict:
    key = jax.random.key(seed)
    k1, k2, k3, k4, k5, k6 = jax.random.split(key, 6)
    B, C, H, W = 2, 128, 200, 200
    N = 1024
    inputs = jax.random.normal(k1, (B, C, H, W), dtype=jnp.float32)
    img = H / SPATIAL_SCALE  # 800.0, original image coordinate range
    b = jax.random.randint(k2, (N,), 0, B).astype(jnp.float32)
    cx = jax.random.uniform(k3, (N,), minval=0.0, maxval=img)
    cy = jax.random.uniform(k4, (N,), minval=0.0, maxval=img)
    wh = jax.random.uniform(k5, (N, 2), minval=32.0, maxval=256.0)
    ang = jax.random.uniform(k6, (N,), minval=-np.pi, maxval=np.pi)
    rois = jnp.concatenate(
        [b[:, None], cx[:, None], cy[:, None], wh, ang[:, None]], axis=1
    ).astype(jnp.float32)
    return {"inputs": inputs, "rois": rois}


def _roi_align_rotated(feat, rois):
    B, C, H, W = feat.shape
    batch_idx = rois[:, 0].astype(jnp.int32)
    cx = rois[:, 1] * SPATIAL_SCALE
    cy = rois[:, 2] * SPATIAL_SCALE
    rw = jnp.maximum(rois[:, 3] * SPATIAL_SCALE, 1.0)
    rh = jnp.maximum(rois[:, 4] * SPATIAL_SCALE, 1.0)
    theta = rois[:, 5]
    bin_h = rh / OUT_H
    bin_w = rw / OUT_W
    g = SAMPLING_RATIO
    ph = jnp.arange(OUT_H, dtype=jnp.float32)
    pw = jnp.arange(OUT_W, dtype=jnp.float32)
    gpts = (jnp.arange(g, dtype=jnp.float32) + 0.5) / g
    # local (unrotated) sample offsets, roi-centered
    yy = -rh[:, None, None] / 2.0 + (ph[None, :, None] + gpts[None, None, :]) * bin_h[:, None, None]  # [N,OH,g]
    xx = -rw[:, None, None] / 2.0 + (pw[None, :, None] + gpts[None, None, :]) * bin_w[:, None, None]  # [N,OW,g]
    cos_t = jnp.cos(theta)[:, None, None, None, None]
    sin_t = jnp.sin(theta)[:, None, None, None, None]
    yy_b = yy[:, :, None, :, None]  # [N,OH,1,g,1]
    xx_b = xx[:, None, :, None, :]  # [N,1,OW,1,g]
    x = xx_b * cos_t - yy_b * sin_t + cx[:, None, None, None, None]  # [N,OH,OW,g,g]
    y = xx_b * sin_t + yy_b * cos_t + cy[:, None, None, None, None]
    valid = (y > -1.0) & (y < H) & (x > -1.0) & (x < W)
    y = jnp.clip(y, 0.0, H - 1)
    x = jnp.clip(x, 0.0, W - 1)
    y0 = jnp.floor(y).astype(jnp.int32)
    x0 = jnp.floor(x).astype(jnp.int32)
    y1 = jnp.minimum(y0 + 1, H - 1)
    x1 = jnp.minimum(x0 + 1, W - 1)
    ly = y - y0.astype(jnp.float32)
    lx = x - x0.astype(jnp.float32)
    hy = 1.0 - ly
    hx = 1.0 - lx
    feat_t = jnp.transpose(feat, (0, 2, 3, 1))  # [B,H,W,C]
    bidx = jnp.broadcast_to(batch_idx[:, None, None, None, None], y0.shape)

    def gather(yi, xi):
        return feat_t[bidx, yi, xi]  # [N,OH,OW,g,g,C]

    acc = gather(y0, x0) * (hy * hx)[..., None]
    acc = acc + gather(y0, x1) * (hy * lx)[..., None]
    acc = acc + gather(y1, x0) * (ly * hx)[..., None]
    acc = acc + gather(y1, x1) * (ly * lx)[..., None]
    acc = acc * valid.astype(jnp.float32)[..., None]
    out = acc.mean(axis=(3, 4))  # average over sampling grid -> [N,OH,OW,C]
    return jnp.transpose(out, (0, 3, 1, 2))  # [N,C,OH,OW]


def reference(inputs, rois):
    return _roi_align_rotated(inputs, rois)

if __name__ == "__main__":
    import jax
    _d = setup_inputs()
    print(jax.jit(kernel)(*tuple(_d.values())))

</pallas_src>

<mosaic_0001>
#map = affine_map<(d0, d1) -> (0, 0)>
module attributes {stable_mosaic.version = 14 : i64} {
  func.func @_pack_body(%arg0: i32, %arg1: i32, %arg2: memref<80000x128xf32, #tpu.memory_space<hbm>>, %arg3: memref<81920x128xi32, #tpu.memory_space<hbm>>, %arg4: memref<168x128xf32, #tpu.memory_space<vmem>>, %arg5: memref<160x128xi32, #tpu.memory_space<vmem>>, %arg6: memref<!tpu.dma_semaphore, #tpu.memory_space<semaphore_mem>>, %arg7: memref<!tpu.dma_semaphore, #tpu.memory_space<semaphore_mem>>) attributes {dimension_semantics = [#tpu.dimension_semantics<core_parallel>, #tpu.dimension_semantics<subcore_parallel>], iteration_bounds = array<i64: 2, 16>, scalar_prefetch = 0 : i64, scratch_operands = 4 : i64, tpu.core_type = #tpu.core_type<sc_vector_subcore>, window_params = [{transform_indices = #map}, {transform_indices = #map}]} {
    %mul3A = arith.constant 2 : i32
    %mul3A_0 = arith.muli %arg1, %mul3A : i32
    %add3A = arith.addi %mul3A_0, %arg0 : i32
    %mul3A_1 = arith.constant 2560 : i32
    %mul3A_2 = arith.muli %add3A, %mul3A_1 : i32
    %scan3A = arith.constant 0 : i32
    %scan3A_3 = arith.constant 16 : i32
    %scan3A_4 = arith.addi %scan3A, %scan3A_3 : i32
    %scan3A_5 = arith.constant 1 : i32
    scf.for %scan3A_7 = %scan3A to %scan3A_4 step %scan3A_5  : i32 {
      %mul3A_8 = arith.constant 160 : i32
      %mul3A_9 = arith.muli %scan3A_7, %mul3A_8 : i32
      %add3A_10 = arith.addi %mul3A_2, %mul3A_9 : i32
      %min3A = arith.constant 79840 : i32
      %min3A_11 = arith.minsi %add3A_10, %min3A : i32
      %add3A_12 = arith.constant 160 : i32
      %add3A_13 = arith.addi %add3A_10, %add3A_12 : i32
      %min3A_14 = arith.constant 79992 : i32
      %min3A_15 = arith.minsi %add3A_13, %min3A_14 : i32
      %dma_start3A = arith.constant 0 : i32
      %dma_start3A_16 = arith.constant 0 : i32
      %dma_start3A_17 = tpu.memref_slice %arg4[%dma_start3A, %dma_start3A_16] : memref<168x128xf32, #tpu.memory_space<vmem>> -> memref<160x128xf32, #tpu.memory_space<vmem>>
      %dma_start3A_18 = arith.constant 0 : i32
      %dma_start3A_19 = tpu.memref_slice %arg2[%min3A_11, %dma_start3A_18] : memref<80000x128xf32, #tpu.memory_space<hbm>> -> memref<160x128xf32, #tpu.memory_space<hbm>>
      %dma_start3A_20 = arith.constant 0 : i32
      %dma_start3A_21 = arith.constant 0 : i32
      %dma_start3A_22 = tpu.memref_slice %arg4[%dma_start3A_20, %dma_start3A_21] : memref<168x128xf32, #tpu.memory_space<vmem>> -> memref<160x128xf32, #tpu.memory_space<vmem>>
      %dma_start3A_23 = arith.constant 0 : i32
      %dma_start3A_24 = tpu.memref_slice %arg2[%min3A_11, %dma_start3A_23] : memref<80000x128xf32, #tpu.memory_space<hbm>> -> memref<160x128xf32, #tpu.memory_space<hbm>>
      tpu.enqueue_dma source(%dma_start3A_24 : memref<160x128xf32, #tpu.memory_space<hbm>>) target(%dma_start3A_22 : memref<160x128xf32, #tpu.memory_space<vmem>>) target_semaphore(%arg6 : memref<!tpu.dma_semaphore, #tpu.memory_space<semaphore_mem>>)
      %dma_start3A_25 = arith.constant 160 : i32
      %dma_start3A_26 = arith.constant 0 : i32
      %dma_start3A_27 = tpu.memref_slice %arg4[%dma_start3A_25, %dma_start3A_26] : memref<168x128xf32, #tpu.memory_space<vmem>> -> memref<8x128xf32, #tpu.memory_space<vmem>>
      %dma_start3A_28 = arith.constant 0 : i32
      %dma_start3A_29 = tpu.memref_slice %arg2[%min3A_15, %dma_start3A_28] : memref<80000x128xf32, #tpu.memory_space<hbm>> -> memref<8x128xf32, #tpu.memory_space<hbm>>
      %dma_start3A_30 = arith.constant 160 : i32
      %dma_start3A_31 = arith.constant 0 : i32
      %dma_start3A_32 = tpu.memref_slice %arg4[%dma_start3A_30, %dma_start3A_31] : memref<168x128xf32, #tpu.memory_space<vmem>> -> memref<8x128xf32, #tpu.memory_space<vmem>>
      %dma_start3A_33 = arith.constant 0 : i32
      %dma_start3A_34 = tpu.memref_slice %arg2[%min3A_15, %dma_start3A_33] : memref<80000x128xf32, #tpu.memory_space<hbm>> -> memref<8x128xf32, #tpu.memory_space<hbm>>
      tpu.enqueue_dma source(%dma_start3A_34 : memref<8x128xf32, #tpu.memory_space<hbm>>) target(%dma_start3A_32 : memref<8x128xf32, #tpu.memory_space<vmem>>) target_semaphore(%arg6 : memref<!tpu.dma_semaphore, #tpu.memory_space<semaphore_mem>>)
      %dma_wait3A = arith.constant 0 : i32
      %dma_wait3A_35 = arith.constant 0 : i32
      %dma_wait3A_36 = tpu.memref_slice %arg4[%dma_wait3A, %dma_wait3A_35] : memref<168x128xf32, #tpu.memory_space<vmem>> -> memref<160x128xf32, #tpu.memory_space<vmem>>
      %dma_wait3A_37 = arith.constant 0 : i32
      %dma_wait3A_38 = tpu.memref_slice %arg2[%min3A_11, %dma_wait3A_37] : memref<80000x128xf32, #tpu.memory_space<hbm>> -> memref<160x128xf32, #tpu.memory_space<hbm>>
      %dma_wait3A_39 = arith.constant 0 : i32
      %dma_wait3A_40 = arith.constant 0 : i32
      %dma_wait3A_41 = tpu.memref_slice %arg4[%dma_wait3A_39, %dma_wait3A_40] : memref<168x128xf32, #tpu.memory_space<vmem>> -> memref<160x128xf32, #tpu.memory_space<vmem>>
      %dma_wait3A_42 = arith.constant 0 : i32
      %dma_wait3A_43 = tpu.memref_slice %arg2[%min3A_11, %dma_wait3A_42] : memref<80000x128xf32, #tpu.memory_space<hbm>> -> memref<160x128xf32, #tpu.memory_space<hbm>>
      tpu.wait_dma2 semaphore(%arg6 : memref<!tpu.dma_semaphore, #tpu.memory_space<semaphore_mem>>) src(%dma_wait3A_43 : memref<160x128xf32, #tpu.memory_space<hbm>>) dst(%dma_wait3A_41 : memref<160x128xf32, #tpu.memory_space<vmem>>)
      %dma_wait3A_44 = arith.constant 160 : i32
      %dma_wait3A_45 = arith.constant 0 : i32
      %dma_wait3A_46 = tpu.memref_slice %arg4[%dma_wait3A_44, %dma_wait3A_45] : memref<168x128xf32, #tpu.memory_space<vmem>> -> memref<8x128xf32, #tpu.memory_space<vmem>>
      %dma_wait3A_47 = arith.constant 0 : i32
      %dma_wait3A_48 = tpu.memref_slice %arg2[%min3A_15, %dma_wait3A_47] : memref<80000x128xf32, #tpu.memory_space<hbm>> -> memref<8x128xf32, #tpu.memory_space<hbm>>
      %dma_wait3A_49 = arith.constant 160 : i32
      %dma_wait3A_50 = arith.constant 0 : i32
      %dma_wait3A_51 = tpu.memref_slice %arg4[%dma_wait3A_49, %dma_wait3A_50] : memref<168x128xf32, #tpu.memory_space<vmem>> -> memref<8x128xf32, #tpu.memory_space<vmem>>
      %dma_wait3A_52 = arith.constant 0 : i32
      %dma_wait3A_53 = tpu.memref_slice %arg2[%min3A_15, %dma_wait3A_52] : memref<80000x128xf32, #tpu.memory_space<hbm>> -> memref<8x128xf32, #tpu.memory_space<hbm>>
      tpu.wait_dma2 semaphore(%arg6 : memref<!tpu.dma_semaphore, #tpu.memory_space<semaphore_mem>>) src(%dma_wait3A_53 : memref<8x128xf32, #tpu.memory_space<hbm>>) dst(%dma_wait3A_51 : memref<8x128xf32, #tpu.memory_space<vmem>>)
      %get3A = arith.constant 0 : i32
      %get3A_54 = arith.index_cast %get3A : i32 to index
      %get3A_55 = arith.constant 0 : index
      %get3A_56 = tpu.vector_load %arg4[%get3A_54, %get3A_55] {strides = array<i32>} : memref<168x128xf32, #tpu.memory_space<vmem>>, vector<16xf32>,
      %bitcast_convert_type3A = tpu.bitcast %get3A_56 : vector<16xf32> -> vector<16xi32>
      %get3A_57 = arith.constant 0 : i32
      %get3A_58 = arith.index_cast %get3A_57 : i32 to index
      %get3A_59 = arith.constant 16 : index
      %get3A_60 = tpu.vector_load %arg4[%get3A_58, %get3A_59] {strides = array<i32>} : memref<168x128xf32, #tpu.memory_space<vmem>>, vector<16xf32>,
      %bitcast_convert_type3A_61 = tpu.bitcast %get3A_60 : vector<16xf32> -> vector<16xi32>
      %add3A_62 = arith.constant 32768 : i32
      %add3A_63 = vector.broadcast %add3A_62 : i32 to vector<16xi32>
      %add3A_64 = arith.addi %bitcast_convert_type3A, %add3A_63 : vector<16xi32>
      %shift_right_logical3A = arith.constant 16 : i32
      %shift_right_logical3A_65 = vector.broadcast %shift_right_logical3A : i32 to vector<16xi32>
      %shift_right_logical3A_66 = arith.shrui %add3A_64, %shift_right_logical3A_65 : vector<16xi32>
      %add3A_67 = arith.constant 32768 : i32
      %add3A_68 = vector.broadcast %add3A_67 : i32 to vector<16xi32>
      %add3A_69 = arith.addi %bitcast_convert_type3A_61, %add3A_68 : vector<16xi32>
      %and3A = arith.constant -65536 : i32
      %and3A_70 = vector.broadcast %and3A : i32 to vector<16xi32>
      %and3A_71 = arith.andi %add3A_69, %and3A_70 : vector<16xi32>
      %or3A = arith.ori %shift_right_logical3A_66, %and3A_71 : vector<16xi32>
      %swap3A = arith.constant 0 : i32
      %swap3A_72 = arith.index_cast %swap3A : i32 to index
      %swap3A_73 = arith.constant 0 : index
      %swap3A_74 = tpu.vector_load %arg5[%swap3A_72, %swap3A_73] {strides = array<i32>} : memref<160x128xi32, #tpu.memory_space<vmem>>, vector<16xi32>,
      tpu.vector_store %arg5[%swap3A_72, %swap3A_73], %or3A {strides = array<i32>} : memref<160x128xi32, #tpu.memory_space<vmem>>, vector<16xi32>,
      %get3A_75 = arith.constant 160 : i32
      %get3A_76 = arith.index_cast %get3A_75 : i32 to index
      %get3A_77 = arith.constant 0 : index
      %get3A_78 = tpu.vector_load %arg4[%get3A_76, %get3A_77] {strides = array<i32>} : memref<168x128xf32, #tpu.memory_space<vmem>>, vector<16xf32>,
      %bitcast_convert_type3A_79 = tpu.bitcast %get3A_78 : vector<16xf32> -> vector<16xi32>
      %get3A_80 = arith.constant 160 : i32
      %get3A_81 = arith.index_cast %get3A_80 : i32 to index
      %get3A_82 = arith.constant 16 : index
      %get3A_83 = tpu.vector_load %arg4[%get3A_81, %get3A_82] {strides = array<i32>} : memref<168x128xf32, #tpu.memory_space<vmem>>, vector<16xf32>,
      %bitcast_convert_type3A_84 = tpu.bitcast %get3A_83 : vector<16xf32> -> vector<16xi32>
      %add3A_85 = arith.constant 32768 : i32
      %add3A_86 = vector.broadcast %add3A_85 : i32 to vector<16xi32>
      %add3A_87 = arith.addi %bitcast_convert_type3A_79, %add3A_86 : vector<16xi32>
      %shift_right_logical3A_88 = arith.constant 16 : i32
      %shift_right_logical3A_89 = vector.broadcast %shift_right_logical3A_88 : i32 to vector<16xi32>
      %shift_right_logical3A_90 = arith.shrui %add3A_87, %shift_right_logical3A_89 : vector<16xi32>
      %add3A_91 = arith.constant 32768 : i32
      %add3A_92 = vector.broadcast %add3A_91 : i32 to vector<16xi32>
      %add3A_93 = arith.addi %bitcast_convert_type3A_84, %add3A_92 : vector<16xi32>
      %and3A_94 = arith.constant -65536 : i32
      %and3A_95 = vector.broadcast %and3A_94 : i32 to vector<16xi32>
      %and3A_96 = arith.andi %add3A_93, %and3A_95 : vector<16xi32>
      %or3A_97 = arith.ori %shift_right_logical3A_90, %and3A_96 : vector<16xi32>
      %swap3A_98 = arith.constant 159 : i32
      %swap3A_99 = arith.index_cast %swap3A_98 : i32 to index
      %swap3A_100 = arith.constant 64 : index
      %swap3A_101 = tpu.vector_load %arg5[%swap3A_99, %swap3A_100] {strides = array<i32>} : memref<160x128xi32, #tpu.memory_space<vmem>>, vector<16xi32>,
      tpu.vector_store %arg5[%swap3A_99, %swap3A_100], %or3A_97 {strides = array<i32>} : memref<160x128xi32, #tpu.memory_space<vmem>>, vector<16xi32>,
      %get3A_102 = arith.constant 0 : i32
      %get3A_103 = arith.index_cast %get3A_102 : i32 to index
      %get3A_104 = arith.constant 32 : index
      %get3A_105 = tpu.vector_load %arg4[%get3A_103, %get3A_104] {strides = array<i32>} : memref<168x128xf32, #tpu.memory_space<vmem>>, vector<16xf32>,
      %bitcast_convert_type3A_106 = tpu.bitcast %get3A_105 : vector<16xf32> -> vector<16xi32>
      %get3A_107 = arith.constant 0 : i32
      %get3A_108 = arith.index_cast %get3A_107 : i32 to index
      %get3A_109 = arith.constant 48 : index
      %get3A_110 = tpu.vector_load %arg4[%get3A_108, %get3A_109] {strides = array<i32>} : memref<168x128xf32, #tpu.memory_space<vmem>>, vector<16xf32>,
      %bitcast_convert_type3A_111 = tpu.bitcast %get3A_110 : vector<16xf32> -> vector<16xi32>
      %add3A_112 = arith.constant 32768 : i32
      %add3A_113 = vector.broadcast %add3A_112 : i32 to vector<16xi32>
      %add3A_114 = arith.addi %bitcast_convert_type3A_106, %add3A_113 : vector<16xi32>
      %shift_right_logical3A_115 = arith.constant 16 : i32
      %shift_right_logical3A_116 = vector.broadcast %shift_right_logical3A_115 : i32 to vector<16xi32>
      %shift_right_logical3A_117 = arith.shrui %add3A_114, %shift_right_logical3A_116 : vector<16xi32>
      %add3A_118 = arith.constant 32768 : i32
      %add3A_119 = vector.broadcast %add3A_118 : i32 to vector<16xi32>
      %add3A_120 = arith.addi %bitcast_convert_type3A_111, %add3A_119 : vector<16xi32>
      %and3A_121 = arith.constant -65536 : i32
      %and3A_122 = vector.broadcast %and3A_121 : i32 to vector<16xi32>
      %and3A_123 = arith.andi %add3A_120, %and3A_122 : vector<16xi32>
      %or3A_124 = arith.ori %shift_right_logical3A_117, %and3A_123 : vector<16xi32>
      %swap3A_125 = arith.constant 0 : i32
      %swap3A_126 = arith.index_cast %swap3A_125 : i32 to index
      %swap3A_127 = arith.constant 16 : index
      %swap3A_128 = tpu.vector_load %arg5[%swap3A_126, %swap3A_127] {strides = array<i32>} : memref<160x128xi32, #tpu.memory_space<vmem>>, vector<16xi32>,
      tpu.vector_store %arg5[%swap3A_126, %swap3A_127], %or3A_124 {strides = array<i32>} : memref<160x128xi32, #tpu.memory_space<vmem>>, vector<16xi32>,
      %get3A_129 = arith.constant 160 : i32
      %get3A_130 = arith.index_cast %get3A_129 : i32 to index
      %get3A_131 = arith.constant 32 : index
      %get3A_132 = tpu.vector_load %arg4[%get3A_130, %get3A_131] {strides = array<i32>} : memref<168x128xf32, #tpu.memory_space<vmem>>, vector<16xf32>,
      %bitcast_convert_type3A_133 = tpu.bitcast %get3A_132 : vector<16xf32> -> vector<16xi32>
      %get3A_134 = arith.constant 160 : i32
      %get3A_135 = arith.index_cast %get3A_134 : i32 to index
      %get3A_136 = arith.constant 48 : index
      %get3A_137 = tpu.vector_load %arg4[%get3A_135, %get3A_136] {strides = array<i32>} : memref<168x128xf32, #tpu.memory_space<vmem>>, vector<16xf32>,
      %bitcast_convert_type3A_138 = tpu.bitcast %get3A_137 : vector<16xf32> -> vector<16xi32>
      %add3A_139 = arith.constant 32768 : i32
      %add3A_140 = vector.broadcast %add3A_139 : i32 to vector<16xi32>
      %add3A_141 = arith.addi %bitcast_convert_type3A_133, %add3A_140 : vector<16xi32>
      %shift_right_logical3A_142 = arith.constant 16 : i32
      %shift_right_logical3A_143 = vector.broadcast %shift_right_logical3A_142 : i32 to vector<16xi32>
      %shift_right_logical3A_144 = arith.shrui %add3A_141, %shift_right_logical3A_143 : vector<16xi32>
      %add3A_145 = arith.constant 32768 : i32
      %add3A_146 = vector.broadcast %add3A_145 : i32 to vector<16xi32>
      %add3A_147 = arith.addi %bitcast_convert_type3A_138, %add3A_146 : vector<16xi32>
      %and3A_148 = arith.constant -65536 : i32
      %and3A_149 = vector.broadcast %and3A_148 : i32 to vector<16xi32>
      %and3A_150 = arith.andi %add3A_147, %and3A_149 : vector<16xi32>
      %or3A_151 = arith.ori %shift_right_logical3A_144, %and3A_150 : vector<16xi32>
      %swap3A_152 = arith.constant 159 : i32
      %swap3A_153 = arith.index_cast %swap3A_152 : i32 to index
      %swap3A_154 = arith.constant 80 : index
      %swap3A_155 = tpu.vector_load %arg5[%swap3A_153, %swap3A_154] {strides = array<i32>} : memref<160x128xi32, #tpu.memory_space<vmem>>, vector<16xi32>,
      tpu.vector_store %arg5[%swap3A_153, %swap3A_154], %or3A_151 {strides = array<i32>} : memref<160x128xi32, #tpu.memory_space<vmem>>, vector<16xi32>,
      %get3A_156 = arith.constant 0 : i32
      %get3A_157 = arith.index_cast %get3A_156 : i32 to index
      %get3A_158 = arith.constant 64 : index
      %get3A_159 = tpu.vector_load %arg4[%get3A_157, %get3A_158] {strides = array<i32>} : memref<168x128xf32, #tpu.memory_space<vmem>>, vector<16xf32>,
      %bitcast_convert_type3A_160 = tpu.bitcast %get3A_159 : vector<16xf32> -> vector<16xi32>
      %get3A_161 = arith.constant 0 : i32
      %get3A_162 = arith.index_cast %get3A_161 : i32 to index
      %get3A_163 = arith.constant 80 : index
      %get3A_164 = tpu.vector_load %arg4[%get3A_162, %get3A_163] {strides = array<i32>} : memref<168x128xf32, #tpu.memory_space<vmem>>, vector<16xf32>,
      %bitcast_convert_type3A_165 = tpu.bitcast %get3A_164 : vector<16xf32> -> vector<16xi32>
      %add3A_166 = arith.constant 32768 : i32
      %add3A_167 = vector.broadcast %add3A_166 : i32 to vector<16xi32>
      %add3A_168 = arith.addi %bitcast_convert_type3A_160, %add3A_167 : vector<16xi32>
      %shift_right_logical3A_169 = arith.constant 16 : i32
      %shift_right_logical3A_170 = vector.broadcast %shift_right_logical3A_169 : i32 to vector<16xi32>
      %shift_right_logical3A_171 = arith.shrui %add3A_168, %shift_right_logical3A_170 : vector<16xi32>
      %add3A_172 = arith.constant 32768 : i32
      %add3A_173 = vector.broadcast %add3A_172 : i32 to vector<16xi32>
      %add3A_174 = arith.addi %bitcast_convert_type3A_165, %add3A_173 : vector<16xi32>
      %and3A_175 = arith.constant -65536 : i32
      %and3A_176 = vector.broadcast %and3A_175 : i32 to vector<16xi32>
      %and3A_177 = arith.andi %add3A_174, %and3A_176 : vector<16xi32>
      %or3A_178 = arith.ori %shift_right_logical3A_171, %and3A_177 : vector<16xi32>
      %swap3A_179 = arith.constant 0 : i32
      %swap3A_180 = arith.index_cast %swap3A_179 : i32 to index
      %swap3A_181 = arith.constant 32 : index
      %swap3A_182 = tpu.vector_load %arg5[%swap3A_180, %swap3A_181] {strides = array<i32>} : memref<160x128xi32, #tpu.memory_space<vmem>>, vector<16xi32>,
      tpu.vector_store %arg5[%swap3A_180, %swap3A_181], %or3A_178 {strides = array<i32>} : memref<160x128xi32, #tpu.memory_space<vmem>>, vector<16xi32>,
      %get3A_183 = arith.constant 160 : i32
      %get3A_184 = arith.index_cast %get3A_183 : i32 to index
      %get3A_185 = arith.constant 64 : index
      %get3A_186 = tpu.vector_load %arg4[%get3A_184, %get3A_185] {strides = array<i32>} : memref<168x128xf32, #tpu.memory_space<vmem>>, vector<16xf32>,
      %bitcast_convert_type3A_187 = tpu.bitcast %get3A_186 : vector<16xf32> -> vector<16xi32>
      %get3A_188 = arith.constant 160 : i32
      %get3A_189 = arith.index_cast %get3A_188 : i32 to index
      %get3A_190 = arith.constant 80 : index
      %get3A_191 = tpu.vector_load %arg4[%get3A_189, %get3A_190] {strides = array<i32>} : memref<168x128xf32, #tpu.memory_space<vmem>>, vector<16xf32>,
      %bitcast_convert_type3A_192 = tpu.bitcast %get3A_191 : vector<16xf32> -> vector<16xi32>
      %add3A_193 = arith.constant 32768 : i32
      %add3A_194 = vector.broadcast %add3A_193 : i32 to vector<16xi32>
      %add3A_195 = arith.addi %bitcast_convert_type3A_187, %add3A_194 : vector<16xi32>
      %shift_right_logical3A_196 = arith.constant 16 : i32
      %shift_right_logical3A_197 = vector.broadcast %shift_right_logical3A_196 : i32 to vector<16xi32>
      %shift_right_logical3A_198 = arith.shrui %add3A_195, %shift_right_logical3A_197 : vector<16xi32>
      %add3A_199 = arith.constant 32768 : i32
      %add3A_200 = vector.broadcast %add3A_199 : i32 to vector<16xi32>
      %add3A_201 = arith.addi %bitcast_convert_type3A_192, %add3A_200 : vector<16xi32>
      %and3A_202 = arith.constant -65536 : i32
      %and3A_203 = vector.broadcast %and3A_202 : i32 to vector<16xi32>
      %and3A_204 = arith.andi %add3A_201, %and3A_203 : vector<16xi32>
      %or3A_205 = arith.ori %shift_right_logical3A_198, %and3A_204 : vector<16xi32>
      %swap3A_206 = arith.constant 159 : i32
      %swap3A_207 = arith.index_cast %swap3A_206 : i32 to index
      %swap3A_208 = arith.constant 96 : index
      %swap3A_209 = tpu.vector_load %arg5[%swap3A_207, %swap3A_208] {strides = array<i32>} : memref<160x128xi32, #tpu.memory_space<vmem>>, vector<16xi32>,
      tpu.vector_store %arg5[%swap3A_207, %swap3A_208], %or3A_205 {strides = array<i32>} : memref<160x128xi32, #tpu.memory_space<vmem>>, vector<16xi32>,
      %get3A_210 = arith.constant 0 : i32
      %get3A_211 = arith.index_cast %get3A_210 : i32 to index
      %get3A_212 = arith.constant 96 : index
      %get3A_213 = tpu.vector_load %arg4[%get3A_211, %get3A_212] {strides = array<i32>} : memref<168x128xf32, #tpu.memory_space<vmem>>, vector<16xf32>,
      %bitcast_convert_type3A_214 = tpu.bitcast %get3A_213 : vector<16xf32> -> vector<16xi32>
      %get3A_215 = arith.constant 0 : i32
      %get3A_216 = arith.index_cast %get3A_215 : i32 to index
      %get3A_217 = arith.constant 112 : index
      %get3A_218 = tpu.vector_load %arg4[%get3A_216, %get3A_217] {strides = array<i32>} : memref<168x128xf32, #tpu.memory_space<vmem>>, vector<16xf32>,
      %bitcast_convert_type3A_219 = tpu.bitcast %get3A_218 : vector<16xf32> -> vector<16xi32>
      %add3A_220 = arith.constant 32768 : i32
      %add3A_221 = vector.broadcast %add3A_220 : i32 to vector<16xi32>
      %add3A_222 = arith.addi %bitcast_convert_type3A_214, %add3A_221 : vector<16xi32>
      %shift_right_logical3A_223 = arith.constant 16 : i32
      %shift_right_logical3A_224 = vector.broadcast %shift_right_logical3A_223 : i32 to vector<16xi32>
      %shift_right_logical3A_225 = arith.shrui %add3A_222, %shift_right_logical3A_224 : vector<16xi32>
      %add3A_226 = arith.constant 32768 : i32
      %add3A_227 = vector.broadcast %add3A_226 : i32 to vector<16xi32>
      %add3A_228 = arith.addi %bitcast_convert_type3A_219, %add3A_227 : vector<16xi32>
      %and3A_229 = arith.constant -65536 : i32
      %and3A_230 = vector.broadcast %and3A_229 : i32 to vector<16xi32>
      %and3A_231 = arith.andi %add3A_228, %and3A_230 : vector<16xi32>
      %or3A_232 = arith.ori %shift_right_logical3A_225, %and3A_231 : vector<16xi32>
      %swap3A_233 = arith.constant 0 : i32
      %swap3A_234 = arith.index_cast %swap3A_233 : i32 to index
      %swap3A_235 = arith.constant 48 : index
      %swap3A_236 = tpu.vector_load %arg5[%swap3A_234, %swap3A_235] {strides = array<i32>} : memref<160x128xi32, #tpu.memory_space<vmem>>, vector<16xi32>,
      tpu.vector_store %arg5[%swap3A_234, %swap3A_235], %or3A_232 {strides = array<i32>} : memref<160x128xi32, #tpu.memory_space<vmem>>, vector<16xi32>,
      %get3A_237 = arith.constant 160 : i32
      %get3A_238 = arith.index_cast %get3A_237 : i32 to index
      %get3A_239 = arith.constant 96 : index
      %get3A_240 = tpu.vector_load %arg4[%get3A_238, %get3A_239] {strides = array<i32>} : memref<168x128xf32, #tpu.memory_space<vmem>>, vector<16xf32>,
      %bitcast_convert_type3A_241 = tpu.bitcast %get3A_240 : vector<16xf32> -> vector<16xi32>
      %get3A_242 = arith.constant 160 : i32
      %get3A_243 = arith.index_cast %get3A_242 : i32 to index
      %get3A_244 = arith.constant 112 : index
      %get3A_245 = tpu.vector_load %arg4[%get3A_243, %get3A_244] {strides = array<i32>} : memref<168x128xf32, #tpu.memory_space<vmem>>, vector<16xf32>,
      %bitcast_convert_type3A_246 = tpu.bitcast %get3A_245 : vector<16xf32> -> vector<16xi32>
      %add3A_247 = arith.constant 32768 : i32
      %add3A_248 = vector.broadcast %add3A_247 : i32 to vector<16xi32>
      %add3A_249 = arith.addi %bitcast_convert_type3A_241, %add3A_248 : vector<16xi32>
      %shift_right_logical3A_250 = arith.constant 16 : i32
      %shift_right_logical3A_251 = vector.broadcast %shift_right_logical3A_250 : i32 to vector<16xi32>
      %shift_right_logical3A_252 = arith.shrui %add3A_249, %shift_right_logical3A_251 : vector<16xi32>
      %add3A_253 = arith.constant 32768 : i32
      %add3A_254 = vector.broadcast %add3A_253 : i32 to vector<16xi32>
      %add3A_255 = arith.addi %bitcast_convert_type3A_246, %add3A_254 : vector<16xi32>
      %and3A_256 = arith.constant -65536 : i32
      %and3A_257 = vector.broadcast %and3A_256 : i32 to vector<16xi32>
      %and3A_258 = arith.andi %add3A_255, %and3A_257 : vector<16xi32>
      %or3A_259 = arith.ori %shift_right_logical3A_252, %and3A_258 : vector<16xi32>
      %swap3A_260 = arith.constant 159 : i32
      %swap3A_261 = arith.index_cast %swap3A_260 : i32 to index
      %swap3A_262 = arith.constant 112 : index
      %swap3A_263 = tpu.vector_load %arg5[%swap3A_261, %swap3A_262] {strides = array<i32>} : memref<160x128xi32, #tpu.memory_space<vmem>>, vector<16xi32>,
      tpu.vector_store %arg5[%swap3A_261, %swap3A_262], %or3A_259 {strides = array<i32>} : memref<160x128xi32, #tpu.memory_space<vmem>>, vector<16xi32>,
      %scan3A_264 = arith.constant 1 : i32
      %scan3A_265 = arith.constant 159 : i32
      %scan3A_266 = arith.addi %scan3A_264, %scan3A_265 : i32
      %scan3A_267 = arith.constant 1 : i32
      scf.for %scan3A_280 = %scan3A_264 to %scan3A_266 step %scan3A_267  : i32 {
        %get3A_281 = arith.index_cast %scan3A_280 : i32 to index
        %get3A_282 = arith.constant 0 : index
        %get3A_283 = tpu.vector_load %arg4[%get3A_281, %get3A_282] {strides = array<i32>} : memref<168x128xf32, #tpu.memory_space<vmem>>, vector<16xf32>,
        %bitcast_convert_type3A_284 = tpu.bitcast %get3A_283 : vector<16xf32> -> vector<16xi32>
        %get3A_285 = arith.index_cast %scan3A_280 : i32 to index
        %get3A_286 = arith.constant 16 : index
        %get3A_287 = tpu.vector_load %arg4[%get3A_285, %get3A_286] {strides = array<i32>} : memref<168x128xf32, #tpu.memory_space<vmem>>, vector<16xf32>,
        %bitcast_convert_type3A_288 = tpu.bitcast %get3A_287 : vector<16xf32> -> vector<16xi32>
        %add3A_289 = arith.constant 32768 : i32
        %add3A_290 = vector.broadcast %add3A_289 : i32 to vector<16xi32>
        %add3A_291 = arith.addi %bitcast_convert_type3A_284, %add3A_290 : vector<16xi32>
        %shift_right_logical3A_292 = arith.constant 16 : i32
        %shift_right_logical3A_293 = vector.broadcast %shift_right_logical3A_292 : i32 to vector<16xi32>
        %shift_right_logical3A_294 = arith.shrui %add3A_291, %shift_right_logical3A_293 : vector<16xi32>
        %add3A_295 = arith.constant 32768 : i32
        %add3A_296 = vector.broadcast %add3A_295 : i32 to vector<16xi32>
        %add3A_297 = arith.addi %bitcast_convert_type3A_288, %add3A_296 : vector<16xi32>
        %and3A_298 = arith.constant -65536 : i32
        %and3A_299 = vector.broadcast %and3A_298 : i32 to vector<16xi32>
        %and3A_300 = arith.andi %add3A_297, %and3A_299 : vector<16xi32>
        %or3A_301 = arith.ori %shift_right_logical3A_294, %and3A_300 : vector<16xi32>
        %swap3A_302 = arith.index_cast %scan3A_280 : i32 to index
        %swap3A_303 = arith.constant 0 : index
        %swap3A_304 = tpu.vector_load %arg5[%swap3A_302, %swap3A_303] {strides = array<i32>} : memref<160x128xi32, #tpu.memory_space<vmem>>, vector<16xi32>,
        tpu.vector_store %arg5[%swap3A_302, %swap3A_303], %or3A_301 {strides = array<i32>} : memref<160x128xi32, #tpu.memory_space<vmem>>, vector<16xi32>,
        %sub3A = arith.constant 1 : i32
        %sub3A_305 = arith.subi %scan3A_280, %sub3A : i32
        %swap3A_306 = arith.index_cast %sub3A_305 : i32 to index
        %swap3A_307 = arith.constant 64 : index
        %swap3A_308 = tpu.vector_load %arg5[%swap3A_306, %swap3A_307] {strides = array<i32>} : memref<160x128xi32, #tpu.memory_space<vmem>>, vector<16xi32>,
        tpu.vector_store %arg5[%swap3A_306, %swap3A_307], %or3A_301 {strides = array<i32>} : memref<160x128xi32, #tpu.memory_space<vmem>>, vector<16xi32>,
        %get3A_309 = arith.index_cast %scan3A_280 : i32 to index
        %get3A_310 = arith.constant 32 : index
        %get3A_311 = tpu.vector_load %arg4[%get3A_309, %get3A_310] {strides = array<i32>} : memref<168x128xf32, #tpu.memory_space<vmem>>, vector<16xf32>,
        %bitcast_convert_type3A_312 = tpu.bitcast %get3A_311 : vector<16xf32> -> vector<16xi32>
        %get3A_313 = arith.index_cast %scan3A_280 : i32 to index
        %get3A_314 = arith.constant 48 : index
        %get3A_315 = tpu.vector_load %arg4[%get3A_313, %get3A_314] {strides = array<i32>} : memref<168x128xf32, #tpu.memory_space<vmem>>, vector<16xf32>,
        %bitcast_convert_type3A_316 = tpu.bitcast %get3A_315 : vector<16xf32> -> vector<16xi32>
        %add3A_317 = arith.constant 32768 : i32
        %add3A_318 = vector.broadcast %add3A_317 : i32 to vector<16xi32>
        %add3A_319 = arith.addi %bitcast_convert_type3A_312, %add3A_318 : vector<16xi32>
        %shift_right_logical3A_320 = arith.constant 16 : i32
        %shift_right_logical3A_321 = vector.broadcast %shift_right_logical3A_320 : i32 to vector<16xi32>
        %shift_right_logical3A_322 = arith.shrui %add3A_319, %shift_right_logical3A_321 : vector<16xi32>
        %add3A_323 = arith.constant 32768 : i32
        %add3A_324 = vector.broadcast %add3A_323 : i32 to vector<16xi32>
        %add3A_325 = arith.addi %bitcast_convert_type3A_316, %add3A_324 : vector<16xi32>
        %and3A_326 = arith.constant -65536 : i32
        %and3A_327 = vector.broadcast %and3A_326 : i32 to vector<16xi32>
        %and3A_328 = arith.andi %add3A_325, %and3A_327 : vector<16xi32>
        %or3A_329 = arith.ori %shift_right_logical3A_322, %and3A_328 : vector<16xi32>
        %swap3A_330 = arith.index_cast %scan3A_280 : i32 to index
        %swap3A_331 = arith.constant 16 : index
        %swap3A_332 = tpu.vector_load %arg5[%swap3A_330, %swap3A_331] {strides = array<i32>} : memref<160x128xi32, #tpu.memory_space<vmem>>, vector<16xi32>,
        tpu.vector_store %arg5[%swap3A_330, %swap3A_331], %or3A_329 {strides = array<i32>} : memref<160x128xi32, #tpu.memory_space<vmem>>, vector<16xi32>,
        %sub3A_333 = arith.constant 1 : i32
        %sub3A_334 = arith.subi %scan3A_280, %sub3A_333 : i32
        %swap3A_335 = arith.index_cast %sub3A_334 : i32 to index
        %swap3A_336 = arith.constant 80 : index
        %swap3A_337 = tpu.vector_load %arg5[%swap3A_335, %swap3A_336] {strides = array<i32>} : memref<160x128xi32, #tpu.memory_space<vmem>>, vector<16xi32>,
        tpu.vector_store %arg5[%swap3A_335, %swap3A_336], %or3A_329 {strides = array<i32>} : memref<160x128xi32, #tpu.memory_space<vmem>>, vector<16xi32>,
        %get3A_338 = arith.index_cast %scan3A_280 : i32 to index
        %get3A_339 = arith.constant 64 : index
        %get3A_340 = tpu.vector_load %arg4[%get3A_338, %get3A_339] {strides = array<i32>} : memref<168x128xf32, #tpu.memory_space<vmem>>, vector<16xf32>,
        %bitcast_convert_type3A_341 = tpu.bitcast %get3A_340 : vector<16xf32> -> vector<16xi32>
        %get3A_342 = arith.index_cast %scan3A_280 : i32 to index
        %get3A_343 = arith.constant 80 : index
        %get3A_344 = tpu.vector_load %arg4[%get3A_342, %get3A_343] {strides = array<i32>} : memref<168x128xf32, #tpu.memory_space<vmem>>, vector<16xf32>,
        %bitcast_convert_type3A_345 = tpu.bitcast %get3A_344 : vector<16xf32> -> vector<16xi32>
        %add3A_346 = arith.constant 32768 : i32
        %add3A_347 = vector.broadcast %add3A_346 : i32 to vector<16xi32>
        %add3A_348 = arith.addi %bitcast_convert_type3A_341, %add3A_347 : vector<16xi32>
        %shift_right_logical3A_349 = arith.constant 16 : i32
        %shift_right_logical3A_350 = vector.broadcast %shift_right_logical3A_349 : i32 to vector<16xi32>
        %shift_right_logical3A_351 = arith.shrui %add3A_348, %shift_right_logical3A_350 : vector<16xi32>
        %add3A_352 = arith.constant 32768 : i32
        %add3A_353 = vector.broadcast %add3A_352 : i32 to vector<16xi32>
        %add3A_354 = arith.addi %bitcast_convert_type3A_345, %add3A_353 : vector<16xi32>
        %and3A_355 = arith.constant -65536 : i32
        %and3A_356 = vector.broadcast %and3A_355 : i32 to vector<16xi32>
        %and3A_357 = arith.andi %add3A_354, %and3A_356 : vector<16xi32>
        %or3A_358 = arith.ori %shift_right_logical3A_351, %and3A_357 : vector<16xi32>
        %swap3A_359 = arith.index_cast %scan3A_280 : i32 to index
        %swap3A_360 = arith.constant 32 : index
        %swap3A_361 = tpu.vector_load %arg5[%swap3A_359, %swap3A_360] {strides = array<i32>} : memref<160x128xi32, #tpu.memory_space<vmem>>, vector<16xi32>,
        tpu.vector_store %arg5[%swap3A_359, %swap3A_360], %or3A_358 {strides = array<i32>} : memref<160x128xi32, #tpu.memory_space<vmem>>, vector<16xi32>,
        %sub3A_362 = arith.constant 1 : i32
        %sub3A_363 = arith.subi %scan3A_280, %sub3A_362 : i32
        %swap3A_364 = arith.index_cast %sub3A_363 : i32 to index
        %swap3A_365 = arith.constant 96 : index
        %swap3A_366 = tpu.vector_load %arg5[%swap3A_364, %swap3A_365] {strides = array<i32>} : memref<160x128xi32, #tpu.memory_space<vmem>>, vector<16xi32>,
        tpu.vector_store %arg5[%swap3A_364, %swap3A_365], %or3A_358 {strides = array<i32>} : memref<160x128xi32, #tpu.memory_space<vmem>>, vector<16xi32>,
        %get3A_367 = arith.index_cast %scan3A_280 : i32 to index
        %get3A_368 = arith.constant 96 : index
        %get3A_369 = tpu.vector_load %arg4[%get3A_367, %get3A_368] {strides = array<i32>} : memref<168x128xf32, #tpu.memory_space<vmem>>, vector<16xf32>,
        %bitcast_convert_type3A_370 = tpu.bitcast %get3A_369 : vector<16xf32> -> vector<16xi32>
        %get3A_371 = arith.index_cast %scan3A_280 : i32 to index
        %get3A_372 = arith.constant 112 : index
        %get3A_373 = tpu.vector_load %arg4[%get3A_371, %get3A_372] {strides = array<i32>} : memref<168x128xf32, #tpu.memory_space<vmem>>, vector<16xf32>,
        %bitcast_convert_type3A_374 = tpu.bitcast %get3A_373 : vector<16xf32> -> vector<16xi32>
        %add3A_375 = arith.constant 32768 : i32
        %add3A_376 = vector.broadcast %add3A_375 : i32 to vector<16xi32>
        %add3A_377 = arith.addi %bitcast_convert_type3A_370, %add3A_376 : vector<16xi32>
        %shift_right_logical3A_378 = arith.constant 16 : i32
        %shift_right_logical3A_379 = vector.broadcast %shift_right_logical3A_378 : i32 to vector<16xi32>
        %shift_right_logical3A_380 = arith.shrui %add3A_377, %shift_right_logical3A_379 : vector<16xi32>
        %add3A_381 = arith.constant 32768 : i32
        %add3A_382 = vector.broadcast %add3A_381 : i32 to vector<16xi32>
        %add3A_383 = arith.addi %bitcast_convert_type3A_374, %add3A_382 : vector<16xi32>
        %and3A_384 = arith.constant -65536 : i32
        %and3A_385 = vector.broadcast %and3A_384 : i32 to vector<16xi32>
        %and3A_386 = arith.andi %add3A_383, %and3A_385 : vector<16xi32>
        %or3A_387 = arith.ori %shift_right_logical3A_380, %and3A_386 : vector<16xi32>
        %swap3A_388 = arith.index_cast %scan3A_280 : i32 to index
        %swap3A_389 = arith.constant 48 : index
        %swap3A_390 = tpu.vector_load %arg5[%swap3A_388, %swap3A_389] {strides = array<i32>} : memref<160x128xi32, #tpu.memory_space<vmem>>, vector<16xi32>,
        tpu.vector_store %arg5[%swap3A_388, %swap3A_389], %or3A_387 {strides = array<i32>} : memref<160x128xi32, #tpu.memory_space<vmem>>, vector<16xi32>,
        %sub3A_391 = arith.constant 1 : i32
        %sub3A_392 = arith.subi %scan3A_280, %sub3A_391 : i32
        %swap3A_393 = arith.index_cast %sub3A_392 : i32 to index
        %swap3A_394 = arith.constant 112 : index
        %swap3A_395 = tpu.vector_load %arg5[%swap3A_393, %swap3A_394] {strides = array<i32>} : memref<160x128xi32, #tpu.memory_space<vmem>>, vector<16xi32>,
        tpu.vector_store %arg5[%swap3A_393, %swap3A_394], %or3A_387 {strides = array<i32>} : memref<160x128xi32, #tpu.memory_space<vmem>>, vector<16xi32>,
      }
      %scan3A_268 = arith.constant 159 : i32
      %mul3A_269 = arith.constant 160 : i32
      %mul3A_270 = arith.muli %scan3A_7, %mul3A_269 : i32
      %add3A_271 = arith.addi %mul3A_2, %mul3A_270 : i32
      %dma_start3A_272 = arith.constant 0 : i32
      %dma_start3A_273 = tpu.memref_slice %arg3[%add3A_271, %dma_start3A_272] : memref<81920x128xi32, #tpu.memory_space<hbm>> -> memref<160x128xi32, #tpu.memory_space<hbm>>
      %dma_start3A_274 = arith.constant 0 : i32
      %dma_start3A_275 = tpu.memref_slice %arg3[%add3A_271, %dma_start3A_274] : memref<81920x128xi32, #tpu.memory_space<hbm>> -> memref<160x128xi32, #tpu.memory_space<hbm>>
      tpu.enqueue_dma source(%arg5 : memref<160x128xi32, #tpu.memory_space<vmem>>) target(%dma_start3A_275 : memref<160x128xi32, #tpu.memory_space<hbm>>) target_semaphore(%arg7 : memref<!tpu.dma_semaphore, #tpu.memory_space<semaphore_mem>>)
      %dma_wait3A_276 = arith.constant 0 : i32
      %dma_wait3A_277 = tpu.memref_slice %arg3[%add3A_271, %dma_wait3A_276] : memref<81920x128xi32, #tpu.memory_space<hbm>> -> memref<160x128xi32, #tpu.memory_space<hbm>>
      %dma_wait3A_278 = arith.constant 0 : i32
      %dma_wait3A_279 = tpu.memref_slice %arg3[%add3A_271, %dma_wait3A_278] : memref<81920x128xi32, #tpu.memory_space<hbm>> -> memref<160x128xi32, #tpu.memory_space<hbm>>
      tpu.wait_dma2 semaphore(%arg7 : memref<!tpu.dma_semaphore, #tpu.memory_space<semaphore_mem>>) src(%arg5 : memref<160x128xi32, #tpu.memory_space<vmem>>) dst(%dma_wait3A_279 : memref<160x128xi32, #tpu.memory_space<hbm>>)
    }
    %scan3A_6 = arith.constant 16 : i32
    return
  }
}

#map = affine_map<(d0, d1) -> (0, 0)>
#map1 = affine_map<(d0, d1) -> (0)>
module attributes {stable_mosaic.version = 14 : i64} {
  func.func @_sc_body(%arg0: i32, %arg1: i32, %arg2: memref<81920x128xi32, #tpu.memory_space<hbm>>, %arg3: memref<8192xf32, #tpu.memory_space<hbm>>, %arg4: memref<224xf32, #tpu.memory_space<hbm>>, %arg5: memref<224xf32, #tpu.memory_space<hbm>>, %arg6: memref<1024x6272xf32, #tpu.memory_space<hbm>>, %arg7: memref<256xf32, #tpu.memory_space<vmem>>, %arg8: memref<224xf32, #tpu.memory_space<vmem>>, %arg9: memref<224xf32, #tpu.memory_space<vmem>>, %arg10: memref<4x112xi32, #tpu.memory_space<vmem>>, %arg11: memref<896xf32, #tpu.memory_space<vmem>>, %arg12: memref<392x128xi32, #tpu.memory_space<vmem>>, %arg13: memref<6272xf32, #tpu.memory_space<vmem>>, %arg14: memref<!tpu.dma_semaphore, #tpu.memory_space<semaphore_mem>>, %arg15: memref<!tpu.dma_semaphore, #tpu.memory_space<semaphore_mem>>) attributes {dimension_semantics = [#tpu.dimension_semantics<core_parallel>, #tpu.dimension_semantics<subcore_parallel>], iteration_bounds = array<i64: 2, 16>, scalar_prefetch = 0 : i64, scratch_operands = 9 : i64, tpu.core_type = #tpu.core_type<sc_vector_subcore>, window_params = [{transform_indices = #map}, {transform_indices = #map1}, {transform_indices = #map1}, {transform_indices = #map1}, {transform_indices = #map}]} {
    %mul3A = arith.constant 2 : i32
    %mul3A_0 = arith.muli %arg1, %mul3A : i32
    %add3A = arith.addi %mul3A_0, %arg0 : i32
    "tpu.region"() ({
      %run_scoped3A = tpu.sem_alloc : memref<!tpu.dma_semaphore, #tpu.memory_space<semaphore_mem>>
      tpu.enqueue_dma source(%arg4 : memref<224xf32, #tpu.memory_space<hbm>>) target(%arg8 : memref<224xf32, #tpu.memory_space<vmem>>) target_semaphore(%run_scoped3A : memref<!tpu.dma_semaphore, #tpu.memory_space<semaphore_mem>>)
      tpu.wait_dma2 semaphore(%run_scoped3A : memref<!tpu.dma_semaphore, #tpu.memory_space<semaphore_mem>>) src(%arg4 : memref<224xf32, #tpu.memory_space<hbm>>) dst(%arg8 : memref<224xf32, #tpu.memory_space<vmem>>)
      tpu.yield
    }) : () -> ()
    "tpu.region"() ({
      %run_scoped3A = tpu.sem_alloc : memref<!tpu.dma_semaphore, #tpu.memory_space<semaphore_mem>>
      tpu.enqueue_dma source(%arg5 : memref<224xf32, #tpu.memory_space<hbm>>) target(%arg9 : memref<224xf32, #tpu.memory_space<vmem>>) target_semaphore(%run_scoped3A : memref<!tpu.dma_semaphore, #tpu.memory_space<semaphore_mem>>)
      tpu.wait_dma2 semaphore(%run_scoped3A : memref<!tpu.dma_semaphore, #tpu.memory_space<semaphore_mem>>) src(%arg5 : memref<224xf32, #tpu.memory_space<hbm>>) dst(%arg9 : memref<224xf32, #tpu.memory_space<vmem>>)
      tpu.yield
    }) : () -> ()
    %mul3A_1 = arith.constant 256 : i32
    %mul3A_2 = arith.muli %add3A, %mul3A_1 : i32
    "tpu.region"() ({
      %run_scoped3A = tpu.sem_alloc : memref<!tpu.dma_semaphore, #tpu.memory_space<semaphore_mem>>
      %dma_start3A = tpu.memref_slice %arg3[%mul3A_2] : memref<8192xf32, #tpu.memory_space<hbm>> -> memref<256xf32, #tpu.memory_space<hbm>>
      %dma_start3A_7 = tpu.memref_slice %arg3[%mul3A_2] : memref<8192xf32, #tpu.memory_space<hbm>> -> memref<256xf32, #tpu.memory_space<hbm>>
      tpu.enqueue_dma source(%dma_start3A_7 : memref<256xf32, #tpu.memory_space<hbm>>) target(%arg7 : memref<256xf32, #tpu.memory_space<vmem>>) target_semaphore(%run_scoped3A : memref<!tpu.dma_semaphore, #tpu.memory_space<semaphore_mem>>)
      %dma_wait3A = tpu.memref_slice %arg3[%mul3A_2] : memref<8192xf32, #tpu.memory_space<hbm>> -> memref<256xf32, #tpu.memory_space<hbm>>
      %dma_wait3A_8 = tpu.memref_slice %arg3[%mul3A_2] : memref<8192xf32, #tpu.memory_space<hbm>> -> memref<256xf32, #tpu.memory_space<hbm>>
      tpu.wait_dma2 semaphore(%run_scoped3A : memref<!tpu.dma_semaphore, #tpu.memory_space<semaphore_mem>>) src(%dma_wait3A_8 : memref<256xf32, #tpu.memory_space<hbm>>) dst(%arg7 : memref<256xf32, #tpu.memory_space<vmem>>)
      tpu.yield
    }) : () -> ()
    %iota3A = tpu.iota {dimensions = array<i32: 0>} : vector<16xi32>
    %scan3A = arith.constant 0 : i32
    %scan3A_3 = arith.constant 32 : i32
    %scan3A_4 = arith.addi %scan3A, %scan3A_3 : i32
    %scan3A_5 = arith.constant 1 : i32
    scf.for %scan3A_7 = %scan3A to %scan3A_4 step %scan3A_5  : i32 {
      %mul3A_8 = arith.constant 8 : i32
      %mul3A_9 = arith.muli %scan3A_7, %mul3A_8 : i32
      %add3A_10 = arith.constant 0 : i32
      %add3A_11 = arith.addi %mul3A_9, %add3A_10 : i32
      %broadcast_in_dim3A = vector.broadcast %add3A_11 : i32 to vector<16xi32>
      %gather3A = tpu.vector_load_idx %arg7[%broadcast_in_dim3A] : memref<256xf32, #tpu.memory_space<vmem>>[vector<16xi32>], vector<16xf32>,
      %mul3A_12 = arith.constant 8 : i32
      %mul3A_13 = arith.muli %scan3A_7, %mul3A_12 : i32
      %add3A_14 = arith.constant 1 : i32
      %add3A_15 = arith.addi %mul3A_13, %add3A_14 : i32
      %broadcast_in_dim3A_16 = vector.broadcast %add3A_15 : i32 to vector<16xi32>
      %gather3A_17 = tpu.vector_load_idx %arg7[%broadcast_in_dim3A_16] : memref<256xf32, #tpu.memory_space<vmem>>[vector<16xi32>], vector<16xf32>,
      %mul3A_18 = arith.constant 8 : i32
      %mul3A_19 = arith.muli %scan3A_7, %mul3A_18 : i32
      %add3A_20 = arith.constant 2 : i32
      %add3A_21 = arith.addi %mul3A_19, %add3A_20 : i32
      %broadcast_in_dim3A_22 = vector.broadcast %add3A_21 : i32 to vector<16xi32>
      %gather3A_23 = tpu.vector_load_idx %arg7[%broadcast_in_dim3A_22] : memref<256xf32, #tpu.memory_space<vmem>>[vector<16xi32>], vector<16xf32>,
      %mul3A_24 = arith.constant 8 : i32
      %mul3A_25 = arith.muli %scan3A_7, %mul3A_24 : i32
      %add3A_26 = arith.constant 3 : i32
      %add3A_27 = arith.addi %mul3A_25, %add3A_26 : i32
      %broadcast_in_dim3A_28 = vector.broadcast %add3A_27 : i32 to vector<16xi32>
      %gather3A_29 = tpu.vector_load_idx %arg7[%broadcast_in_dim3A_28] : memref<256xf32, #tpu.memory_space<vmem>>[vector<16xi32>], vector<16xf32>,
      %mul3A_30 = arith.constant 8 : i32
      %mul3A_31 = arith.muli %scan3A_7, %mul3A_30 : i32
      %add3A_32 = arith.constant 4 : i32
      %add3A_33 = arith.addi %mul3A_31, %add3A_32 : i32
      %broadcast_in_dim3A_34 = vector.broadcast %add3A_33 : i32 to vector<16xi32>
      %gather3A_35 = tpu.vector_load_idx %arg7[%broadcast_in_dim3A_34] : memref<256xf32, #tpu.memory_space<vmem>>[vector<16xi32>], vector<16xf32>,
      %mul3A_36 = arith.constant 8 : i32
      %mul3A_37 = arith.muli %scan3A_7, %mul3A_36 : i32
      %add3A_38 = arith.constant 5 : i32
      %add3A_39 = arith.addi %mul3A_37, %add3A_38 : i32
      %broadcast_in_dim3A_40 = vector.broadcast %add3A_39 : i32 to vector<16xi32>
      %gather3A_41 = tpu.vector_load_idx %arg7[%broadcast_in_dim3A_40] : memref<256xf32, #tpu.memory_space<vmem>>[vector<16xi32>], vector<16xf32>,
      %mul3A_42 = arith.constant 8 : i32
      %mul3A_43 = arith.muli %scan3A_7, %mul3A_42 : i32
      %add3A_44 = arith.constant 6 : i32
      %add3A_45 = arith.addi %mul3A_43, %add3A_44 : i32
      %broadcast_in_dim3A_46 = vector.broadcast %add3A_45 : i32 to vector<16xi32>
      %gather3A_47 = tpu.vector_load_idx %arg7[%broadcast_in_dim3A_46] : memref<256xf32, #tpu.memory_space<vmem>>[vector<16xi32>], vector<16xf32>,
      %convert_element_type3A = arith.fptosi %gather3A_47 : vector<16xf32> to vector<16xi32>
      %get3A = arith.constant 0 : index
      %get3A_48 = tpu.vector_load %arg8[%get3A] {strides = array<i32>} : memref<224xf32, #tpu.memory_space<vmem>>, vector<16xf32>,
      %get3A_49 = arith.constant 0 : index
      %get3A_50 = tpu.vector_load %arg9[%get3A_49] {strides = array<i32>} : memref<224xf32, #tpu.memory_space<vmem>>, vector<16xf32>,
      %mul3A_51 = arith.mulf %gather3A_29, %get3A_48 : vector<16xf32>
      %mul3A_52 = arith.mulf %gather3A_23, %get3A_50 : vector<16xf32>
      %mul3A_53 = arith.mulf %mul3A_52, %gather3A_35 : vector<16xf32>
      %mul3A_54 = arith.mulf %mul3A_51, %gather3A_41 : vector<16xf32>
      %sub3A = arith.subf %mul3A_53, %mul3A_54 : vector<16xf32>
      %add3A_55 = arith.addf %sub3A, %gather3A : vector<16xf32>
      %mul3A_56 = arith.mulf %mul3A_52, %gather3A_41 : vector<16xf32>
      %mul3A_57 = arith.mulf %mul3A_51, %gather3A_35 : vector<16xf32>
      %add3A_58 = arith.addf %mul3A_56, %mul3A_57 : vector<16xf32>
      %add3A_59 = arith.addf %add3A_58, %gather3A_17 : vector<16xf32>
      %gt3A = arith.constant -1.000000e+00 : f32
      %gt3A_60 = vector.broadcast %gt3A : f32 to vector<16xf32>
      %gt3A_61 = arith.cmpf ogt, %add3A_59, %gt3A_60 : vector<16xf32>
      %lt3A = arith.constant 2.000000e+02 : f32
      %lt3A_62 = vector.broadcast %lt3A : f32 to vector<16xf32>
      %lt3A_63 = arith.cmpf olt, %add3A_59, %lt3A_62 : vector<16xf32>
      %and3A = arith.andi %gt3A_61, %lt3A_63 : vector<16xi1>
      %gt3A_64 = arith.constant -1.000000e+00 : f32
      %gt3A_65 = vector.broadcast %gt3A_64 : f32 to vector<16xf32>
      %gt3A_66 = arith.cmpf ogt, %add3A_55, %gt3A_65 : vector<16xf32>
      %and3A_67 = arith.andi %and3A, %gt3A_66 : vector<16xi1>
      %lt3A_68 = arith.constant 2.000000e+02 : f32
      %lt3A_69 = vector.broadcast %lt3A_68 : f32 to vector<16xf32>
      %lt3A_70 = arith.cmpf olt, %add3A_55, %lt3A_69 : vector<16xf32>
      %and3A_71 = arith.andi %and3A_67, %lt3A_70 : vector<16xi1>
      %max3A = arith.constant 0.000000e+00 : f32
      %max3A_72 = vector.broadcast %max3A : f32 to vector<16xf32>
      %max3A_73 = arith.maximumf %add3A_55, %max3A_72 : vector<16xf32>
      %min3A = arith.constant 1.990000e+02 : f32
      %min3A_74 = vector.broadcast %min3A : f32 to vector<16xf32>
      %min3A_75 = arith.minimumf %max3A_73, %min3A_74 : vector<16xf32>
      %max3A_76 = arith.constant 0.000000e+00 : f32
      %max3A_77 = vector.broadcast %max3A_76 : f32 to vector<16xf32>
      %max3A_78 = arith.maximumf %add3A_59, %max3A_77 : vector<16xf32>
      %min3A_79 = arith.constant 1.990000e+02 : f32
      %min3A_80 = vector.broadcast %min3A_79 : f32 to vector<16xf32>
      %min3A_81 = arith.minimumf %max3A_78, %min3A_80 : vector<16xf32>
      %convert_element_type3A_82 = arith.fptosi %min3A_75 : vector<16xf32> to vector<16xi32>
      %convert_element_type3A_83 = arith.fptosi %min3A_81 : vector<16xf32> to vector<16xi32>
      %convert_element_type3A_84 = arith.sitofp %convert_element_type3A_82 : vector<16xi32> to vector<16xf32>
      %sub3A_85 = arith.subf %min3A_75, %convert_element_type3A_84 : vector<16xf32>
      %convert_element_type3A_86 = arith.sitofp %convert_element_type3A_83 : vector<16xi32> to vector<16xf32>
      %sub3A_87 = arith.subf %min3A_81, %convert_element_type3A_86 : vector<16xf32>
      %sub3A_88 = arith.constant 1.000000e+00 : f32
      %sub3A_89 = vector.broadcast %sub3A_88 : f32 to vector<16xf32>
      %sub3A_90 = arith.subf %sub3A_89, %sub3A_85 : vector<16xf32>
      %sub3A_91 = arith.constant 1.000000e+00 : f32
      %sub3A_92 = vector.broadcast %sub3A_91 : f32 to vector<16xf32>
      %sub3A_93 = arith.subf %sub3A_92, %sub3A_87 : vector<16xf32>
      %jit3A = arith.constant 2.500000e-01 : f32
      %jit3A_94 = arith.constant 0.000000e+00 : f32
      %broadcast_in_dim3A_95 = vector.broadcast %jit3A : f32 to vector<16xf32>
      %broadcast_in_dim3A_96 = vector.broadcast %jit3A_94 : f32 to vector<16xf32>
      %select_n3A = arith.select %and3A_71, %broadcast_in_dim3A_95, %broadcast_in_dim3A_96 : vector<16xi1>, vector<16xf32>
      %mul3A_97 = arith.constant 200 : i32
      %mul3A_98 = vector.broadcast %mul3A_97 : i32 to vector<16xi32>
      %mul3A_99 = arith.muli %convert_element_type3A_83, %mul3A_98 : vector<16xi32>
      %add3A_100 = arith.addi %convert_element_type3A, %mul3A_99 : vector<16xi32>
      %add3A_101 = arith.addi %add3A_100, %convert_element_type3A_82 : vector<16xi32>
      %mul3A_102 = arith.mulf %sub3A_93, %sub3A_90 : vector<16xf32>
      %mul3A_103 = arith.mulf %mul3A_102, %select_n3A : vector<16xf32>
      %mul3A_104 = arith.mulf %sub3A_93, %sub3A_85 : vector<16xf32>
      %mul3A_105 = arith.mulf %mul3A_104, %select_n3A : vector<16xf32>
      %mul3A_106 = arith.mulf %sub3A_87, %sub3A_90 : vector<16xf32>
      %mul3A_107 = arith.mulf %mul3A_106, %select_n3A : vector<16xf32>
      %mul3A_108 = arith.mulf %sub3A_87, %sub3A_85 : vector<16xf32>
      %mul3A_109 = arith.mulf %mul3A_108, %select_n3A : vector<16xf32>
      %add3A_110 = arith.constant 200 : i32
      %add3A_111 = vector.broadcast %add3A_110 : i32 to vector<16xi32>
      %add3A_112 = arith.addi %add3A_101, %add3A_111 : vector<16xi32>
      %swap3A = arith.constant 0 : i32
      %swap3A_113 = arith.index_cast %swap3A : i32 to index
      %swap3A_114 = arith.constant 0 : index
      %swap3A_115 = tpu.vector_load %arg10[%swap3A_113, %swap3A_114] {strides = array<i32>} : memref<4x112xi32, #tpu.memory_space<vmem>>, vector<16xi32>,
      tpu.vector_store %arg10[%swap3A_113, %swap3A_114], %add3A_101 {strides = array<i32>} : memref<4x112xi32, #tpu.memory_space<vmem>>, vector<16xi32>,
      %swap3A_116 = arith.constant 2 : i32
      %swap3A_117 = arith.index_cast %swap3A_116 : i32 to index
      %swap3A_118 = arith.constant 0 : index
      %swap3A_119 = tpu.vector_load %arg10[%swap3A_117, %swap3A_118] {strides = array<i32>} : memref<4x112xi32, #tpu.memory_space<vmem>>, vector<16xi32>,
      tpu.vector_store %arg10[%swap3A_117, %swap3A_118], %add3A_112 {strides = array<i32>} : memref<4x112xi32, #tpu.memory_space<vmem>>, vector<16xi32>,
      %swap3A_120 = arith.constant 0 : index
      %swap3A_121 = tpu.vector_load %arg11[%swap3A_120] {strides = array<i32>} : memref<896xf32, #tpu.memory_space<vmem>>, vector<16xf32>,
      tpu.vector_store %arg11[%swap3A_120], %mul3A_103 {strides = array<i32>} : memref<896xf32, #tpu.memory_space<vmem>>, vector<16xf32>,
      %swap3A_122 = arith.constant 224 : index
      %swap3A_123 = tpu.vector_load %arg11[%swap3A_122] {strides = array<i32>} : memref<896xf32, #tpu.memory_space<vmem>>, vector<16xf32>,
      tpu.vector_store %arg11[%swap3A_122], %mul3A_105 {strides = array<i32>} : memref<896xf32, #tpu.memory_space<vmem>>, vector<16xf32>,
      %swap3A_124 = arith.constant 448 : index
      %swap3A_125 = tpu.vector_load %arg11[%swap3A_124] {strides = array<i32>} : memref<896xf32, #tpu.memory_space<vmem>>, vector<16xf32>,
      tpu.vector_store %arg11[%swap3A_124], %mul3A_107 {strides = array<i32>} : memref<896xf32, #tpu.memory_space<vmem>>, vector<16xf32>,
      %swap3A_126 = arith.constant 672 : index
      %swap3A_127 = tpu.vector_load %arg11[%swap3A_126] {strides = array<i32>} : memref<896xf32, #tpu.memory_space<vmem>>, vector<16xf32>,
      tpu.vector_store %arg11[%swap3A_126], %mul3A_109 {strides = array<i32>} : memref<896xf32, #tpu.memory_space<vmem>>, vector<16xf32>,
      %get3A_128 = arith.constant 16 : index
      %get3A_129 = tpu.vector_load %arg8[%get3A_128] {strides = array<i32>} : memref<224xf32, #tpu.memory_space<vmem>>, vector<16xf32>,
      %get3A_130 = arith.constant 16 : index
      %get3A_131 = tpu.vector_load %arg9[%get3A_130] {strides = array<i32>} : memref<224xf32, #tpu.memory_space<vmem>>, vector<16xf32>,
      %mul3A_132 = arith.mulf %gather3A_29, %get3A_129 : vector<16xf32>
      %mul3A_133 = arith.mulf %gather3A_23, %get3A_131 : vector<16xf32>
      %mul3A_134 = arith.mulf %mul3A_133, %gather3A_35 : vector<16xf32>
      %mul3A_135 = arith.mulf %mul3A_132, %gather3A_41 : vector<16xf32>
      %sub3A_136 = arith.subf %mul3A_134, %mul3A_135 : vector<16xf32>
      %add3A_137 = arith.addf %sub3A_136, %gather3A : vector<16xf32>
      %mul3A_138 = arith.mulf %mul3A_133, %gather3A_41 : vector<16xf32>
      %mul3A_139 = arith.mulf %mul3A_132, %gather3A_35 : vector<16xf32>
      %add3A_140 = arith.addf %mul3A_138, %mul3A_139 : vector<16xf32>
      %add3A_141 = arith.addf %add3A_140, %gather3A_17 : vector<16xf32>
      %gt3A_142 = arith.constant -1.000000e+00 : f32
      %gt3A_143 = vector.broadcast %gt3A_142 : f32 to vector<16xf32>
      %gt3A_144 = arith.cmpf ogt, %add3A_141, %gt3A_143 : vector<16xf32>
      %lt3A_145 = arith.constant 2.000000e+02 : f32
      %lt3A_146 = vector.broadcast %lt3A_145 : f32 to vector<16xf32>
      %lt3A_147 = arith.cmpf olt, %add3A_141, %lt3A_146 : vector<16xf32>
      %and3A_148 = arith.andi %gt3A_144, %lt3A_147 : vector<16xi1>
      %gt3A_149 = arith.constant -1.000000e+00 : f32
      %gt3A_150 = vector.broadcast %gt3A_149 : f32 to vector<16xf32>
      %gt3A_151 = arith.cmpf ogt, %add3A_137, %gt3A_150 : vector<16xf32>
      %and3A_152 = arith.andi %and3A_148, %gt3A_151 : vector<16xi1>
      %lt3A_153 = arith.constant 2.000000e+02 : f32
      %lt3A_154 = vector.broadcast %lt3A_153 : f32 to vector<16xf32>
      %lt3A_155 = arith.cmpf olt, %add3A_137, %lt3A_154 : vector<16xf32>
      %and3A_156 = arith.andi %and3A_152, %lt3A_155 : vector<16xi1>
      %max3A_157 = arith.constant 0.000000e+00 : f32
      %max3A_158 = vector.broadcast %max3A_157 : f32 to vector<16xf32>
      %max3A_159 = arith.maximumf %add3A_137, %max3A_158 : vector<16xf32>
      %min3A_160 = arith.constant 1.990000e+02 : f32
      %min3A_161 = vector.broadcast %min3A_160 : f32 to vector<16xf32>
      %min3A_162 = arith.minimumf %max3A_159, %min3A_161 : vector<16xf32>
      %max3A_163 = arith.constant 0.000000e+00 : f32
      %max3A_164 = vector.broadcast %max3A_163 : f32 to vector<16xf32>
      %max3A_165 = arith.maximumf %add3A_141, %max3A_164 : vector<16xf32>
      %min3A_166 = arith.constant 1.990000e+02 : f32
      %min3A_167 = vector.broadcast %min3A_166 : f32 to vector<16xf32>
      %min3A_168 = arith.minimumf %max3A_165, %min3A_167 : vector<16xf32>
      %convert_element_type3A_169 = arith.fptosi %min3A_162 : vector<16xf32> to vector<16xi32>
      %convert_element_type3A_170 = arith.fptosi %min3A_168 : vector<16xf32> to vector<16xi32>
      %convert_element_type3A_171 = arith.sitofp %convert_element_type3A_169 : vector<16xi32> to vector<16xf32>
      %sub3A_172 = arith.subf %min3A_162, %convert_element_type3A_171 : vector<16xf32>
      %convert_element_type3A_173 = arith.sitofp %convert_element_type3A_170 : vector<16xi32> to vector<16xf32>
      %sub3A_174 = arith.subf %min3A_168, %convert_element_type3A_173 : vector<16xf32>
      %sub3A_175 = arith.constant 1.000000e+00 : f32
      %sub3A_176 = vector.broadcast %sub3A_175 : f32 to vector<16xf32>
      %sub3A_177 = arith.subf %sub3A_176, %sub3A_172 : vector<16xf32>
      %sub3A_178 = arith.constant 1.000000e+00 : f32
      %sub3A_179 = vector.broadcast %sub3A_178 : f32 to vector<16xf32>
      %sub3A_180 = arith.subf %sub3A_179, %sub3A_174 : vector<16xf32>
      %jit3A_181 = arith.constant 2.500000e-01 : f32
      %jit3A_182 = arith.constant 0.000000e+00 : f32
      %broadcast_in_dim3A_183 = vector.broadcast %jit3A_181 : f32 to vector<16xf32>
      %broadcast_in_dim3A_184 = vector.broadcast %jit3A_182 : f32 to vector<16xf32>
      %select_n3A_185 = arith.select %and3A_156, %broadcast_in_dim3A_183, %broadcast_in_dim3A_184 : vector<16xi1>, vector<16xf32>
      %mul3A_186 = arith.constant 200 : i32
      %mul3A_187 = vector.broadcast %mul3A_186 : i32 to vector<16xi32>
      %mul3A_188 = arith.muli %convert_element_type3A_170, %mul3A_187 : vector<16xi32>
      %add3A_189 = arith.addi %convert_element_type3A, %mul3A_188 : vector<16xi32>
      %add3A_190 = arith.addi %add3A_189, %convert_element_type3A_169 : vector<16xi32>
      %mul3A_191 = arith.mulf %sub3A_180, %sub3A_177 : vector<16xf32>
      %mul3A_192 = arith.mulf %mul3A_191, %select_n3A_185 : vector<16xf32>
      %mul3A_193 = arith.mulf %sub3A_180, %sub3A_172 : vector<16xf32>
      %mul3A_194 = arith.mulf %mul3A_193, %select_n3A_185 : vector<16xf32>
      %mul3A_195 = arith.mulf %sub3A_174, %sub3A_177 : vector<16xf32>
      %mul3A_196 = arith.mulf %mul3A_195, %select_n3A_185 : vector<16xf32>
      %mul3A_197 = arith.mulf %sub3A_174, %sub3A_172 : vector<16xf32>
      %mul3A_198 = arith.mulf %mul3A_197, %select_n3A_185 : vector<16xf32>
      %add3A_199 = arith.constant 200 : i32
      %add3A_200 = vector.broadcast %add3A_199 : i32 to vector<16xi32>
      %add3A_201 = arith.addi %add3A_190, %add3A_200 : vector<16xi32>
      %swap3A_202 = arith.constant 0 : i32
      %swap3A_203 = arith.index_cast %swap3A_202 : i32 to index
      %swap3A_204 = arith.constant 16 : index
      %swap3A_205 = tpu.vector_load %arg10[%swap3A_203, %swap3A_204] {strides = array<i32>} : memref<4x112xi32, #tpu.memory_space<vmem>>, vector<16xi32>,
      tpu.vector_store %arg10[%swap3A_203, %swap3A_204], %add3A_190 {strides = array<i32>} : memref<4x112xi32, #tpu.memory_space<vmem>>, vector<16xi32>,
      %swap3A_206 = arith.constant 2 : i32
      %swap3A_207 = arith.index_cast %swap3A_206 : i32 to index
      %swap3A_208 = arith.constant 16 : index
      %swap3A_209 = tpu.vector_load %arg10[%swap3A_207, %swap3A_208] {strides = array<i32>} : memref<4x112xi32, #tpu.memory_space<vmem>>, vector<16xi32>,
      tpu.vector_store %arg10[%swap3A_207, %swap3A_208], %add3A_201 {strides = array<i32>} : memref<4x112xi32, #tpu.memory_space<vmem>>, vector<16xi32>,
      %swap3A_210 = arith.constant 16 : index
      %swap3A_211 = tpu.vector_load %arg11[%swap3A_210] {strides = array<i32>} : memref<896xf32, #tpu.memory_space<vmem>>, vector<16xf32>,
      tpu.vector_store %arg11[%swap3A_210], %mul3A_192 {strides = array<i32>} : memref<896xf32, #tpu.memory_space<vmem>>, vector<16xf32>,
      %swap3A_212 = arith.constant 240 : index
      %swap3A_213 = tpu.vector_load %arg11[%swap3A_212] {strides = array<i32>} : memref<896xf32, #tpu.memory_space<vmem>>, vector<16xf32>,
      tpu.vector_store %arg11[%swap3A_212], %mul3A_194 {strides = array<i32>} : memref<896xf32, #tpu.memory_space<vmem>>, vector<16xf32>,
      %swap3A_214 = arith.constant 464 : index
      %swap3A_215 = tpu.vector_load %arg11[%swap3A_214] {strides = array<i32>} : memref<896xf32, #tpu.memory_space<vmem>>, vector<16xf32>,
      tpu.vector_store %arg11[%swap3A_214], %mul3A_196 {strides = array<i32>} : memref<896xf32, #tpu.memory_space<vmem>>, vector<16xf32>,
      %swap3A_216 = arith.constant 688 : index
      %swap3A_217 = tpu.vector_load %arg11[%swap3A_216] {strides = array<i32>} : memref<896xf32, #tpu.memory_space<vmem>>, vector<16xf32>,
      tpu.vector_store %arg11[%swap3A_216], %mul3A_198 {strides = array<i32>} : memref<896xf32, #tpu.memory_space<vmem>>, vector<16xf32>,
      %get3A_218 = arith.constant 32 : index
      %get3A_219 = tpu.vector_load %arg8[%get3A_218] {strides = array<i32>} : memref<224xf32, #tpu.memory_space<vmem>>, vector<16xf32>,
      %get3A_220 = arith.constant 32 : index
      %get3A_221 = tpu.vector_load %arg9[%get3A_220] {strides = array<i32>} : memref<224xf32, #tpu.memory_space<vmem>>, vector<16xf32>,
      %mul3A_222 = arith.mulf %gather3A_29, %get3A_219 : vector<16xf32>
      %mul3A_223 = arith.mulf %gather3A_23, %get3A_221 : vector<16xf32>
      %mul3A_224 = arith.mulf %mul3A_223, %gather3A_35 : vector<16xf32>
      %mul3A_225 = arith.mulf %mul3A_222, %gather3A_41 : vector<16xf32>
      %sub3A_226 = arith.subf %mul3A_224, %mul3A_225 : vector<16xf32>
      %add3A_227 = arith.addf %sub3A_226, %gather3A : vector<16xf32>
      %mul3A_228 = arith.mulf %mul3A_223, %gather3A_41 : vector<16xf32>
      %mul3A_229 = arith.mulf %mul3A_222, %gather3A_35 : vector<16xf32>
      %add3A_230 = arith.addf %mul3A_228, %mul3A_229 : vector<16xf32>
      %add3A_231 = arith.addf %add3A_230, %gather3A_17 : vector<16xf32>
      %gt3A_232 = arith.constant -1.000000e+00 : f32
      %gt3A_233 = vector.broadcast %gt3A_232 : f32 to vector<16xf32>
      %gt3A_234 = arith.cmpf ogt, %add3A_231, %gt3A_233 : vector<16xf32>
      %lt3A_235 = arith.constant 2.000000e+02 : f32
      %lt3A_236 = vector.broadcast %lt3A_235 : f32 to vector<16xf32>
      %lt3A_237 = arith.cmpf olt, %add3A_231, %lt3A_236 : vector<16xf32>
      %and3A_238 = arith.andi %gt3A_234, %lt3A_237 : vector<16xi1>
      %gt3A_239 = arith.constant -1.000000e+00 : f32
      %gt3A_240 = vector.broadcast %gt3A_239 : f32 to vector<16xf32>
      %gt3A_241 = arith.cmpf ogt, %add3A_227, %gt3A_240 : vector<16xf32>
      %and3A_242 = arith.andi %and3A_238, %gt3A_241 : vector<16xi1>
      %lt3A_243 = arith.constant 2.000000e+02 : f32
      %lt3A_244 = vector.broadcast %lt3A_243 : f32 to vector<16xf32>
      %lt3A_245 = arith.cmpf olt, %add3A_227, %lt3A_244 : vector<16xf32>
      %and3A_246 = arith.andi %and3A_242, %lt3A_245 : vector<16xi1>
      %max3A_247 = arith.constant 0.000000e+00 : f32
      %max3A_248 = vector.broadcast %max3A_247 : f32 to vector<16xf32>
      %max3A_249 = arith.maximumf %add3A_227, %max3A_248 : vector<16xf32>
      %min3A_250 = arith.constant 1.990000e+02 : f32
      %min3A_251 = vector.broadcast %min3A_250 : f32 to vector<16xf32>
      %min3A_252 = arith.minimumf %max3A_249, %min3A_251 : vector<16xf32>
      %max3A_253 = arith.constant 0.000000e+00 : f32
      %max3A_254 = vector.broadcast %max3A_253 : f32 to vector<16xf32>
      %max3A_255 = arith.maximumf %add3A_231, %max3A_254 : vector<16xf32>
      %min3A_256 = arith.constant 1.990000e+02 : f32
      %min3A_257 = vector.broadcast %min3A_256 : f32 to vector<16xf32>
      %min3A_258 = arith.minimumf %max3A_255, %min3A_257 : vector<16xf32>
      %convert_element_type3A_259 = arith.fptosi %min3A_252 : vector<16xf32> to vector<16xi32>
      %convert_element_type3A_260 = arith.fptosi %min3A_258 : vector<16xf32> to vector<16xi32>
      %convert_element_type3A_261 = arith.sitofp %convert_element_type3A_259 : vector<16xi32> to vector<16xf32>
      %sub3A_262 = arith.subf %min3A_252, %convert_element_type3A_261 : vector<16xf32>
      %convert_element_type3A_263 = arith.sitofp %convert_element_type3A_260 : vector<16xi32> to vector<16xf32>
      %sub3A_264 = arith.subf %min3A_258, %convert_element_type3A_263 : vector<16xf32>
      %sub3A_265 = arith.constant 1.000000e+00 : f32
      %sub3A_266 = vector.broadcast %sub3A_265 : f32 to vector<16xf32>
      %sub3A_267 = arith.subf %sub3A_266, %sub3A_262 : vector<16xf32>
      %sub3A_268 = arith.constant 1.000000e+00 : f32
      %sub3A_269 = vector.broadcast %sub3A_268 : f32 to vector<16xf32>
      %sub3A_270 = arith.subf %sub3A_269, %sub3A_264 : vector<16xf32>
      %jit3A_271 = arith.constant 2.500000e-01 : f32
      %jit3A_272 = arith.constant 0.000000e+00 : f32
      %broadcast_in_dim3A_273 = vector.broadcast %jit3A_271 : f32 to vector<16xf32>
      %broadcast_in_dim3A_274 = vector.broadcast %jit3A_272 : f32 to vector<16xf32>
      %select_n3A_275 = arith.select %and3A_246, %broadcast_in_dim3A_273, %broadcast_in_dim3A_274 : vector<16xi1>, vector<16xf32>
      %mul3A_276 = arith.constant 200 : i32
      %mul3A_277 = vector.broadcast %mul3A_276 : i32 to vector<16xi32>
      %mul3A_278 = arith.muli %convert_element_type3A_260, %mul3A_277 : vector<16xi32>
      %add3A_279 = arith.addi %convert_element_type3A, %mul3A_278 : vector<16xi32>
      %add3A_280 = arith.addi %add3A_279, %convert_element_type3A_259 : vector<16xi32>
      %mul3A_281 = arith.mulf %sub3A_270, %sub3A_267 : vector<16xf32>
      %mul3A_282 = arith.mulf %mul3A_281, %select_n3A_275 : vector<16xf32>
      %mul3A_283 = arith.mulf %sub3A_270, %sub3A_262 : vector<16xf32>
      %mul3A_284 = arith.mulf %mul3A_283, %select_n3A_275 : vector<16xf32>
      %mul3A_285 = arith.mulf %sub3A_264, %sub3A_267 : vector<16xf32>
      %mul3A_286 = arith.mulf %mul3A_285, %select_n3A_275 : vector<16xf32>
      %mul3A_287 = arith.mulf %sub3A_264, %sub3A_262 : vector<16xf32>
      %mul3A_288 = arith.mulf %mul3A_287, %select_n3A_275 : vector<16xf32>
      %add3A_289 = arith.constant 200 : i32
      %add3A_290 = vector.broadcast %add3A_289 : i32 to vector<16xi32>
      %add3A_291 = arith.addi %add3A_280, %add3A_290 : vector<16xi32>
      %swap3A_292 = arith.constant 0 : i32
      %swap3A_293 = arith.index_cast %swap3A_292 : i32 to index
      %swap3A_294 = arith.constant 32 : index
      %swap3A_295 = tpu.vector_load %arg10[%swap3A_293, %swap3A_294] {strides = array<i32>} : memref<4x112xi32, #tpu.memory_space<vmem>>, vector<16xi32>,
      tpu.vector_store %arg10[%swap3A_293, %swap3A_294], %add3A_280 {strides = array<i32>} : memref<4x112xi32, #tpu.memory_space<vmem>>, vector<16xi32>,
      %swap3A_296 = arith.constant 2 : i32
      %swap3A_297 = arith.index_cast %swap3A_296 : i32 to index
      %swap3A_298 = arith.constant 32 : index
      %swap3A_299 = tpu.vector_load %arg10[%swap3A_297, %swap3A_298] {strides = array<i32>} : memref<4x112xi32, #tpu.memory_space<vmem>>, vector<16xi32>,
      tpu.vector_store %arg10[%swap3A_297, %swap3A_298], %add3A_291 {strides = array<i32>} : memref<4x112xi32, #tpu.memory_space<vmem>>, vector<16xi32>,
      %swap3A_300 = arith.constant 32 : index
      %swap3A_301 = tpu.vector_load %arg11[%swap3A_300] {strides = array<i32>} : memref<896xf32, #tpu.memory_space<vmem>>, vector<16xf32>,
      tpu.vector_store %arg11[%swap3A_300], %mul3A_282 {strides = array<i32>} : memref<896xf32, #tpu.memory_space<vmem>>, vector<16xf32>,
      %swap3A_302 = arith.constant 256 : index
      %swap3A_303 = tpu.vector_load %arg11[%swap3A_302] {strides = array<i32>} : memref<896xf32, #tpu.memory_space<vmem>>, vector<16xf32>,
      tpu.vector_store %arg11[%swap3A_302], %mul3A_284 {strides = array<i32>} : memref<896xf32, #tpu.memory_space<vmem>>, vector<16xf32>,
      %swap3A_304 = arith.constant 480 : index
      %swap3A_305 = tpu.vector_load %arg11[%swap3A_304] {strides = array<i32>} : memref<896xf32, #tpu.memory_space<vmem>>, vector<16xf32>,
      tpu.vector_store %arg11[%swap3A_304], %mul3A_286 {strides = array<i32>} : memref<896xf32, #tpu.memory_space<vmem>>, vector<16xf32>,
      %swap3A_306 = arith.constant 704 : index
      %swap3A_307 = tpu.vector_load %arg11[%swap3A_306] {strides = array<i32>} : memref<896xf32, #tpu.memory_space<vmem>>, vector<16xf32>,
      tpu.vector_store %arg11[%swap3A_306], %mul3A_288 {strides = array<i32>} : memref<896xf32, #tpu.memory_space<vmem>>, vector<16xf32>,
      %get3A_308 = arith.constant 48 : index
      %get3A_309 = tpu.vector_load %arg8[%get3A_308] {strides = array<i32>} : memref<224xf32, #tpu.memory_space<vmem>>, vector<16xf32>,
      %get3A_310 = arith.constant 48 : index
      %get3A_311 = tpu.vector_load %arg9[%get3A_310] {strides = array<i32>} : memref<224xf32, #tpu.memory_space<vmem>>, vector<16xf32>,
      %mul3A_312 = arith.mulf %gather3A_29, %get3A_309 : vector<16xf32>
      %mul3A_313 = arith.mulf %gather3A_23, %get3A_311 : vector<16xf32>
      %mul3A_314 = arith.mulf %mul3A_313, %gather3A_35 : vector<16xf32>
      %mul3A_315 = arith.mulf %mul3A_312, %gather3A_41 : vector<16xf32>
      %sub3A_316 = arith.subf %mul3A_314, %mul3A_315 : vector<16xf32>
      %add3A_317 = arith.addf %sub3A_316, %gather3A : vector<16xf32>
      %mul3A_318 = arith.mulf %mul3A_313, %gather3A_41 : vector<16xf32>
      %mul3A_319 = arith.mulf %mul3A_312, %gather3A_35 : vector<16xf32>
      %add3A_320 = arith.addf %mul3A_318, %mul3A_319 : vector<16xf32>
      %add3A_321 = arith.addf %add3A_320, %gather3A_17 : vector<16xf32>
      %gt3A_322 = arith.constant -1.000000e+00 : f32
      %gt3A_323 = vector.broadcast %gt3A_322 : f32 to vector<16xf32>
      %gt3A_324 = arith.cmpf ogt, %add3A_321, %gt3A_323 : vector<16xf32>
      %lt3A_325 = arith.constant 2.000000e+02 : f32
      %lt3A_326 = vector.broadcast %lt3A_325 : f32 to vector<16xf32>
      %lt3A_327 = arith.cmpf olt, %add3A_321, %lt3A_326 : vector<16xf32>
      %and3A_328 = arith.andi %gt3A_324, %lt3A_327 : vector<16xi1>
      %gt3A_329 = arith.constant -1.000000e+00 : f32
      %gt3A_330 = vector.broadcast %gt3A_329 : f32 to vector<16xf32>
      %gt3A_331 = arith.cmpf ogt, %add3A_317, %gt3A_330 : vector<16xf32>
      %and3A_332 = arith.andi %and3A_328, %gt3A_331 : vector<16xi1>
      %lt3A_333 = arith.constant 2.000000e+02 : f32
      %lt3A_334 = vector.broadcast %lt3A_333 : f32 to vector<16xf32>
      %lt3A_335 = arith.cmpf olt, %add3A_317, %lt3A_334 : vector<16xf32>
      %and3A_336 = arith.andi %and3A_332, %lt3A_335 : vector<16xi1>
      %max3A_337 = arith.constant 0.000000e+00 : f32
      %max3A_338 = vector.broadcast %max3A_337 : f32 to vector<16xf32>
      %max3A_339 = arith.maximumf %add3A_317, %max3A_338 : vector<16xf32>
      %min3A_340 = arith.constant 1.990000e+02 : f32
      %min3A_341 = vector.broadcast %min3A_340 : f32 to vector<16xf32>
      %min3A_342 = arith.minimumf %max3A_339, %min3A_341 : vector<16xf32>
      %max3A_343 = arith.constant 0.000000e+00 : f32
      %max3A_344 = vector.broadcast %max3A_343 : f32 to vector<16xf32>
      %max3A_345 = arith.maximumf %add3A_321, %max3A_344 : vector<16xf32>
      %min3A_346 = arith.constant 1.990000e+02 : f32
      %min3A_347 = vector.broadcast %min3A_346 : f32 to vector<16xf32>
      %min3A_348 = arith.minimumf %max3A_345, %min3A_347 : vector<16xf32>
      %convert_element_type3A_349 = arith.fptosi %min3A_342 : vector<16xf32> to vector<16xi32>
      %convert_element_type3A_350 = arith.fptosi %min3A_348 : vector<16xf32> to vector<16xi32>
      %convert_element_type3A_351 = arith.sitofp %convert_element_type3A_349 : vector<16xi32> to vector<16xf32>
      %sub3A_352 = arith.subf %min3A_342, %convert_element_type3A_351 : vector<16xf32>
      %convert_element_type3A_353 = arith.sitofp %convert_element_type3A_350 : vector<16xi32> to vector<16xf32>
      %sub3A_354 = arith.subf %min3A_348, %convert_element_type3A_353 : vector<16xf32>
      %sub3A_355 = arith.constant 1.000000e+00 : f32
      %sub3A_356 = vector.broadcast %sub3A_355 : f32 to vector<16xf32>
      %sub3A_357 = arith.subf %sub3A_356, %sub3A_352 : vector<16xf32>
      %sub3A_358 = arith.constant 1.000000e+00 : f32
      %sub3A_359 = vector.broadcast %sub3A_358 : f32 to vector<16xf32>
      %sub3A_360 = arith.subf %sub3A_359, %sub3A_354 : vector<16xf32>
      %jit3A_361 = arith.constant 2.500000e-01 : f32
      %jit3A_362 = arith.constant 0.000000e+00 : f32
      %broadcast_in_dim3A_363 = vector.broadcast %jit3A_361 : f32 to vector<16xf32>
      %broadcast_in_dim3A_364 = vector.broadcast %jit3A_362 : f32 to vector<16xf32>
      %select_n3A_365 = arith.select %and3A_336, %broadcast_in_dim3A_363, %broadcast_in_dim3A_364 : vector<16xi1>, vector<16xf32>
      %mul3A_366 = arith.constant 200 : i32
      %mul3A_367 = vector.broadcast %mul3A_366 : i32 to vector<16xi32>
      %mul3A_368 = arith.muli %convert_element_type3A_350, %mul3A_367 : vector<16xi32>
      %add3A_369 = arith.addi %convert_element_type3A, %mul3A_368 : vector<16xi32>
      %add3A_370 = arith.addi %add3A_369, %convert_element_type3A_349 : vector<16xi32>
      %mul3A_371 = arith.mulf %sub3A_360, %sub3A_357 : vector<16xf32>
      %mul3A_372 = arith.mulf %mul3A_371, %select_n3A_365 : vector<16xf32>
      %mul3A_373 = arith.mulf %sub3A_360, %sub3A_352 : vector<16xf32>
      %mul3A_374 = arith.mulf %mul3A_373, %select_n3A_365 : vector<16xf32>
      %mul3A_375 = arith.mulf %sub3A_354, %sub3A_357 : vector<16xf32>
      %mul3A_376 = arith.mulf %mul3A_375, %select_n3A_365 : vector<16xf32>
      %mul3A_377 = arith.mulf %sub3A_354, %sub3A_352 : vector<16xf32>
      %mul3A_378 = arith.mulf %mul3A_377, %select_n3A_365 : vector<16xf32>
      %add3A_379 = arith.constant 200 : i32
      %add3A_380 = vector.broadcast %add3A_379 : i32 to vector<16xi32>
      %add3A_381 = arith.addi %add3A_370, %add3A_380 : vector<16xi32>
      %swap3A_382 = arith.constant 0 : i32
      %swap3A_383 = arith.index_cast %swap3A_382 : i32 to index
      %swap3A_384 = arith.constant 48 : index
      %swap3A_385 = tpu.vector_load %arg10[%swap3A_383, %swap3A_384] {strides = array<i32>} : memref<4x112xi32, #tpu.memory_space<vmem>>, vector<16xi32>,
      tpu.vector_store %arg10[%swap3A_383, %swap3A_384], %add3A_370 {strides = array<i32>} : memref<4x112xi32, #tpu.memory_space<vmem>>, vector<16xi32>,
      %swap3A_386 = arith.constant 2 : i32
      %swap3A_387 = arith.index_cast %swap3A_386 : i32 to index
      %swap3A_388 = arith.constant 48 : index
      %swap3A_389 = tpu.vector_load %arg10[%swap3A_387, %swap3A_388] {strides = array<i32>} : memref<4x112xi32, #tpu.memory_space<vmem>>, vector<16xi32>,
      tpu.vector_store %arg10[%swap3A_387, %swap3A_388], %add3A_381 {strides = array<i32>} : memref<4x112xi32, #tpu.memory_space<vmem>>, vector<16xi32>,
      %swap3A_390 = arith.constant 48 : index
      %swap3A_391 = tpu.vector_load %arg11[%swap3A_390] {strides = array<i32>} : memref<896xf32, #tpu.memory_space<vmem>>, vector<16xf32>,
      tpu.vector_store %arg11[%swap3A_390], %mul3A_372 {strides = array<i32>} : memref<896xf32, #tpu.memory_space<vmem>>, vector<16xf32>,
      %swap3A_392 = arith.constant 272 : index
      %swap3A_393 = tpu.vector_load %arg11[%swap3A_392] {strides = array<i32>} : memref<896xf32, #tpu.memory_space<vmem>>, vector<16xf32>,
      tpu.vector_store %arg11[%swap3A_392], %mul3A_374 {strides = array<i32>} : memref<896xf32, #tpu.memory_space<vmem>>, vector<16xf32>,
      %swap3A_394 = arith.constant 496 : index
      %swap3A_395 = tpu.vector_load %arg11[%swap3A_394] {strides = array<i32>} : memref<896xf32, #tpu.memory_space<vmem>>, vector<16xf32>,
      tpu.vector_store %arg11[%swap3A_394], %mul3A_376 {strides = array<i32>} : memref<896xf32, #tpu.memory_space<vmem>>, vector<16xf32>,
      %swap3A_396 = arith.constant 720 : index
      %swap3A_397 = tpu.vector_load %arg11[%swap3A_396] {strides = array<i32>} : memref<896xf32, #tpu.memory_space<vmem>>, vector<16xf32>,
      tpu.vector_store %arg11[%swap3A_396], %mul3A_378 {strides = array<i32>} : memref<896xf32, #tpu.memory_space<vmem>>, vector<16xf32>,
      %get3A_398 = arith.constant 64 : index
      %get3A_399 = tpu.vector_load %arg8[%get3A_398] {strides = array<i32>} : memref<224xf32, #tpu.memory_space<vmem>>, vector<16xf32>,
      %get3A_400 = arith.constant 64 : index
      %get3A_401 = tpu.vector_load %arg9[%get3A_400] {strides = array<i32>} : memref<224xf32, #tpu.memory_space<vmem>>, vector<16xf32>,
      %mul3A_402 = arith.mulf %gather3A_29, %get3A_399 : vector<16xf32>
      %mul3A_403 = arith.mulf %gather3A_23, %get3A_401 : vector<16xf32>
      %mul3A_404 = arith.mulf %mul3A_403, %gather3A_35 : vector<16xf32>
      %mul3A_405 = arith.mulf %mul3A_402, %gather3A_41 : vector<16xf32>
      %sub3A_406 = arith.subf %mul3A_404, %mul3A_405 : vector<16xf32>
      %add3A_407 = arith.addf %sub3A_406, %gather3A : vector<16xf32>
      %mul3A_408 = arith.mulf %mul3A_403, %gather3A_41 : vector<16xf32>
      %mul3A_409 = arith.mulf %mul3A_402, %gather3A_35 : vector<16xf32>
      %add3A_410 = arith.addf %mul3A_408, %mul3A_409 : vector<16xf32>
      %add3A_411 = arith.addf %add3A_410, %gather3A_17 : vector<16xf32>
      %gt3A_412 = arith.constant -1.000000e+00 : f32
      %gt3A_413 = vector.broadcast %gt3A_412 : f32 to vector<16xf32>
      %gt3A_414 = arith.cmpf ogt, %add3A_411, %gt3A_413 : vector<16xf32>
      %lt3A_415 = arith.constant 2.000000e+02 : f32
      %lt3A_416 = vector.broadcast %lt3A_415 : f32 to vector<16xf32>
      %lt3A_417 = arith.cmpf olt, %add3A_411, %lt3A_416 : vector<16xf32>
      %and3A_418 = arith.andi %gt3A_414, %lt3A_417 : vector<16xi1>
      %gt3A_419 = arith.constant -1.000000e+00 : f32
      %gt3A_420 = vector.broadcast %gt3A_419 : f32 to vector<16xf32>
      %gt3A_421 = arith.cmpf ogt, %add3A_407, %gt3A_420 : vector<16xf32>
      %and3A_422 = arith.andi %and3A_418, %gt3A_421 : vector<16xi1>
      %lt3A_423 = arith.constant 2.000000e+02 : f32
      %lt3A_424 = vector.broadcast %lt3A_423 : f32 to vector<16xf32>
      %lt3A_425 = arith.cmpf olt, %add3A_407, %lt3A_424 : vector<16xf32>
      %and3A_426 = arith.andi %and3A_422, %lt3A_425 : vector<16xi1>
      %max3A_427 = arith.constant 0.000000e+00 : f32
      %max3A_428 = vector.broadcast %max3A_427 : f32 to vector<16xf32>
      %max3A_429 = arith.maximumf %add3A_407, %max3A_428 : vector<16xf32>
      %min3A_430 = arith.constant 1.990000e+02 : f32
      %min3A_431 = vector.broadcast %min3A_430 : f32 to vector<16xf32>
      %min3A_432 = arith.minimumf %max3A_429, %min3A_431 : vector<16xf32>
      %max3A_433 = arith.constant 0.000000e+00 : f32
      %max3A_434 = vector.broadcast %max3A_433 : f32 to vector<16xf32>
      %max3A_435 = arith.maximumf %add3A_411, %max3A_434 : vector<16xf32>
      %min3A_436 = arith.constant 1.990000e+02 : f32
      %min3A_437 = vector.broadcast %min3A_436 : f32 to vector<16xf32>
      %min3A_438 = arith.minimumf %max3A_435, %min3A_437 : vector<16xf32>
      %convert_element_type3A_439 = arith.fptosi %min3A_432 : vector<16xf32> to vector<16xi32>
      %convert_element_type3A_440 = arith.fptosi %min3A_438 : vector<16xf32> to vector<16xi32>
      %convert_element_type3A_441 = arith.sitofp %convert_element_type3A_439 : vector<16xi32> to vector<16xf32>
      %sub3A_442 = arith.subf %min3A_432, %convert_element_type3A_441 : vector<16xf32>
      %convert_element_type3A_443 = arith.sitofp %convert_element_type3A_440 : vector<16xi32> to vector<16xf32>
      %sub3A_444 = arith.subf %min3A_438, %convert_element_type3A_443 : vector<16xf32>
      %sub3A_445 = arith.constant 1.000000e+00 : f32
      %sub3A_446 = vector.broadcast %sub3A_445 : f32 to vector<16xf32>
      %sub3A_447 = arith.subf %sub3A_446, %sub3A_442 : vector<16xf32>
      %sub3A_448 = arith.constant 1.000000e+00 : f32
      %sub3A_449 = vector.broadcast %sub3A_448 : f32 to vector<16xf32>
      %sub3A_450 = arith.subf %sub3A_449, %sub3A_444 : vector<16xf32>
      %jit3A_451 = arith.constant 2.500000e-01 : f32
      %jit3A_452 = arith.constant 0.000000e+00 : f32
      %broadcast_in_dim3A_453 = vector.broadcast %jit3A_451 : f32 to vector<16xf32>
      %broadcast_in_dim3A_454 = vector.broadcast %jit3A_452 : f32 to vector<16xf32>
      %select_n3A_455 = arith.select %and3A_426, %broadcast_in_dim3A_453, %broadcast_in_dim3A_454 : vector<16xi1>, vector<16xf32>
      %mul3A_456 = arith.constant 200 : i32
      %mul3A_457 = vector.broadcast %mul3A_456 : i32 to vector<16xi32>
      %mul3A_458 = arith.muli %convert_element_type3A_440, %mul3A_457 : vector<16xi32>
      %add3A_459 = arith.addi %convert_element_type3A, %mul3A_458 : vector<16xi32>
      %add3A_460 = arith.addi %add3A_459, %convert_element_type3A_439 : vector<16xi32>
      %mul3A_461 = arith.mulf %sub3A_450, %sub3A_447 : vector<16xf32>
      %mul3A_462 = arith.mulf %mul3A_461, %select_n3A_455 : vector<16xf32>
      %mul3A_463 = arith.mulf %sub3A_450, %sub3A_442 : vector<16xf32>
      %mul3A_464 = arith.mulf %mul3A_463, %select_n3A_455 : vector<16xf32>
      %mul3A_465 = arith.mulf %sub3A_444, %sub3A_447 : vector<16xf32>
      %mul3A_466 = arith.mulf %mul3A_465, %select_n3A_455 : vector<16xf32>
      %mul3A_467 = arith.mulf %sub3A_444, %sub3A_442 : vector<16xf32>
      %mul3A_468 = arith.mulf %mul3A_467, %select_n3A_455 : vector<16xf32>
      %add3A_469 = arith.constant 200 : i32
      %add3A_470 = vector.broadcast %add3A_469 : i32 to vector<16xi32>
      %add3A_471 = arith.addi %add3A_460, %add3A_470 : vector<16xi32>
      %swap3A_472 = arith.constant 0 : i32
      %swap3A_473 = arith.index_cast %swap3A_472 : i32 to index
      %swap3A_474 = arith.constant 64 : index
      %swap3A_475 = tpu.vector_load %arg10[%swap3A_473, %swap3A_474] {strides = array<i32>} : memref<4x112xi32, #tpu.memory_space<vmem>>, vector<16xi32>,
      tpu.vector_store %arg10[%swap3A_473, %swap3A_474], %add3A_460 {strides = array<i32>} : memref<4x112xi32, #tpu.memory_space<vmem>>, vector<16xi32>,
      %swap3A_476 = arith.constant 2 : i32
      %swap3A_477 = arith.index_cast %swap3A_476 : i32 to index
      %swap3A_478 = arith.constant 64 : index
      %swap3A_479 = tpu.vector_load %arg10[%swap3A_477, %swap3A_478] {strides = array<i32>} : memref<4x112xi32, #tpu.memory_space<vmem>>, vector<16xi32>,
      tpu.vector_store %arg10[%swap3A_477, %swap3A_478], %add3A_471 {strides = array<i32>} : memref<4x112xi32, #tpu.memory_space<vmem>>, vector<16xi32>,
      %swap3A_480 = arith.constant 64 : index
      %swap3A_481 = tpu.vector_load %arg11[%swap3A_480] {strides = array<i32>} : memref<896xf32, #tpu.memory_space<vmem>>, vector<16xf32>,
      tpu.vector_store %arg11[%swap3A_480], %mul3A_462 {strides = array<i32>} : memref<896xf32, #tpu.memory_space<vmem>>, vector<16xf32>,
      %swap3A_482 = arith.constant 288 : index
      %swap3A_483 = tpu.vector_load %arg11[%swap3A_482] {strides = array<i32>} : memref<896xf32, #tpu.memory_space<vmem>>, vector<16xf32>,
      tpu.vector_store %arg11[%swap3A_482], %mul3A_464 {strides = array<i32>} : memref<896xf32, #tpu.memory_space<vmem>>, vector<16xf32>,
      %swap3A_484 = arith.constant 512 : index
      %swap3A_485 = tpu.vector_load %arg11[%swap3A_484] {strides = array<i32>} : memref<896xf32, #tpu.memory_space<vmem>>, vector<16xf32>,
      tpu.vector_store %arg11[%swap3A_484], %mul3A_466 {strides = array<i32>} : memref<896xf32, #tpu.memory_space<vmem>>, vector<16xf32>,
      %swap3A_486 = arith.constant 736 : index
      %swap3A_487 = tpu.vector_load %arg11[%swap3A_486] {strides = array<i32>} : memref<896xf32, #tpu.memory_space<vmem>>, vector<16xf32>,
      tpu.vector_store %arg11[%swap3A_486], %mul3A_468 {strides = array<i32>} : memref<896xf32, #tpu.memory_space<vmem>>, vector<16xf32>,
      %get3A_488 = arith.constant 80 : index
      %get3A_489 = tpu.vector_load %arg8[%get3A_488] {strides = array<i32>} : memref<224xf32, #tpu.memory_space<vmem>>, vector<16xf32>,
      %get3A_490 = arith.constant 80 : index
      %get3A_491 = tpu.vector_load %arg9[%get3A_490] {strides = array<i32>} : memref<224xf32, #tpu.memory_space<vmem>>, vector<16xf32>,
      %mul3A_492 = arith.mulf %gather3A_29, %get3A_489 : vector<16xf32>
      %mul3A_493 = arith.mulf %gather3A_23, %get3A_491 : vector<16xf32>
      %mul3A_494 = arith.mulf %mul3A_493, %gather3A_35 : vector<16xf32>
      %mul3A_495 = arith.mulf %mul3A_492, %gather3A_41 : vector<16xf32>
      %sub3A_496 = arith.subf %mul3A_494, %mul3A_495 : vector<16xf32>
      %add3A_497 = arith.addf %sub3A_496, %gather3A : vector<16xf32>
      %mul3A_498 = arith.mulf %mul3A_493, %gather3A_41 : vector<16xf32>
      %mul3A_499 = arith.mulf %mul3A_492, %gather3A_35 : vector<16xf32>
      %add3A_500 = arith.addf %mul3A_498, %mul3A_499 : vector<16xf32>
      %add3A_501 = arith.addf %add3A_500, %gather3A_17 : vector<16xf32>
      %gt3A_502 = arith.constant -1.000000e+00 : f32
      %gt3A_503 = vector.broadcast %gt3A_502 : f32 to vector<16xf32>
      %gt3A_504 = arith.cmpf ogt, %add3A_501, %gt3A_503 : vector<16xf32>
      %lt3A_505 = arith.constant 2.000000e+02 : f32
      %lt3A_506 = vector.broadcast %lt3A_505 : f32 to vector<16xf32>
      %lt3A_507 = arith.cmpf olt, %add3A_501, %lt3A_506 : vector<16xf32>
      %and3A_508 = arith.andi %gt3A_504, %lt3A_507 : vector<16xi1>
      %gt3A_509 = arith.constant -1.000000e+00 : f32
      %gt3A_510 = vector.broadcast %gt3A_509 : f32 to vector<16xf32>
      %gt3A_511 = arith.cmpf ogt, %add3A_497, %gt3A_510 : vector<16xf32>
      %and3A_512 = arith.andi %and3A_508, %gt3A_511 : vector<16xi1>
      %lt3A_513 = arith.constant 2.000000e+02 : f32
      %lt3A_514 = vector.broadcast %lt3A_513 : f32 to vector<16xf32>
      %lt3A_515 = arith.cmpf olt, %add3A_497, %lt3A_514 : vector<16xf32>
      %and3A_516 = arith.andi %and3A_512, %lt3A_515 : vector<16xi1>
      %max3A_517 = arith.constant 0.000000e+00 : f32
      %max3A_518 = vector.broadcast %max3A_517 : f32 to vector<16xf32>
      %max3A_519 = arith.maximumf %add3A_497, %max3A_518 : vector<16xf32>
      %min3A_520 = arith.constant 1.990000e+02 : f32
      %min3A_521 = vector.broadcast %min3A_520 : f32 to vector<16xf32>
      %min3A_522 = arith.minimumf %max3A_519, %min3A_521 : vector<16xf32>
      %max3A_523 = arith.constant 0.000000e+00 : f32
      %max3A_524 = vector.broadcast %max3A_523 : f32 to vector<16xf32>
      %max3A_525 = arith.maximumf %add3A_501, %max3A_524 : vector<16xf32>
      %min3A_526 = arith.constant 1.990000e+02 : f32
      %min3A_527 = vector.broadcast %min3A_526 : f32 to vector<16xf32>
      %min3A_528 = arith.minimumf %max3A_525, %min3A_527 : vector<16xf32>
      %convert_element_type3A_529 = arith.fptosi %min3A_522 : vector<16xf32> to vector<16xi32>
      %convert_element_type3A_530 = arith.fptosi %min3A_528 : vector<16xf32> to vector<16xi32>
      %convert_element_type3A_531 = arith.sitofp %convert_element_type3A_529 : vector<16xi32> to vector<16xf32>
      %sub3A_532 = arith.subf %min3A_522, %convert_element_type3A_531 : vector<16xf32>
      %convert_element_type3A_533 = arith.sitofp %convert_element_type3A_530 : vector<16xi32> to vector<16xf32>
      %sub3A_534 = arith.subf %min3A_528, %convert_element_type3A_533 : vector<16xf32>
      %sub3A_535 = arith.constant 1.000000e+00 : f32
      %sub3A_536 = vector.broadcast %sub3A_535 : f32 to vector<16xf32>
      %sub3A_537 = arith.subf %sub3A_536, %sub3A_532 : vector<16xf32>
      %sub3A_538 = arith.constant 1.000000e+00 : f32
      %sub3A_539 = vector.broadcast %sub3A_538 : f32 to vector<16xf32>
      %sub3A_540 = arith.subf %sub3A_539, %sub3A_534 : vector<16xf32>
      %jit3A_541 = arith.constant 2.500000e-01 : f32
      %jit3A_542 = arith.constant 0.000000e+00 : f32
      %broadcast_in_dim3A_543 = vector.broadcast %jit3A_541 : f32 to vector<16xf32>
      %broadcast_in_dim3A_544 = vector.broadcast %jit3A_542 : f32 to vector<16xf32>
      %select_n3A_545 = arith.select %and3A_516, %broadcast_in_dim3A_543, %broadcast_in_dim3A_544 : vector<16xi1>, vector<16xf32>
      %mul3A_546 = arith.constant 200 : i32
      %mul3A_547 = vector.broadcast %mul3A_546 : i32 to vector<16xi32>
      %mul3A_548 = arith.muli %convert_element_type3A_530, %mul3A_547 : vector<16xi32>
      %add3A_549 = arith.addi %convert_element_type3A, %mul3A_548 : vector<16xi32>
      %add3A_550 = arith.addi %add3A_549, %convert_element_type3A_529 : vector<16xi32>
      %mul3A_551 = arith.mulf %sub3A_540, %sub3A_537 : vector<16xf32>
      %mul3A_552 = arith.mulf %mul3A_551, %select_n3A_545 : vector<16xf32>
      %mul3A_553 = arith.mulf %sub3A_540, %sub3A_532 : vector<16xf32>
      %mul3A_554 = arith.mulf %mul3A_553, %select_n3A_545 : vector<16xf32>
      %mul3A_555 = arith.mulf %sub3A_534, %sub3A_537 : vector<16xf32>
      %mul3A_556 = arith.mulf %mul3A_555, %select_n3A_545 : vector<16xf32>
      %mul3A_557 = arith.mulf %sub3A_534, %sub3A_532 : vector<16xf32>
      %mul3A_558 = arith.mulf %mul3A_557, %select_n3A_545 : vector<16xf32>
      %add3A_559 = arith.constant 200 : i32
      %add3A_560 = vector.broadcast %add3A_559 : i32 to vector<16xi32>
      %add3A_561 = arith.addi %add3A_550, %add3A_560 : vector<16xi32>
      %swap3A_562 = arith.constant 0 : i32
      %swap3A_563 = arith.index_cast %swap3A_562 : i32 to index
      %swap3A_564 = arith.constant 80 : index
      %swap3A_565 = tpu.vector_load %arg10[%swap3A_563, %swap3A_564] {strides = array<i32>} : memref<4x112xi32, #tpu.memory_space<vmem>>, vector<16xi32>,
      tpu.vector_store %arg10[%swap3A_563, %swap3A_564], %add3A_550 {strides = array<i32>} : memref<4x112xi32, #tpu.memory_space<vmem>>, vector<16xi32>,
      %swap3A_566 = arith.constant 2 : i32
      %swap3A_567 = arith.index_cast %swap3A_566 : i32 to index
      %swap3A_568 = arith.constant 80 : index
      %swap3A_569 = tpu.vector_load %arg10[%swap3A_567, %swap3A_568] {strides = array<i32>} : memref<4x112xi32, #tpu.memory_space<vmem>>, vector<16xi32>,
      tpu.vector_store %arg10[%swap3A_567, %swap3A_568], %add3A_561 {strides = array<i32>} : memref<4x112xi32, #tpu.memory_space<vmem>>, vector<16xi32>,
      %swap3A_570 = arith.constant 80 : index
      %swap3A_571 = tpu.vector_load %arg11[%swap3A_570] {strides = array<i32>} : memref<896xf32, #tpu.memory_space<vmem>>, vector<16xf32>,
      tpu.vector_store %arg11[%swap3A_570], %mul3A_552 {strides = array<i32>} : memref<896xf32, #tpu.memory_space<vmem>>, vector<16xf32>,
      %swap3A_572 = arith.constant 304 : index
      %swap3A_573 = tpu.vector_load %arg11[%swap3A_572] {strides = array<i32>} : memref<896xf32, #tpu.memory_space<vmem>>, vector<16xf32>,
      tpu.vector_store %arg11[%swap3A_572], %mul3A_554 {strides = array<i32>} : memref<896xf32, #tpu.memory_space<vmem>>, vector<16xf32>,
      %swap3A_574 = arith.constant 528 : index
      %swap3A_575 = tpu.vector_load %arg11[%swap3A_574] {strides = array<i32>} : memref<896xf32, #tpu.memory_space<vmem>>, vector<16xf32>,
      tpu.vector_store %arg11[%swap3A_574], %mul3A_556 {strides = array<i32>} : memref<896xf32, #tpu.memory_space<vmem>>, vector<16xf32>,
      %swap3A_576 = arith.constant 752 : index
      %swap3A_577 = tpu.vector_load %arg11[%swap3A_576] {strides = array<i32>} : memref<896xf32, #tpu.memory_space<vmem>>, vector<16xf32>,
      tpu.vector_store %arg11[%swap3A_576], %mul3A_558 {strides = array<i32>} : memref<896xf32, #tpu.memory_space<vmem>>, vector<16xf32>,
      %get3A_578 = arith.constant 96 : index
      %get3A_579 = tpu.vector_load %arg8[%get3A_578] {strides = array<i32>} : memref<224xf32, #tpu.memory_space<vmem>>, vector<16xf32>,
      %get3A_580 = arith.constant 96 : index
      %get3A_581 = tpu.vector_load %arg9[%get3A_580] {strides = array<i32>} : memref<224xf32, #tpu.memory_space<vmem>>, vector<16xf32>,
      %mul3A_582 = arith.mulf %gather3A_29, %get3A_579 : vector<16xf32>
      %mul3A_583 = arith.mulf %gather3A_23, %get3A_581 : vector<16xf32>
      %mul3A_584 = arith.mulf %mul3A_583, %gather3A_35 : vector<16xf32>
      %mul3A_585 = arith.mulf %mul3A_582, %gather3A_41 : vector<16xf32>
      %sub3A_586 = arith.subf %mul3A_584, %mul3A_585 : vector<16xf32>
      %add3A_587 = arith.addf %sub3A_586, %gather3A : vector<16xf32>
      %mul3A_588 = arith.mulf %mul3A_583, %gather3A_41 : vector<16xf32>
      %mul3A_589 = arith.mulf %mul3A_582, %gather3A_35 : vector<16xf32>
      %add3A_590 = arith.addf %mul3A_588, %mul3A_589 : vector<16xf32>
      %add3A_591 = arith.addf %add3A_590, %gather3A_17 : vector<16xf32>
      %gt3A_592 = arith.constant -1.000000e+00 : f32
      %gt3A_593 = vector.broadcast %gt3A_592 : f32 to vector<16xf32>
      %gt3A_594 = arith.cmpf ogt, %add3A_591, %gt3A_593 : vector<16xf32>
      %lt3A_595 = arith.constant 2.000000e+02 : f32
      %lt3A_596 = vector.broadcast %lt3A_595 : f32 to vector<16xf32>
      %lt3A_597 = arith.cmpf olt, %add3A_591, %lt3A_596 : vector<16xf32>
      %and3A_598 = arith.andi %gt3A_594, %lt3A_597 : vector<16xi1>
      %gt3A_599 = arith.constant -1.000000e+00 : f32
      %gt3A_600 = vector.broadcast %gt3A_599 : f32 to vector<16xf32>
      %gt3A_601 = arith.cmpf ogt, %add3A_587, %gt3A_600 : vector<16xf32>
      %and3A_602 = arith.andi %and3A_598, %gt3A_601 : vector<16xi1>
      %lt3A_603 = arith.constant 2.000000e+02 : f32
      %lt3A_604 = vector.broadcast %lt3A_603 : f32 to vector<16xf32>
      %lt3A_605 = arith.cmpf olt, %add3A_587, %lt3A_604 : vector<16xf32>
      %and3A_606 = arith.andi %and3A_602, %lt3A_605 : vector<16xi1>
      %max3A_607 = arith.constant 0.000000e+00 : f32
      %max3A_608 = vector.broadcast %max3A_607 : f32 to vector<16xf32>
      %max3A_609 = arith.maximumf %add3A_587, %max3A_608 : vector<16xf32>
      %min3A_610 = arith.constant 1.990000e+02 : f32
      %min3A_611 = vector.broadcast %min3A_610 : f32 to vector<16xf32>
      %min3A_612 = arith.minimumf %max3A_609, %min3A_611 : vector<16xf32>
      %max3A_613 = arith.constant 0.000000e+00 : f32
      %max3A_614 = vector.broadcast %max3A_613 : f32 to vector<16xf32>
      %max3A_615 = arith.maximumf %add3A_591, %max3A_614 : vector<16xf32>
      %min3A_616 = arith.constant 1.990000e+02 : f32
      %min3A_617 = vector.broadcast %min3A_616 : f32 to vector<16xf32>
      %min3A_618 = arith.minimumf %max3A_615, %min3A_617 : vector<16xf32>
      %convert_element_type3A_619 = arith.fptosi %min3A_612 : vector<16xf32> to vector<16xi32>
      %convert_element_type3A_620 = arith.fptosi %min3A_618 : vector<16xf32> to vector<16xi32>
      %convert_element_type3A_621 = arith.sitofp %convert_element_type3A_619 : vector<16xi32> to vector<16xf32>
      %sub3A_622 = arith.subf %min3A_612, %convert_element_type3A_621 : vector<16xf32>
      %convert_element_type3A_623 = arith.sitofp %convert_element_type3A_620 : vector<16xi32> to vector<16xf32>
      %sub3A_624 = arith.subf %min3A_618, %convert_element_type3A_623 : vector<16xf32>
      %sub3A_625 = arith.constant 1.000000e+00 : f32
      %sub3A_626 = vector.broadcast %sub3A_625 : f32 to vector<16xf32>
      %sub3A_627 = arith.subf %sub3A_626, %sub3A_622 : vector<16xf32>
      %sub3A_628 = arith.constant 1.000000e+00 : f32
      %sub3A_629 = vector.broadcast %sub3A_628 : f32 to vector<16xf32>
      %sub3A_630 = arith.subf %sub3A_629, %sub3A_624 : vector<16xf32>
      %jit3A_631 = arith.constant 2.500000e-01 : f32
      %jit3A_632 = arith.constant 0.000000e+00 : f32
      %broadcast_in_dim3A_633 = vector.broadcast %jit3A_631 : f32 to vector<16xf32>
      %broadcast_in_dim3A_634 = vector.broadcast %jit3A_632 : f32 to vector<16xf32>
      %select_n3A_635 = arith.select %and3A_606, %broadcast_in_dim3A_633, %broadcast_in_dim3A_634 : vector<16xi1>, vector<16xf32>
      %mul3A_636 = arith.constant 200 : i32
      %mul3A_637 = vector.broadcast %mul3A_636 : i32 to vector<16xi32>
      %mul3A_638 = arith.muli %convert_element_type3A_620, %mul3A_637 : vector<16xi32>
      %add3A_639 = arith.addi %convert_element_type3A, %mul3A_638 : vector<16xi32>
      %add3A_640 = arith.addi %add3A_639, %convert_element_type3A_619 : vector<16xi32>
      %mul3A_641 = arith.mulf %sub3A_630, %sub3A_627 : vector<16xf32>
      %mul3A_642 = arith.mulf %mul3A_641, %select_n3A_635 : vector<16xf32>
      %mul3A_643 = arith.mulf %sub3A_630, %sub3A_622 : vector<16xf32>
      %mul3A_644 = arith.mulf %mul3A_643, %select_n3A_635 : vector<16xf32>
      %mul3A_645 = arith.mulf %sub3A_624, %sub3A_627 : vector<16xf32>
      %mul3A_646 = arith.mulf %mul3A_645, %select_n3A_635 : vector<16xf32>
      %mul3A_647 = arith.mulf %sub3A_624, %sub3A_622 : vector<16xf32>
      %mul3A_648 = arith.mulf %mul3A_647, %select_n3A_635 : vector<16xf32>
      %add3A_649 = arith.constant 200 : i32
      %add3A_650 = vector.broadcast %add3A_649 : i32 to vector<16xi32>
      %add3A_651 = arith.addi %add3A_640, %add3A_650 : vector<16xi32>
      %swap3A_652 = arith.constant 0 : i32
      %swap3A_653 = arith.index_cast %swap3A_652 : i32 to index
      %swap3A_654 = arith.constant 96 : index
      %swap3A_655 = tpu.vector_load %arg10[%swap3A_653, %swap3A_654] {strides = array<i32>} : memref<4x112xi32, #tpu.memory_space<vmem>>, vector<16xi32>,
      tpu.vector_store %arg10[%swap3A_653, %swap3A_654], %add3A_640 {strides = array<i32>} : memref<4x112xi32, #tpu.memory_space<vmem>>, vector<16xi32>,
      %swap3A_656 = arith.constant 2 : i32
      %swap3A_657 = arith.index_cast %swap3A_656 : i32 to index
      %swap3A_658 = arith.constant 96 : index
      %swap3A_659 = tpu.vector_load %arg10[%swap3A_657, %swap3A_658] {strides = array<i32>} : memref<4x112xi32, #tpu.memory_space<vmem>>, vector<16xi32>,
      tpu.vector_store %arg10[%swap3A_657, %swap3A_658], %add3A_651 {strides = array<i32>} : memref<4x112xi32, #tpu.memory_space<vmem>>, vector<16xi32>,
      %swap3A_660 = arith.constant 96 : index
      %swap3A_661 = tpu.vector_load %arg11[%swap3A_660] {strides = array<i32>} : memref<896xf32, #tpu.memory_space<vmem>>, vector<16xf32>,
      tpu.vector_store %arg11[%swap3A_660], %mul3A_642 {strides = array<i32>} : memref<896xf32, #tpu.memory_space<vmem>>, vector<16xf32>,
      %swap3A_662 = arith.constant 320 : index
      %swap3A_663 = tpu.vector_load %arg11[%swap3A_662] {strides = array<i32>} : memref<896xf32, #tpu.memory_space<vmem>>, vector<16xf32>,
      tpu.vector_store %arg11[%swap3A_662], %mul3A_644 {strides = array<i32>} : memref<896xf32, #tpu.memory_space<vmem>>, vector<16xf32>,
      %swap3A_664 = arith.constant 544 : index
      %swap3A_665 = tpu.vector_load %arg11[%swap3A_664] {strides = array<i32>} : memref<896xf32, #tpu.memory_space<vmem>>, vector<16xf32>,
      tpu.vector_store %arg11[%swap3A_664], %mul3A_646 {strides = array<i32>} : memref<896xf32, #tpu.memory_space<vmem>>, vector<16xf32>,
      %swap3A_666 = arith.constant 768 : index
      %swap3A_667 = tpu.vector_load %arg11[%swap3A_666] {strides = array<i32>} : memref<896xf32, #tpu.memory_space<vmem>>, vector<16xf32>,
      tpu.vector_store %arg11[%swap3A_666], %mul3A_648 {strides = array<i32>} : memref<896xf32, #tpu.memory_space<vmem>>, vector<16xf32>,
      %get3A_668 = arith.constant 112 : index
      %get3A_669 = tpu.vector_load %arg8[%get3A_668] {strides = array<i32>} : memref<224xf32, #tpu.memory_space<vmem>>, vector<16xf32>,
      %get3A_670 = arith.constant 112 : index
      %get3A_671 = tpu.vector_load %arg9[%get3A_670] {strides = array<i32>} : memref<224xf32, #tpu.memory_space<vmem>>, vector<16xf32>,
      %mul3A_672 = arith.mulf %gather3A_29, %get3A_669 : vector<16xf32>
      %mul3A_673 = arith.mulf %gather3A_23, %get3A_671 : vector<16xf32>
      %mul3A_674 = arith.mulf %mul3A_673, %gather3A_35 : vector<16xf32>
      %mul3A_675 = arith.mulf %mul3A_672, %gather3A_41 : vector<16xf32>
      %sub3A_676 = arith.subf %mul3A_674, %mul3A_675 : vector<16xf32>
      %add3A_677 = arith.addf %sub3A_676, %gather3A : vector<16xf32>
      %mul3A_678 = arith.mulf %mul3A_673, %gather3A_41 : vector<16xf32>
      %mul3A_679 = arith.mulf %mul3A_672, %gather3A_35 : vector<16xf32>
      %add3A_680 = arith.addf %mul3A_678, %mul3A_679 : vector<16xf32>
      %add3A_681 = arith.addf %add3A_680, %gather3A_17 : vector<16xf32>
      %gt3A_682 = arith.constant -1.000000e+00 : f32
      %gt3A_683 = vector.broadcast %gt3A_682 : f32 to vector<16xf32>
      %gt3A_684 = arith.cmpf ogt, %add3A_681, %gt3A_683 : vector<16xf32>
      %lt3A_685 = arith.constant 2.000000e+02 : f32
      %lt3A_686 = vector.broadcast %lt3A_685 : f32 to vector<16xf32>
      %lt3A_687 = arith.cmpf olt, %add3A_681, %lt3A_686 : vector<16xf32>
      %and3A_688 = arith.andi %gt3A_684, %lt3A_687 : vector<16xi1>
      %gt3A_689 = arith.constant -1.000000e+00 : f32
      %gt3A_690 = vector.broadcast %gt3A_689 : f32 to vector<16xf32>
      %gt3A_691 = arith.cmpf ogt, %add3A_677, %gt3A_690 : vector<16xf32>
      %and3A_692 = arith.andi %and3A_688, %gt3A_691 : vector<16xi1>
      %lt3A_693 = arith.constant 2.000000e+02 : f32
      %lt3A_694 = vector.broadcast %lt3A_693 : f32 to vector<16xf32>
      %lt3A_695 = arith.cmpf olt, %add3A_677, %lt3A_694 : vector<16xf32>
      %and3A_696 = arith.andi %and3A_692, %lt3A_695 : vector<16xi1>
      %max3A_697 = arith.constant 0.000000e+00 : f32
      %max3A_698 = vector.broadcast %max3A_697 : f32 to vector<16xf32>
      %max3A_699 = arith.maximumf %add3A_677, %max3A_698 : vector<16xf32>
      %min3A_700 = arith.constant 1.990000e+02 : f32
      %min3A_701 = vector.broadcast %min3A_700 : f32 to vector<16xf32>
      %min3A_702 = arith.minimumf %max3A_699, %min3A_701 : vector<16xf32>
      %max3A_703 = arith.constant 0.000000e+00 : f32
      %max3A_704 = vector.broadcast %max3A_703 : f32 to vector<16xf32>
      %max3A_705 = arith.maximumf %add3A_681, %max3A_704 : vector<16xf32>
      %min3A_706 = arith.constant 1.990000e+02 : f32
      %min3A_707 = vector.broadcast %min3A_706 : f32 to vector<16xf32>
      %min3A_708 = arith.minimumf %max3A_705, %min3A_707 : vector<16xf32>
      %convert_element_type3A_709 = arith.fptosi %min3A_702 : vector<16xf32> to vector<16xi32>
      %convert_element_type3A_710 = arith.fptosi %min3A_708 : vector<16xf32> to vector<16xi32>
      %convert_element_type3A_711 = arith.sitofp %convert_element_type3A_709 : vector<16xi32> to vector<16xf32>
      %sub3A_712 = arith.subf %min3A_702, %convert_element_type3A_711 : vector<16xf32>
      %convert_element_type3A_713 = arith.sitofp %convert_element_type3A_710 : vector<16xi32> to vector<16xf32>
      %sub3A_714 = arith.subf %min3A_708, %convert_element_type3A_713 : vector<16xf32>
      %sub3A_715 = arith.constant 1.000000e+00 : f32
      %sub3A_716 = vector.broadcast %sub3A_715 : f32 to vector<16xf32>
      %sub3A_717 = arith.subf %sub3A_716, %sub3A_712 : vector<16xf32>
      %sub3A_718 = arith.constant 1.000000e+00 : f32
      %sub3A_719 = vector.broadcast %sub3A_718 : f32 to vector<16xf32>
      %sub3A_720 = arith.subf %sub3A_719, %sub3A_714 : vector<16xf32>
      %jit3A_721 = arith.constant 2.500000e-01 : f32
      %jit3A_722 = arith.constant 0.000000e+00 : f32
      %broadcast_in_dim3A_723 = vector.broadcast %jit3A_721 : f32 to vector<16xf32>
      %broadcast_in_dim3A_724 = vector.broadcast %jit3A_722 : f32 to vector<16xf32>
      %select_n3A_725 = arith.select %and3A_696, %broadcast_in_dim3A_723, %broadcast_in_dim3A_724 : vector<16xi1>, vector<16xf32>
      %mul3A_726 = arith.constant 200 : i32
      %mul3A_727 = vector.broadcast %mul3A_726 : i32 to vector<16xi32>
      %mul3A_728 = arith.muli %convert_element_type3A_710, %mul3A_727 : vector<16xi32>
      %add3A_729 = arith.addi %convert_element_type3A, %mul3A_728 : vector<16xi32>
      %add3A_730 = arith.addi %add3A_729, %convert_element_type3A_709 : vector<16xi32>
      %mul3A_731 = arith.mulf %sub3A_720, %sub3A_717 : vector<16xf32>
      %mul3A_732 = arith.mulf %mul3A_731, %select_n3A_725 : vector<16xf32>
      %mul3A_733 = arith.mulf %sub3A_720, %sub3A_712 : vector<16xf32>
      %mul3A_734 = arith.mulf %mul3A_733, %select_n3A_725 : vector<16xf32>
      %mul3A_735 = arith.mulf %sub3A_714, %sub3A_717 : vector<16xf32>
      %mul3A_736 = arith.mulf %mul3A_735, %select_n3A_725 : vector<16xf32>
      %mul3A_737 = arith.mulf %sub3A_714, %sub3A_712 : vector<16xf32>
      %mul3A_738 = arith.mulf %mul3A_737, %select_n3A_725 : vector<16xf32>
      %add3A_739 = arith.constant 200 : i32
      %add3A_740 = vector.broadcast %add3A_739 : i32 to vector<16xi32>
      %add3A_741 = arith.addi %add3A_730, %add3A_740 : vector<16xi32>
      %swap3A_742 = arith.constant 1 : i32
      %swap3A_743 = arith.index_cast %swap3A_742 : i32 to index
      %swap3A_744 = arith.constant 0 : index
      %swap3A_745 = tpu.vector_load %arg10[%swap3A_743, %swap3A_744] {strides = array<i32>} : memref<4x112xi32, #tpu.memory_space<vmem>>, vector<16xi32>,
      tpu.vector_store %arg10[%swap3A_743, %swap3A_744], %add3A_730 {strides = array<i32>} : memref<4x112xi32, #tpu.memory_space<vmem>>, vector<16xi32>,
      %swap3A_746 = arith.constant 3 : i32
      %swap3A_747 = arith.index_cast %swap3A_746 : i32 to index
      %swap3A_748 = arith.constant 0 : index
      %swap3A_749 = tpu.vector_load %arg10[%swap3A_747, %swap3A_748] {strides = array<i32>} : memref<4x112xi32, #tpu.memory_space<vmem>>, vector<16xi32>,
      tpu.vector_store %arg10[%swap3A_747, %swap3A_748], %add3A_741 {strides = array<i32>} : memref<4x112xi32, #tpu.memory_space<vmem>>, vector<16xi32>,
      %swap3A_750 = arith.constant 112 : index
      %swap3A_751 = tpu.vector_load %arg11[%swap3A_750] {strides = array<i32>} : memref<896xf32, #tpu.memory_space<vmem>>, vector<16xf32>,
      tpu.vector_store %arg11[%swap3A_750], %mul3A_732 {strides = array<i32>} : memref<896xf32, #tpu.memory_space<vmem>>, vector<16xf32>,
      %swap3A_752 = arith.constant 336 : index
      %swap3A_753 = tpu.vector_load %arg11[%swap3A_752] {strides = array<i32>} : memref<896xf32, #tpu.memory_space<vmem>>, vector<16xf32>,
      tpu.vector_store %arg11[%swap3A_752], %mul3A_734 {strides = array<i32>} : memref<896xf32, #tpu.memory_space<vmem>>, vector<16xf32>,
      %swap3A_754 = arith.constant 560 : index
      %swap3A_755 = tpu.vector_load %arg11[%swap3A_754] {strides = array<i32>} : memref<896xf32, #tpu.memory_space<vmem>>, vector<16xf32>,
      tpu.vector_store %arg11[%swap3A_754], %mul3A_736 {strides = array<i32>} : memref<896xf32, #tpu.memory_space<vmem>>, vector<16xf32>,
      %swap3A_756 = arith.constant 784 : index
      %swap3A_757 = tpu.vector_load %arg11[%swap3A_756] {strides = array<i32>} : memref<896xf32, #tpu.memory_space<vmem>>, vector<16xf32>,
      tpu.vector_store %arg11[%swap3A_756], %mul3A_738 {strides = array<i32>} : memref<896xf32, #tpu.memory_space<vmem>>, vector<16xf32>,
      %get3A_758 = arith.constant 128 : index
      %get3A_759 = tpu.vector_load %arg8[%get3A_758] {strides = array<i32>} : memref<224xf32, #tpu.memory_space<vmem>>, vector<16xf32>,
      %get3A_760 = arith.constant 128 : index
      %get3A_761 = tpu.vector_load %arg9[%get3A_760] {strides = array<i32>} : memref<224xf32, #tpu.memory_space<vmem>>, vector<16xf32>,
      %mul3A_762 = arith.mulf %gather3A_29, %get3A_759 : vector<16xf32>
      %mul3A_763 = arith.mulf %gather3A_23, %get3A_761 : vector<16xf32>
      %mul3A_764 = arith.mulf %mul3A_763, %gather3A_35 : vector<16xf32>
      %mul3A_765 = arith.mulf %mul3A_762, %gather3A_41 : vector<16xf32>
      %sub3A_766 = arith.subf %mul3A_764, %mul3A_765 : vector<16xf32>
      %add3A_767 = arith.addf %sub3A_766, %gather3A : vector<16xf32>
      %mul3A_768 = arith.mulf %mul3A_763, %gather3A_41 : vector<16xf32>
      %mul3A_769 = arith.mulf %mul3A_762, %gather3A_35 : vector<16xf32>
      %add3A_770 = arith.addf %mul3A_768, %mul3A_769 : vector<16xf32>
      %add3A_771 = arith.addf %add3A_770, %gather3A_17 : vector<16xf32>
      %gt3A_772 = arith.constant -1.000000e+00 : f32
      %gt3A_773 = vector.broadcast %gt3A_772 : f32 to vector<16xf32>
      %gt3A_774 = arith.cmpf ogt, %add3A_771, %gt3A_773 : vector<16xf32>
      %lt3A_775 = arith.constant 2.000000e+02 : f32
      %lt3A_776 = vector.broadcast %lt3A_775 : f32 to vector<16xf32>
      %lt3A_777 = arith.cmpf olt, %add3A_771, %lt3A_776 : vector<16xf32>
      %and3A_778 = arith.andi %gt3A_774, %lt3A_777 : vector<16xi1>
      %gt3A_779 = arith.constant -1.000000e+00 : f32
      %gt3A_780 = vector.broadcast %gt3A_779 : f32 to vector<16xf32>
      %gt3A_781 = arith.cmpf ogt, %add3A_767, %gt3A_780 : vector<16xf32>
      %and3A_782 = arith.andi %and3A_778, %gt3A_781 : vector<16xi1>
      %lt3A_783 = arith.constant 2.000000e+02 : f32
      %lt3A_784 = vector.broadcast %lt3A_783 : f32 to vector<16xf32>
      %lt3A_785 = arith.cmpf olt, %add3A_767, %lt3A_784 : vector<16xf32>
      %and3A_786 = arith.andi %and3A_782, %lt3A_785 : vector<16xi1>
      %max3A_787 = arith.constant 0.000000e+00 : f32
      %max3A_788 = vector.broadcast %max3A_787 : f32 to vector<16xf32>
      %max3A_789 = arith.maximumf %add3A_767, %max3A_788 : vector<16xf32>
      %min3A_790 = arith.constant 1.990000e+02 : f32
      %min3A_791 = vector.broadcast %min3A_790 : f32 to vector<16xf32>
      %min3A_792 = arith.minimumf %max3A_789, %min3A_791 : vector<16xf32>
      %max3A_793 = arith.constant 0.000000e+00 : f32
      %max3A_794 = vector.broadcast %max3A_793 : f32 to vector<16xf32>
      %max3A_795 = arith.maximumf %add3A_771, %max3A_794 : vector<16xf32>
      %min3A_796 = arith.constant 1.990000e+02 : f32
      %min3A_797 = vector.broadcast %min3A_796 : f32 to vector<16xf32>
      %min3A_798 = arith.minimumf %max3A_795, %min3A_797 : vector<16xf32>
      %convert_element_type3A_799 = arith.fptosi %min3A_792 : vector<16xf32> to vector<16xi32>
      %convert_element_type3A_800 = arith.fptosi %min3A_798 : vector<16xf32> to vector<16xi32>
      %convert_element_type3A_801 = arith.sitofp %convert_element_type3A_799 : vector<16xi32> to vector<16xf32>
      %sub3A_802 = arith.subf %min3A_792, %convert_element_type3A_801 : vector<16xf32>
      %convert_element_type3A_803 = arith.sitofp %convert_element_type3A_800 : vector<16xi32> to vector<16xf32>
      %sub3A_804 = arith.subf %min3A_798, %convert_element_type3A_803 : vector<16xf32>
      %sub3A_805 = arith.constant 1.000000e+00 : f32
      %sub3A_806 = vector.broadcast %sub3A_805 : f32 to vector<16xf32>
      %sub3A_807 = arith.subf %sub3A_806, %sub3A_802 : vector<16xf32>
      %sub3A_808 = arith.constant 1.000000e+00 : f32
      %sub3A_809 = vector.broadcast %sub3A_808 : f32 to vector<16xf32>
      %sub3A_810 = arith.subf %sub3A_809, %sub3A_804 : vector<16xf32>
      %jit3A_811 = arith.constant 2.500000e-01 : f32
      %jit3A_812 = arith.constant 0.000000e+00 : f32
      %broadcast_in_dim3A_813 = vector.broadcast %jit3A_811 : f32 to vector<16xf32>
      %broadcast_in_dim3A_814 = vector.broadcast %jit3A_812 : f32 to vector<16xf32>
      %select_n3A_815 = arith.select %and3A_786, %broadcast_in_dim3A_813, %broadcast_in_dim3A_814 : vector<16xi1>, vector<16xf32>
      %mul3A_816 = arith.constant 200 : i32
      %mul3A_817 = vector.broadcast %mul3A_816 : i32 to vector<16xi32>
      %mul3A_818 = arith.muli %convert_element_type3A_800, %mul3A_817 : vector<16xi32>
      %add3A_819 = arith.addi %convert_element_type3A, %mul3A_818 : vector<16xi32>
      %add3A_820 = arith.addi %add3A_819, %convert_element_type3A_799 : vector<16xi32>
      %mul3A_821 = arith.mulf %sub3A_810, %sub3A_807 : vector<16xf32>
      %mul3A_822 = arith.mulf %mul3A_821, %select_n3A_815 : vector<16xf32>
      %mul3A_823 = arith.mulf %sub3A_810, %sub3A_802 : vector<16xf32>
      %mul3A_824 = arith.mulf %mul3A_823, %select_n3A_815 : vector<16xf32>
      %mul3A_825 = arith.mulf %sub3A_804, %sub3A_807 : vector<16xf32>
      %mul3A_826 = arith.mulf %mul3A_825, %select_n3A_815 : vector<16xf32>
      %mul3A_827 = arith.mulf %sub3A_804, %sub3A_802 : vector<16xf32>
      %mul3A_828 = arith.mulf %mul3A_827, %select_n3A_815 : vector<16xf32>
      %add3A_829 = arith.constant 200 : i32
      %add3A_830 = vector.broadcast %add3A_829 : i32 to vector<16xi32>
      %add3A_831 = arith.addi %add3A_820, %add3A_830 : vector<16xi32>
      %swap3A_832 = arith.constant 1 : i32
      %swap3A_833 = arith.index_cast %swap3A_832 : i32 to index
      %swap3A_834 = arith.constant 16 : index
      %swap3A_835 = tpu.vector_load %arg10[%swap3A_833, %swap3A_834] {strides = array<i32>} : memref<4x112xi32, #tpu.memory_space<vmem>>, vector<16xi32>,
      tpu.vector_store %arg10[%swap3A_833, %swap3A_834], %add3A_820 {strides = array<i32>} : memref<4x112xi32, #tpu.memory_space<vmem>>, vector<16xi32>,
      %swap3A_836 = arith.constant 3 : i32
      %swap3A_837 = arith.index_cast %swap3A_836 : i32 to index
      %swap3A_838 = arith.constant 16 : index
      %swap3A_839 = tpu.vector_load %arg10[%swap3A_837, %swap3A_838] {strides = array<i32>} : memref<4x112xi32, #tpu.memory_space<vmem>>, vector<16xi32>,
      tpu.vector_store %arg10[%swap3A_837, %swap3A_838], %add3A_831 {strides = array<i32>} : memref<4x112xi32, #tpu.memory_space<vmem>>, vector<16xi32>,
      %swap3A_840 = arith.constant 128 : index
      %swap3A_841 = tpu.vector_load %arg11[%swap3A_840] {strides = array<i32>} : memref<896xf32, #tpu.memory_space<vmem>>, vector<16xf32>,
      tpu.vector_store %arg11[%swap3A_840], %mul3A_822 {strides = array<i32>} : memref<896xf32, #tpu.memory_space<vmem>>, vector<16xf32>,
      %swap3A_842 = arith.constant 352 : index
      %swap3A_843 = tpu.vector_load %arg11[%swap3A_842] {strides = array<i32>} : memref<896xf32, #tpu.memory_space<vmem>>, vector<16xf32>,
      tpu.vector_store %arg11[%swap3A_842], %mul3A_824 {strides = array<i32>} : memref<896xf32, #tpu.memory_space<vmem>>, vector<16xf32>,
      %swap3A_844 = arith.constant 576 : index
      %swap3A_845 = tpu.vector_load %arg11[%swap3A_844] {strides = array<i32>} : memref<896xf32, #tpu.memory_space<vmem>>, vector<16xf32>,
      tpu.vector_store %arg11[%swap3A_844], %mul3A_826 {strides = array<i32>} : memref<896xf32, #tpu.memory_space<vmem>>, vector<16xf32>,
      %swap3A_846 = arith.constant 800 : index
      %swap3A_847 = tpu.vector_load %arg11[%swap3A_846] {strides = array<i32>} : memref<896xf32, #tpu.memory_space<vmem>>, vector<16xf32>,
      tpu.vector_store %arg11[%swap3A_846], %mul3A_828 {strides = array<i32>} : memref<896xf32, #tpu.memory_space<vmem>>, vector<16xf32>,
      %get3A_848 = arith.constant 144 : index
      %get3A_849 = tpu.vector_load %arg8[%get3A_848] {strides = array<i32>} : memref<224xf32, #tpu.memory_space<vmem>>, vector<16xf32>,
      %get3A_850 = arith.constant 144 : index
      %get3A_851 = tpu.vector_load %arg9[%get3A_850] {strides = array<i32>} : memref<224xf32, #tpu.memory_space<vmem>>, vector<16xf32>,
      %mul3A_852 = arith.mulf %gather3A_29, %get3A_849 : vector<16xf32>
      %mul3A_853 = arith.mulf %gather3A_23, %get3A_851 : vector<16xf32>
      %mul3A_854 = arith.mulf %mul3A_853, %gather3A_35 : vector<16xf32>
      %mul3A_855 = arith.mulf %mul3A_852, %gather3A_41 : vector<16xf32>
      %sub3A_856 = arith.subf %mul3A_854, %mul3A_855 : vector<16xf32>
      %add3A_857 = arith.addf %sub3A_856, %gather3A : vector<16xf32>
      %mul3A_858 = arith.mulf %mul3A_853, %gather3A_41 : vector<16xf32>
      %mul3A_859 = arith.mulf %mul3A_852, %gather3A_35 : vector<16xf32>
      %add3A_860 = arith.addf %mul3A_858, %mul3A_859 : vector<16xf32>
      %add3A_861 = arith.addf %add3A_860, %gather3A_17 : vector<16xf32>
      %gt3A_862 = arith.constant -1.000000e+00 : f32
      %gt3A_863 = vector.broadcast %gt3A_862 : f32 to vector<16xf32>
      %gt3A_864 = arith.cmpf ogt, %add3A_861, %gt3A_863 : vector<16xf32>
      %lt3A_865 = arith.constant 2.000000e+02 : f32
      %lt3A_866 = vector.broadcast %lt3A_865 : f32 to vector<16xf32>
      %lt3A_867 = arith.cmpf olt, %add3A_861, %lt3A_866 : vector<16xf32>
      %and3A_868 = arith.andi %gt3A_864, %lt3A_867 : vector<16xi1>
      %gt3A_869 = arith.constant -1.000000e+00 : f32
      %gt3A_870 = vector.broadcast %gt3A_869 : f32 to vector<16xf32>
      %gt3A_871 = arith.cmpf ogt, %add3A_857, %gt3A_870 : vector<16xf32>
      %and3A_872 = arith.andi %and3A_868, %gt3A_871 : vector<16xi1>
      %lt3A_873 = arith.constant 2.000000e+02 : f32
      %lt3A_874 = vector.broadcast %lt3A_873 : f32 to vector<16xf32>
      %lt3A_875 = arith.cmpf olt, %add3A_857, %lt3A_874 : vector<16xf32>
      %and3A_876 = arith.andi %and3A_872, %lt3A_875 : vector<16xi1>
      %max3A_877 = arith.constant 0.000000e+00 : f32
      %max3A_878 = vector.broadcast %max3A_877 : f32 to vector<16xf32>
      %max3A_879 = arith.maximumf %add3A_857, %max3A_878 : vector<16xf32>
      %min3A_880 = arith.constant 1.990000e+02 : f32
      %min3A_881 = vector.broadcast %min3A_880 : f32 to vector<16xf32>
      %min3A_882 = arith.minimumf %max3A_879, %min3A_881 : vector<16xf32>
      %max3A_883 = arith.constant 0.000000e+00 : f32
      %max3A_884 = vector.broadcast %max3A_883 : f32 to vector<16xf32>
      %max3A_885 = arith.maximumf %add3A_861, %max3A_884 : vector<16xf32>
      %min3A_886 = arith.constant 1.990000e+02 : f32
      %min3A_887 = vector.broadcast %min3A_886 : f32 to vector<16xf32>
      %min3A_888 = arith.minimumf %max3A_885, %min3A_887 : vector<16xf32>
      %convert_element_type3A_889 = arith.fptosi %min3A_882 : vector<16xf32> to vector<16xi32>
      %convert_element_type3A_890 = arith.fptosi %min3A_888 : vector<16xf32> to vector<16xi32>
      %convert_element_type3A_891 = arith.sitofp %convert_element_type3A_889 : vector<16xi32> to vector<16xf32>
      %sub3A_892 = arith.subf %min3A_882, %convert_element_type3A_891 : vector<16xf32>
      %convert_element_type3A_893 = arith.sitofp %convert_element_type3A_890 : vector<16xi32> to vector<16xf32>
      %sub3A_894 = arith.subf %min3A_888, %convert_element_type3A_893 : vector<16xf32>
      %sub3A_895 = arith.constant 1.000000e+00 : f32
      %sub3A_896 = vector.broadcast %sub3A_895 : f32 to vector<16xf32>
      %sub3A_897 = arith.subf %sub3A_896, %sub3A_892 : vector<16xf32>
      %sub3A_898 = arith.constant 1.000000e+00 : f32
      %sub3A_899 = vector.broadcast %sub3A_898 : f32 to vector<16xf32>
      %sub3A_900 = arith.subf %sub3A_899, %sub3A_894 : vector<16xf32>
      %jit3A_901 = arith.constant 2.500000e-01 : f32
      %jit3A_902 = arith.constant 0.000000e+00 : f32
      %broadcast_in_dim3A_903 = vector.broadcast %jit3A_901 : f32 to vector<16xf32>
      %broadcast_in_dim3A_904 = vector.broadcast %jit3A_902 : f32 to vector<16xf32>
      %select_n3A_905 = arith.select %and3A_876, %broadcast_in_dim3A_903, %broadcast_in_dim3A_904 : vector<16xi1>, vector<16xf32>
      %mul3A_906 = arith.constant 200 : i32
      %mul3A_907 = vector.broadcast %mul3A_906 : i32 to vector<16xi32>
      %mul3A_908 = arith.muli %convert_element_type3A_890, %mul3A_907 : vector<16xi32>
      %add3A_909 = arith.addi %convert_element_type3A, %mul3A_908 : vector<16xi32>
      %add3A_910 = arith.addi %add3A_909, %convert_element_type3A_889 : vector<16xi32>
      %mul3A_911 = arith.mulf %sub3A_900, %sub3A_897 : vector<16xf32>
      %mul3A_912 = arith.mulf %mul3A_911, %select_n3A_905 : vector<16xf32>
      %mul3A_913 = arith.mulf %sub3A_900, %sub3A_892 : vector<16xf32>
      %mul3A_914 = arith.mulf %mul3A_913, %select_n3A_905 : vector<16xf32>
      %mul3A_915 = arith.mulf %sub3A_894, %sub3A_897 : vector<16xf32>
      %mul3A_916 = arith.mulf %mul3A_915, %select_n3A_905 : vector<16xf32>
      %mul3A_917 = arith.mulf %sub3A_894, %sub3A_892 : vector<16xf32>
      %mul3A_918 = arith.mulf %mul3A_917, %select_n3A_905 : vector<16xf32>
      %add3A_919 = arith.constant 200 : i32
      %add3A_920 = vector.broadcast %add3A_919 : i32 to vector<16xi32>
      %add3A_921 = arith.addi %add3A_910, %add3A_920 : vector<16xi32>
      %swap3A_922 = arith.constant 1 : i32
      %swap3A_923 = arith.index_cast %swap3A_922 : i32 to index
      %swap3A_924 = arith.constant 32 : index
      %swap3A_925 = tpu.vector_load %arg10[%swap3A_923, %swap3A_924] {strides = array<i32>} : memref<4x112xi32, #tpu.memory_space<vmem>>, vector<16xi32>,
      tpu.vector_store %arg10[%swap3A_923, %swap3A_924], %add3A_910 {strides = array<i32>} : memref<4x112xi32, #tpu.memory_space<vmem>>, vector<16xi32>,
      %swap3A_926 = arith.constant 3 : i32
      %swap3A_927 = arith.index_cast %swap3A_926 : i32 to index
      %swap3A_928 = arith.constant 32 : index
      %swap3A_929 = tpu.vector_load %arg10[%swap3A_927, %swap3A_928] {strides = array<i32>} : memref<4x112xi32, #tpu.memory_space<vmem>>, vector<16xi32>,
      tpu.vector_store %arg10[%swap3A_927, %swap3A_928], %add3A_921 {strides = array<i32>} : memref<4x112xi32, #tpu.memory_space<vmem>>, vector<16xi32>,
      %swap3A_930 = arith.constant 144 : index
      %swap3A_931 = tpu.vector_load %arg11[%swap3A_930] {strides = array<i32>} : memref<896xf32, #tpu.memory_space<vmem>>, vector<16xf32>,
      tpu.vector_store %arg11[%swap3A_930], %mul3A_912 {strides = array<i32>} : memref<896xf32, #tpu.memory_space<vmem>>, vector<16xf32>,
      %swap3A_932 = arith.constant 368 : index
      %swap3A_933 = tpu.vector_load %arg11[%swap3A_932] {strides = array<i32>} : memref<896xf32, #tpu.memory_space<vmem>>, vector<16xf32>,
      tpu.vector_store %arg11[%swap3A_932], %mul3A_914 {strides = array<i32>} : memref<896xf32, #tpu.memory_space<vmem>>, vector<16xf32>,
      %swap3A_934 = arith.constant 592 : index
      %swap3A_935 = tpu.vector_load %arg11[%swap3A_934] {strides = array<i32>} : memref<896xf32, #tpu.memory_space<vmem>>, vector<16xf32>,
      tpu.vector_store %arg11[%swap3A_934], %mul3A_916 {strides = array<i32>} : memref<896xf32, #tpu.memory_space<vmem>>, vector<16xf32>,
      %swap3A_936 = arith.constant 816 : index
      %swap3A_937 = tpu.vector_load %arg11[%swap3A_936] {strides = array<i32>} : memref<896xf32, #tpu.memory_space<vmem>>, vector<16xf32>,
      tpu.vector_store %arg11[%swap3A_936], %mul3A_918 {strides = array<i32>} : memref<896xf32, #tpu.memory_space<vmem>>, vector<16xf32>,
      %get3A_938 = arith.constant 160 : index
      %get3A_939 = tpu.vector_load %arg8[%get3A_938] {strides = array<i32>} : memref<224xf32, #tpu.memory_space<vmem>>, vector<16xf32>,
      %get3A_940 = arith.constant 160 : index
      %get3A_941 = tpu.vector_load %arg9[%get3A_940] {strides = array<i32>} : memref<224xf32, #tpu.memory_space<vmem>>, vector<16xf32>,
      %mul3A_942 = arith.mulf %gather3A_29, %get3A_939 : vector<16xf32>
      %mul3A_943 = arith.mulf %gather3A_23, %get3A_941 : vector<16xf32>
      %mul3A_944 = arith.mulf %mul3A_943, %gather3A_35 : vector<16xf32>
      %mul3A_945 = arith.mulf %mul3A_942, %gather3A_41 : vector<16xf32>
      %sub3A_946 = arith.subf %mul3A_944, %mul3A_945 : vector<16xf32>
      %add3A_947 = arith.addf %sub3A_946, %gather3A : vector<16xf32>
      %mul3A_948 = arith.mulf %mul3A_943, %gather3A_41 : vector<16xf32>
      %mul3A_949 = arith.mulf %mul3A_942, %gather3A_35 : vector<16xf32>
      %add3A_950 = arith.addf %mul3A_948, %mul3A_949 : vector<16xf32>
      %add3A_951 = arith.addf %add3A_950, %gather3A_17 : vector<16xf32>
      %gt3A_952 = arith.constant -1.000000e+00 : f32
      %gt3A_953 = vector.broadcast %gt3A_952 : f32 to vector<16xf32>
      %gt3A_954 = arith.cmpf ogt, %add3A_951, %gt3A_953 : vector<16xf32>
      %lt3A_955 = arith.constant 2.000000e+02 : f32
      %lt3A_956 = vector.broadcast %lt3A_955 : f32 to vector<16xf32>
      %lt3A_957 = arith.cmpf olt, %add3A_951, %lt3A_956 : vector<16xf32>
      %and3A_958 = arith.andi %gt3A_954, %lt3A_957 : vector<16xi1>
      %gt3A_959 = arith.constant -1.000000e+00 : f32
      %gt3A_960 = vector.broadcast %gt3A_959 : f32 to vector<16xf32>
      %gt3A_961 = arith.cmpf ogt, %add3A_947, %gt3A_960 : vector<16xf32>
      %and3A_962 = arith.andi %and3A_958, %gt3A_961 : vector<16xi1>
      %lt3A_963 = arith.constant 2.000000e+02 : f32
      %lt3A_964 = vector.broadcast %lt3A_963 : f32 to vector<16xf32>
      %lt3A_965 = arith.cmpf olt, %add3A_947, %lt3A_964 : vector<16xf32>
      %and3A_966 = arith.andi %and3A_962, %lt3A_965 : vector<16xi1>
      %max3A_967 = arith.constant 0.000000e+00 : f32
      %max3A_968 = vector.broadcast %max3A_967 : f32 to vector<16xf32>
      %max3A_969 = arith.maximumf %add3A_947, %max3A_968 : vector<16xf32>
      %min3A_970 = arith.constant 1.990000e+02 : f32
      %min3A_971 = vector.broadcast %min3A_970 : f32 to vector<16xf32>
      %min3A_972 = arith.minimumf %max3A_969, %min3A_971 : vector<16xf32>
      %max3A_973 = arith.constant 0.000000e+00 : f32
      %max3A_974 = vector.broadcast %max3A_973 : f32 to vector<16xf32>
      %max3A_975 = arith.maximumf %add3A_951, %max3A_974 : vector<16xf32>
      %min3A_976 = arith.constant 1.990000e+02 : f32
      %min3A_977 = vector.broadcast %min3A_976 : f32 to vector<16xf32>
      %min3A_978 = arith.minimumf %max3A_975, %min3A_977 : vector<16xf32>
      %convert_element_type3A_979 = arith.fptosi %min3A_972 : vector<16xf32> to vector<16xi32>
      %convert_element_type3A_980 = arith.fptosi %min3A_978 : vector<16xf32> to vector<16xi32>
      %convert_element_type3A_981 = arith.sitofp %convert_element_type3A_979 : vector<16xi32> to vector<16xf32>
      %sub3A_982 = arith.subf %min3A_972, %convert_element_type3A_981 : vector<16xf32>
      %convert_element_type3A_983 = arith.sitofp %convert_element_type3A_980 : vector<16xi32> to vector<16xf32>
      %sub3A_984 = arith.subf %min3A_978, %convert_element_type3A_983 : vector<16xf32>
      %sub3A_985 = arith.constant 1.000000e+00 : f32
      %sub3A_986 = vector.broadcast %sub3A_985 : f32 to vector<16xf32>
      %sub3A_987 = arith.subf %sub3A_986, %sub3A_982 : vector<16xf32>
      %sub3A_988 = arith.constant 1.000000e+00 : f32
      %sub3A_989 = vector.broadcast %sub3A_988 : f32 to vector<16xf32>
      %sub3A_990 = arith.subf %sub3A_989, %sub3A_984 : vector<16xf32>
      %jit3A_991 = arith.constant 2.500000e-01 : f32
      %jit3A_992 = arith.constant 0.000000e+00 : f32
      %broadcast_in_dim3A_993 = vector.broadcast %jit3A_991 : f32 to vector<16xf32>
      %broadcast_in_dim3A_994 = vector.broadcast %jit3A_992 : f32 to vector<16xf32>
      %select_n3A_995 = arith.select %and3A_966, %broadcast_in_dim3A_993, %broadcast_in_dim3A_994 : vector<16xi1>, vector<16xf32>
      %mul3A_996 = arith.constant 200 : i32
      %mul3A_997 = vector.broadcast %mul3A_996 : i32 to vector<16xi32>
      %mul3A_998 = arith.muli %convert_element_type3A_980, %mul3A_997 : vector<16xi32>
      %add3A_999 = arith.addi %convert_element_type3A, %mul3A_998 : vector<16xi32>
      %add3A_1000 = arith.addi %add3A_999, %convert_element_type3A_979 : vector<16xi32>
      %mul3A_1001 = arith.mulf %sub3A_990, %sub3A_987 : vector<16xf32>
      %mul3A_1002 = arith.mulf %mul3A_1001, %select_n3A_995 : vector<16xf32>
      %mul3A_1003 = arith.mulf %sub3A_990, %sub3A_982 : vector<16xf32>
      %mul3A_1004 = arith.mulf %mul3A_1003, %select_n3A_995 : vector<16xf32>
      %mul3A_1005 = arith.mulf %sub3A_984, %sub3A_987 : vector<16xf32>
      %mul3A_1006 = arith.mulf %mul3A_1005, %select_n3A_995 : vector<16xf32>
      %mul3A_1007 = arith.mulf %sub3A_984, %sub3A_982 : vector<16xf32>
      %mul3A_1008 = arith.mulf %mul3A_1007, %select_n3A_995 : vector<16xf32>
      %add3A_1009 = arith.constant 200 : i32
      %add3A_1010 = vector.broadcast %add3A_1009 : i32 to vector<16xi32>
      %add3A_1011 = arith.addi %add3A_1000, %add3A_1010 : vector<16xi32>
      %swap3A_1012 = arith.constant 1 : i32
      %swap3A_1013 = arith.index_cast %swap3A_1012 : i32 to index
      %swap3A_1014 = arith.constant 48 : index
      %swap3A_1015 = tpu.vector_load %arg10[%swap3A_1013, %swap3A_1014] {strides = array<i32>} : memref<4x112xi32, #tpu.memory_space<vmem>>, vector<16xi32>,
      tpu.vector_store %arg10[%swap3A_1013, %swap3A_1014], %add3A_1000 {strides = array<i32>} : memref<4x112xi32, #tpu.memory_space<vmem>>, vector<16xi32>,
      %swap3A_1016 = arith.constant 3 : i32
      %swap3A_1017 = arith.index_cast %swap3A_1016 : i32 to index
      %swap3A_1018 = arith.constant 48 : index
      %swap3A_1019 = tpu.vector_load %arg10[%swap3A_1017, %swap3A_1018] {strides = array<i32>} : memref<4x112xi32, #tpu.memory_space<vmem>>, vector<16xi32>,
      tpu.vector_store %arg10[%swap3A_1017, %swap3A_1018], %add3A_1011 {strides = array<i32>} : memref<4x112xi32, #tpu.memory_space<vmem>>, vector<16xi32>,
      %swap3A_1020 = arith.constant 160 : index
      %swap3A_1021 = tpu.vector_load %arg11[%swap3A_1020] {strides = array<i32>} : memref<896xf32, #tpu.memory_space<vmem>>, vector<16xf32>,
      tpu.vector_store %arg11[%swap3A_1020], %mul3A_1002 {strides = array<i32>} : memref<896xf32, #tpu.memory_space<vmem>>, vector<16xf32>,
      %swap3A_1022 = arith.constant 384 : index
      %swap3A_1023 = tpu.vector_load %arg11[%swap3A_1022] {strides = array<i32>} : memref<896xf32, #tpu.memory_space<vmem>>, vector<16xf32>,
      tpu.vector_store %arg11[%swap3A_1022], %mul3A_1004 {strides = array<i32>} : memref<896xf32, #tpu.memory_space<vmem>>, vector<16xf32>,
      %swap3A_1024 = arith.constant 608 : index
      %swap3A_1025 = tpu.vector_load %arg11[%swap3A_1024] {strides = array<i32>} : memref<896xf32, #tpu.memory_space<vmem>>, vector<16xf32>,
      tpu.vector_store %arg11[%swap3A_1024], %mul3A_1006 {strides = array<i32>} : memref<896xf32, #tpu.memory_space<vmem>>, vector<16xf32>,
      %swap3A_1026 = arith.constant 832 : index
      %swap3A_1027 = tpu.vector_load %arg11[%swap3A_1026] {strides = array<i32>} : memref<896xf32, #tpu.memory_space<vmem>>, vector<16xf32>,
      tpu.vector_store %arg11[%swap3A_1026], %mul3A_1008 {strides = array<i32>} : memref<896xf32, #tpu.memory_space<vmem>>, vector<16xf32>,
      %get3A_1028 = arith.constant 176 : index
      %get3A_1029 = tpu.vector_load %arg8[%get3A_1028] {strides = array<i32>} : memref<224xf32, #tpu.memory_space<vmem>>, vector<16xf32>,
      %get3A_1030 = arith.constant 176 : index
      %get3A_1031 = tpu.vector_load %arg9[%get3A_1030] {strides = array<i32>} : memref<224xf32, #tpu.memory_space<vmem>>, vector<16xf32>,
      %mul3A_1032 = arith.mulf %gather3A_29, %get3A_1029 : vector<16xf32>
      %mul3A_1033 = arith.mulf %gather3A_23, %get3A_1031 : vector<16xf32>
      %mul3A_1034 = arith.mulf %mul3A_1033, %gather3A_35 : vector<16xf32>
      %mul3A_1035 = arith.mulf %mul3A_1032, %gather3A_41 : vector<16xf32>
      %sub3A_1036 = arith.subf %mul3A_1034, %mul3A_1035 : vector<16xf32>
      %add3A_1037 = arith.addf %sub3A_1036, %gather3A : vector<16xf32>
      %mul3A_1038 = arith.mulf %mul3A_1033, %gather3A_41 : vector<16xf32>
      %mul3A_1039 = arith.mulf %mul3A_1032, %gather3A_35 : vector<16xf32>
      %add3A_1040 = arith.addf %mul3A_1038, %mul3A_1039 : vector<16xf32>
      %add3A_1041 = arith.addf %add3A_1040, %gather3A_17 : vector<16xf32>
      %gt3A_1042 = arith.constant -1.000000e+00 : f32
      %gt3A_1043 = vector.broadcast %gt3A_1042 : f32 to vector<16xf32>
      %gt3A_1044 = arith.cmpf ogt, %add3A_1041, %gt3A_1043 : vector<16xf32>
      %lt3A_1045 = arith.constant 2.000000e+02 : f32
      %lt3A_1046 = vector.broadcast %lt3A_1045 : f32 to vector<16xf32>
      %lt3A_1047 = arith.cmpf olt, %add3A_1041, %lt3A_1046 : vector<16xf32>
      %and3A_1048 = arith.andi %gt3A_1044, %lt3A_1047 : vector<16xi1>
      %gt3A_1049 = arith.constant -1.000000e+00 : f32
      %gt3A_1050 = vector.broadcast %gt3A_1049 : f32 to vector<16xf32>
      %gt3A_1051 = arith.cmpf ogt, %add3A_1037, %gt3A_1050 : vector<16xf32>
      %and3A_1052 = arith.andi %and3A_1048, %gt3A_1051 : vector<16xi1>
      %lt3A_1053 = arith.constant 2.000000e+02 : f32
      %lt3A_1054 = vector.broadcast %lt3A_1053 : f32 to vector<16xf32>
      %lt3A_1055 = arith.cmpf olt, %add3A_1037, %lt3A_1054 : vector<16xf32>
      %and3A_1056 = arith.andi %and3A_1052, %lt3A_1055 : vector<16xi1>
      %max3A_1057 = arith.constant 0.000000e+00 : f32
      %max3A_1058 = vector.broadcast %max3A_1057 : f32 to vector<16xf32>
      %max3A_1059 = arith.maximumf %add3A_1037, %max3A_1058 : vector<16xf32>
      %min3A_1060 = arith.constant 1.990000e+02 : f32
      %min3A_1061 = vector.broadcast %min3A_1060 : f32 to vector<16xf32>
      %min3A_1062 = arith.minimumf %max3A_1059, %min3A_1061 : vector<16xf32>
      %max3A_1063 = arith.constant 0.000000e+00 : f32
      %max3A_1064 = vector.broadcast %max3A_1063 : f32 to vector<16xf32>
      %max3A_1065 = arith.maximumf %add3A_1041, %max3A_1064 : vector<16xf32>
      %min3A_1066 = arith.constant 1.990000e+02 : f32
      %min3A_1067 = vector.broadcast %min3A_1066 : f32 to vector<16xf32>
      %min3A_1068 = arith.minimumf %max3A_1065, %min3A_1067 : vector<16xf32>
      %convert_element_type3A_1069 = arith.fptosi %min3A_1062 : vector<16xf32> to vector<16xi32>
      %convert_element_type3A_1070 = arith.fptosi %min3A_1068 : vector<16xf32> to vector<16xi32>
      %convert_element_type3A_1071 = arith.sitofp %convert_element_type3A_1069 : vector<16xi32> to vector<16xf32>
      %sub3A_1072 = arith.subf %min3A_1062, %convert_element_type3A_1071 : vector<16xf32>
      %convert_element_type3A_1073 = arith.sitofp %convert_element_type3A_1070 : vector<16xi32> to vector<16xf32>
      %sub3A_1074 = arith.subf %min3A_1068, %convert_element_type3A_1073 : vector<16xf32>
      %sub3A_1075 = arith.constant 1.000000e+00 : f32
      %sub3A_1076 = vector.broadcast %sub3A_1075 : f32 to vector<16xf32>
      %sub3A_1077 = arith.subf %sub3A_1076, %sub3A_1072 : vector<16xf32>
      %sub3A_1078 = arith.constant 1.000000e+00 : f32
      %sub3A_1079 = vector.broadcast %sub3A_1078 : f32 to vector<16xf32>
      %sub3A_1080 = arith.subf %sub3A_1079, %sub3A_1074 : vector<16xf32>
      %jit3A_1081 = arith.constant 2.500000e-01 : f32
      %jit3A_1082 = arith.constant 0.000000e+00 : f32
      %broadcast_in_dim3A_1083 = vector.broadcast %jit3A_1081 : f32 to vector<16xf32>
      %broadcast_in_dim3A_1084 = vector.broadcast %jit3A_1082 : f32 to vector<16xf32>
      %select_n3A_1085 = arith.select %and3A_1056, %broadcast_in_dim3A_1083, %broadcast_in_dim3A_1084 : vector<16xi1>, vector<16xf32>
      %mul3A_1086 = arith.constant 200 : i32
      %mul3A_1087 = vector.broadcast %mul3A_1086 : i32 to vector<16xi32>
      %mul3A_1088 = arith.muli %convert_element_type3A_1070, %mul3A_1087 : vector<16xi32>
      %add3A_1089 = arith.addi %convert_element_type3A, %mul3A_1088 : vector<16xi32>
      %add3A_1090 = arith.addi %add3A_1089, %convert_element_type3A_1069 : vector<16xi32>
      %mul3A_1091 = arith.mulf %sub3A_1080, %sub3A_1077 : vector<16xf32>
      %mul3A_1092 = arith.mulf %mul3A_1091, %select_n3A_1085 : vector<16xf32>
      %mul3A_1093 = arith.mulf %sub3A_1080, %sub3A_1072 : vector<16xf32>
      %mul3A_1094 = arith.mulf %mul3A_1093, %select_n3A_1085 : vector<16xf32>
      %mul3A_1095 = arith.mulf %sub3A_1074, %sub3A_1077 : vector<16xf32>
      %mul3A_1096 = arith.mulf %mul3A_1095, %select_n3A_1085 : vector<16xf32>
      %mul3A_1097 = arith.mulf %sub3A_1074, %sub3A_1072 : vector<16xf32>
      %mul3A_1098 = arith.mulf %mul3A_1097, %select_n3A_1085 : vector<16xf32>
      %add3A_1099 = arith.constant 200 : i32
      %add3A_1100 = vector.broadcast %add3A_1099 : i32 to vector<16xi32>
      %add3A_1101 = arith.addi %add3A_1090, %add3A_1100 : vector<16xi32>
      %swap3A_1102 = arith.constant 1 : i32
      %swap3A_1103 = arith.index_cast %swap3A_1102 : i32 to index
      %swap3A_1104 = arith.constant 64 : index
      %swap3A_1105 = tpu.vector_load %arg10[%swap3A_1103, %swap3A_1104] {strides = array<i32>} : memref<4x112xi32, #tpu.memory_space<vmem>>, vector<16xi32>,
      tpu.vector_store %arg10[%swap3A_1103, %swap3A_1104], %add3A_1090 {strides = array<i32>} : memref<4x112xi32, #tpu.memory_space<vmem>>, vector<16xi32>,
      %swap3A_1106 = arith.constant 3 : i32
      %swap3A_1107 = arith.index_cast %swap3A_1106 : i32 to index
      %swap3A_1108 = arith.constant 64 : index
      %swap3A_1109 = tpu.vector_load %arg10[%swap3A_1107, %swap3A_1108] {strides = array<i32>} : memref<4x112xi32, #tpu.memory_space<vmem>>, vector<16xi32>,
      tpu.vector_store %arg10[%swap3A_1107, %swap3A_1108], %add3A_1101 {strides = array<i32>} : memref<4x112xi32, #tpu.memory_space<vmem>>, vector<16xi32>,
      %swap3A_1110 = arith.constant 176 : index
      %swap3A_1111 = tpu.vector_load %arg11[%swap3A_1110] {strides = array<i32>} : memref<896xf32, #tpu.memory_space<vmem>>, vector<16xf32>,
      tpu.vector_store %arg11[%swap3A_1110], %mul3A_1092 {strides = array<i32>} : memref<896xf32, #tpu.memory_space<vmem>>, vector<16xf32>,
      %swap3A_1112 = arith.constant 400 : index
      %swap3A_1113 = tpu.vector_load %arg11[%swap3A_1112] {strides = array<i32>} : memref<896xf32, #tpu.memory_space<vmem>>, vector<16xf32>,
      tpu.vector_store %arg11[%swap3A_1112], %mul3A_1094 {strides = array<i32>} : memref<896xf32, #tpu.memory_space<vmem>>, vector<16xf32>,
      %swap3A_1114 = arith.constant 624 : index
      %swap3A_1115 = tpu.vector_load %arg11[%swap3A_1114] {strides = array<i32>} : memref<896xf32, #tpu.memory_space<vmem>>, vector<16xf32>,
      tpu.vector_store %arg11[%swap3A_1114], %mul3A_1096 {strides = array<i32>} : memref<896xf32, #tpu.memory_space<vmem>>, vector<16xf32>,
      %swap3A_1116 = arith.constant 848 : index
      %swap3A_1117 = tpu.vector_load %arg11[%swap3A_1116] {strides = array<i32>} : memref<896xf32, #tpu.memory_space<vmem>>, vector<16xf32>,
      tpu.vector_store %arg11[%swap3A_1116], %mul3A_1098 {strides = array<i32>} : memref<896xf32, #tpu.memory_space<vmem>>, vector<16xf32>,
      %get3A_1118 = arith.constant 192 : index
      %get3A_1119 = tpu.vector_load %arg8[%get3A_1118] {strides = array<i32>} : memref<224xf32, #tpu.memory_space<vmem>>, vector<16xf32>,
      %get3A_1120 = arith.constant 192 : index
      %get3A_1121 = tpu.vector_load %arg9[%get3A_1120] {strides = array<i32>} : memref<224xf32, #tpu.memory_space<vmem>>, vector<16xf32>,
      %mul3A_1122 = arith.mulf %gather3A_29, %get3A_1119 : vector<16xf32>
      %mul3A_1123 = arith.mulf %gather3A_23, %get3A_1121 : vector<16xf32>
      %mul3A_1124 = arith.mulf %mul3A_1123, %gather3A_35 : vector<16xf32>
      %mul3A_1125 = arith.mulf %mul3A_1122, %gather3A_41 : vector<16xf32>
      %sub3A_1126 = arith.subf %mul3A_1124, %mul3A_1125 : vector<16xf32>
      %add3A_1127 = arith.addf %sub3A_1126, %gather3A : vector<16xf32>
      %mul3A_1128 = arith.mulf %mul3A_1123, %gather3A_41 : vector<16xf32>
      %mul3A_1129 = arith.mulf %mul3A_1122, %gather3A_35 : vector<16xf32>
      %add3A_1130 = arith.addf %mul3A_1128, %mul3A_1129 : vector<16xf32>
      %add3A_1131 = arith.addf %add3A_1130, %gather3A_17 : vector<16xf32>
      %gt3A_1132 = arith.constant -1.000000e+00 : f32
      %gt3A_1133 = vector.broadcast %gt3A_1132 : f32 to vector<16xf32>
      %gt3A_1134 = arith.cmpf ogt, %add3A_1131, %gt3A_1133 : vector<16xf32>
      %lt3A_1135 = arith.constant 2.000000e+02 : f32
      %lt3A_1136 = vector.broadcast %lt3A_1135 : f32 to vector<16xf32>
      %lt3A_1137 = arith.cmpf olt, %add3A_1131, %lt3A_1136 : vector<16xf32>
      %and3A_1138 = arith.andi %gt3A_1134, %lt3A_1137 : vector<16xi1>
      %gt3A_1139 = arith.constant -1.000000e+00 : f32
      %gt3A_1140 = vector.broadcast %gt3A_1139 : f32 to vector<16xf32>
      %gt3A_1141 = arith.cmpf ogt, %add3A_1127, %gt3A_1140 : vector<16xf32>
      %and3A_1142 = arith.andi %and3A_1138, %gt3A_1141 : vector<16xi1>
      %lt3A_1143 = arith.constant 2.000000e+02 : f32
      %lt3A_1144 = vector.broadcast %lt3A_1143 : f32 to vector<16xf32>
      %lt3A_1145 = arith.cmpf olt, %add3A_1127, %lt3A_1144 : vector<16xf32>
      %and3A_1146 = arith.andi %and3A_1142, %lt3A_1145 : vector<16xi1>
      %max3A_1147 = arith.constant 0.000000e+00 : f32
      %max3A_1148 = vector.broadcast %max3A_1147 : f32 to vector<16xf32>
      %max3A_1149 = arith.maximumf %add3A_1127, %max3A_1148 : vector<16xf32>
      %min3A_1150 = arith.constant 1.990000e+02 : f32
      %min3A_1151 = vector.broadcast %min3A_1150 : f32 to vector<16xf32>
      %min3A_1152 = arith.minimumf %max3A_1149, %min3A_1151 : vector<16xf32>
      %max3A_1153 = arith.constant 0.000000e+00 : f32
      %max3A_1154 = vector.broadcast %max3A_1153 : f32 to vector<16xf32>
      %max3A_1155 = arith.maximumf %add3A_1131, %max3A_1154 : vector<16xf32>
      %min3A_1156 = arith.constant 1.990000e+02 : f32
      %min3A_1157 = vector.broadcast %min3A_1156 : f32 to vector<16xf32>
      %min3A_1158 = arith.minimumf %max3A_1155, %min3A_1157 : vector<16xf32>
      %convert_element_type3A_1159 = arith.fptosi %min3A_1152 : vector<16xf32> to vector<16xi32>
      %convert_element_type3A_1160 = arith.fptosi %min3A_1158 : vector<16xf32> to vector<16xi32>
      %convert_element_type3A_1161 = arith.sitofp %convert_element_type3A_1159 : vector<16xi32> to vector<16xf32>
      %sub3A_1162 = arith.subf %min3A_1152, %convert_element_type3A_1161 : vector<16xf32>
      %convert_element_type3A_1163 = arith.sitofp %convert_element_type3A_1160 : vector<16xi32> to vector<16xf32>
      %sub3A_1164 = arith.subf %min3A_1158, %convert_element_type3A_1163 : vector<16xf32>
      %sub3A_1165 = arith.constant 1.000000e+00 : f32
      %sub3A_1166 = vector.broadcast %sub3A_1165 : f32 to vector<16xf32>
      %sub3A_1167 = arith.subf %sub3A_1166, %sub3A_1162 : vector<16xf32>
      %sub3A_1168 = arith.constant 1.000000e+00 : f32
      %sub3A_1169 = vector.broadcast %sub3A_1168 : f32 to vector<16xf32>
      %sub3A_1170 = arith.subf %sub3A_1169, %sub3A_1164 : vector<16xf32>
      %jit3A_1171 = arith.constant 2.500000e-01 : f32
      %jit3A_1172 = arith.constant 0.000000e+00 : f32
      %broadcast_in_dim3A_1173 = vector.broadcast %jit3A_1171 : f32 to vector<16xf32>
      %broadcast_in_dim3A_1174 = vector.broadcast %jit3A_1172 : f32 to vector<16xf32>
      %select_n3A_1175 = arith.select %and3A_1146, %broadcast_in_dim3A_1173, %broadcast_in_dim3A_1174 : vector<16xi1>, vector<16xf32>
      %mul3A_1176 = arith.constant 200 : i32
      %mul3A_1177 = vector.broadcast %mul3A_1176 : i32 to vector<16xi32>
      %mul3A_1178 = arith.muli %convert_element_type3A_1160, %mul3A_1177 : vector<16xi32>
      %add3A_1179 = arith.addi %convert_element_type3A, %mul3A_1178 : vector<16xi32>
      %add3A_1180 = arith.addi %add3A_1179, %convert_element_type3A_1159 : vector<16xi32>
      %mul3A_1181 = arith.mulf %sub3A_1170, %sub3A_1167 : vector<16xf32>
      %mul3A_1182 = arith.mulf %mul3A_1181, %select_n3A_1175 : vector<16xf32>
      %mul3A_1183 = arith.mulf %sub3A_1170, %sub3A_1162 : vector<16xf32>
      %mul3A_1184 = arith.mulf %mul3A_1183, %select_n3A_1175 : vector<16xf32>
      %mul3A_1185 = arith.mulf %sub3A_1164, %sub3A_1167 : vector<16xf32>
      %mul3A_1186 = arith.mulf %mul3A_1185, %select_n3A_1175 : vector<16xf32>
      %mul3A_1187 = arith.mulf %sub3A_1164, %sub3A_1162 : vector<16xf32>
      %mul3A_1188 = arith.mulf %mul3A_1187, %select_n3A_1175 : vector<16xf32>
      %add3A_1189 = arith.constant 200 : i32
      %add3A_1190 = vector.broadcast %add3A_1189 : i32 to vector<16xi32>
      %add3A_1191 = arith.addi %add3A_1180, %add3A_1190 : vector<16xi32>
      %swap3A_1192 = arith.constant 1 : i32
      %swap3A_1193 = arith.index_cast %swap3A_1192 : i32 to index
      %swap3A_1194 = arith.constant 80 : index
      %swap3A_1195 = tpu.vector_load %arg10[%swap3A_1193, %swap3A_1194] {strides = array<i32>} : memref<4x112xi32, #tpu.memory_space<vmem>>, vector<16xi32>,
      tpu.vector_store %arg10[%swap3A_1193, %swap3A_1194], %add3A_1180 {strides = array<i32>} : memref<4x112xi32, #tpu.memory_space<vmem>>, vector<16xi32>,
      %swap3A_1196 = arith.constant 3 : i32
      %swap3A_1197 = arith.index_cast %swap3A_1196 : i32 to index
      %swap3A_1198 = arith.constant 80 : index
      %swap3A_1199 = tpu.vector_load %arg10[%swap3A_1197, %swap3A_1198] {strides = array<i32>} : memref<4x112xi32, #tpu.memory_space<vmem>>, vector<16xi32>,
      tpu.vector_store %arg10[%swap3A_1197, %swap3A_1198], %add3A_1191 {strides = array<i32>} : memref<4x112xi32, #tpu.memory_space<vmem>>, vector<16xi32>,
      %swap3A_1200 = arith.constant 192 : index
      %swap3A_1201 = tpu.vector_load %arg11[%swap3A_1200] {strides = array<i32>} : memref<896xf32, #tpu.memory_space<vmem>>, vector<16xf32>,
      tpu.vector_store %arg11[%swap3A_1200], %mul3A_1182 {strides = array<i32>} : memref<896xf32, #tpu.memory_space<vmem>>, vector<16xf32>,
      %swap3A_1202 = arith.constant 416 : index
      %swap3A_1203 = tpu.vector_load %arg11[%swap3A_1202] {strides = array<i32>} : memref<896xf32, #tpu.memory_space<vmem>>, vector<16xf32>,
      tpu.vector_store %arg11[%swap3A_1202], %mul3A_1184 {strides = array<i32>} : memref<896xf32, #tpu.memory_space<vmem>>, vector<16xf32>,
      %swap3A_1204 = arith.constant 640 : index
      %swap3A_1205 = tpu.vector_load %arg11[%swap3A_1204] {strides = array<i32>} : memref<896xf32, #tpu.memory_space<vmem>>, vector<16xf32>,
      tpu.vector_store %arg11[%swap3A_1204], %mul3A_1186 {strides = array<i32>} : memref<896xf32, #tpu.memory_space<vmem>>, vector<16xf32>,
      %swap3A_1206 = arith.constant 864 : index
      %swap3A_1207 = tpu.vector_load %arg11[%swap3A_1206] {strides = array<i32>} : memref<896xf32, #tpu.memory_space<vmem>>, vector<16xf32>,
      tpu.vector_store %arg11[%swap3A_1206], %mul3A_1188 {strides = array<i32>} : memref<896xf32, #tpu.memory_space<vmem>>, vector<16xf32>,
      %get3A_1208 = arith.constant 208 : index
      %get3A_1209 = tpu.vector_load %arg8[%get3A_1208] {strides = array<i32>} : memref<224xf32, #tpu.memory_space<vmem>>, vector<16xf32>,
      %get3A_1210 = arith.constant 208 : index
      %get3A_1211 = tpu.vector_load %arg9[%get3A_1210] {strides = array<i32>} : memref<224xf32, #tpu.memory_space<vmem>>, vector<16xf32>,
      %mul3A_1212 = arith.mulf %gather3A_29, %get3A_1209 : vector<16xf32>
      %mul3A_1213 = arith.mulf %gather3A_23, %get3A_1211 : vector<16xf32>
      %mul3A_1214 = arith.mulf %mul3A_1213, %gather3A_35 : vector<16xf32>
      %mul3A_1215 = arith.mulf %mul3A_1212, %gather3A_41 : vector<16xf32>
      %sub3A_1216 = arith.subf %mul3A_1214, %mul3A_1215 : vector<16xf32>
      %add3A_1217 = arith.addf %sub3A_1216, %gather3A : vector<16xf32>
      %mul3A_1218 = arith.mulf %mul3A_1213, %gather3A_41 : vector<16xf32>
      %mul3A_1219 = arith.mulf %mul3A_1212, %gather3A_35 : vector<16xf32>
      %add3A_1220 = arith.addf %mul3A_1218, %mul3A_1219 : vector<16xf32>
      %add3A_1221 = arith.addf %add3A_1220, %gather3A_17 : vector<16xf32>
      %gt3A_1222 = arith.constant -1.000000e+00 : f32
      %gt3A_1223 = vector.broadcast %gt3A_1222 : f32 to vector<16xf32>
      %gt3A_1224 = arith.cmpf ogt, %add3A_1221, %gt3A_1223 : vector<16xf32>
      %lt3A_1225 = arith.constant 2.000000e+02 : f32
      %lt3A_1226 = vector.broadcast %lt3A_1225 : f32 to vector<16xf32>
      %lt3A_1227 = arith.cmpf olt, %add3A_1221, %lt3A_1226 : vector<16xf32>
      %and3A_1228 = arith.andi %gt3A_1224, %lt3A_1227 : vector<16xi1>
      %gt3A_1229 = arith.constant -1.000000e+00 : f32
      %gt3A_1230 = vector.broadcast %gt3A_1229 : f32 to vector<16xf32>
      %gt3A_1231 = arith.cmpf ogt, %add3A_1217, %gt3A_1230 : vector<16xf32>
      %and3A_1232 = arith.andi %and3A_1228, %gt3A_1231 : vector<16xi1>
      %lt3A_1233 = arith.constant 2.000000e+02 : f32
      %lt3A_1234 = vector.broadcast %lt3A_1233 : f32 to vector<16xf32>
      %lt3A_1235 = arith.cmpf olt, %add3A_1217, %lt3A_1234 : vector<16xf32>
      %and3A_1236 = arith.andi %and3A_1232, %lt3A_1235 : vector<16xi1>
      %max3A_1237 = arith.constant 0.000000e+00 : f32
      %max3A_1238 = vector.broadcast %max3A_1237 : f32 to vector<16xf32>
      %max3A_1239 = arith.maximumf %add3A_1217, %max3A_1238 : vector<16xf32>
      %min3A_1240 = arith.constant 1.990000e+02 : f32
      %min3A_1241 = vector.broadcast %min3A_1240 : f32 to vector<16xf32>
      %min3A_1242 = arith.minimumf %max3A_1239, %min3A_1241 : vector<16xf32>
      %max3A_1243 = arith.constant 0.000000e+00 : f32
      %max3A_1244 = vector.broadcast %max3A_1243 : f32 to vector<16xf32>
      %max3A_1245 = arith.maximumf %add3A_1221, %max3A_1244 : vector<16xf32>
      %min3A_1246 = arith.constant 1.990000e+02 : f32
      %min3A_1247 = vector.broadcast %min3A_1246 : f32 to vector<16xf32>
      %min3A_1248 = arith.minimumf %max3A_1245, %min3A_1247 : vector<16xf32>
      %convert_element_type3A_1249 = arith.fptosi %min3A_1242 : vector<16xf32> to vector<16xi32>
      %convert_element_type3A_1250 = arith.fptosi %min3A_1248 : vector<16xf32> to vector<16xi32>
      %convert_element_type3A_1251 = arith.sitofp %convert_element_type3A_1249 : vector<16xi32> to vector<16xf32>
      %sub3A_1252 = arith.subf %min3A_1242, %convert_element_type3A_1251 : vector<16xf32>
      %convert_element_type3A_1253 = arith.sitofp %convert_element_type3A_1250 : vector<16xi32> to vector<16xf32>
      %sub3A_1254 = arith.subf %min3A_1248, %convert_element_type3A_1253 : vector<16xf32>
      %sub3A_1255 = arith.constant 1.000000e+00 : f32
      %sub3A_1256 = vector.broadcast %sub3A_1255 : f32 to vector<16xf32>
      %sub3A_1257 = arith.subf %sub3A_1256, %sub3A_1252 : vector<16xf32>
      %sub3A_1258 = arith.constant 1.000000e+00 : f32
      %sub3A_1259 = vector.broadcast %sub3A_1258 : f32 to vector<16xf32>
      %sub3A_1260 = arith.subf %sub3A_1259, %sub3A_1254 : vector<16xf32>
      %jit3A_1261 = arith.constant 2.500000e-01 : f32
      %jit3A_1262 = arith.constant 0.000000e+00 : f32
      %broadcast_in_dim3A_1263 = vector.broadcast %jit3A_1261 : f32 to vector<16xf32>
      %broadcast_in_dim3A_1264 = vector.broadcast %jit3A_1262 : f32 to vector<16xf32>
      %select_n3A_1265 = arith.select %and3A_1236, %broadcast_in_dim3A_1263, %broadcast_in_dim3A_1264 : vector<16xi1>, vector<16xf32>
      %mul3A_1266 = arith.constant 200 : i32
      %mul3A_1267 = vector.broadcast %mul3A_1266 : i32 to vector<16xi32>
      %mul3A_1268 = arith.muli %convert_element_type3A_1250, %mul3A_1267 : vector<16xi32>
      %add3A_1269 = arith.addi %convert_element_type3A, %mul3A_1268 : vector<16xi32>
      %add3A_1270 = arith.addi %add3A_1269, %convert_element_type3A_1249 : vector<16xi32>
      %mul3A_1271 = arith.mulf %sub3A_1260, %sub3A_1257 : vector<16xf32>
      %mul3A_1272 = arith.mulf %mul3A_1271, %select_n3A_1265 : vector<16xf32>
      %mul3A_1273 = arith.mulf %sub3A_1260, %sub3A_1252 : vector<16xf32>
      %mul3A_1274 = arith.mulf %mul3A_1273, %select_n3A_1265 : vector<16xf32>
      %mul3A_1275 = arith.mulf %sub3A_1254, %sub3A_1257 : vector<16xf32>
      %mul3A_1276 = arith.mulf %mul3A_1275, %select_n3A_1265 : vector<16xf32>
      %mul3A_1277 = arith.mulf %sub3A_1254, %sub3A_1252 : vector<16xf32>
      %mul3A_1278 = arith.mulf %mul3A_1277, %select_n3A_1265 : vector<16xf32>
      %add3A_1279 = arith.constant 200 : i32
      %add3A_1280 = vector.broadcast %add3A_1279 : i32 to vector<16xi32>
      %add3A_1281 = arith.addi %add3A_1270, %add3A_1280 : vector<16xi32>
      %swap3A_1282 = arith.constant 1 : i32
      %swap3A_1283 = arith.index_cast %swap3A_1282 : i32 to index
      %swap3A_1284 = arith.constant 96 : index
      %swap3A_1285 = tpu.vector_load %arg10[%swap3A_1283, %swap3A_1284] {strides = array<i32>} : memref<4x112xi32, #tpu.memory_space<vmem>>, vector<16xi32>,
      tpu.vector_store %arg10[%swap3A_1283, %swap3A_1284], %add3A_1270 {strides = array<i32>} : memref<4x112xi32, #tpu.memory_space<vmem>>, vector<16xi32>,
      %swap3A_1286 = arith.constant 3 : i32
      %swap3A_1287 = arith.index_cast %swap3A_1286 : i32 to index
      %swap3A_1288 = arith.constant 96 : index
      %swap3A_1289 = tpu.vector_load %arg10[%swap3A_1287, %swap3A_1288] {strides = array<i32>} : memref<4x112xi32, #tpu.memory_space<vmem>>, vector<16xi32>,
      tpu.vector_store %arg10[%swap3A_1287, %swap3A_1288], %add3A_1281 {strides = array<i32>} : memref<4x112xi32, #tpu.memory_space<vmem>>, vector<16xi32>,
      %swap3A_1290 = arith.constant 208 : index
      %swap3A_1291 = tpu.vector_load %arg11[%swap3A_1290] {strides = array<i32>} : memref<896xf32, #tpu.memory_space<vmem>>, vector<16xf32>,
      tpu.vector_store %arg11[%swap3A_1290], %mul3A_1272 {strides = array<i32>} : memref<896xf32, #tpu.memory_space<vmem>>, vector<16xf32>,
      %swap3A_1292 = arith.constant 432 : index
      %swap3A_1293 = tpu.vector_load %arg11[%swap3A_1292] {strides = array<i32>} : memref<896xf32, #tpu.memory_space<vmem>>, vector<16xf32>,
      tpu.vector_store %arg11[%swap3A_1292], %mul3A_1274 {strides = array<i32>} : memref<896xf32, #tpu.memory_space<vmem>>, vector<16xf32>,
      %swap3A_1294 = arith.constant 656 : index
      %swap3A_1295 = tpu.vector_load %arg11[%swap3A_1294] {strides = array<i32>} : memref<896xf32, #tpu.memory_space<vmem>>, vector<16xf32>,
      tpu.vector_store %arg11[%swap3A_1294], %mul3A_1276 {strides = array<i32>} : memref<896xf32, #tpu.memory_space<vmem>>, vector<16xf32>,
      %swap3A_1296 = arith.constant 880 : index
      %swap3A_1297 = tpu.vector_load %arg11[%swap3A_1296] {strides = array<i32>} : memref<896xf32, #tpu.memory_space<vmem>>, vector<16xf32>,
      tpu.vector_store %arg11[%swap3A_1296], %mul3A_1278 {strides = array<i32>} : memref<896xf32, #tpu.memory_space<vmem>>, vector<16xf32>,
      %dma_start3A = arith.constant 0 : i32
      %dma_start3A_1298 = arith.constant 0 : i32
      %dma_start3A_1299 = arith.constant 0 : i32
      %dma_start3A_1300 = tpu.memref_slice %arg12[%dma_start3A_1298, %dma_start3A_1299] : memref<392x128xi32, #tpu.memory_space<vmem>> -> memref<112x128xi32, #tpu.memory_space<vmem>>
      %dma_start3A_1301 = arith.constant 0 : i32
      %dma_start3A_1302 = tpu.memref_slice %arg10[%dma_start3A, %dma_start3A_1301] : memref<4x112xi32, #tpu.memory_space<vmem>> -> memref<1x112xi32, #tpu.memory_space<vmem>>
      %dma_start3A_1303 = tpu.memref_squeeze %dma_start3A_1302 : memref<1x112xi32, #tpu.memory_space<vmem>> -> memref<112xi32, #tpu.memory_space<vmem>>
      %dma_start3A_1304 = arith.constant 0 : i32
      %dma_start3A_1305 = arith.constant 0 : i32
      %dma_start3A_1306 = tpu.memref_slice %arg2[%dma_start3A_1304, %dma_start3A_1305] : memref<81920x128xi32, #tpu.memory_space<hbm>> -> memref<81920x128xi32, #tpu.memory_space<hbm>>
      tpu.enqueue_indirect_dma source(%dma_start3A_1306 : memref<81920x128xi32, #tpu.memory_space<hbm>>) target(%dma_start3A_1300 : memref<112x128xi32, #tpu.memory_space<vmem>>) offsets(%dma_start3A_1303 : memref<112xi32, #tpu.memory_space<vmem>>) semaphore(%arg14 : memref<!tpu.dma_semaphore, #tpu.memory_space<semaphore_mem>>)
      %dma_start3A_1307 = arith.constant 2 : i32
      %dma_start3A_1308 = arith.constant 196 : i32
      %dma_start3A_1309 = arith.constant 0 : i32
      %dma_start3A_1310 = tpu.memref_slice %arg12[%dma_start3A_1308, %dma_start3A_1309] : memref<392x128xi32, #tpu.memory_space<vmem>> -> memref<112x128xi32, #tpu.memory_space<vmem>>
      %dma_start3A_1311 = arith.constant 0 : i32
      %dma_start3A_1312 = tpu.memref_slice %arg10[%dma_start3A_1307, %dma_start3A_1311] : memref<4x112xi32, #tpu.memory_space<vmem>> -> memref<1x112xi32, #tpu.memory_space<vmem>>
      %dma_start3A_1313 = tpu.memref_squeeze %dma_start3A_1312 : memref<1x112xi32, #tpu.memory_space<vmem>> -> memref<112xi32, #tpu.memory_space<vmem>>
      %dma_start3A_1314 = arith.constant 0 : i32
      %dma_start3A_1315 = arith.constant 0 : i32
      %dma_start3A_1316 = tpu.memref_slice %arg2[%dma_start3A_1314, %dma_start3A_1315] : memref<81920x128xi32, #tpu.memory_space<hbm>> -> memref<81920x128xi32, #tpu.memory_space<hbm>>
      tpu.enqueue_indirect_dma source(%dma_start3A_1316 : memref<81920x128xi32, #tpu.memory_space<hbm>>) target(%dma_start3A_1310 : memref<112x128xi32, #tpu.memory_space<vmem>>) offsets(%dma_start3A_1313 : memref<112xi32, #tpu.memory_space<vmem>>) semaphore(%arg14 : memref<!tpu.dma_semaphore, #tpu.memory_space<semaphore_mem>>)
      %dma_start3A_1317 = arith.constant 1 : i32
      %dma_start3A_1318 = arith.constant 112 : i32
      %dma_start3A_1319 = arith.constant 0 : i32
      %dma_start3A_1320 = tpu.memref_slice %arg12[%dma_start3A_1318, %dma_start3A_1319] : memref<392x128xi32, #tpu.memory_space<vmem>> -> memref<84x128xi32, #tpu.memory_space<vmem>>
      %dma_start3A_1321 = arith.constant 0 : i32
      %dma_start3A_1322 = tpu.memref_slice %arg10[%dma_start3A_1317, %dma_start3A_1321] : memref<4x112xi32, #tpu.memory_space<vmem>> -> memref<1x84xi32, #tpu.memory_space<vmem>>
      %dma_start3A_1323 = tpu.memref_squeeze %dma_start3A_1322 : memref<1x84xi32, #tpu.memory_space<vmem>> -> memref<84xi32, #tpu.memory_space<vmem>>
      %dma_start3A_1324 = arith.constant 0 : i32
      %dma_start3A_1325 = arith.constant 0 : i32
      %dma_start3A_1326 = tpu.memref_slice %arg2[%dma_start3A_1324, %dma_start3A_1325] : memref<81920x128xi32, #tpu.memory_space<hbm>> -> memref<81920x128xi32, #tpu.memory_space<hbm>>
      tpu.enqueue_indirect_dma source(%dma_start3A_1326 : memref<81920x128xi32, #tpu.memory_space<hbm>>) target(%dma_start3A_1320 : memref<84x128xi32, #tpu.memory_space<vmem>>) offsets(%dma_start3A_1323 : memref<84xi32, #tpu.memory_space<vmem>>) semaphore(%arg15 : memref<!tpu.dma_semaphore, #tpu.memory_space<semaphore_mem>>)
      %dma_start3A_1327 = arith.constant 3 : i32
      %dma_start3A_1328 = arith.constant 308 : i32
      %dma_start3A_1329 = arith.constant 0 : i32
      %dma_start3A_1330 = tpu.memref_slice %arg12[%dma_start3A_1328, %dma_start3A_1329] : memref<392x128xi32, #tpu.memory_space<vmem>> -> memref<84x128xi32, #tpu.memory_space<vmem>>
      %dma_start3A_1331 = arith.constant 0 : i32
      %dma_start3A_1332 = tpu.memref_slice %arg10[%dma_start3A_1327, %dma_start3A_1331] : memref<4x112xi32, #tpu.memory_space<vmem>> -> memref<1x84xi32, #tpu.memory_space<vmem>>
      %dma_start3A_1333 = tpu.memref_squeeze %dma_start3A_1332 : memref<1x84xi32, #tpu.memory_space<vmem>> -> memref<84xi32, #tpu.memory_space<vmem>>
      %dma_start3A_1334 = arith.constant 0 : i32
      %dma_start3A_1335 = arith.constant 0 : i32
      %dma_start3A_1336 = tpu.memref_slice %arg2[%dma_start3A_1334, %dma_start3A_1335] : memref<81920x128xi32, #tpu.memory_space<hbm>> -> memref<81920x128xi32, #tpu.memory_space<hbm>>
      tpu.enqueue_indirect_dma source(%dma_start3A_1336 : memref<81920x128xi32, #tpu.memory_space<hbm>>) target(%dma_start3A_1330 : memref<84x128xi32, #tpu.memory_space<vmem>>) offsets(%dma_start3A_1333 : memref<84xi32, #tpu.memory_space<vmem>>) semaphore(%arg15 : memref<!tpu.dma_semaphore, #tpu.memory_space<semaphore_mem>>)
      %dma_wait3A = arith.constant 0 : i32
      %dma_wait3A_1337 = arith.constant 0 : i32
      %dma_wait3A_1338 = arith.constant 0 : i32
      %dma_wait3A_1339 = tpu.memref_slice %arg12[%dma_wait3A_1337, %dma_wait3A_1338] : memref<392x128xi32, #tpu.memory_space<vmem>> -> memref<112x128xi32, #tpu.memory_space<vmem>>
      %dma_wait3A_1340 = arith.constant 0 : i32
      %dma_wait3A_1341 = tpu.memref_slice %arg10[%dma_wait3A, %dma_wait3A_1340] : memref<4x112xi32, #tpu.memory_space<vmem>> -> memref<1x112xi32, #tpu.memory_space<vmem>>
      %dma_wait3A_1342 = tpu.memref_squeeze %dma_wait3A_1341 : memref<1x112xi32, #tpu.memory_space<vmem>> -> memref<112xi32, #tpu.memory_space<vmem>>
      %dma_wait3A_1343 = arith.constant 0 : i32
      %dma_wait3A_1344 = arith.constant 0 : i32
      %dma_wait3A_1345 = tpu.memref_slice %arg2[%dma_wait3A_1343, %dma_wait3A_1344] : memref<81920x128xi32, #tpu.memory_space<hbm>> -> memref<81920x128xi32, #tpu.memory_space<hbm>>
      tpu.wait_indirect_dma semaphore(%arg14 : memref<!tpu.dma_semaphore, #tpu.memory_space<semaphore_mem>>) src(%dma_wait3A_1345 : memref<81920x128xi32, #tpu.memory_space<hbm>>) dst(%dma_wait3A_1339 : memref<112x128xi32, #tpu.memory_space<vmem>>)
      %dma_wait3A_1346 = arith.constant 2 : i32
      %dma_wait3A_1347 = arith.constant 196 : i32
      %dma_wait3A_1348 = arith.constant 0 : i32
      %dma_wait3A_1349 = tpu.memref_slice %arg12[%dma_wait3A_1347, %dma_wait3A_1348] : memref<392x128xi32, #tpu.memory_space<vmem>> -> memref<112x128xi32, #tpu.memory_space<vmem>>
      %dma_wait3A_1350 = arith.constant 0 : i32
      %dma_wait3A_1351 = tpu.memref_slice %arg10[%dma_wait3A_1346, %dma_wait3A_1350] : memref<4x112xi32, #tpu.memory_space<vmem>> -> memref<1x112xi32, #tpu.memory_space<vmem>>
      %dma_wait3A_1352 = tpu.memref_squeeze %dma_wait3A_1351 : memref<1x112xi32, #tpu.memory_space<vmem>> -> memref<112xi32, #tpu.memory_space<vmem>>
      %dma_wait3A_1353 = arith.constant 0 : i32
      %dma_wait3A_1354 = arith.constant 0 : i32
      %dma_wait3A_1355 = tpu.memref_slice %arg2[%dma_wait3A_1353, %dma_wait3A_1354] : memref<81920x128xi32, #tpu.memory_space<hbm>> -> memref<81920x128xi32, #tpu.memory_space<hbm>>
      tpu.wait_indirect_dma semaphore(%arg14 : memref<!tpu.dma_semaphore, #tpu.memory_space<semaphore_mem>>) src(%dma_wait3A_1355 : memref<81920x128xi32, #tpu.memory_space<hbm>>) dst(%dma_wait3A_1349 : memref<112x128xi32, #tpu.memory_space<vmem>>)
      %scan3A_1356 = arith.constant 0 : i32
      %scan3A_1357 = arith.constant 28 : i32
      %scan3A_1358 = arith.addi %scan3A_1356, %scan3A_1357 : i32
      %scan3A_1359 = arith.constant 1 : i32
      scf.for %scan3A_1389 = %scan3A_1356 to %scan3A_1358 step %scan3A_1359  : i32 {
        %mul3A_1390 = arith.constant 4 : i32
        %mul3A_1391 = arith.muli %mul3A_1390, %scan3A_1389 : i32
        %add3A_1392 = arith.constant 0 : i32
        %add3A_1393 = arith.addi %add3A_1392, %mul3A_1391 : i32
        %add3A_1394 = arith.constant 0 : i32
        %add3A_1395 = arith.addi %add3A_1393, %add3A_1394 : i32
        %mul3A_1396 = arith.constant 4 : i32
        %mul3A_1397 = arith.muli %mul3A_1396, %scan3A_1389 : i32
        %add3A_1398 = arith.constant 0 : i32
        %add3A_1399 = arith.addi %add3A_1398, %mul3A_1397 : i32
        %add3A_1400 = arith.constant 0 : i32
        %add3A_1401 = arith.addi %add3A_1399, %add3A_1400 : i32
        %broadcast_in_dim3A_1402 = vector.broadcast %add3A_1401 : i32 to vector<16xi32>
        %gather3A_1403 = tpu.vector_load_idx %arg11[%broadcast_in_dim3A_1402] : memref<896xf32, #tpu.memory_space<vmem>>[vector<16xi32>], vector<16xf32>,
        %mul3A_1404 = arith.constant 4 : i32
        %mul3A_1405 = arith.muli %mul3A_1404, %scan3A_1389 : i32
        %add3A_1406 = arith.constant 224 : i32
        %add3A_1407 = arith.addi %add3A_1406, %mul3A_1405 : i32
        %add3A_1408 = arith.constant 0 : i32
        %add3A_1409 = arith.addi %add3A_1407, %add3A_1408 : i32
        %broadcast_in_dim3A_1410 = vector.broadcast %add3A_1409 : i32 to vector<16xi32>
        %gather3A_1411 = tpu.vector_load_idx %arg11[%broadcast_in_dim3A_1410] : memref<896xf32, #tpu.memory_space<vmem>>[vector<16xi32>], vector<16xf32>,
        %get3A_1412 = arith.index_cast %add3A_1395 : i32 to index
        %get3A_1413 = arith.constant 0 : index
        %get3A_1414 = tpu.vector_load %arg12[%get3A_1412, %get3A_1413] {strides = array<i32>} : memref<392x128xi32, #tpu.memory_space<vmem>>, vector<16xi32>,
        %shift_left3A = arith.constant 16 : i32
        %shift_left3A_1415 = vector.broadcast %shift_left3A : i32 to vector<16xi32>
        %shift_left3A_1416 = arith.shli %get3A_1414, %shift_left3A_1415 : vector<16xi32>
        %bitcast_convert_type3A = tpu.bitcast %shift_left3A_1416 : vector<16xi32> -> vector<16xf32>
        %bitcast_convert_type3A_1417 = tpu.bitcast %get3A_1414 : vector<16xi32> -> vector<16xf32>
        %mul3A_1418 = arith.mulf %gather3A_1403, %bitcast_convert_type3A : vector<16xf32>
        %mul3A_1419 = arith.mulf %gather3A_1403, %bitcast_convert_type3A_1417 : vector<16xf32>
        %get3A_1420 = arith.index_cast %add3A_1395 : i32 to index
        %get3A_1421 = arith.constant 16 : index
        %get3A_1422 = tpu.vector_load %arg12[%get3A_1420, %get3A_1421] {strides = array<i32>} : memref<392x128xi32, #tpu.memory_space<vmem>>, vector<16xi32>,
        %shift_left3A_1423 = arith.constant 16 : i32
        %shift_left3A_1424 = vector.broadcast %shift_left3A_1423 : i32 to vector<16xi32>
        %shift_left3A_1425 = arith.shli %get3A_1422, %shift_left3A_1424 : vector<16xi32>
        %bitcast_convert_type3A_1426 = tpu.bitcast %shift_left3A_1425 : vector<16xi32> -> vector<16xf32>
        %bitcast_convert_type3A_1427 = tpu.bitcast %get3A_1422 : vector<16xi32> -> vector<16xf32>
        %mul3A_1428 = arith.mulf %gather3A_1403, %bitcast_convert_type3A_1426 : vector<16xf32>
        %mul3A_1429 = arith.mulf %gather3A_1403, %bitcast_convert_type3A_1427 : vector<16xf32>
        %get3A_1430 = arith.index_cast %add3A_1395 : i32 to index
        %get3A_1431 = arith.constant 32 : index
        %get3A_1432 = tpu.vector_load %arg12[%get3A_1430, %get3A_1431] {strides = array<i32>} : memref<392x128xi32, #tpu.memory_space<vmem>>, vector<16xi32>,
        %shift_left3A_1433 = arith.constant 16 : i32
        %shift_left3A_1434 = vector.broadcast %shift_left3A_1433 : i32 to vector<16xi32>
        %shift_left3A_1435 = arith.shli %get3A_1432, %shift_left3A_1434 : vector<16xi32>
        %bitcast_convert_type3A_1436 = tpu.bitcast %shift_left3A_1435 : vector<16xi32> -> vector<16xf32>
        %bitcast_convert_type3A_1437 = tpu.bitcast %get3A_1432 : vector<16xi32> -> vector<16xf32>
        %mul3A_1438 = arith.mulf %gather3A_1403, %bitcast_convert_type3A_1436 : vector<16xf32>
        %mul3A_1439 = arith.mulf %gather3A_1403, %bitcast_convert_type3A_1437 : vector<16xf32>
        %get3A_1440 = arith.index_cast %add3A_1395 : i32 to index
        %get3A_1441 = arith.constant 48 : index
        %get3A_1442 = tpu.vector_load %arg12[%get3A_1440, %get3A_1441] {strides = array<i32>} : memref<392x128xi32, #tpu.memory_space<vmem>>, vector<16xi32>,
        %shift_left3A_1443 = arith.constant 16 : i32
        %shift_left3A_1444 = vector.broadcast %shift_left3A_1443 : i32 to vector<16xi32>
        %shift_left3A_1445 = arith.shli %get3A_1442, %shift_left3A_1444 : vector<16xi32>
        %bitcast_convert_type3A_1446 = tpu.bitcast %shift_left3A_1445 : vector<16xi32> -> vector<16xf32>
        %bitcast_convert_type3A_1447 = tpu.bitcast %get3A_1442 : vector<16xi32> -> vector<16xf32>
        %mul3A_1448 = arith.mulf %gather3A_1403, %bitcast_convert_type3A_1446 : vector<16xf32>
        %mul3A_1449 = arith.mulf %gather3A_1403, %bitcast_convert_type3A_1447 : vector<16xf32>
        %get3A_1450 = arith.index_cast %add3A_1395 : i32 to index
        %get3A_1451 = arith.constant 64 : index
        %get3A_1452 = tpu.vector_load %arg12[%get3A_1450, %get3A_1451] {strides = array<i32>} : memref<392x128xi32, #tpu.memory_space<vmem>>, vector<16xi32>,
        %shift_left3A_1453 = arith.constant 16 : i32
        %shift_left3A_1454 = vector.broadcast %shift_left3A_1453 : i32 to vector<16xi32>
        %shift_left3A_1455 = arith.shli %get3A_1452, %shift_left3A_1454 : vector<16xi32>
        %bitcast_convert_type3A_1456 = tpu.bitcast %shift_left3A_1455 : vector<16xi32> -> vector<16xf32>
        %bitcast_convert_type3A_1457 = tpu.bitcast %get3A_1452 : vector<16xi32> -> vector<16xf32>
        %mul3A_1458 = arith.mulf %gather3A_1411, %bitcast_convert_type3A_1456 : vector<16xf32>
        %mul3A_1459 = arith.mulf %gather3A_1411, %bitcast_convert_type3A_1457 : vector<16xf32>
        %get3A_1460 = arith.index_cast %add3A_1395 : i32 to index
        %get3A_1461 = arith.constant 80 : index
        %get3A_1462 = tpu.vector_load %arg12[%get3A_1460, %get3A_1461] {strides = array<i32>} : memref<392x128xi32, #tpu.memory_space<vmem>>, vector<16xi32>,
        %shift_left3A_1463 = arith.constant 16 : i32
        %shift_left3A_1464 = vector.broadcast %shift_left3A_1463 : i32 to vector<16xi32>
        %shift_left3A_1465 = arith.shli %get3A_1462, %shift_left3A_1464 : vector<16xi32>
        %bitcast_convert_type3A_1466 = tpu.bitcast %shift_left3A_1465 : vector<16xi32> -> vector<16xf32>
        %bitcast_convert_type3A_1467 = tpu.bitcast %get3A_1462 : vector<16xi32> -> vector<16xf32>
        %mul3A_1468 = arith.mulf %gather3A_1411, %bitcast_convert_type3A_1466 : vector<16xf32>
        %mul3A_1469 = arith.mulf %gather3A_1411, %bitcast_convert_type3A_1467 : vector<16xf32>
        %get3A_1470 = arith.index_cast %add3A_1395 : i32 to index
        %get3A_1471 = arith.constant 96 : index
        %get3A_1472 = tpu.vector_load %arg12[%get3A_1470, %get3A_1471] {strides = array<i32>} : memref<392x128xi32, #tpu.memory_space<vmem>>, vector<16xi32>,
        %shift_left3A_1473 = arith.constant 16 : i32
        %shift_left3A_1474 = vector.broadcast %shift_left3A_1473 : i32 to vector<16xi32>
        %shift_left3A_1475 = arith.shli %get3A_1472, %shift_left3A_1474 : vector<16xi32>
        %bitcast_convert_type3A_1476 = tpu.bitcast %shift_left3A_1475 : vector<16xi32> -> vector<16xf32>
        %bitcast_convert_type3A_1477 = tpu.bitcast %get3A_1472 : vector<16xi32> -> vector<16xf32>
        %mul3A_1478 = arith.mulf %gather3A_1411, %bitcast_convert_type3A_1476 : vector<16xf32>
        %mul3A_1479 = arith.mulf %gather3A_1411, %bitcast_convert_type3A_1477 : vector<16xf32>
        %get3A_1480 = arith.index_cast %add3A_1395 : i32 to index
        %get3A_1481 = arith.constant 112 : index
        %get3A_1482 = tpu.vector_load %arg12[%get3A_1480, %get3A_1481] {strides = array<i32>} : memref<392x128xi32, #tpu.memory_space<vmem>>, vector<16xi32>,
        %shift_left3A_1483 = arith.constant 16 : i32
        %shift_left3A_1484 = vector.broadcast %shift_left3A_1483 : i32 to vector<16xi32>
        %shift_left3A_1485 = arith.shli %get3A_1482, %shift_left3A_1484 : vector<16xi32>
        %bitcast_convert_type3A_1486 = tpu.bitcast %shift_left3A_1485 : vector<16xi32> -> vector<16xf32>
        %bitcast_convert_type3A_1487 = tpu.bitcast %get3A_1482 : vector<16xi32> -> vector<16xf32>
        %mul3A_1488 = arith.mulf %gather3A_1411, %bitcast_convert_type3A_1486 : vector<16xf32>
        %mul3A_1489 = arith.mulf %gather3A_1411, %bitcast_convert_type3A_1487 : vector<16xf32>
        %mul3A_1490 = arith.constant 4 : i32
        %mul3A_1491 = arith.muli %mul3A_1490, %scan3A_1389 : i32
        %add3A_1492 = arith.constant 196 : i32
        %add3A_1493 = arith.addi %add3A_1492, %mul3A_1491 : i32
        %add3A_1494 = arith.constant 0 : i32
        %add3A_1495 = arith.addi %add3A_1493, %add3A_1494 : i32
        %mul3A_1496 = arith.constant 4 : i32
        %mul3A_1497 = arith.muli %mul3A_1496, %scan3A_1389 : i32
        %add3A_1498 = arith.constant 448 : i32
        %add3A_1499 = arith.addi %add3A_1498, %mul3A_1497 : i32
        %add3A_1500 = arith.constant 0 : i32
        %add3A_1501 = arith.addi %add3A_1499, %add3A_1500 : i32
        %broadcast_in_dim3A_1502 = vector.broadcast %add3A_1501 : i32 to vector<16xi32>
        %gather3A_1503 = tpu.vector_load_idx %arg11[%broadcast_in_dim3A_1502] : memref<896xf32, #tpu.memory_space<vmem>>[vector<16xi32>], vector<16xf32>,
        %mul3A_1504 = arith.constant 4 : i32
        %mul3A_1505 = arith.muli %mul3A_1504, %scan3A_1389 : i32
        %add3A_1506 = arith.constant 672 : i32
        %add3A_1507 = arith.addi %add3A_1506, %mul3A_1505 : i32
        %add3A_1508 = arith.constant 0 : i32
        %add3A_1509 = arith.addi %add3A_1507, %add3A_1508 : i32
        %broadcast_in_dim3A_1510 = vector.broadcast %add3A_1509 : i32 to vector<16xi32>
        %gather3A_1511 = tpu.vector_load_idx %arg11[%broadcast_in_dim3A_1510] : memref<896xf32, #tpu.memory_space<vmem>>[vector<16xi32>], vector<16xf32>,
        %get3A_1512 = arith.index_cast %add3A_1495 : i32 to index
        %get3A_1513 = arith.constant 0 : index
        %get3A_1514 = tpu.vector_load %arg12[%get3A_1512, %get3A_1513] {strides = array<i32>} : memref<392x128xi32, #tpu.memory_space<vmem>>, vector<16xi32>,
        %shift_left3A_1515 = arith.constant 16 : i32
        %shift_left3A_1516 = vector.broadcast %shift_left3A_1515 : i32 to vector<16xi32>
        %shift_left3A_1517 = arith.shli %get3A_1514, %shift_left3A_1516 : vector<16xi32>
        %bitcast_convert_type3A_1518 = tpu.bitcast %shift_left3A_1517 : vector<16xi32> -> vector<16xf32>
        %bitcast_convert_type3A_1519 = tpu.bitcast %get3A_1514 : vector<16xi32> -> vector<16xf32>
        %mul3A_1520 = arith.mulf %gather3A_1503, %bitcast_convert_type3A_1518 : vector<16xf32>
        %mul3A_1521 = arith.mulf %gather3A_1503, %bitcast_convert_type3A_1519 : vector<16xf32>
        %get3A_1522 = arith.index_cast %add3A_1495 : i32 to index
        %get3A_1523 = arith.constant 16 : index
        %get3A_1524 = tpu.vector_load %arg12[%get3A_1522, %get3A_1523] {strides = array<i32>} : memref<392x128xi32, #tpu.memory_space<vmem>>, vector<16xi32>,
        %shift_left3A_1525 = arith.constant 16 : i32
        %shift_left3A_1526 = vector.broadcast %shift_left3A_1525 : i32 to vector<16xi32>
        %shift_left3A_1527 = arith.shli %get3A_1524, %shift_left3A_1526 : vector<16xi32>
        %bitcast_convert_type3A_1528 = tpu.bitcast %shift_left3A_1527 : vector<16xi32> -> vector<16xf32>
        %bitcast_convert_type3A_1529 = tpu.bitcast %get3A_1524 : vector<16xi32> -> vector<16xf32>
        %mul3A_1530 = arith.mulf %gather3A_1503, %bitcast_convert_type3A_1528 : vector<16xf32>
        %mul3A_1531 = arith.mulf %gather3A_1503, %bitcast_convert_type3A_1529 : vector<16xf32>
        %get3A_1532 = arith.index_cast %add3A_1495 : i32 to index
        %get3A_1533 = arith.constant 32 : index
        %get3A_1534 = tpu.vector_load %arg12[%get3A_1532, %get3A_1533] {strides = array<i32>} : memref<392x128xi32, #tpu.memory_space<vmem>>, vector<16xi32>,
        %shift_left3A_1535 = arith.constant 16 : i32
        %shift_left3A_1536 = vector.broadcast %shift_left3A_1535 : i32 to vector<16xi32>
        %shift_left3A_1537 = arith.shli %get3A_1534, %shift_left3A_1536 : vector<16xi32>
        %bitcast_convert_type3A_1538 = tpu.bitcast %shift_left3A_1537 : vector<16xi32> -> vector<16xf32>
        %bitcast_convert_type3A_1539 = tpu.bitcast %get3A_1534 : vector<16xi32> -> vector<16xf32>
        %mul3A_1540 = arith.mulf %gather3A_1503, %bitcast_convert_type3A_1538 : vector<16xf32>
        %mul3A_1541 = arith.mulf %gather3A_1503, %bitcast_convert_type3A_1539 : vector<16xf32>
        %get3A_1542 = arith.index_cast %add3A_1495 : i32 to index
        %get3A_1543 = arith.constant 48 : index
        %get3A_1544 = tpu.vector_load %arg12[%get3A_1542, %get3A_1543] {strides = array<i32>} : memref<392x128xi32, #tpu.memory_space<vmem>>, vector<16xi32>,
        %shift_left3A_1545 = arith.constant 16 : i32
        %shift_left3A_1546 = vector.broadcast %shift_left3A_1545 : i32 to vector<16xi32>
        %shift_left3A_1547 = arith.shli %get3A_1544, %shift_left3A_1546 : vector<16xi32>
        %bitcast_convert_type3A_1548 = tpu.bitcast %shift_left3A_1547 : vector<16xi32> -> vector<16xf32>
        %bitcast_convert_type3A_1549 = tpu.bitcast %get3A_1544 : vector<16xi32> -> vector<16xf32>
        %mul3A_1550 = arith.mulf %gather3A_1503, %bitcast_convert_type3A_1548 : vector<16xf32>
        %mul3A_1551 = arith.mulf %gather3A_1503, %bitcast_convert_type3A_1549 : vector<16xf32>
        %get3A_1552 = arith.index_cast %add3A_1495 : i32 to index
        %get3A_1553 = arith.constant 64 : index
        %get3A_1554 = tpu.vector_load %arg12[%get3A_1552, %get3A_1553] {strides = array<i32>} : memref<392x128xi32, #tpu.memory_space<vmem>>, vector<16xi32>,
        %shift_left3A_1555 = arith.constant 16 : i32
        %shift_left3A_1556 = vector.broadcast %shift_left3A_1555 : i32 to vector<16xi32>
        %shift_left3A_1557 = arith.shli %get3A_1554, %shift_left3A_1556 : vector<16xi32>
        %bitcast_convert_type3A_1558 = tpu.bitcast %shift_left3A_1557 : vector<16xi32> -> vector<16xf32>
        %bitcast_convert_type3A_1559 = tpu.bitcast %get3A_1554 : vector<16xi32> -> vector<16xf32>
        %mul3A_1560 = arith.mulf %gather3A_1511, %bitcast_convert_type3A_1558 : vector<16xf32>
        %mul3A_1561 = arith.mulf %gather3A_1511, %bitcast_convert_type3A_1559 : vector<16xf32>
        %get3A_1562 = arith.index_cast %add3A_1495 : i32 to index
        %get3A_1563 = arith.constant 80 : index
        %get3A_1564 = tpu.vector_load %arg12[%get3A_1562, %get3A_1563] {strides = array<i32>} : memref<392x128xi32, #tpu.memory_space<vmem>>, vector<16xi32>,
        %shift_left3A_1565 = arith.constant 16 : i32
        %shift_left3A_1566 = vector.broadcast %shift_left3A_1565 : i32 to vector<16xi32>
        %shift_left3A_1567 = arith.shli %get3A_1564, %shift_left3A_1566 : vector<16xi32>
        %bitcast_convert_type3A_1568 = tpu.bitcast %shift_left3A_1567 : vector<16xi32> -> vector<16xf32>
        %bitcast_convert_type3A_1569 = tpu.bitcast %get3A_1564 : vector<16xi32> -> vector<16xf32>
        %mul3A_1570 = arith.mulf %gather3A_1511, %bitcast_convert_type3A_1568 : vector<16xf32>
        %mul3A_1571 = arith.mulf %gather3A_1511, %bitcast_convert_type3A_1569 : vector<16xf32>
        %get3A_1572 = arith.index_cast %add3A_1495 : i32 to index
        %get3A_1573 = arith.constant 96 : index
        %get3A_1574 = tpu.vector_load %arg12[%get3A_1572, %get3A_1573] {strides = array<i32>} : memref<392x128xi32, #tpu.memory_space<vmem>>, vector<16xi32>,
        %shift_left3A_1575 = arith.constant 16 : i32
        %shift_left3A_1576 = vector.broadcast %shift_left3A_1575 : i32 to vector<16xi32>
        %shift_left3A_1577 = arith.shli %get3A_1574, %shift_left3A_1576 : vector<16xi32>
        %bitcast_convert_type3A_1578 = tpu.bitcast %shift_left3A_1577 : vector<16xi32> -> vector<16xf32>
        %bitcast_convert_type3A_1579 = tpu.bitcast %get3A_1574 : vector<16xi32> -> vector<16xf32>
        %mul3A_1580 = arith.mulf %gather3A_1511, %bitcast_convert_type3A_1578 : vector<16xf32>
        %mul3A_1581 = arith.mulf %gather3A_1511, %bitcast_convert_type3A_1579 : vector<16xf32>
        %get3A_1582 = arith.index_cast %add3A_1495 : i32 to index
        %get3A_1583 = arith.constant 112 : index
        %get3A_1584 = tpu.vector_load %arg12[%get3A_1582, %get3A_1583] {strides = array<i32>} : memref<392x128xi32, #tpu.memory_space<vmem>>, vector<16xi32>,
        %shift_left3A_1585 = arith.constant 16 : i32
        %shift_left3A_1586 = vector.broadcast %shift_left3A_1585 : i32 to vector<16xi32>
        %shift_left3A_1587 = arith.shli %get3A_1584, %shift_left3A_1586 : vector<16xi32>
        %bitcast_convert_type3A_1588 = tpu.bitcast %shift_left3A_1587 : vector<16xi32> -> vector<16xf32>
        %bitcast_convert_type3A_1589 = tpu.bitcast %get3A_1584 : vector<16xi32> -> vector<16xf32>
        %mul3A_1590 = arith.mulf %gather3A_1511, %bitcast_convert_type3A_1588 : vector<16xf32>
        %mul3A_1591 = arith.mulf %gather3A_1511, %bitcast_convert_type3A_1589 : vector<16xf32>
        %add3A_1592 = arith.addf %mul3A_1418, %mul3A_1520 : vector<16xf32>
        %add3A_1593 = arith.addf %mul3A_1419, %mul3A_1521 : vector<16xf32>
        %add3A_1594 = arith.addf %mul3A_1428, %mul3A_1530 : vector<16xf32>
        %add3A_1595 = arith.addf %mul3A_1429, %mul3A_1531 : vector<16xf32>
        %add3A_1596 = arith.addf %mul3A_1438, %mul3A_1540 : vector<16xf32>
        %add3A_1597 = arith.addf %mul3A_1439, %mul3A_1541 : vector<16xf32>
        %add3A_1598 = arith.addf %mul3A_1448, %mul3A_1550 : vector<16xf32>
        %add3A_1599 = arith.addf %mul3A_1449, %mul3A_1551 : vector<16xf32>
        %add3A_1600 = arith.addf %mul3A_1458, %mul3A_1560 : vector<16xf32>
        %add3A_1601 = arith.addf %mul3A_1459, %mul3A_1561 : vector<16xf32>
        %add3A_1602 = arith.addf %mul3A_1468, %mul3A_1570 : vector<16xf32>
        %add3A_1603 = arith.addf %mul3A_1469, %mul3A_1571 : vector<16xf32>
        %add3A_1604 = arith.addf %mul3A_1478, %mul3A_1580 : vector<16xf32>
        %add3A_1605 = arith.addf %mul3A_1479, %mul3A_1581 : vector<16xf32>
        %add3A_1606 = arith.addf %mul3A_1488, %mul3A_1590 : vector<16xf32>
        %add3A_1607 = arith.addf %mul3A_1489, %mul3A_1591 : vector<16xf32>
        %mul3A_1608 = arith.constant 4 : i32
        %mul3A_1609 = arith.muli %mul3A_1608, %scan3A_1389 : i32
        %add3A_1610 = arith.constant 0 : i32
        %add3A_1611 = arith.addi %add3A_1610, %mul3A_1609 : i32
        %add3A_1612 = arith.constant 1 : i32
        %add3A_1613 = arith.addi %add3A_1611, %add3A_1612 : i32
        %mul3A_1614 = arith.constant 4 : i32
        %mul3A_1615 = arith.muli %mul3A_1614, %scan3A_1389 : i32
        %add3A_1616 = arith.constant 0 : i32
        %add3A_1617 = arith.addi %add3A_1616, %mul3A_1615 : i32
        %add3A_1618 = arith.constant 1 : i32
        %add3A_1619 = arith.addi %add3A_1617, %add3A_1618 : i32
        %broadcast_in_dim3A_1620 = vector.broadcast %add3A_1619 : i32 to vector<16xi32>
        %gather3A_1621 = tpu.vector_load_idx %arg11[%broadcast_in_dim3A_1620] : memref<896xf32, #tpu.memory_space<vmem>>[vector<16xi32>], vector<16xf32>,
        %mul3A_1622 = arith.constant 4 : i32
        %mul3A_1623 = arith.muli %mul3A_1622, %scan3A_1389 : i32
        %add3A_1624 = arith.constant 224 : i32
        %add3A_1625 = arith.addi %add3A_1624, %mul3A_1623 : i32
        %add3A_1626 = arith.constant 1 : i32
        %add3A_1627 = arith.addi %add3A_1625, %add3A_1626 : i32
        %broadcast_in_dim3A_1628 = vector.broadcast %add3A_1627 : i32 to vector<16xi32>
        %gather3A_1629 = tpu.vector_load_idx %arg11[%broadcast_in_dim3A_1628] : memref<896xf32, #tpu.memory_space<vmem>>[vector<16xi32>], vector<16xf32>,
        %get3A_1630 = arith.index_cast %add3A_1613 : i32 to index
        %get3A_1631 = arith.constant 0 : index
        %get3A_1632 = tpu.vector_load %arg12[%get3A_1630, %get3A_1631] {strides = array<i32>} : memref<392x128xi32, #tpu.memory_space<vmem>>, vector<16xi32>,
        %shift_left3A_1633 = arith.constant 16 : i32
        %shift_left3A_1634 = vector.broadcast %shift_left3A_1633 : i32 to vector<16xi32>
        %shift_left3A_1635 = arith.shli %get3A_1632, %shift_left3A_1634 : vector<16xi32>
        %bitcast_convert_type3A_1636 = tpu.bitcast %shift_left3A_1635 : vector<16xi32> -> vector<16xf32>
        %bitcast_convert_type3A_1637 = tpu.bitcast %get3A_1632 : vector<16xi32> -> vector<16xf32>
        %mul3A_1638 = arith.mulf %gather3A_1621, %bitcast_convert_type3A_1636 : vector<16xf32>
        %mul3A_1639 = arith.mulf %gather3A_1621, %bitcast_convert_type3A_1637 : vector<16xf32>
        %get3A_1640 = arith.index_cast %add3A_1613 : i32 to index
        %get3A_1641 = arith.constant 16 : index
        %get3A_1642 = tpu.vector_load %arg12[%get3A_1640, %get3A_1641] {strides = array<i32>} : memref<392x128xi32, #tpu.memory_space<vmem>>, vector<16xi32>,
        %shift_left3A_1643 = arith.constant 16 : i32
        %shift_left3A_1644 = vector.broadcast %shift_left3A_1643 : i32 to vector<16xi32>
        %shift_left3A_1645 = arith.shli %get3A_1642, %shift_left3A_1644 : vector<16xi32>
        %bitcast_convert_type3A_1646 = tpu.bitcast %shift_left3A_1645 : vector<16xi32> -> vector<16xf32>
        %bitcast_convert_type3A_1647 = tpu.bitcast %get3A_1642 : vector<16xi32> -> vector<16xf32>
        %mul3A_1648 = arith.mulf %gather3A_1621, %bitcast_convert_type3A_1646 : vector<16xf32>
        %mul3A_1649 = arith.mulf %gather3A_1621, %bitcast_convert_type3A_1647 : vector<16xf32>
        %get3A_1650 = arith.index_cast %add3A_1613 : i32 to index
        %get3A_1651 = arith.constant 32 : index
        %get3A_1652 = tpu.vector_load %arg12[%get3A_1650, %get3A_1651] {strides = array<i32>} : memref<392x128xi32, #tpu.memory_space<vmem>>, vector<16xi32>,
        %shift_left3A_1653 = arith.constant 16 : i32
        %shift_left3A_1654 = vector.broadcast %shift_left3A_1653 : i32 to vector<16xi32>
        %shift_left3A_1655 = arith.shli %get3A_1652, %shift_left3A_1654 : vector<16xi32>
        %bitcast_convert_type3A_1656 = tpu.bitcast %shift_left3A_1655 : vector<16xi32> -> vector<16xf32>
        %bitcast_convert_type3A_1657 = tpu.bitcast %get3A_1652 : vector<16xi32> -> vector<16xf32>
        %mul3A_1658 = arith.mulf %gather3A_1621, %bitcast_convert_type3A_1656 : vector<16xf32>
        %mul3A_1659 = arith.mulf %gather3A_1621, %bitcast_convert_type3A_1657 : vector<16xf32>
        %get3A_1660 = arith.index_cast %add3A_1613 : i32 to index
        %get3A_1661 = arith.constant 48 : index
        %get3A_1662 = tpu.vector_load %arg12[%get3A_1660, %get3A_1661] {strides = array<i32>} : memref<392x128xi32, #tpu.memory_space<vmem>>, vector<16xi32>,
        %shift_left3A_1663 = arith.constant 16 : i32
        %shift_left3A_1664 = vector.broadcast %shift_left3A_1663 : i32 to vector<16xi32>
        %shift_left3A_1665 = arith.shli %get3A_1662, %shift_left3A_1664 : vector<16xi32>
        %bitcast_convert_type3A_1666 = tpu.bitcast %shift_left3A_1665 : vector<16xi32> -> vector<16xf32>
        %bitcast_convert_type3A_1667 = tpu.bitcast %get3A_1662 : vector<16xi32> -> vector<16xf32>
        %mul3A_1668 = arith.mulf %gather3A_1621, %bitcast_convert_type3A_1666 : vector<16xf32>
        %mul3A_1669 = arith.mulf %gather3A_1621, %bitcast_convert_type3A_1667 : vector<16xf32>
        %get3A_1670 = arith.index_cast %add3A_1613 : i32 to index
        %get3A_1671 = arith.constant 64 : index
        %get3A_1672 = tpu.vector_load %arg12[%get3A_1670, %get3A_1671] {strides = array<i32>} : memref<392x128xi32, #tpu.memory_space<vmem>>, vector<16xi32>,
        %shift_left3A_1673 = arith.constant 16 : i32
        %shift_left3A_1674 = vector.broadcast %shift_left3A_1673 : i32 to vector<16xi32>
        %shift_left3A_1675 = arith.shli %get3A_1672, %shift_left3A_1674 : vector<16xi32>
        %bitcast_convert_type3A_1676 = tpu.bitcast %shift_left3A_1675 : vector<16xi32> -> vector<16xf32>
        %bitcast_convert_type3A_1677 = tpu.bitcast %get3A_1672 : vector<16xi32> -> vector<16xf32>
        %mul3A_1678 = arith.mulf %gather3A_1629, %bitcast_convert_type3A_1676 : vector<16xf32>
        %mul3A_1679 = arith.mulf %gather3A_1629, %bitcast_convert_type3A_1677 : vector<16xf32>
        %get3A_1680 = arith.index_cast %add3A_1613 : i32 to index
        %get3A_1681 = arith.constant 80 : index
        %get3A_1682 = tpu.vector_load %arg12[%get3A_1680, %get3A_1681] {strides = array<i32>} : memref<392x128xi32, #tpu.memory_space<vmem>>, vector<16xi32>,
        %shift_left3A_1683 = arith.constant 16 : i32
        %shift_left3A_1684 = vector.broadcast %shift_left3A_1683 : i32 to vector<16xi32>
        %shift_left3A_1685 = arith.shli %get3A_1682, %shift_left3A_1684 : vector<16xi32>
        %bitcast_convert_type3A_1686 = tpu.bitcast %shift_left3A_1685 : vector<16xi32> -> vector<16xf32>
        %bitcast_convert_type3A_1687 = tpu.bitcast %get3A_1682 : vector<16xi32> -> vector<16xf32>
        %mul3A_1688 = arith.mulf %gather3A_1629, %bitcast_convert_type3A_1686 : vector<16xf32>
        %mul3A_1689 = arith.mulf %gather3A_1629, %bitcast_convert_type3A_1687 : vector<16xf32>
        %get3A_1690 = arith.index_cast %add3A_1613 : i32 to index
        %get3A_1691 = arith.constant 96 : index
        %get3A_1692 = tpu.vector_load %arg12[%get3A_1690, %get3A_1691] {strides = array<i32>} : memref<392x128xi32, #tpu.memory_space<vmem>>, vector<16xi32>,
        %shift_left3A_1693 = arith.constant 16 : i32
        %shift_left3A_1694 = vector.broadcast %shift_left3A_1693 : i32 to vector<16xi32>
        %shift_left3A_1695 = arith.shli %get3A_1692, %shift_left3A_1694 : vector<16xi32>
        %bitcast_convert_type3A_1696 = tpu.bitcast %shift_left3A_1695 : vector<16xi32> -> vector<16xf32>
        %bitcast_convert_type3A_1697 = tpu.bitcast %get3A_1692 : vector<16xi32> -> vector<16xf32>
        %mul3A_1698 = arith.mulf %gather3A_1629, %bitcast_convert_type3A_1696 : vector<16xf32>
        %mul3A_1699 = arith.mulf %gather3A_1629, %bitcast_convert_type3A_1697 : vector<16xf32>
        %get3A_1700 = arith.index_cast %add3A_1613 : i32 to index
        %get3A_1701 = arith.constant 112 : index
        %get3A_1702 = tpu.vector_load %arg12[%get3A_1700, %get3A_1701] {strides = array<i32>} : memref<392x128xi32, #tpu.memory_space<vmem>>, vector<16xi32>,
        %shift_left3A_1703 = arith.constant 16 : i32
        %shift_left3A_1704 = vector.broadcast %shift_left3A_1703 : i32 to vector<16xi32>
        %shift_left3A_1705 = arith.shli %get3A_1702, %shift_left3A_1704 : vector<16xi32>
        %bitcast_convert_type3A_1706 = tpu.bitcast %shift_left3A_1705 : vector<16xi32> -> vector<16xf32>
        %bitcast_convert_type3A_1707 = tpu.bitcast %get3A_1702 : vector<16xi32> -> vector<16xf32>
        %mul3A_1708 = arith.mulf %gather3A_1629, %bitcast_convert_type3A_1706 : vector<16xf32>
        %mul3A_1709 = arith.mulf %gather3A_1629, %bitcast_convert_type3A_1707 : vector<16xf32>
        %add3A_1710 = arith.addf %add3A_1592, %mul3A_1638 : vector<16xf32>
        %add3A_1711 = arith.addf %add3A_1593, %mul3A_1639 : vector<16xf32>
        %add3A_1712 = arith.addf %add3A_1594, %mul3A_1648 : vector<16xf32>
        %add3A_1713 = arith.addf %add3A_1595, %mul3A_1649 : vector<16xf32>
        %add3A_1714 = arith.addf %add3A_1596, %mul3A_1658 : vector<16xf32>
        %add3A_1715 = arith.addf %add3A_1597, %mul3A_1659 : vector<16xf32>
        %add3A_1716 = arith.addf %add3A_1598, %mul3A_1668 : vector<16xf32>
        %add3A_1717 = arith.addf %add3A_1599, %mul3A_1669 : vector<16xf32>
        %add3A_1718 = arith.addf %add3A_1600, %mul3A_1678 : vector<16xf32>
        %add3A_1719 = arith.addf %add3A_1601, %mul3A_1679 : vector<16xf32>
        %add3A_1720 = arith.addf %add3A_1602, %mul3A_1688 : vector<16xf32>
        %add3A_1721 = arith.addf %add3A_1603, %mul3A_1689 : vector<16xf32>
        %add3A_1722 = arith.addf %add3A_1604, %mul3A_1698 : vector<16xf32>
        %add3A_1723 = arith.addf %add3A_1605, %mul3A_1699 : vector<16xf32>
        %add3A_1724 = arith.addf %add3A_1606, %mul3A_1708 : vector<16xf32>
        %add3A_1725 = arith.addf %add3A_1607, %mul3A_1709 : vector<16xf32>
        %mul3A_1726 = arith.constant 4 : i32
        %mul3A_1727 = arith.muli %mul3A_1726, %scan3A_1389 : i32
        %add3A_1728 = arith.constant 196 : i32
        %add3A_1729 = arith.addi %add3A_1728, %mul3A_1727 : i32
        %add3A_1730 = arith.constant 1 : i32
        %add3A_1731 = arith.addi %add3A_1729, %add3A_1730 : i32
        %mul3A_1732 = arith.constant 4 : i32
        %mul3A_1733 = arith.muli %mul3A_1732, %scan3A_1389 : i32
        %add3A_1734 = arith.constant 448 : i32
        %add3A_1735 = arith.addi %add3A_1734, %mul3A_1733 : i32
        %add3A_1736 = arith.constant 1 : i32
        %add3A_1737 = arith.addi %add3A_1735, %add3A_1736 : i32
        %broadcast_in_dim3A_1738 = vector.broadcast %add3A_1737 : i32 to vector<16xi32>
        %gather3A_1739 = tpu.vector_load_idx %arg11[%broadcast_in_dim3A_1738] : memref<896xf32, #tpu.memory_space<vmem>>[vector<16xi32>], vector<16xf32>,
        %mul3A_1740 = arith.constant 4 : i32
        %mul3A_1741 = arith.muli %mul3A_1740, %scan3A_1389 : i32
        %add3A_1742 = arith.constant 672 : i32
        %add3A_1743 = arith.addi %add3A_1742, %mul3A_1741 : i32
        %add3A_1744 = arith.constant 1 : i32
        %add3A_1745 = arith.addi %add3A_1743, %add3A_1744 : i32
        %broadcast_in_dim3A_1746 = vector.broadcast %add3A_1745 : i32 to vector<16xi32>
        %gather3A_1747 = tpu.vector_load_idx %arg11[%broadcast_in_dim3A_1746] : memref<896xf32, #tpu.memory_space<vmem>>[vector<16xi32>], vector<16xf32>,
        %get3A_1748 = arith.index_cast %add3A_1731 : i32 to index
        %get3A_1749 = arith.constant 0 : index
        %get3A_1750 = tpu.vector_load %arg12[%get3A_1748, %get3A_1749] {strides = array<i32>} : memref<392x128xi32, #tpu.memory_space<vmem>>, vector<16xi32>,
        %shift_left3A_1751 = arith.constant 16 : i32
        %shift_left3A_1752 = vector.broadcast %shift_left3A_1751 : i32 to vector<16xi32>
        %shift_left3A_1753 = arith.shli %get3A_1750, %shift_left3A_1752 : vector<16xi32>
        %bitcast_convert_type3A_1754 = tpu.bitcast %shift_left3A_1753 : vector<16xi32> -> vector<16xf32>
        %bitcast_convert_type3A_1755 = tpu.bitcast %get3A_1750 : vector<16xi32> -> vector<16xf32>
        %mul3A_1756 = arith.mulf %gather3A_1739, %bitcast_convert_type3A_1754 : vector<16xf32>
        %mul3A_1757 = arith.mulf %gather3A_1739, %bitcast_convert_type3A_1755 : vector<16xf32>
        %get3A_1758 = arith.index_cast %add3A_1731 : i32 to index
        %get3A_1759 = arith.constant 16 : index
        %get3A_1760 = tpu.vector_load %arg12[%get3A_1758, %get3A_1759] {strides = array<i32>} : memref<392x128xi32, #tpu.memory_space<vmem>>, vector<16xi32>,
        %shift_left3A_1761 = arith.constant 16 : i32
        %shift_left3A_1762 = vector.broadcast %shift_left3A_1761 : i32 to vector<16xi32>
        %shift_left3A_1763 = arith.shli %get3A_1760, %shift_left3A_1762 : vector<16xi32>
        %bitcast_convert_type3A_1764 = tpu.bitcast %shift_left3A_1763 : vector<16xi32> -> vector<16xf32>
        %bitcast_convert_type3A_1765 = tpu.bitcast %get3A_1760 : vector<16xi32> -> vector<16xf32>
        %mul3A_1766 = arith.mulf %gather3A_1739, %bitcast_convert_type3A_1764 : vector<16xf32>
        %mul3A_1767 = arith.mulf %gather3A_1739, %bitcast_convert_type3A_1765 : vector<16xf32>
        %get3A_1768 = arith.index_cast %add3A_1731 : i32 to index
        %get3A_1769 = arith.constant 32 : index
        %get3A_1770 = tpu.vector_load %arg12[%get3A_1768, %get3A_1769] {strides = array<i32>} : memref<392x128xi32, #tpu.memory_space<vmem>>, vector<16xi32>,
        %shift_left3A_1771 = arith.constant 16 : i32
        %shift_left3A_1772 = vector.broadcast %shift_left3A_1771 : i32 to vector<16xi32>
        %shift_left3A_1773 = arith.shli %get3A_1770, %shift_left3A_1772 : vector<16xi32>
        %bitcast_convert_type3A_1774 = tpu.bitcast %shift_left3A_1773 : vector<16xi32> -> vector<16xf32>
        %bitcast_convert_type3A_1775 = tpu.bitcast %get3A_1770 : vector<16xi32> -> vector<16xf32>
        %mul3A_1776 = arith.mulf %gather3A_1739, %bitcast_convert_type3A_1774 : vector<16xf32>
        %mul3A_1777 = arith.mulf %gather3A_1739, %bitcast_convert_type3A_1775 : vector<16xf32>
        %get3A_1778 = arith.index_cast %add3A_1731 : i32 to index
        %get3A_1779 = arith.constant 48 : index
        %get3A_1780 = tpu.vector_load %arg12[%get3A_1778, %get3A_1779] {strides = array<i32>} : memref<392x128xi32, #tpu.memory_space<vmem>>, vector<16xi32>,
        %shift_left3A_1781 = arith.constant 16 : i32
        %shift_left3A_1782 = vector.broadcast %shift_left3A_1781 : i32 to vector<16xi32>
        %shift_left3A_1783 = arith.shli %get3A_1780, %shift_left3A_1782 : vector<16xi32>
        %bitcast_convert_type3A_1784 = tpu.bitcast %shift_left3A_1783 : vector<16xi32> -> vector<16xf32>
        %bitcast_convert_type3A_1785 = tpu.bitcast %get3A_1780 : vector<16xi32> -> vector<16xf32>
        %mul3A_1786 = arith.mulf %gather3A_1739, %bitcast_convert_type3A_1784 : vector<16xf32>
        %mul3A_1787 = arith.mulf %gather3A_1739, %bitcast_convert_type3A_1785 : vector<16xf32>
        %get3A_1788 = arith.index_cast %add3A_1731 : i32 to index
        %get3A_1789 = arith.constant 64 : index
        %get3A_1790 = tpu.vector_load %arg12[%get3A_1788, %get3A_1789] {strides = array<i32>} : memref<392x128xi32, #tpu.memory_space<vmem>>, vector<16xi32>,
        %shift_left3A_1791 = arith.constant 16 : i32
        %shift_left3A_1792 = vector.broadcast %shift_left3A_1791 : i32 to vector<16xi32>
        %shift_left3A_1793 = arith.shli %get3A_1790, %shift_left3A_1792 : vector<16xi32>
        %bitcast_convert_type3A_1794 = tpu.bitcast %shift_left3A_1793 : vector<16xi32> -> vector<16xf32>
        %bitcast_convert_type3A_1795 = tpu.bitcast %get3A_1790 : vector<16xi32> -> vector<16xf32>
        %mul3A_1796 = arith.mulf %gather3A_1747, %bitcast_convert_type3A_1794 : vector<16xf32>
        %mul3A_1797 = arith.mulf %gather3A_1747, %bitcast_convert_type3A_1795 : vector<16xf32>
        %get3A_1798 = arith.index_cast %add3A_1731 : i32 to index
        %get3A_1799 = arith.constant 80 : index
        %get3A_1800 = tpu.vector_load %arg12[%get3A_1798, %get3A_1799] {strides = array<i32>} : memref<392x128xi32, #tpu.memory_space<vmem>>, vector<16xi32>,
        %shift_left3A_1801 = arith.constant 16 : i32
        %shift_left3A_1802 = vector.broadcast %shift_left3A_1801 : i32 to vector<16xi32>
        %shift_left3A_1803 = arith.shli %get3A_1800, %shift_left3A_1802 : vector<16xi32>
        %bitcast_convert_type3A_1804 = tpu.bitcast %shift_left3A_1803 : vector<16xi32> -> vector<16xf32>
        %bitcast_convert_type3A_1805 = tpu.bitcast %get3A_1800 : vector<16xi32> -> vector<16xf32>
        %mul3A_1806 = arith.mulf %gather3A_1747, %bitcast_convert_type3A_1804 : vector<16xf32>
        %mul3A_1807 = arith.mulf %gather3A_1747, %bitcast_convert_type3A_1805 : vector<16xf32>
        %get3A_1808 = arith.index_cast %add3A_1731 : i32 to index
        %get3A_1809 = arith.constant 96 : index
        %get3A_1810 = tpu.vector_load %arg12[%get3A_1808, %get3A_1809] {strides = array<i32>} : memref<392x128xi32, #tpu.memory_space<vmem>>, vector<16xi32>,
        %shift_left3A_1811 = arith.constant 16 : i32
        %shift_left3A_1812 = vector.broadcast %shift_left3A_1811 : i32 to vector<16xi32>
        %shift_left3A_1813 = arith.shli %get3A_1810, %shift_left3A_1812 : vector<16xi32>
        %bitcast_convert_type3A_1814 = tpu.bitcast %shift_left3A_1813 : vector<16xi32> -> vector<16xf32>
        %bitcast_convert_type3A_1815 = tpu.bitcast %get3A_1810 : vector<16xi32> -> vector<16xf32>
        %mul3A_1816 = arith.mulf %gather3A_1747, %bitcast_convert_type3A_1814 : vector<16xf32>
        %mul3A_1817 = arith.mulf %gather3A_1747, %bitcast_convert_type3A_1815 : vector<16xf32>
        %get3A_1818 = arith.index_cast %add3A_1731 : i32 to index
        %get3A_1819 = arith.constant 112 : index
        %get3A_1820 = tpu.vector_load %arg12[%get3A_1818, %get3A_1819] {strides = array<i32>} : memref<392x128xi32, #tpu.memory_space<vmem>>, vector<16xi32>,
        %shift_left3A_1821 = arith.constant 16 : i32
        %shift_left3A_1822 = vector.broadcast %shift_left3A_1821 : i32 to vector<16xi32>
        %shift_left3A_1823 = arith.shli %get3A_1820, %shift_left3A_1822 : vector<16xi32>
        %bitcast_convert_type3A_1824 = tpu.bitcast %shift_left3A_1823 : vector<16xi32> -> vector<16xf32>
        %bitcast_convert_type3A_1825 = tpu.bitcast %get3A_1820 : vector<16xi32> -> vector<16xf32>
        %mul3A_1826 = arith.mulf %gather3A_1747, %bitcast_convert_type3A_1824 : vector<16xf32>
        %mul3A_1827 = arith.mulf %gather3A_1747, %bitcast_convert_type3A_1825 : vector<16xf32>
        %add3A_1828 = arith.addf %add3A_1710, %mul3A_1756 : vector<16xf32>
        %add3A_1829 = arith.addf %add3A_1711, %mul3A_1757 : vector<16xf32>
        %add3A_1830 = arith.addf %add3A_1712, %mul3A_1766 : vector<16xf32>
        %add3A_1831 = arith.addf %add3A_1713, %mul3A_1767 : vector<16xf32>
        %add3A_1832 = arith.addf %add3A_1714, %mul3A_1776 : vector<16xf32>
        %add3A_1833 = arith.addf %add3A_1715, %mul3A_1777 : vector<16xf32>
        %add3A_1834 = arith.addf %add3A_1716, %mul3A_1786 : vector<16xf32>
        %add3A_1835 = arith.addf %add3A_1717, %mul3A_1787 : vector<16xf32>
        %add3A_1836 = arith.addf %add3A_1718, %mul3A_1796 : vector<16xf32>
        %add3A_1837 = arith.addf %add3A_1719, %mul3A_1797 : vector<16xf32>
        %add3A_1838 = arith.addf %add3A_1720, %mul3A_1806 : vector<16xf32>
        %add3A_1839 = arith.addf %add3A_1721, %mul3A_1807 : vector<16xf32>
        %add3A_1840 = arith.addf %add3A_1722, %mul3A_1816 : vector<16xf32>
        %add3A_1841 = arith.addf %add3A_1723, %mul3A_1817 : vector<16xf32>
        %add3A_1842 = arith.addf %add3A_1724, %mul3A_1826 : vector<16xf32>
        %add3A_1843 = arith.addf %add3A_1725, %mul3A_1827 : vector<16xf32>
        %mul3A_1844 = arith.constant 4 : i32
        %mul3A_1845 = arith.muli %mul3A_1844, %scan3A_1389 : i32
        %add3A_1846 = arith.constant 0 : i32
        %add3A_1847 = arith.addi %add3A_1846, %mul3A_1845 : i32
        %add3A_1848 = arith.constant 2 : i32
        %add3A_1849 = arith.addi %add3A_1847, %add3A_1848 : i32
        %mul3A_1850 = arith.constant 4 : i32
        %mul3A_1851 = arith.muli %mul3A_1850, %scan3A_1389 : i32
        %add3A_1852 = arith.constant 0 : i32
        %add3A_1853 = arith.addi %add3A_1852, %mul3A_1851 : i32
        %add3A_1854 = arith.constant 2 : i32
        %add3A_1855 = arith.addi %add3A_1853, %add3A_1854 : i32
        %broadcast_in_dim3A_1856 = vector.broadcast %add3A_1855 : i32 to vector<16xi32>
        %gather3A_1857 = tpu.vector_load_idx %arg11[%broadcast_in_dim3A_1856] : memref<896xf32, #tpu.memory_space<vmem>>[vector<16xi32>], vector<16xf32>,
        %mul3A_1858 = arith.constant 4 : i32
        %mul3A_1859 = arith.muli %mul3A_1858, %scan3A_1389 : i32
        %add3A_1860 = arith.constant 224 : i32
        %add3A_1861 = arith.addi %add3A_1860, %mul3A_1859 : i32
        %add3A_1862 = arith.constant 2 : i32
        %add3A_1863 = arith.addi %add3A_1861, %add3A_1862 : i32
        %broadcast_in_dim3A_1864 = vector.broadcast %add3A_1863 : i32 to vector<16xi32>
        %gather3A_1865 = tpu.vector_load_idx %arg11[%broadcast_in_dim3A_1864] : memref<896xf32, #tpu.memory_space<vmem>>[vector<16xi32>], vector<16xf32>,
        %get3A_1866 = arith.index_cast %add3A_1849 : i32 to index
        %get3A_1867 = arith.constant 0 : index
        %get3A_1868 = tpu.vector_load %arg12[%get3A_1866, %get3A_1867] {strides = array<i32>} : memref<392x128xi32, #tpu.memory_space<vmem>>, vector<16xi32>,
        %shift_left3A_1869 = arith.constant 16 : i32
        %shift_left3A_1870 = vector.broadcast %shift_left3A_1869 : i32 to vector<16xi32>
        %shift_left3A_1871 = arith.shli %get3A_1868, %shift_left3A_1870 : vector<16xi32>
        %bitcast_convert_type3A_1872 = tpu.bitcast %shift_left3A_1871 : vector<16xi32> -> vector<16xf32>
        %bitcast_convert_type3A_1873 = tpu.bitcast %get3A_1868 : vector<16xi32> -> vector<16xf32>
        %mul3A_1874 = arith.mulf %gather3A_1857, %bitcast_convert_type3A_1872 : vector<16xf32>
        %mul3A_1875 = arith.mulf %gather3A_1857, %bitcast_convert_type3A_1873 : vector<16xf32>
        %get3A_1876 = arith.index_cast %add3A_1849 : i32 to index
        %get3A_1877 = arith.constant 16 : index
        %get3A_1878 = tpu.vector_load %arg12[%get3A_1876, %get3A_1877] {strides = array<i32>} : memref<392x128xi32, #tpu.memory_space<vmem>>, vector<16xi32>,
        %shift_left3A_1879 = arith.constant 16 : i32
        %shift_left3A_1880 = vector.broadcast %shift_left3A_1879 : i32 to vector<16xi32>
        %shift_left3A_1881 = arith.shli %get3A_1878, %shift_left3A_1880 : vector<16xi32>
        %bitcast_convert_type3A_1882 = tpu.bitcast %shift_left3A_1881 : vector<16xi32> -> vector<16xf32>
        %bitcast_convert_type3A_1883 = tpu.bitcast %get3A_1878 : vector<16xi32> -> vector<16xf32>
        %mul3A_1884 = arith.mulf %gather3A_1857, %bitcast_convert_type3A_1882 : vector<16xf32>
        %mul3A_1885 = arith.mulf %gather3A_1857, %bitcast_convert_type3A_1883 : vector<16xf32>
        %get3A_1886 = arith.index_cast %add3A_1849 : i32 to index
        %get3A_1887 = arith.constant 32 : index
        %get3A_1888 = tpu.vector_load %arg12[%get3A_1886, %get3A_1887] {strides = array<i32>} : memref<392x128xi32, #tpu.memory_space<vmem>>, vector<16xi32>,
        %shift_left3A_1889 = arith.constant 16 : i32
        %shift_left3A_1890 = vector.broadcast %shift_left3A_1889 : i32 to vector<16xi32>
        %shift_left3A_1891 = arith.shli %get3A_1888, %shift_left3A_1890 : vector<16xi32>
        %bitcast_convert_type3A_1892 = tpu.bitcast %shift_left3A_1891 : vector<16xi32> -> vector<16xf32>
        %bitcast_convert_type3A_1893 = tpu.bitcast %get3A_1888 : vector<16xi32> -> vector<16xf32>
        %mul3A_1894 = arith.mulf %gather3A_1857, %bitcast_convert_type3A_1892 : vector<16xf32>
        %mul3A_1895 = arith.mulf %gather3A_1857, %bitcast_convert_type3A_1893 : vector<16xf32>
        %get3A_1896 = arith.index_cast %add3A_1849 : i32 to index
        %get3A_1897 = arith.constant 48 : index
        %get3A_1898 = tpu.vector_load %arg12[%get3A_1896, %get3A_1897] {strides = array<i32>} : memref<392x128xi32, #tpu.memory_space<vmem>>, vector<16xi32>,
        %shift_left3A_1899 = arith.constant 16 : i32
        %shift_left3A_1900 = vector.broadcast %shift_left3A_1899 : i32 to vector<16xi32>
        %shift_left3A_1901 = arith.shli %get3A_1898, %shift_left3A_1900 : vector<16xi32>
        %bitcast_convert_type3A_1902 = tpu.bitcast %shift_left3A_1901 : vector<16xi32> -> vector<16xf32>
        %bitcast_convert_type3A_1903 = tpu.bitcast %get3A_1898 : vector<16xi32> -> vector<16xf32>
        %mul3A_1904 = arith.mulf %gather3A_1857, %bitcast_convert_type3A_1902 : vector<16xf32>
        %mul3A_1905 = arith.mulf %gather3A_1857, %bitcast_convert_type3A_1903 : vector<16xf32>
        %get3A_1906 = arith.index_cast %add3A_1849 : i32 to index
        %get3A_1907 = arith.constant 64 : index
        %get3A_1908 = tpu.vector_load %arg12[%get3A_1906, %get3A_1907] {strides = array<i32>} : memref<392x128xi32, #tpu.memory_space<vmem>>, vector<16xi32>,
        %shift_left3A_1909 = arith.constant 16 : i32
        %shift_left3A_1910 = vector.broadcast %shift_left3A_1909 : i32 to vector<16xi32>
        %shift_left3A_1911 = arith.shli %get3A_1908, %shift_left3A_1910 : vector<16xi32>
        %bitcast_convert_type3A_1912 = tpu.bitcast %shift_left3A_1911 : vector<16xi32> -> vector<16xf32>
        %bitcast_convert_type3A_1913 = tpu.bitcast %get3A_1908 : vector<16xi32> -> vector<16xf32>
        %mul3A_1914 = arith.mulf %gather3A_1865, %bitcast_convert_type3A_1912 : vector<16xf32>
        %mul3A_1915 = arith.mulf %gather3A_1865, %bitcast_convert_type3A_1913 : vector<16xf32>
        %get3A_1916 = arith.index_cast %add3A_1849 : i32 to index
        %get3A_1917 = arith.constant 80 : index
        %get3A_1918 = tpu.vector_load %arg12[%get3A_1916, %get3A_1917] {strides = array<i32>} : memref<392x128xi32, #tpu.memory_space<vmem>>, vector<16xi32>,
        %shift_left3A_1919 = arith.constant 16 : i32
        %shift_left3A_1920 = vector.broadcast %shift_left3A_1919 : i32 to vector<16xi32>
        %shift_left3A_1921 = arith.shli %get3A_1918, %shift_left3A_1920 : vector<16xi32>
        %bitcast_convert_type3A_1922 = tpu.bitcast %shift_left3A_1921 : vector<16xi32> -> vector<16xf32>
        %bitcast_convert_type3A_1923 = tpu.bitcast %get3A_1918 : vector<16xi32> -> vector<16xf32>
        %mul3A_1924 = arith.mulf %gather3A_1865, %bitcast_convert_type3A_1922 : vector<16xf32>
        %mul3A_1925 = arith.mulf %gather3A_1865, %bitcast_convert_type3A_1923 : vector<16xf32>
        %get3A_1926 = arith.index_cast %add3A_1849 : i32 to index
        %get3A_1927 = arith.constant 96 : index
        %get3A_1928 = tpu.vector_load %arg12[%get3A_1926, %get3A_1927] {strides = array<i32>} : memref<392x128xi32, #tpu.memory_space<vmem>>, vector<16xi32>,
        %shift_left3A_1929 = arith.constant 16 : i32
        %shift_left3A_1930 = vector.broadcast %shift_left3A_1929 : i32 to vector<16xi32>
        %shift_left3A_1931 = arith.shli %get3A_1928, %shift_left3A_1930 : vector<16xi32>
        %bitcast_convert_type3A_1932 = tpu.bitcast %shift_left3A_1931 : vector<16xi32> -> vector<16xf32>
        %bitcast_convert_type3A_1933 = tpu.bitcast %get3A_1928 : vector<16xi32> -> vector<16xf32>
        %mul3A_1934 = arith.mulf %gather3A_1865, %bitcast_convert_type3A_1932 : vector<16xf32>
        %mul3A_1935 = arith.mulf %gather3A_1865, %bitcast_convert_type3A_1933 : vector<16xf32>
        %get3A_1936 = arith.index_cast %add3A_1849 : i32 to index
        %get3A_1937 = arith.constant 112 : index
        %get3A_1938 = tpu.vector_load %arg12[%get3A_1936, %get3A_1937] {strides = array<i32>} : memref<392x128xi32, #tpu.memory_space<vmem>>, vector<16xi32>,
        %shift_left3A_1939 = arith.constant 16 : i32
        %shift_left3A_1940 = vector.broadcast %shift_left3A_1939 : i32 to vector<16xi32>
        %shift_left3A_1941 = arith.shli %get3A_1938, %shift_left3A_1940 : vector<16xi32>
        %bitcast_convert_type3A_1942 = tpu.bitcast %shift_left3A_1941 : vector<16xi32> -> vector<16xf32>
        %bitcast_convert_type3A_1943 = tpu.bitcast %get3A_1938 : vector<16xi32> -> vector<16xf32>
        %mul3A_1944 = arith.mulf %gather3A_1865, %bitcast_convert_type3A_1942 : vector<16xf32>
        %mul3A_1945 = arith.mulf %gather3A_1865, %bitcast_convert_type3A_1943 : vector<16xf32>
        %add3A_1946 = arith.addf %add3A_1828, %mul3A_1874 : vector<16xf32>
        %add3A_1947 = arith.addf %add3A_1829, %mul3A_1875 : vector<16xf32>
        %add3A_1948 = arith.addf %add3A_1830, %mul3A_1884 : vector<16xf32>
        %add3A_1949 = arith.addf %add3A_1831, %mul3A_1885 : vector<16xf32>
        %add3A_1950 = arith.addf %add3A_1832, %mul3A_1894 : vector<16xf32>
        %add3A_1951 = arith.addf %add3A_1833, %mul3A_1895 : vector<16xf32>
        %add3A_1952 = arith.addf %add3A_1834, %mul3A_1904 : vector<16xf32>
        %add3A_1953 = arith.addf %add3A_1835, %mul3A_1905 : vector<16xf32>
        %add3A_1954 = arith.addf %add3A_1836, %mul3A_1914 : vector<16xf32>
        %add3A_1955 = arith.addf %add3A_1837, %mul3A_1915 : vector<16xf32>
        %add3A_1956 = arith.addf %add3A_1838, %mul3A_1924 : vector<16xf32>
        %add3A_1957 = arith.addf %add3A_1839, %mul3A_1925 : vector<16xf32>
        %add3A_1958 = arith.addf %add3A_1840, %mul3A_1934 : vector<16xf32>
        %add3A_1959 = arith.addf %add3A_1841, %mul3A_1935 : vector<16xf32>
        %add3A_1960 = arith.addf %add3A_1842, %mul3A_1944 : vector<16xf32>
        %add3A_1961 = arith.addf %add3A_1843, %mul3A_1945 : vector<16xf32>
        %mul3A_1962 = arith.constant 4 : i32
        %mul3A_1963 = arith.muli %mul3A_1962, %scan3A_1389 : i32
        %add3A_1964 = arith.constant 196 : i32
        %add3A_1965 = arith.addi %add3A_1964, %mul3A_1963 : i32
        %add3A_1966 = arith.constant 2 : i32
        %add3A_1967 = arith.addi %add3A_1965, %add3A_1966 : i32
        %mul3A_1968 = arith.constant 4 : i32
        %mul3A_1969 = arith.muli %mul3A_1968, %scan3A_1389 : i32
        %add3A_1970 = arith.constant 448 : i32
        %add3A_1971 = arith.addi %add3A_1970, %mul3A_1969 : i32
        %add3A_1972 = arith.constant 2 : i32
        %add3A_1973 = arith.addi %add3A_1971, %add3A_1972 : i32
        %broadcast_in_dim3A_1974 = vector.broadcast %add3A_1973 : i32 to vector<16xi32>
        %gather3A_1975 = tpu.vector_load_idx %arg11[%broadcast_in_dim3A_1974] : memref<896xf32, #tpu.memory_space<vmem>>[vector<16xi32>], vector<16xf32>,
        %mul3A_1976 = arith.constant 4 : i32
        %mul3A_1977 = arith.muli %mul3A_1976, %scan3A_1389 : i32
        %add3A_1978 = arith.constant 672 : i32
        %add3A_1979 = arith.addi %add3A_1978, %mul3A_1977 : i32
        %add3A_1980 = arith.constant 2 : i32
        %add3A_1981 = arith.addi %add3A_1979, %add3A_1980 : i32
        %broadcast_in_dim3A_1982 = vector.broadcast %add3A_1981 : i32 to vector<16xi32>
        %gather3A_1983 = tpu.vector_load_idx %arg11[%broadcast_in_dim3A_1982] : memref<896xf32, #tpu.memory_space<vmem>>[vector<16xi32>], vector<16xf32>,
        %get3A_1984 = arith.index_cast %add3A_1967 : i32 to index
        %get3A_1985 = arith.constant 0 : index
        %get3A_1986 = tpu.vector_load %arg12[%get3A_1984, %get3A_1985] {strides = array<i32>} : memref<392x128xi32, #tpu.memory_space<vmem>>, vector<16xi32>,
        %shift_left3A_1987 = arith.constant 16 : i32
        %shift_left3A_1988 = vector.broadcast %shift_left3A_1987 : i32 to vector<16xi32>
        %shift_left3A_1989 = arith.shli %get3A_1986, %shift_left3A_1988 : vector<16xi32>
        %bitcast_convert_type3A_1990 = tpu.bitcast %shift_left3A_1989 : vector<16xi32> -> vector<16xf32>
        %bitcast_convert_type3A_1991 = tpu.bitcast %get3A_1986 : vector<16xi32> -> vector<16xf32>
        %mul3A_1992 = arith.mulf %gather3A_1975, %bitcast_convert_type3A_1990 : vector<16xf32>
        %mul3A_1993 = arith.mulf %gather3A_1975, %bitcast_convert_type3A_1991 : vector<16xf32>
        %get3A_1994 = arith.index_cast %add3A_1967 : i32 to index
        %get3A_1995 = arith.constant 16 : index
        %get3A_1996 = tpu.vector_load %arg12[%get3A_1994, %get3A_1995] {strides = array<i32>} : memref<392x128xi32, #tpu.memory_space<vmem>>, vector<16xi32>,
        %shift_left3A_1997 = arith.constant 16 : i32
        %shift_left3A_1998 = vector.broadcast %shift_left3A_1997 : i32 to vector<16xi32>
        %shift_left3A_1999 = arith.shli %get3A_1996, %shift_left3A_1998 : vector<16xi32>
        %bitcast_convert_type3A_2000 = tpu.bitcast %shift_left3A_1999 : vector<16xi32> -> vector<16xf32>
        %bitcast_convert_type3A_2001 = tpu.bitcast %get3A_1996 : vector<16xi32> -> vector<16xf32>
        %mul3A_2002 = arith.mulf %gather3A_1975, %bitcast_convert_type3A_2000 : vector<16xf32>
        %mul3A_2003 = arith.mulf %gather3A_1975, %bitcast_convert_type3A_2001 : vector<16xf32>
        %get3A_2004 = arith.index_cast %add3A_1967 : i32 to index
        %get3A_2005 = arith.constant 32 : index
        %get3A_2006 = tpu.vector_load %arg12[%get3A_2004, %get3A_2005] {strides = array<i32>} : memref<392x128xi32, #tpu.memory_space<vmem>>, vector<16xi32>,
        %shift_left3A_2007 = arith.constant 16 : i32
        %shift_left3A_2008 = vector.broadcast %shift_left3A_2007 : i32 to vector<16xi32>
        %shift_left3A_2009 = arith.shli %get3A_2006, %shift_left3A_2008 : vector<16xi32>
        %bitcast_convert_type3A_2010 = tpu.bitcast %shift_left3A_2009 : vector<16xi32> -> vector<16xf32>
        %bitcast_convert_type3A_2011 = tpu.bitcast %get3A_2006 : vector<16xi32> -> vector<16xf32>
        %mul3A_2012 = arith.mulf %gather3A_1975, %bitcast_convert_type3A_2010 : vector<16xf32>
        %mul3A_2013 = arith.mulf %gather3A_1975, %bitcast_convert_type3A_2011 : vector<16xf32>
        %get3A_2014 = arith.index_cast %add3A_1967 : i32 to index
        %get3A_2015 = arith.constant 48 : index
        %get3A_2016 = tpu.vector_load %arg12[%get3A_2014, %get3A_2015] {strides = array<i32>} : memref<392x128xi32, #tpu.memory_space<vmem>>, vector<16xi32>,
        %shift_left3A_2017 = arith.constant 16 : i32
        %shift_left3A_2018 = vector.broadcast %shift_left3A_2017 : i32 to vector<16xi32>
        %shift_left3A_2019 = arith.shli %get3A_2016, %shift_left3A_2018 : vector<16xi32>
        %bitcast_convert_type3A_2020 = tpu.bitcast %shift_left3A_2019 : vector<16xi32> -> vector<16xf32>
        %bitcast_convert_type3A_2021 = tpu.bitcast %get3A_2016 : vector<16xi32> -> vector<16xf32>
        %mul3A_2022 = arith.mulf %gather3A_1975, %bitcast_convert_type3A_2020 : vector<16xf32>
        %mul3A_2023 = arith.mulf %gather3A_1975, %bitcast_convert_type3A_2021 : vector<16xf32>
        %get3A_2024 = arith.index_cast %add3A_1967 : i32 to index
        %get3A_2025 = arith.constant 64 : index
        %get3A_2026 = tpu.vector_load %arg12[%get3A_2024, %get3A_2025] {strides = array<i32>} : memref<392x128xi32, #tpu.memory_space<vmem>>, vector<16xi32>,
        %shift_left3A_2027 = arith.constant 16 : i32
        %shift_left3A_2028 = vector.broadcast %shift_left3A_2027 : i32 to vector<16xi32>
        %shift_left3A_2029 = arith.shli %get3A_2026, %shift_left3A_2028 : vector<16xi32>
        %bitcast_convert_type3A_2030 = tpu.bitcast %shift_left3A_2029 : vector<16xi32> -> vector<16xf32>
        %bitcast_convert_type3A_2031 = tpu.bitcast %get3A_2026 : vector<16xi32> -> vector<16xf32>
        %mul3A_2032 = arith.mulf %gather3A_1983, %bitcast_convert_type3A_2030 : vector<16xf32>
        %mul3A_2033 = arith.mulf %gather3A_1983, %bitcast_convert_type3A_2031 : vector<16xf32>
        %get3A_2034 = arith.index_cast %add3A_1967 : i32 to index
        %get3A_2035 = arith.constant 80 : index
        %get3A_2036 = tpu.vector_load %arg12[%get3A_2034, %get3A_2035] {strides = array<i32>} : memref<392x128xi32, #tpu.memory_space<vmem>>, vector<16xi32>,
        %shift_left3A_2037 = arith.constant 16 : i32
        %shift_left3A_2038 = vector.broadcast %shift_left3A_2037 : i32 to vector<16xi32>
        %shift_left3A_2039 = arith.shli %get3A_2036, %shift_left3A_2038 : vector<16xi32>
        %bitcast_convert_type3A_2040 = tpu.bitcast %shift_left3A_2039 : vector<16xi32> -> vector<16xf32>
        %bitcast_convert_type3A_2041 = tpu.bitcast %get3A_2036 : vector<16xi32> -> vector<16xf32>
        %mul3A_2042 = arith.mulf %gather3A_1983, %bitcast_convert_type3A_2040 : vector<16xf32>
        %mul3A_2043 = arith.mulf %gather3A_1983, %bitcast_convert_type3A_2041 : vector<16xf32>
        %get3A_2044 = arith.index_cast %add3A_1967 : i32 to index
        %get3A_2045 = arith.constant 96 : index
        %get3A_2046 = tpu.vector_load %arg12[%get3A_2044, %get3A_2045] {strides = array<i32>} : memref<392x128xi32, #tpu.memory_space<vmem>>, vector<16xi32>,
        %shift_left3A_2047 = arith.constant 16 : i32
        %shift_left3A_2048 = vector.broadcast %shift_left3A_2047 : i32 to vector<16xi32>
        %shift_left3A_2049 = arith.shli %get3A_2046, %shift_left3A_2048 : vector<16xi32>
        %bitcast_convert_type3A_2050 = tpu.bitcast %shift_left3A_2049 : vector<16xi32> -> vector<16xf32>
        %bitcast_convert_type3A_2051 = tpu.bitcast %get3A_2046 : vector<16xi32> -> vector<16xf32>
        %mul3A_2052 = arith.mulf %gather3A_1983, %bitcast_convert_type3A_2050 : vector<16xf32>
        %mul3A_2053 = arith.mulf %gather3A_1983, %bitcast_convert_type3A_2051 : vector<16xf32>
        %get3A_2054 = arith.index_cast %add3A_1967 : i32 to index
        %get3A_2055 = arith.constant 112 : index
        %get3A_2056 = tpu.vector_load %arg12[%get3A_2054, %get3A_2055] {strides = array<i32>} : memref<392x128xi32, #tpu.memory_space<vmem>>, vector<16xi32>,
        %shift_left3A_2057 = arith.constant 16 : i32
        %shift_left3A_2058 = vector.broadcast %shift_left3A_2057 : i32 to vector<16xi32>
        %shift_left3A_2059 = arith.shli %get3A_2056, %shift_left3A_2058 : vector<16xi32>
        %bitcast_convert_type3A_2060 = tpu.bitcast %shift_left3A_2059 : vector<16xi32> -> vector<16xf32>
        %bitcast_convert_type3A_2061 = tpu.bitcast %get3A_2056 : vector<16xi32> -> vector<16xf32>
        %mul3A_2062 = arith.mulf %gather3A_1983, %bitcast_convert_type3A_2060 : vector<16xf32>
        %mul3A_2063 = arith.mulf %gather3A_1983, %bitcast_convert_type3A_2061 : vector<16xf32>
        %add3A_2064 = arith.addf %add3A_1946, %mul3A_1992 : vector<16xf32>
        %add3A_2065 = arith.addf %add3A_1947, %mul3A_1993 : vector<16xf32>
        %add3A_2066 = arith.addf %add3A_1948, %mul3A_2002 : vector<16xf32>
        %add3A_2067 = arith.addf %add3A_1949, %mul3A_2003 : vector<16xf32>
        %add3A_2068 = arith.addf %add3A_1950, %mul3A_2012 : vector<16xf32>
        %add3A_2069 = arith.addf %add3A_1951, %mul3A_2013 : vector<16xf32>
        %add3A_2070 = arith.addf %add3A_1952, %mul3A_2022 : vector<16xf32>
        %add3A_2071 = arith.addf %add3A_1953, %mul3A_2023 : vector<16xf32>
        %add3A_2072 = arith.addf %add3A_1954, %mul3A_2032 : vector<16xf32>
        %add3A_2073 = arith.addf %add3A_1955, %mul3A_2033 : vector<16xf32>
        %add3A_2074 = arith.addf %add3A_1956, %mul3A_2042 : vector<16xf32>
        %add3A_2075 = arith.addf %add3A_1957, %mul3A_2043 : vector<16xf32>
        %add3A_2076 = arith.addf %add3A_1958, %mul3A_2052 : vector<16xf32>
        %add3A_2077 = arith.addf %add3A_1959, %mul3A_2053 : vector<16xf32>
        %add3A_2078 = arith.addf %add3A_1960, %mul3A_2062 : vector<16xf32>
        %add3A_2079 = arith.addf %add3A_1961, %mul3A_2063 : vector<16xf32>
        %mul3A_2080 = arith.constant 4 : i32
        %mul3A_2081 = arith.muli %mul3A_2080, %scan3A_1389 : i32
        %add3A_2082 = arith.constant 0 : i32
        %add3A_2083 = arith.addi %add3A_2082, %mul3A_2081 : i32
        %add3A_2084 = arith.constant 3 : i32
        %add3A_2085 = arith.addi %add3A_2083, %add3A_2084 : i32
        %mul3A_2086 = arith.constant 4 : i32
        %mul3A_2087 = arith.muli %mul3A_2086, %scan3A_1389 : i32
        %add3A_2088 = arith.constant 0 : i32
        %add3A_2089 = arith.addi %add3A_2088, %mul3A_2087 : i32
        %add3A_2090 = arith.constant 3 : i32
        %add3A_2091 = arith.addi %add3A_2089, %add3A_2090 : i32
        %broadcast_in_dim3A_2092 = vector.broadcast %add3A_2091 : i32 to vector<16xi32>
        %gather3A_2093 = tpu.vector_load_idx %arg11[%broadcast_in_dim3A_2092] : memref<896xf32, #tpu.memory_space<vmem>>[vector<16xi32>], vector<16xf32>,
        %mul3A_2094 = arith.constant 4 : i32
        %mul3A_2095 = arith.muli %mul3A_2094, %scan3A_1389 : i32
        %add3A_2096 = arith.constant 224 : i32
        %add3A_2097 = arith.addi %add3A_2096, %mul3A_2095 : i32
        %add3A_2098 = arith.constant 3 : i32
        %add3A_2099 = arith.addi %add3A_2097, %add3A_2098 : i32
        %broadcast_in_dim3A_2100 = vector.broadcast %add3A_2099 : i32 to vector<16xi32>
        %gather3A_2101 = tpu.vector_load_idx %arg11[%broadcast_in_dim3A_2100] : memref<896xf32, #tpu.memory_space<vmem>>[vector<16xi32>], vector<16xf32>,
        %get3A_2102 = arith.index_cast %add3A_2085 : i32 to index
        %get3A_2103 = arith.constant 0 : index
        %get3A_2104 = tpu.vector_load %arg12[%get3A_2102, %get3A_2103] {strides = array<i32>} : memref<392x128xi32, #tpu.memory_space<vmem>>, vector<16xi32>,
        %shift_left3A_2105 = arith.constant 16 : i32
        %shift_left3A_2106 = vector.broadcast %shift_left3A_2105 : i32 to vector<16xi32>
        %shift_left3A_2107 = arith.shli %get3A_2104, %shift_left3A_2106 : vector<16xi32>
        %bitcast_convert_type3A_2108 = tpu.bitcast %shift_left3A_2107 : vector<16xi32> -> vector<16xf32>
        %bitcast_convert_type3A_2109 = tpu.bitcast %get3A_2104 : vector<16xi32> -> vector<16xf32>
        %mul3A_2110 = arith.mulf %gather3A_2093, %bitcast_convert_type3A_2108 : vector<16xf32>
        %mul3A_2111 = arith.mulf %gather3A_2093, %bitcast_convert_type3A_2109 : vector<16xf32>
        %get3A_2112 = arith.index_cast %add3A_2085 : i32 to index
        %get3A_2113 = arith.constant 16 : index
        %get3A_2114 = tpu.vector_load %arg12[%get3A_2112, %get3A_2113] {strides = array<i32>} : memref<392x128xi32, #tpu.memory_space<vmem>>, vector<16xi32>,
        %shift_left3A_2115 = arith.constant 16 : i32
        %shift_left3A_2116 = vector.broadcast %shift_left3A_2115 : i32 to vector<16xi32>
        %shift_left3A_2117 = arith.shli %get3A_2114, %shift_left3A_2116 : vector<16xi32>
        %bitcast_convert_type3A_2118 = tpu.bitcast %shift_left3A_2117 : vector<16xi32> -> vector<16xf32>
        %bitcast_convert_type3A_2119 = tpu.bitcast %get3A_2114 : vector<16xi32> -> vector<16xf32>
        %mul3A_2120 = arith.mulf %gather3A_2093, %bitcast_convert_type3A_2118 : vector<16xf32>
        %mul3A_2121 = arith.mulf %gather3A_2093, %bitcast_convert_type3A_2119 : vector<16xf32>
        %get3A_2122 = arith.index_cast %add3A_2085 : i32 to index
        %get3A_2123 = arith.constant 32 : index
        %get3A_2124 = tpu.vector_load %arg12[%get3A_2122, %get3A_2123] {strides = array<i32>} : memref<392x128xi32, #tpu.memory_space<vmem>>, vector<16xi32>,
        %shift_left3A_2125 = arith.constant 16 : i32
        %shift_left3A_2126 = vector.broadcast %shift_left3A_2125 : i32 to vector<16xi32>
        %shift_left3A_2127 = arith.shli %get3A_2124, %shift_left3A_2126 : vector<16xi32>
        %bitcast_convert_type3A_2128 = tpu.bitcast %shift_left3A_2127 : vector<16xi32> -> vector<16xf32>
        %bitcast_convert_type3A_2129 = tpu.bitcast %get3A_2124 : vector<16xi32> -> vector<16xf32>
        %mul3A_2130 = arith.mulf %gather3A_2093, %bitcast_convert_type3A_2128 : vector<16xf32>
        %mul3A_2131 = arith.mulf %gather3A_2093, %bitcast_convert_type3A_2129 : vector<16xf32>
        %get3A_2132 = arith.index_cast %add3A_2085 : i32 to index
        %get3A_2133 = arith.constant 48 : index
        %get3A_2134 = tpu.vector_load %arg12[%get3A_2132, %get3A_2133] {strides = array<i32>} : memref<392x128xi32, #tpu.memory_space<vmem>>, vector<16xi32>,
        %shift_left3A_2135 = arith.constant 16 : i32
        %shift_left3A_2136 = vector.broadcast %shift_left3A_2135 : i32 to vector<16xi32>
        %shift_left3A_2137 = arith.shli %get3A_2134, %shift_left3A_2136 : vector<16xi32>
        %bitcast_convert_type3A_2138 = tpu.bitcast %shift_left3A_2137 : vector<16xi32> -> vector<16xf32>
        %bitcast_convert_type3A_2139 = tpu.bitcast %get3A_2134 : vector<16xi32> -> vector<16xf32>
        %mul3A_2140 = arith.mulf %gather3A_2093, %bitcast_convert_type3A_2138 : vector<16xf32>
        %mul3A_2141 = arith.mulf %gather3A_2093, %bitcast_convert_type3A_2139 : vector<16xf32>
        %get3A_2142 = arith.index_cast %add3A_2085 : i32 to index
        %get3A_2143 = arith.constant 64 : index
        %get3A_2144 = tpu.vector_load %arg12[%get3A_2142, %get3A_2143] {strides = array<i32>} : memref<392x128xi32, #tpu.memory_space<vmem>>, vector<16xi32>,
        %shift_left3A_2145 = arith.constant 16 : i32
        %shift_left3A_2146 = vector.broadcast %shift_left3A_2145 : i32 to vector<16xi32>
        %shift_left3A_2147 = arith.shli %get3A_2144, %shift_left3A_2146 : vector<16xi32>
        %bitcast_convert_type3A_2148 = tpu.bitcast %shift_left3A_2147 : vector<16xi32> -> vector<16xf32>
        %bitcast_convert_type3A_2149 = tpu.bitcast %get3A_2144 : vector<16xi32> -> vector<16xf32>
        %mul3A_2150 = arith.mulf %gather3A_2101, %bitcast_convert_type3A_2148 : vector<16xf32>
        %mul3A_2151 = arith.mulf %gather3A_2101, %bitcast_convert_type3A_2149 : vector<16xf32>
        %get3A_2152 = arith.index_cast %add3A_2085 : i32 to index
        %get3A_2153 = arith.constant 80 : index
        %get3A_2154 = tpu.vector_load %arg12[%get3A_2152, %get3A_2153] {strides = array<i32>} : memref<392x128xi32, #tpu.memory_space<vmem>>, vector<16xi32>,
        %shift_left3A_2155 = arith.constant 16 : i32
        %shift_left3A_2156 = vector.broadcast %shift_left3A_2155 : i32 to vector<16xi32>
        %shift_left3A_2157 = arith.shli %get3A_2154, %shift_left3A_2156 : vector<16xi32>
        %bitcast_convert_type3A_2158 = tpu.bitcast %shift_left3A_2157 : vector<16xi32> -> vector<16xf32>
        %bitcast_convert_type3A_2159 = tpu.bitcast %get3A_2154 : vector<16xi32> -> vector<16xf32>
        %mul3A_2160 = arith.mulf %gather3A_2101, %bitcast_convert_type3A_2158 : vector<16xf32>
        %mul3A_2161 = arith.mulf %gather3A_2101, %bitcast_convert_type3A_2159 : vector<16xf32>
        %get3A_2162 = arith.index_cast %add3A_2085 : i32 to index
        %get3A_2163 = arith.constant 96 : index
        %get3A_2164 = tpu.vector_load %arg12[%get3A_2162, %get3A_2163] {strides = array<i32>} : memref<392x128xi32, #tpu.memory_space<vmem>>, vector<16xi32>,
        %shift_left3A_2165 = arith.constant 16 : i32
        %shift_left3A_2166 = vector.broadcast %shift_left3A_2165 : i32 to vector<16xi32>
        %shift_left3A_2167 = arith.shli %get3A_2164, %shift_left3A_2166 : vector<16xi32>
        %bitcast_convert_type3A_2168 = tpu.bitcast %shift_left3A_2167 : vector<16xi32> -> vector<16xf32>
        %bitcast_convert_type3A_2169 = tpu.bitcast %get3A_2164 : vector<16xi32> -> vector<16xf32>
        %mul3A_2170 = arith.mulf %gather3A_2101, %bitcast_convert_type3A_2168 : vector<16xf32>
        %mul3A_2171 = arith.mulf %gather3A_2101, %bitcast_convert_type3A_2169 : vector<16xf32>
        %get3A_2172 = arith.index_cast %add3A_2085 : i32 to index
        %get3A_2173 = arith.constant 112 : index
        %get3A_2174 = tpu.vector_load %arg12[%get3A_2172, %get3A_2173] {strides = array<i32>} : memref<392x128xi32, #tpu.memory_space<vmem>>, vector<16xi32>,
        %shift_left3A_2175 = arith.constant 16 : i32
        %shift_left3A_2176 = vector.broadcast %shift_left3A_2175 : i32 to vector<16xi32>
        %shift_left3A_2177 = arith.shli %get3A_2174, %shift_left3A_2176 : vector<16xi32>
        %bitcast_convert_type3A_2178 = tpu.bitcast %shift_left3A_2177 : vector<16xi32> -> vector<16xf32>
        %bitcast_convert_type3A_2179 = tpu.bitcast %get3A_2174 : vector<16xi32> -> vector<16xf32>
        %mul3A_2180 = arith.mulf %gather3A_2101, %bitcast_convert_type3A_2178 : vector<16xf32>
        %mul3A_2181 = arith.mulf %gather3A_2101, %bitcast_convert_type3A_2179 : vector<16xf32>
        %add3A_2182 = arith.addf %add3A_2064, %mul3A_2110 : vector<16xf32>
        %add3A_2183 = arith.addf %add3A_2065, %mul3A_2111 : vector<16xf32>
        %add3A_2184 = arith.addf %add3A_2066, %mul3A_2120 : vector<16xf32>
        %add3A_2185 = arith.addf %add3A_2067, %mul3A_2121 : vector<16xf32>
        %add3A_2186 = arith.addf %add3A_2068, %mul3A_2130 : vector<16xf32>
        %add3A_2187 = arith.addf %add3A_2069, %mul3A_2131 : vector<16xf32>
        %add3A_2188 = arith.addf %add3A_2070, %mul3A_2140 : vector<16xf32>
        %add3A_2189 = arith.addf %add3A_2071, %mul3A_2141 : vector<16xf32>
        %add3A_2190 = arith.addf %add3A_2072, %mul3A_2150 : vector<16xf32>
        %add3A_2191 = arith.addf %add3A_2073, %mul3A_2151 : vector<16xf32>
        %add3A_2192 = arith.addf %add3A_2074, %mul3A_2160 : vector<16xf32>
        %add3A_2193 = arith.addf %add3A_2075, %mul3A_2161 : vector<16xf32>
        %add3A_2194 = arith.addf %add3A_2076, %mul3A_2170 : vector<16xf32>
        %add3A_2195 = arith.addf %add3A_2077, %mul3A_2171 : vector<16xf32>
        %add3A_2196 = arith.addf %add3A_2078, %mul3A_2180 : vector<16xf32>
        %add3A_2197 = arith.addf %add3A_2079, %mul3A_2181 : vector<16xf32>
        %mul3A_2198 = arith.constant 4 : i32
        %mul3A_2199 = arith.muli %mul3A_2198, %scan3A_1389 : i32
        %add3A_2200 = arith.constant 196 : i32
        %add3A_2201 = arith.addi %add3A_2200, %mul3A_2199 : i32
        %add3A_2202 = arith.constant 3 : i32
        %add3A_2203 = arith.addi %add3A_2201, %add3A_2202 : i32
        %mul3A_2204 = arith.constant 4 : i32
        %mul3A_2205 = arith.muli %mul3A_2204, %scan3A_1389 : i32
        %add3A_2206 = arith.constant 448 : i32
        %add3A_2207 = arith.addi %add3A_2206, %mul3A_2205 : i32
        %add3A_2208 = arith.constant 3 : i32
        %add3A_2209 = arith.addi %add3A_2207, %add3A_2208 : i32
        %broadcast_in_dim3A_2210 = vector.broadcast %add3A_2209 : i32 to vector<16xi32>
        %gather3A_2211 = tpu.vector_load_idx %arg11[%broadcast_in_dim3A_2210] : memref<896xf32, #tpu.memory_space<vmem>>[vector<16xi32>], vector<16xf32>,
        %mul3A_2212 = arith.constant 4 : i32
        %mul3A_2213 = arith.muli %mul3A_2212, %scan3A_1389 : i32
        %add3A_2214 = arith.constant 672 : i32
        %add3A_2215 = arith.addi %add3A_2214, %mul3A_2213 : i32
        %add3A_2216 = arith.constant 3 : i32
        %add3A_2217 = arith.addi %add3A_2215, %add3A_2216 : i32
        %broadcast_in_dim3A_2218 = vector.broadcast %add3A_2217 : i32 to vector<16xi32>
        %gather3A_2219 = tpu.vector_load_idx %arg11[%broadcast_in_dim3A_2218] : memref<896xf32, #tpu.memory_space<vmem>>[vector<16xi32>], vector<16xf32>,
        %get3A_2220 = arith.index_cast %add3A_2203 : i32 to index
        %get3A_2221 = arith.constant 0 : index
        %get3A_2222 = tpu.vector_load %arg12[%get3A_2220, %get3A_2221] {strides = array<i32>} : memref<392x128xi32, #tpu.memory_space<vmem>>, vector<16xi32>,
        %shift_left3A_2223 = arith.constant 16 : i32
        %shift_left3A_2224 = vector.broadcast %shift_left3A_2223 : i32 to vector<16xi32>
        %shift_left3A_2225 = arith.shli %get3A_2222, %shift_left3A_2224 : vector<16xi32>
        %bitcast_convert_type3A_2226 = tpu.bitcast %shift_left3A_2225 : vector<16xi32> -> vector<16xf32>
        %bitcast_convert_type3A_2227 = tpu.bitcast %get3A_2222 : vector<16xi32> -> vector<16xf32>
        %mul3A_2228 = arith.mulf %gather3A_2211, %bitcast_convert_type3A_2226 : vector<16xf32>
        %mul3A_2229 = arith.mulf %gather3A_2211, %bitcast_convert_type3A_2227 : vector<16xf32>
        %get3A_2230 = arith.index_cast %add3A_2203 : i32 to index
        %get3A_2231 = arith.constant 16 : index
        %get3A_2232 = tpu.vector_load %arg12[%get3A_2230, %get3A_2231] {strides = array<i32>} : memref<392x128xi32, #tpu.memory_space<vmem>>, vector<16xi32>,
        %shift_left3A_2233 = arith.constant 16 : i32
        %shift_left3A_2234 = vector.broadcast %shift_left3A_2233 : i32 to vector<16xi32>
        %shift_left3A_2235 = arith.shli %get3A_2232, %shift_left3A_2234 : vector<16xi32>
        %bitcast_convert_type3A_2236 = tpu.bitcast %shift_left3A_2235 : vector<16xi32> -> vector<16xf32>
        %bitcast_convert_type3A_2237 = tpu.bitcast %get3A_2232 : vector<16xi32> -> vector<16xf32>
        %mul3A_2238 = arith.mulf %gather3A_2211, %bitcast_convert_type3A_2236 : vector<16xf32>
        %mul3A_2239 = arith.mulf %gather3A_2211, %bitcast_convert_type3A_2237 : vector<16xf32>
        %get3A_2240 = arith.index_cast %add3A_2203 : i32 to index
        %get3A_2241 = arith.constant 32 : index
        %get3A_2242 = tpu.vector_load %arg12[%get3A_2240, %get3A_2241] {strides = array<i32>} : memref<392x128xi32, #tpu.memory_space<vmem>>, vector<16xi32>,
        %shift_left3A_2243 = arith.constant 16 : i32
        %shift_left3A_2244 = vector.broadcast %shift_left3A_2243 : i32 to vector<16xi32>
        %shift_left3A_2245 = arith.shli %get3A_2242, %shift_left3A_2244 : vector<16xi32>
        %bitcast_convert_type3A_2246 = tpu.bitcast %shift_left3A_2245 : vector<16xi32> -> vector<16xf32>
        %bitcast_convert_type3A_2247 = tpu.bitcast %get3A_2242 : vector<16xi32> -> vector<16xf32>
        %mul3A_2248 = arith.mulf %gather3A_2211, %bitcast_convert_type3A_2246 : vector<16xf32>
        %mul3A_2249 = arith.mulf %gather3A_2211, %bitcast_convert_type3A_2247 : vector<16xf32>
        %get3A_2250 = arith.index_cast %add3A_2203 : i32 to index
        %get3A_2251 = arith.constant 48 : index
        %get3A_2252 = tpu.vector_load %arg12[%get3A_2250, %get3A_2251] {strides = array<i32>} : memref<392x128xi32, #tpu.memory_space<vmem>>, vector<16xi32>,
        %shift_left3A_2253 = arith.constant 16 : i32
        %shift_left3A_2254 = vector.broadcast %shift_left3A_2253 : i32 to vector<16xi32>
        %shift_left3A_2255 = arith.shli %get3A_2252, %shift_left3A_2254 : vector<16xi32>
        %bitcast_convert_type3A_2256 = tpu.bitcast %shift_left3A_2255 : vector<16xi32> -> vector<16xf32>
        %bitcast_convert_type3A_2257 = tpu.bitcast %get3A_2252 : vector<16xi32> -> vector<16xf32>
        %mul3A_2258 = arith.mulf %gather3A_2211, %bitcast_convert_type3A_2256 : vector<16xf32>
        %mul3A_2259 = arith.mulf %gather3A_2211, %bitcast_convert_type3A_2257 : vector<16xf32>
        %get3A_2260 = arith.index_cast %add3A_2203 : i32 to index
        %get3A_2261 = arith.constant 64 : index
        %get3A_2262 = tpu.vector_load %arg12[%get3A_2260, %get3A_2261] {strides = array<i32>} : memref<392x128xi32, #tpu.memory_space<vmem>>, vector<16xi32>,
        %shift_left3A_2263 = arith.constant 16 : i32
        %shift_left3A_2264 = vector.broadcast %shift_left3A_2263 : i32 to vector<16xi32>
        %shift_left3A_2265 = arith.shli %get3A_2262, %shift_left3A_2264 : vector<16xi32>
        %bitcast_convert_type3A_2266 = tpu.bitcast %shift_left3A_2265 : vector<16xi32> -> vector<16xf32>
        %bitcast_convert_type3A_2267 = tpu.bitcast %get3A_2262 : vector<16xi32> -> vector<16xf32>
        %mul3A_2268 = arith.mulf %gather3A_2219, %bitcast_convert_type3A_2266 : vector<16xf32>
        %mul3A_2269 = arith.mulf %gather3A_2219, %bitcast_convert_type3A_2267 : vector<16xf32>
        %get3A_2270 = arith.index_cast %add3A_2203 : i32 to index
        %get3A_2271 = arith.constant 80 : index
        %get3A_2272 = tpu.vector_load %arg12[%get3A_2270, %get3A_2271] {strides = array<i32>} : memref<392x128xi32, #tpu.memory_space<vmem>>, vector<16xi32>,
        %shift_left3A_2273 = arith.constant 16 : i32
        %shift_left3A_2274 = vector.broadcast %shift_left3A_2273 : i32 to vector<16xi32>
        %shift_left3A_2275 = arith.shli %get3A_2272, %shift_left3A_2274 : vector<16xi32>
        %bitcast_convert_type3A_2276 = tpu.bitcast %shift_left3A_2275 : vector<16xi32> -> vector<16xf32>
        %bitcast_convert_type3A_2277 = tpu.bitcast %get3A_2272 : vector<16xi32> -> vector<16xf32>
        %mul3A_2278 = arith.mulf %gather3A_2219, %bitcast_convert_type3A_2276 : vector<16xf32>
        %mul3A_2279 = arith.mulf %gather3A_2219, %bitcast_convert_type3A_2277 : vector<16xf32>
        %get3A_2280 = arith.index_cast %add3A_2203 : i32 to index
        %get3A_2281 = arith.constant 96 : index
        %get3A_2282 = tpu.vector_load %arg12[%get3A_2280, %get3A_2281] {strides = array<i32>} : memref<392x128xi32, #tpu.memory_space<vmem>>, vector<16xi32>,
        %shift_left3A_2283 = arith.constant 16 : i32
        %shift_left3A_2284 = vector.broadcast %shift_left3A_2283 : i32 to vector<16xi32>
        %shift_left3A_2285 = arith.shli %get3A_2282, %shift_left3A_2284 : vector<16xi32>
        %bitcast_convert_type3A_2286 = tpu.bitcast %shift_left3A_2285 : vector<16xi32> -> vector<16xf32>
        %bitcast_convert_type3A_2287 = tpu.bitcast %get3A_2282 : vector<16xi32> -> vector<16xf32>
        %mul3A_2288 = arith.mulf %gather3A_2219, %bitcast_convert_type3A_2286 : vector<16xf32>
        %mul3A_2289 = arith.mulf %gather3A_2219, %bitcast_convert_type3A_2287 : vector<16xf32>
        %get3A_2290 = arith.index_cast %add3A_2203 : i32 to index
        %get3A_2291 = arith.constant 112 : index
        %get3A_2292 = tpu.vector_load %arg12[%get3A_2290, %get3A_2291] {strides = array<i32>} : memref<392x128xi32, #tpu.memory_space<vmem>>, vector<16xi32>,
        %shift_left3A_2293 = arith.constant 16 : i32
        %shift_left3A_2294 = vector.broadcast %shift_left3A_2293 : i32 to vector<16xi32>
        %shift_left3A_2295 = arith.shli %get3A_2292, %shift_left3A_2294 : vector<16xi32>
        %bitcast_convert_type3A_2296 = tpu.bitcast %shift_left3A_2295 : vector<16xi32> -> vector<16xf32>
        %bitcast_convert_type3A_2297 = tpu.bitcast %get3A_2292 : vector<16xi32> -> vector<16xf32>
        %mul3A_2298 = arith.mulf %gather3A_2219, %bitcast_convert_type3A_2296 : vector<16xf32>
        %mul3A_2299 = arith.mulf %gather3A_2219, %bitcast_convert_type3A_2297 : vector<16xf32>
        %add3A_2300 = arith.addf %add3A_2182, %mul3A_2228 : vector<16xf32>
        %add3A_2301 = arith.addf %add3A_2183, %mul3A_2229 : vector<16xf32>
        %add3A_2302 = arith.addf %add3A_2184, %mul3A_2238 : vector<16xf32>
        %add3A_2303 = arith.addf %add3A_2185, %mul3A_2239 : vector<16xf32>
        %add3A_2304 = arith.addf %add3A_2186, %mul3A_2248 : vector<16xf32>
        %add3A_2305 = arith.addf %add3A_2187, %mul3A_2249 : vector<16xf32>
        %add3A_2306 = arith.addf %add3A_2188, %mul3A_2258 : vector<16xf32>
        %add3A_2307 = arith.addf %add3A_2189, %mul3A_2259 : vector<16xf32>
        %add3A_2308 = arith.addf %add3A_2190, %mul3A_2268 : vector<16xf32>
        %add3A_2309 = arith.addf %add3A_2191, %mul3A_2269 : vector<16xf32>
        %add3A_2310 = arith.addf %add3A_2192, %mul3A_2278 : vector<16xf32>
        %add3A_2311 = arith.addf %add3A_2193, %mul3A_2279 : vector<16xf32>
        %add3A_2312 = arith.addf %add3A_2194, %mul3A_2288 : vector<16xf32>
        %add3A_2313 = arith.addf %add3A_2195, %mul3A_2289 : vector<16xf32>
        %add3A_2314 = arith.addf %add3A_2196, %mul3A_2298 : vector<16xf32>
        %add3A_2315 = arith.addf %add3A_2197, %mul3A_2299 : vector<16xf32>
        %add3A_2316 = arith.addf %add3A_2300, %add3A_2308 : vector<16xf32>
        %add3A_2317 = arith.addf %add3A_2301, %add3A_2309 : vector<16xf32>
        %add3A_2318 = arith.addf %add3A_2302, %add3A_2310 : vector<16xf32>
        %add3A_2319 = arith.addf %add3A_2303, %add3A_2311 : vector<16xf32>
        %add3A_2320 = arith.addf %add3A_2304, %add3A_2312 : vector<16xf32>
        %add3A_2321 = arith.addf %add3A_2305, %add3A_2313 : vector<16xf32>
        %add3A_2322 = arith.addf %add3A_2306, %add3A_2314 : vector<16xf32>
        %add3A_2323 = arith.addf %add3A_2307, %add3A_2315 : vector<16xf32>
        %add3A_2324 = arith.constant 0 : i32
        %add3A_2325 = vector.broadcast %add3A_2324 : i32 to vector<16xi32>
        %add3A_2326 = arith.addi %iota3A, %add3A_2325 : vector<16xi32>
        %add3A_2327 = arith.constant 0 : i32
        %add3A_2328 = vector.broadcast %add3A_2327 : i32 to vector<16xi32>
        %add3A_2329 = arith.addi %add3A_2326, %add3A_2328 : vector<16xi32>
        %mul3A_2330 = arith.constant 49 : i32
        %mul3A_2331 = vector.broadcast %mul3A_2330 : i32 to vector<16xi32>
        %mul3A_2332 = arith.muli %add3A_2329, %mul3A_2331 : vector<16xi32>
        %add3A_2333 = vector.broadcast %scan3A_1389 : i32 to vector<16xi32>
        %add3A_2334 = arith.addi %mul3A_2332, %add3A_2333 : vector<16xi32>
        tpu.vector_store_idx %arg13[%add3A_2334], %add3A_2316 : memref<6272xf32, #tpu.memory_space<vmem>>[vector<16xi32>], vector<16xf32>,
        %add3A_2335 = arith.constant 0 : i32
        %add3A_2336 = vector.broadcast %add3A_2335 : i32 to vector<16xi32>
        %add3A_2337 = arith.addi %iota3A, %add3A_2336 : vector<16xi32>
        %add3A_2338 = arith.constant 16 : i32
        %add3A_2339 = vector.broadcast %add3A_2338 : i32 to vector<16xi32>
        %add3A_2340 = arith.addi %add3A_2337, %add3A_2339 : vector<16xi32>
        %mul3A_2341 = arith.constant 49 : i32
        %mul3A_2342 = vector.broadcast %mul3A_2341 : i32 to vector<16xi32>
        %mul3A_2343 = arith.muli %add3A_2340, %mul3A_2342 : vector<16xi32>
        %add3A_2344 = vector.broadcast %scan3A_1389 : i32 to vector<16xi32>
        %add3A_2345 = arith.addi %mul3A_2343, %add3A_2344 : vector<16xi32>
        tpu.vector_store_idx %arg13[%add3A_2345], %add3A_2317 : memref<6272xf32, #tpu.memory_space<vmem>>[vector<16xi32>], vector<16xf32>,
        %add3A_2346 = arith.constant 32 : i32
        %add3A_2347 = vector.broadcast %add3A_2346 : i32 to vector<16xi32>
        %add3A_2348 = arith.addi %iota3A, %add3A_2347 : vector<16xi32>
        %add3A_2349 = arith.constant 0 : i32
        %add3A_2350 = vector.broadcast %add3A_2349 : i32 to vector<16xi32>
        %add3A_2351 = arith.addi %add3A_2348, %add3A_2350 : vector<16xi32>
        %mul3A_2352 = arith.constant 49 : i32
        %mul3A_2353 = vector.broadcast %mul3A_2352 : i32 to vector<16xi32>
        %mul3A_2354 = arith.muli %add3A_2351, %mul3A_2353 : vector<16xi32>
        %add3A_2355 = vector.broadcast %scan3A_1389 : i32 to vector<16xi32>
        %add3A_2356 = arith.addi %mul3A_2354, %add3A_2355 : vector<16xi32>
        tpu.vector_store_idx %arg13[%add3A_2356], %add3A_2318 : memref<6272xf32, #tpu.memory_space<vmem>>[vector<16xi32>], vector<16xf32>,
        %add3A_2357 = arith.constant 32 : i32
        %add3A_2358 = vector.broadcast %add3A_2357 : i32 to vector<16xi32>
        %add3A_2359 = arith.addi %iota3A, %add3A_2358 : vector<16xi32>
        %add3A_2360 = arith.constant 16 : i32
        %add3A_2361 = vector.broadcast %add3A_2360 : i32 to vector<16xi32>
        %add3A_2362 = arith.addi %add3A_2359, %add3A_2361 : vector<16xi32>
        %mul3A_2363 = arith.constant 49 : i32
        %mul3A_2364 = vector.broadcast %mul3A_2363 : i32 to vector<16xi32>
        %mul3A_2365 = arith.muli %add3A_2362, %mul3A_2364 : vector<16xi32>
        %add3A_2366 = vector.broadcast %scan3A_1389 : i32 to vector<16xi32>
        %add3A_2367 = arith.addi %mul3A_2365, %add3A_2366 : vector<16xi32>
        tpu.vector_store_idx %arg13[%add3A_2367], %add3A_2319 : memref<6272xf32, #tpu.memory_space<vmem>>[vector<16xi32>], vector<16xf32>,
        %add3A_2368 = arith.constant 64 : i32
        %add3A_2369 = vector.broadcast %add3A_2368 : i32 to vector<16xi32>
        %add3A_2370 = arith.addi %iota3A, %add3A_2369 : vector<16xi32>
        %add3A_2371 = arith.constant 0 : i32
        %add3A_2372 = vector.broadcast %add3A_2371 : i32 to vector<16xi32>
        %add3A_2373 = arith.addi %add3A_2370, %add3A_2372 : vector<16xi32>
        %mul3A_2374 = arith.constant 49 : i32
        %mul3A_2375 = vector.broadcast %mul3A_2374 : i32 to vector<16xi32>
        %mul3A_2376 = arith.muli %add3A_2373, %mul3A_2375 : vector<16xi32>
        %add3A_2377 = vector.broadcast %scan3A_1389 : i32 to vector<16xi32>
        %add3A_2378 = arith.addi %mul3A_2376, %add3A_2377 : vector<16xi32>
        tpu.vector_store_idx %arg13[%add3A_2378], %add3A_2320 : memref<6272xf32, #tpu.memory_space<vmem>>[vector<16xi32>], vector<16xf32>,
        %add3A_2379 = arith.constant 64 : i32
        %add3A_2380 = vector.broadcast %add3A_2379 : i32 to vector<16xi32>
        %add3A_2381 = arith.addi %iota3A, %add3A_2380 : vector<16xi32>
        %add3A_2382 = arith.constant 16 : i32
        %add3A_2383 = vector.broadcast %add3A_2382 : i32 to vector<16xi32>
        %add3A_2384 = arith.addi %add3A_2381, %add3A_2383 : vector<16xi32>
        %mul3A_2385 = arith.constant 49 : i32
        %mul3A_2386 = vector.broadcast %mul3A_2385 : i32 to vector<16xi32>
        %mul3A_2387 = arith.muli %add3A_2384, %mul3A_2386 : vector<16xi32>
        %add3A_2388 = vector.broadcast %scan3A_1389 : i32 to vector<16xi32>
        %add3A_2389 = arith.addi %mul3A_2387, %add3A_2388 : vector<16xi32>
        tpu.vector_store_idx %arg13[%add3A_2389], %add3A_2321 : memref<6272xf32, #tpu.memory_space<vmem>>[vector<16xi32>], vector<16xf32>,
        %add3A_2390 = arith.constant 96 : i32
        %add3A_2391 = vector.broadcast %add3A_2390 : i32 to vector<16xi32>
        %add3A_2392 = arith.addi %iota3A, %add3A_2391 : vector<16xi32>
        %add3A_2393 = arith.constant 0 : i32
        %add3A_2394 = vector.broadcast %add3A_2393 : i32 to vector<16xi32>
        %add3A_2395 = arith.addi %add3A_2392, %add3A_2394 : vector<16xi32>
        %mul3A_2396 = arith.constant 49 : i32
        %mul3A_2397 = vector.broadcast %mul3A_2396 : i32 to vector<16xi32>
        %mul3A_2398 = arith.muli %add3A_2395, %mul3A_2397 : vector<16xi32>
        %add3A_2399 = vector.broadcast %scan3A_1389 : i32 to vector<16xi32>
        %add3A_2400 = arith.addi %mul3A_2398, %add3A_2399 : vector<16xi32>
        tpu.vector_store_idx %arg13[%add3A_2400], %add3A_2322 : memref<6272xf32, #tpu.memory_space<vmem>>[vector<16xi32>], vector<16xf32>,
        %add3A_2401 = arith.constant 96 : i32
        %add3A_2402 = vector.broadcast %add3A_2401 : i32 to vector<16xi32>
        %add3A_2403 = arith.addi %iota3A, %add3A_2402 : vector<16xi32>
        %add3A_2404 = arith.constant 16 : i32
        %add3A_2405 = vector.broadcast %add3A_2404 : i32 to vector<16xi32>
        %add3A_2406 = arith.addi %add3A_2403, %add3A_2405 : vector<16xi32>
        %mul3A_2407 = arith.constant 49 : i32
        %mul3A_2408 = vector.broadcast %mul3A_2407 : i32 to vector<16xi32>
        %mul3A_2409 = arith.muli %add3A_2406, %mul3A_2408 : vector<16xi32>
        %add3A_2410 = vector.broadcast %scan3A_1389 : i32 to vector<16xi32>
        %add3A_2411 = arith.addi %mul3A_2409, %add3A_2410 : vector<16xi32>
        tpu.vector_store_idx %arg13[%add3A_2411], %add3A_2323 : memref<6272xf32, #tpu.memory_space<vmem>>[vector<16xi32>], vector<16xf32>,
      }
      %scan3A_1360 = arith.constant 28 : i32
      %dma_wait3A_1361 = arith.constant 1 : i32
      %dma_wait3A_1362 = arith.constant 112 : i32
      %dma_wait3A_1363 = arith.constant 0 : i32
      %dma_wait3A_1364 = tpu.memref_slice %arg12[%dma_wait3A_1362, %dma_wait3A_1363] : memref<392x128xi32, #tpu.memory_space<vmem>> -> memref<84x128xi32, #tpu.memory_space<vmem>>
      %dma_wait3A_1365 = arith.constant 0 : i32
      %dma_wait3A_1366 = tpu.memref_slice %arg10[%dma_wait3A_1361, %dma_wait3A_1365] : memref<4x112xi32, #tpu.memory_space<vmem>> -> memref<1x84xi32, #tpu.memory_space<vmem>>
      %dma_wait3A_1367 = tpu.memref_squeeze %dma_wait3A_1366 : memref<1x84xi32, #tpu.memory_space<vmem>> -> memref<84xi32, #tpu.memory_space<vmem>>
      %dma_wait3A_1368 = arith.constant 0 : i32
      %dma_wait3A_1369 = arith.constant 0 : i32
      %dma_wait3A_1370 = tpu.memref_slice %arg2[%dma_wait3A_1368, %dma_wait3A_1369] : memref<81920x128xi32, #tpu.memory_space<hbm>> -> memref<81920x128xi32, #tpu.memory_space<hbm>>
      tpu.wait_indirect_dma semaphore(%arg15 : memref<!tpu.dma_semaphore, #tpu.memory_space<semaphore_mem>>) src(%dma_wait3A_1370 : memref<81920x128xi32, #tpu.memory_space<hbm>>) dst(%dma_wait3A_1364 : memref<84x128xi32, #tpu.memory_space<vmem>>)
      %dma_wait3A_1371 = arith.constant 3 : i32
      %dma_wait3A_1372 = arith.constant 308 : i32
      %dma_wait3A_1373 = arith.constant 0 : i32
      %dma_wait3A_1374 = tpu.memref_slice %arg12[%dma_wait3A_1372, %dma_wait3A_1373] : memref<392x128xi32, #tpu.memory_space<vmem>> -> memref<84x128xi32, #tpu.memory_space<vmem>>
      %dma_wait3A_1375 = arith.constant 0 : i32
      %dma_wait3A_1376 = tpu.memref_slice %arg10[%dma_wait3A_1371, %dma_wait3A_1375] : memref<4x112xi32, #tpu.memory_space<vmem>> -> memref<1x84xi32, #tpu.memory_space<vmem>>
      %dma_wait3A_1377 = tpu.memref_squeeze %dma_wait3A_1376 : memref<1x84xi32, #tpu.memory_space<vmem>> -> memref<84xi32, #tpu.memory_space<vmem>>
      %dma_wait3A_1378 = arith.constant 0 : i32
      %dma_wait3A_1379 = arith.constant 0 : i32
      %dma_wait3A_1380 = tpu.memref_slice %arg2[%dma_wait3A_1378, %dma_wait3A_1379] : memref<81920x128xi32, #tpu.memory_space<hbm>> -> memref<81920x128xi32, #tpu.memory_space<hbm>>
      tpu.wait_indirect_dma semaphore(%arg15 : memref<!tpu.dma_semaphore, #tpu.memory_space<semaphore_mem>>) src(%dma_wait3A_1380 : memref<81920x128xi32, #tpu.memory_space<hbm>>) dst(%dma_wait3A_1374 : memref<84x128xi32, #tpu.memory_space<vmem>>)
      %scan3A_1381 = arith.constant 28 : i32
      %scan3A_1382 = arith.constant 21 : i32
      %scan3A_1383 = arith.addi %scan3A_1381, %scan3A_1382 : i32
      %scan3A_1384 = arith.constant 1 : i32
      scf.for %scan3A_1389 = %scan3A_1381 to %scan3A_1383 step %scan3A_1384  : i32 {
        %mul3A_1390 = arith.constant 4 : i32
        %mul3A_1391 = arith.muli %mul3A_1390, %scan3A_1389 : i32
        %add3A_1392 = arith.constant 0 : i32
        %add3A_1393 = arith.addi %add3A_1392, %mul3A_1391 : i32
        %add3A_1394 = arith.constant 0 : i32
        %add3A_1395 = arith.addi %add3A_1393, %add3A_1394 : i32
        %mul3A_1396 = arith.constant 4 : i32
        %mul3A_1397 = arith.muli %mul3A_1396, %scan3A_1389 : i32
        %add3A_1398 = arith.constant 0 : i32
        %add3A_1399 = arith.addi %add3A_1398, %mul3A_1397 : i32
        %add3A_1400 = arith.constant 0 : i32
        %add3A_1401 = arith.addi %add3A_1399, %add3A_1400 : i32
        %broadcast_in_dim3A_1402 = vector.broadcast %add3A_1401 : i32 to vector<16xi32>
        %gather3A_1403 = tpu.vector_load_idx %arg11[%broadcast_in_dim3A_1402] : memref<896xf32, #tpu.memory_space<vmem>>[vector<16xi32>], vector<16xf32>,
        %mul3A_1404 = arith.constant 4 : i32
        %mul3A_1405 = arith.muli %mul3A_1404, %scan3A_1389 : i32
        %add3A_1406 = arith.constant 224 : i32
        %add3A_1407 = arith.addi %add3A_1406, %mul3A_1405 : i32
        %add3A_1408 = arith.constant 0 : i32
        %add3A_1409 = arith.addi %add3A_1407, %add3A_1408 : i32
        %broadcast_in_dim3A_1410 = vector.broadcast %add3A_1409 : i32 to vector<16xi32>
        %gather3A_1411 = tpu.vector_load_idx %arg11[%broadcast_in_dim3A_1410] : memref<896xf32, #tpu.memory_space<vmem>>[vector<16xi32>], vector<16xf32>,
        %get3A_1412 = arith.index_cast %add3A_1395 : i32 to index
        %get3A_1413 = arith.constant 0 : index
        %get3A_1414 = tpu.vector_load %arg12[%get3A_1412, %get3A_1413] {strides = array<i32>} : memref<392x128xi32, #tpu.memory_space<vmem>>, vector<16xi32>,
        %shift_left3A = arith.constant 16 : i32
        %shift_left3A_1415 = vector.broadcast %shift_left3A : i32 to vector<16xi32>
        %shift_left3A_1416 = arith.shli %get3A_1414, %shift_left3A_1415 : vector<16xi32>
        %bitcast_convert_type3A = tpu.bitcast %shift_left3A_1416 : vector<16xi32> -> vector<16xf32>
        %bitcast_convert_type3A_1417 = tpu.bitcast %get3A_1414 : vector<16xi32> -> vector<16xf32>
        %mul3A_1418 = arith.mulf %gather3A_1403, %bitcast_convert_type3A : vector<16xf32>
        %mul3A_1419 = arith.mulf %gather3A_1403, %bitcast_convert_type3A_1417 : vector<16xf32>
        %get3A_1420 = arith.index_cast %add3A_1395 : i32 to index
        %get3A_1421 = arith.constant 16 : index
        %get3A_1422 = tpu.vector_load %arg12[%get3A_1420, %get3A_1421] {strides = array<i32>} : memref<392x128xi32, #tpu.memory_space<vmem>>, vector<16xi32>,
        %shift_left3A_1423 = arith.constant 16 : i32
        %shift_left3A_1424 = vector.broadcast %shift_left3A_1423 : i32 to vector<16xi32>
        %shift_left3A_1425 = arith.shli %get3A_1422, %shift_left3A_1424 : vector<16xi32>
        %bitcast_convert_type3A_1426 = tpu.bitcast %shift_left3A_1425 : vector<16xi32> -> vector<16xf32>
        %bitcast_convert_type3A_1427 = tpu.bitcast %get3A_1422 : vector<16xi32> -> vector<16xf32>
        %mul3A_1428 = arith.mulf %gather3A_1403, %bitcast_convert_type3A_1426 : vector<16xf32>
        %mul3A_1429 = arith.mulf %gather3A_1403, %bitcast_convert_type3A_1427 : vector<16xf32>
        %get3A_1430 = arith.index_cast %add3A_1395 : i32 to index
        %get3A_1431 = arith.constant 32 : index
        %get3A_1432 = tpu.vector_load %arg12[%get3A_1430, %get3A_1431] {strides = array<i32>} : memref<392x128xi32, #tpu.memory_space<vmem>>, vector<16xi32>,
        %shift_left3A_1433 = arith.constant 16 : i32
        %shift_left3A_1434 = vector.broadcast %shift_left3A_1433 : i32 to vector<16xi32>
        %shift_left3A_1435 = arith.shli %get3A_1432, %shift_left3A_1434 : vector<16xi32>
        %bitcast_convert_type3A_1436 = tpu.bitcast %shift_left3A_1435 : vector<16xi32> -> vector<16xf32>
        %bitcast_convert_type3A_1437 = tpu.bitcast %get3A_1432 : vector<16xi32> -> vector<16xf32>
        %mul3A_1438 = arith.mulf %gather3A_1403, %bitcast_convert_type3A_1436 : vector<16xf32>
        %mul3A_1439 = arith.mulf %gather3A_1403, %bitcast_convert_type3A_1437 : vector<16xf32>
        %get3A_1440 = arith.index_cast %add3A_1395 : i32 to index
        %get3A_1441 = arith.constant 48 : index
        %get3A_1442 = tpu.vector_load %arg12[%get3A_1440, %get3A_1441] {strides = array<i32>} : memref<392x128xi32, #tpu.memory_space<vmem>>, vector<16xi32>,
        %shift_left3A_1443 = arith.constant 16 : i32
        %shift_left3A_1444 = vector.broadcast %shift_left3A_1443 : i32 to vector<16xi32>
        %shift_left3A_1445 = arith.shli %get3A_1442, %shift_left3A_1444 : vector<16xi32>
        %bitcast_convert_type3A_1446 = tpu.bitcast %shift_left3A_1445 : vector<16xi32> -> vector<16xf32>
        %bitcast_convert_type3A_1447 = tpu.bitcast %get3A_1442 : vector<16xi32> -> vector<16xf32>
        %mul3A_1448 = arith.mulf %gather3A_1403, %bitcast_convert_type3A_1446 : vector<16xf32>
        %mul3A_1449 = arith.mulf %gather3A_1403, %bitcast_convert_type3A_1447 : vector<16xf32>
        %get3A_1450 = arith.index_cast %add3A_1395 : i32 to index
        %get3A_1451 = arith.constant 64 : index
        %get3A_1452 = tpu.vector_load %arg12[%get3A_1450, %get3A_1451] {strides = array<i32>} : memref<392x128xi32, #tpu.memory_space<vmem>>, vector<16xi32>,
        %shift_left3A_1453 = arith.constant 16 : i32
        %shift_left3A_1454 = vector.broadcast %shift_left3A_1453 : i32 to vector<16xi32>
        %shift_left3A_1455 = arith.shli %get3A_1452, %shift_left3A_1454 : vector<16xi32>
        %bitcast_convert_type3A_1456 = tpu.bitcast %shift_left3A_1455 : vector<16xi32> -> vector<16xf32>
        %bitcast_convert_type3A_1457 = tpu.bitcast %get3A_1452 : vector<16xi32> -> vector<16xf32>
        %mul3A_1458 = arith.mulf %gather3A_1411, %bitcast_convert_type3A_1456 : vector<16xf32>
        %mul3A_1459 = arith.mulf %gather3A_1411, %bitcast_convert_type3A_1457 : vector<16xf32>
        %get3A_1460 = arith.index_cast %add3A_1395 : i32 to index
        %get3A_1461 = arith.constant 80 : index
        %get3A_1462 = tpu.vector_load %arg12[%get3A_1460, %get3A_1461] {strides = array<i32>} : memref<392x128xi32, #tpu.memory_space<vmem>>, vector<16xi32>,
        %shift_left3A_1463 = arith.constant 16 : i32
        %shift_left3A_1464 = vector.broadcast %shift_left3A_1463 : i32 to vector<16xi32>
        %shift_left3A_1465 = arith.shli %get3A_1462, %shift_left3A_1464 : vector<16xi32>
        %bitcast_convert_type3A_1466 = tpu.bitcast %shift_left3A_1465 : vector<16xi32> -> vector<16xf32>
        %bitcast_convert_type3A_1467 = tpu.bitcast %get3A_1462 : vector<16xi32> -> vector<16xf32>
        %mul3A_1468 = arith.mulf %gather3A_1411, %bitcast_convert_type3A_1466 : vector<16xf32>
        %mul3A_1469 = arith.mulf %gather3A_1411, %bitcast_convert_type3A_1467 : vector<16xf32>
        %get3A_1470 = arith.index_cast %add3A_1395 : i32 to index
        %get3A_1471 = arith.constant 96 : index
        %get3A_1472 = tpu.vector_load %arg12[%get3A_1470, %get3A_1471] {strides = array<i32>} : memref<392x128xi32, #tpu.memory_space<vmem>>, vector<16xi32>,
        %shift_left3A_1473 = arith.constant 16 : i32
        %shift_left3A_1474 = vector.broadcast %shift_left3A_1473 : i32 to vector<16xi32>
        %shift_left3A_1475 = arith.shli %get3A_1472, %shift_left3A_1474 : vector<16xi32>
        %bitcast_convert_type3A_1476 = tpu.bitcast %shift_left3A_1475 : vector<16xi32> -> vector<16xf32>
        %bitcast_convert_type3A_1477 = tpu.bitcast %get3A_1472 : vector<16xi32> -> vector<16xf32>
        %mul3A_1478 = arith.mulf %gather3A_1411, %bitcast_convert_type3A_1476 : vector<16xf32>
        %mul3A_1479 = arith.mulf %gather3A_1411, %bitcast_convert_type3A_1477 : vector<16xf32>
        %get3A_1480 = arith.index_cast %add3A_1395 : i32 to index
        %get3A_1481 = arith.constant 112 : index
        %get3A_1482 = tpu.vector_load %arg12[%get3A_1480, %get3A_1481] {strides = array<i32>} : memref<392x128xi32, #tpu.memory_space<vmem>>, vector<16xi32>,
        %shift_left3A_1483 = arith.constant 16 : i32
        %shift_left3A_1484 = vector.broadcast %shift_left3A_1483 : i32 to vector<16xi32>
        %shift_left3A_1485 = arith.shli %get3A_1482, %shift_left3A_1484 : vector<16xi32>
        %bitcast_convert_type3A_1486 = tpu.bitcast %shift_left3A_1485 : vector<16xi32> -> vector<16xf32>
        %bitcast_convert_type3A_1487 = tpu.bitcast %get3A_1482 : vector<16xi32> -> vector<16xf32>
        %mul3A_1488 = arith.mulf %gather3A_1411, %bitcast_convert_type3A_1486 : vector<16xf32>
        %mul3A_1489 = arith.mulf %gather3A_1411, %bitcast_convert_type3A_1487 : vector<16xf32>
        %mul3A_1490 = arith.constant 4 : i32
        %mul3A_1491 = arith.muli %mul3A_1490, %scan3A_1389 : i32
        %add3A_1492 = arith.constant 196 : i32
        %add3A_1493 = arith.addi %add3A_1492, %mul3A_1491 : i32
        %add3A_1494 = arith.constant 0 : i32
        %add3A_1495 = arith.addi %add3A_1493, %add3A_1494 : i32
        %mul3A_1496 = arith.constant 4 : i32
        %mul3A_1497 = arith.muli %mul3A_1496, %scan3A_1389 : i32
        %add3A_1498 = arith.constant 448 : i32
        %add3A_1499 = arith.addi %add3A_1498, %mul3A_1497 : i32
        %add3A_1500 = arith.constant 0 : i32
        %add3A_1501 = arith.addi %add3A_1499, %add3A_1500 : i32
        %broadcast_in_dim3A_1502 = vector.broadcast %add3A_1501 : i32 to vector<16xi32>
        %gather3A_1503 = tpu.vector_load_idx %arg11[%broadcast_in_dim3A_1502] : memref<896xf32, #tpu.memory_space<vmem>>[vector<16xi32>], vector<16xf32>,
        %mul3A_1504 = arith.constant 4 : i32
        %mul3A_1505 = arith.muli %mul3A_1504, %scan3A_1389 : i32
        %add3A_1506 = arith.constant 672 : i32
        %add3A_1507 = arith.addi %add3A_1506, %mul3A_1505 : i32
        %add3A_1508 = arith.constant 0 : i32
        %add3A_1509 = arith.addi %add3A_1507, %add3A_1508 : i32
        %broadcast_in_dim3A_1510 = vector.broadcast %add3A_1509 : i32 to vector<16xi32>
        %gather3A_1511 = tpu.vector_load_idx %arg11[%broadcast_in_dim3A_1510] : memref<896xf32, #tpu.memory_space<vmem>>[vector<16xi32>], vector<16xf32>,
        %get3A_1512 = arith.index_cast %add3A_1495 : i32 to index
        %get3A_1513 = arith.constant 0 : index
        %get3A_1514 = tpu.vector_load %arg12[%get3A_1512, %get3A_1513] {strides = array<i32>} : memref<392x128xi32, #tpu.memory_space<vmem>>, vector<16xi32>,
        %shift_left3A_1515 = arith.constant 16 : i32
        %shift_left3A_1516 = vector.broadcast %shift_left3A_1515 : i32 to vector<16xi32>
        %shift_left3A_1517 = arith.shli %get3A_1514, %shift_left3A_1516 : vector<16xi32>
        %bitcast_convert_type3A_1518 = tpu.bitcast %shift_left3A_1517 : vector<16xi32> -> vector<16xf32>
        %bitcast_convert_type3A_1519 = tpu.bitcast %get3A_1514 : vector<16xi32> -> vector<16xf32>
        %mul3A_1520 = arith.mulf %gather3A_1503, %bitcast_convert_type3A_1518 : vector<16xf32>
        %mul3A_1521 = arith.mulf %gather3A_1503, %bitcast_convert_type3A_1519 : vector<16xf32>
        %get3A_1522 = arith.index_cast %add3A_1495 : i32 to index
        %get3A_1523 = arith.constant 16 : index
        %get3A_1524 = tpu.vector_load %arg12[%get3A_1522, %get3A_1523] {strides = array<i32>} : memref<392x128xi32, #tpu.memory_space<vmem>>, vector<16xi32>,
        %shift_left3A_1525 = arith.constant 16 : i32
        %shift_left3A_1526 = vector.broadcast %shift_left3A_1525 : i32 to vector<16xi32>
        %shift_left3A_1527 = arith.shli %get3A_1524, %shift_left3A_1526 : vector<16xi32>
        %bitcast_convert_type3A_1528 = tpu.bitcast %shift_left3A_1527 : vector<16xi32> -> vector<16xf32>
        %bitcast_convert_type3A_1529 = tpu.bitcast %get3A_1524 : vector<16xi32> -> vector<16xf32>
        %mul3A_1530 = arith.mulf %gather3A_1503, %bitcast_convert_type3A_1528 : vector<16xf32>
        %mul3A_1531 = arith.mulf %gather3A_1503, %bitcast_convert_type3A_1529 : vector<16xf32>
        %get3A_1532 = arith.index_cast %add3A_1495 : i32 to index
        %get3A_1533 = arith.constant 32 : index
        %get3A_1534 = tpu.vector_load %arg12[%get3A_1532, %get3A_1533] {strides = array<i32>} : memref<392x128xi32, #tpu.memory_space<vmem>>, vector<16xi32>,
        %shift_left3A_1535 = arith.constant 16 : i32
        %shift_left3A_1536 = vector.broadcast %shift_left3A_1535 : i32 to vector<16xi32>
        %shift_left3A_1537 = arith.shli %get3A_1534, %shift_left3A_1536 : vector<16xi32>
        %bitcast_convert_type3A_1538 = tpu.bitcast %shift_left3A_1537 : vector<16xi32> -> vector<16xf32>
        %bitcast_convert_type3A_1539 = tpu.bitcast %get3A_1534 : vector<16xi32> -> vector<16xf32>
        %mul3A_1540 = arith.mulf %gather3A_1503, %bitcast_convert_type3A_1538 : vector<16xf32>
        %mul3A_1541 = arith.mulf %gather3A_1503, %bitcast_convert_type3A_1539 : vector<16xf32>
        %get3A_1542 = arith.index_cast %add3A_1495 : i32 to index
        %get3A_1543 = arith.constant 48 : index
        %get3A_1544 = tpu.vector_load %arg12[%get3A_1542, %get3A_1543] {strides = array<i32>} : memref<392x128xi32, #tpu.memory_space<vmem>>, vector<16xi32>,
        %shift_left3A_1545 = arith.constant 16 : i32
        %shift_left3A_1546 = vector.broadcast %shift_left3A_1545 : i32 to vector<16xi32>
        %shift_left3A_1547 = arith.shli %get3A_1544, %shift_left3A_1546 : vector<16xi32>
        %bitcast_convert_type3A_1548 = tpu.bitcast %shift_left3A_1547 : vector<16xi32> -> vector<16xf32>
        %bitcast_convert_type3A_1549 = tpu.bitcast %get3A_1544 : vector<16xi32> -> vector<16xf32>
        %mul3A_1550 = arith.mulf %gather3A_1503, %bitcast_convert_type3A_1548 : vector<16xf32>
        %mul3A_1551 = arith.mulf %gather3A_1503, %bitcast_convert_type3A_1549 : vector<16xf32>
        %get3A_1552 = arith.index_cast %add3A_1495 : i32 to index
        %get3A_1553 = arith.constant 64 : index
        %get3A_1554 = tpu.vector_load %arg12[%get3A_1552, %get3A_1553] {strides = array<i32>} : memref<392x128xi32, #tpu.memory_space<vmem>>, vector<16xi32>,
        %shift_left3A_1555 = arith.constant 16 : i32
        %shift_left3A_1556 = vector.broadcast %shift_left3A_1555 : i32 to vector<16xi32>
        %shift_left3A_1557 = arith.shli %get3A_1554, %shift_left3A_1556 : vector<16xi32>
        %bitcast_convert_type3A_1558 = tpu.bitcast %shift_left3A_1557 : vector<16xi32> -> vector<16xf32>
        %bitcast_convert_type3A_1559 = tpu.bitcast %get3A_1554 : vector<16xi32> -> vector<16xf32>
        %mul3A_1560 = arith.mulf %gather3A_1511, %bitcast_convert_type3A_1558 : vector<16xf32>
        %mul3A_1561 = arith.mulf %gather3A_1511, %bitcast_convert_type3A_1559 : vector<16xf32>
        %get3A_1562 = arith.index_cast %add3A_1495 : i32 to index
        %get3A_1563 = arith.constant 80 : index
        %get3A_1564 = tpu.vector_load %arg12[%get3A_1562, %get3A_1563] {strides = array<i32>} : memref<392x128xi32, #tpu.memory_space<vmem>>, vector<16xi32>,
        %shift_left3A_1565 = arith.constant 16 : i32
        %shift_left3A_1566 = vector.broadcast %shift_left3A_1565 : i32 to vector<16xi32>
        %shift_left3A_1567 = arith.shli %get3A_1564, %shift_left3A_1566 : vector<16xi32>
        %bitcast_convert_type3A_1568 = tpu.bitcast %shift_left3A_1567 : vector<16xi32> -> vector<16xf32>
        %bitcast_convert_type3A_1569 = tpu.bitcast %get3A_1564 : vector<16xi32> -> vector<16xf32>
        %mul3A_1570 = arith.mulf %gather3A_1511, %bitcast_convert_type3A_1568 : vector<16xf32>
        %mul3A_1571 = arith.mulf %gather3A_1511, %bitcast_convert_type3A_1569 : vector<16xf32>
        %get3A_1572 = arith.index_cast %add3A_1495 : i32 to index
        %get3A_1573 = arith.constant 96 : index
        %get3A_1574 = tpu.vector_load %arg12[%get3A_1572, %get3A_1573] {strides = array<i32>} : memref<392x128xi32, #tpu.memory_space<vmem>>, vector<16xi32>,
        %shift_left3A_1575 = arith.constant 16 : i32
        %shift_left3A_1576 = vector.broadcast %shift_left3A_1575 : i32 to vector<16xi32>
        %shift_left3A_1577 = arith.shli %get3A_1574, %shift_left3A_1576 : vector<16xi32>
        %bitcast_convert_type3A_1578 = tpu.bitcast %shift_left3A_1577 : vector<16xi32> -> vector<16xf32>
        %bitcast_convert_type3A_1579 = tpu.bitcast %get3A_1574 : vector<16xi32> -> vector<16xf32>
        %mul3A_1580 = arith.mulf %gather3A_1511, %bitcast_convert_type3A_1578 : vector<16xf32>
        %mul3A_1581 = arith.mulf %gather3A_1511, %bitcast_convert_type3A_1579 : vector<16xf32>
        %get3A_1582 = arith.index_cast %add3A_1495 : i32 to index
        %get3A_1583 = arith.constant 112 : index
        %get3A_1584 = tpu.vector_load %arg12[%get3A_1582, %get3A_1583] {strides = array<i32>} : memref<392x128xi32, #tpu.memory_space<vmem>>, vector<16xi32>,
        %shift_left3A_1585 = arith.constant 16 : i32
        %shift_left3A_1586 = vector.broadcast %shift_left3A_1585 : i32 to vector<16xi32>
        %shift_left3A_1587 = arith.shli %get3A_1584, %shift_left3A_1586 : vector<16xi32>
        %bitcast_convert_type3A_1588 = tpu.bitcast %shift_left3A_1587 : vector<16xi32> -> vector<16xf32>
        %bitcast_convert_type3A_1589 = tpu.bitcast %get3A_1584 : vector<16xi32> -> vector<16xf32>
        %mul3A_1590 = arith.mulf %gather3A_1511, %bitcast_convert_type3A_1588 : vector<16xf32>
        %mul3A_1591 = arith.mulf %gather3A_1511, %bitcast_convert_type3A_1589 : vector<16xf32>
        %add3A_1592 = arith.addf %mul3A_1418, %mul3A_1520 : vector<16xf32>
        %add3A_1593 = arith.addf %mul3A_1419, %mul3A_1521 : vector<16xf32>
        %add3A_1594 = arith.addf %mul3A_1428, %mul3A_1530 : vector<16xf32>
        %add3A_1595 = arith.addf %mul3A_1429, %mul3A_1531 : vector<16xf32>
        %add3A_1596 = arith.addf %mul3A_1438, %mul3A_1540 : vector<16xf32>
        %add3A_1597 = arith.addf %mul3A_1439, %mul3A_1541 : vector<16xf32>
        %add3A_1598 = arith.addf %mul3A_1448, %mul3A_1550 : vector<16xf32>
        %add3A_1599 = arith.addf %mul3A_1449, %mul3A_1551 : vector<16xf32>
        %add3A_1600 = arith.addf %mul3A_1458, %mul3A_1560 : vector<16xf32>
        %add3A_1601 = arith.addf %mul3A_1459, %mul3A_1561 : vector<16xf32>
        %add3A_1602 = arith.addf %mul3A_1468, %mul3A_1570 : vector<16xf32>
        %add3A_1603 = arith.addf %mul3A_1469, %mul3A_1571 : vector<16xf32>
        %add3A_1604 = arith.addf %mul3A_1478, %mul3A_1580 : vector<16xf32>
        %add3A_1605 = arith.addf %mul3A_1479, %mul3A_1581 : vector<16xf32>
        %add3A_1606 = arith.addf %mul3A_1488, %mul3A_1590 : vector<16xf32>
        %add3A_1607 = arith.addf %mul3A_1489, %mul3A_1591 : vector<16xf32>
        %mul3A_1608 = arith.constant 4 : i32
        %mul3A_1609 = arith.muli %mul3A_1608, %scan3A_1389 : i32
        %add3A_1610 = arith.constant 0 : i32
        %add3A_1611 = arith.addi %add3A_1610, %mul3A_1609 : i32
        %add3A_1612 = arith.constant 1 : i32
        %add3A_1613 = arith.addi %add3A_1611, %add3A_1612 : i32
        %mul3A_1614 = arith.constant 4 : i32
        %mul3A_1615 = arith.muli %mul3A_1614, %scan3A_1389 : i32
        %add3A_1616 = arith.constant 0 : i32
        %add3A_1617 = arith.addi %add3A_1616, %mul3A_1615 : i32
        %add3A_1618 = arith.constant 1 : i32
        %add3A_1619 = arith.addi %add3A_1617, %add3A_1618 : i32
        %broadcast_in_dim3A_1620 = vector.broadcast %add3A_1619 : i32 to vector<16xi32>
        %gather3A_1621 = tpu.vector_load_idx %arg11[%broadcast_in_dim3A_1620] : memref<896xf32, #tpu.memory_space<vmem>>[vector<16xi32>], vector<16xf32>,
        %mul3A_1622 = arith.constant 4 : i32
        %mul3A_1623 = arith.muli %mul3A_1622, %scan3A_1389 : i32
        %add3A_1624 = arith.constant 224 : i32
        %add3A_1625 = arith.addi %add3A_1624, %mul3A_1623 : i32
        %add3A_1626 = arith.constant 1 : i32
        %add3A_1627 = arith.addi %add3A_1625, %add3A_1626 : i32
        %broadcast_in_dim3A_1628 = vector.broadcast %add3A_1627 : i32 to vector<16xi32>
        %gather3A_1629 = tpu.vector_load_idx %arg11[%broadcast_in_dim3A_1628] : memref<896xf32, #tpu.memory_space<vmem>>[vector<16xi32>], vector<16xf32>,
        %get3A_1630 = arith.index_cast %add3A_1613 : i32 to index
        %get3A_1631 = arith.constant 0 : index
        %get3A_1632 = tpu.vector_load %arg12[%get3A_1630, %get3A_1631] {strides = array<i32>} : memref<392x128xi32, #tpu.memory_space<vmem>>, vector<16xi32>,
        %shift_left3A_1633 = arith.constant 16 : i32
        %shift_left3A_1634 = vector.broadcast %shift_left3A_1633 : i32 to vector<16xi32>
        %shift_left3A_1635 = arith.shli %get3A_1632, %shift_left3A_1634 : vector<16xi32>
        %bitcast_convert_type3A_1636 = tpu.bitcast %shift_left3A_1635 : vector<16xi32> -> vector<16xf32>
        %bitcast_convert_type3A_1637 = tpu.bitcast %get3A_1632 : vector<16xi32> -> vector<16xf32>
        %mul3A_1638 = arith.mulf %gather3A_1621, %bitcast_convert_type3A_1636 : vector<16xf32>
        %mul3A_1639 = arith.mulf %gather3A_1621, %bitcast_convert_type3A_1637 : vector<16xf32>
        %get3A_1640 = arith.index_cast %add3A_1613 : i32 to index
        %get3A_1641 = arith.constant 16 : index
        %get3A_1642 = tpu.vector_load %arg12[%get3A_1640, %get3A_1641] {strides = array<i32>} : memref<392x128xi32, #tpu.memory_space<vmem>>, vector<16xi32>,
        %shift_left3A_1643 = arith.constant 16 : i32
        %shift_left3A_1644 = vector.broadcast %shift_left3A_1643 : i32 to vector<16xi32>
        %shift_left3A_1645 = arith.shli %get3A_1642, %shift_left3A_1644 : vector<16xi32>
        %bitcast_convert_type3A_1646 = tpu.bitcast %shift_left3A_1645 : vector<16xi32> -> vector<16xf32>
        %bitcast_convert_type3A_1647 = tpu.bitcast %get3A_1642 : vector<16xi32> -> vector<16xf32>
        %mul3A_1648 = arith.mulf %gather3A_1621, %bitcast_convert_type3A_1646 : vector<16xf32>
        %mul3A_1649 = arith.mulf %gather3A_1621, %bitcast_convert_type3A_1647 : vector<16xf32>
        %get3A_1650 = arith.index_cast %add3A_1613 : i32 to index
        %get3A_1651 = arith.constant 32 : index
        %get3A_1652 = tpu.vector_load %arg12[%get3A_1650, %get3A_1651] {strides = array<i32>} : memref<392x128xi32, #tpu.memory_space<vmem>>, vector<16xi32>,
        %shift_left3A_1653 = arith.constant 16 : i32
        %shift_left3A_1654 = vector.broadcast %shift_left3A_1653 : i32 to vector<16xi32>
        %shift_left3A_1655 = arith.shli %get3A_1652, %shift_left3A_1654 : vector<16xi32>
        %bitcast_convert_type3A_1656 = tpu.bitcast %shift_left3A_1655 : vector<16xi32> -> vector<16xf32>
        %bitcast_convert_type3A_1657 = tpu.bitcast %get3A_1652 : vector<16xi32> -> vector<16xf32>
        %mul3A_1658 = arith.mulf %gather3A_1621, %bitcast_convert_type3A_1656 : vector<16xf32>
        %mul3A_1659 = arith.mulf %gather3A_1621, %bitcast_convert_type3A_1657 : vector<16xf32>
        %get3A_1660 = arith.index_cast %add3A_1613 : i32 to index
        %get3A_1661 = arith.constant 48 : index
        %get3A_1662 = tpu.vector_load %arg12[%get3A_1660, %get3A_1661] {strides = array<i32>} : memref<392x128xi32, #tpu.memory_space<vmem>>, vector<16xi32>,
        %shift_left3A_1663 = arith.constant 16 : i32
        %shift_left3A_1664 = vector.broadcast %shift_left3A_1663 : i32 to vector<16xi32>
        %shift_left3A_1665 = arith.shli %get3A_1662, %shift_left3A_1664 : vector<16xi32>
        %bitcast_convert_type3A_1666 = tpu.bitcast %shift_left3A_1665 : vector<16xi32> -> vector<16xf32>
        %bitcast_convert_type3A_1667 = tpu.bitcast %get3A_1662 : vector<16xi32> -> vector<16xf32>
        %mul3A_1668 = arith.mulf %gather3A_1621, %bitcast_convert_type3A_1666 : vector<16xf32>
        %mul3A_1669 = arith.mulf %gather3A_1621, %bitcast_convert_type3A_1667 : vector<16xf32>
        %get3A_1670 = arith.index_cast %add3A_1613 : i32 to index
        %get3A_1671 = arith.constant 64 : index
        %get3A_1672 = tpu.vector_load %arg12[%get3A_1670, %get3A_1671] {strides = array<i32>} : memref<392x128xi32, #tpu.memory_space<vmem>>, vector<16xi32>,
        %shift_left3A_1673 = arith.constant 16 : i32
        %shift_left3A_1674 = vector.broadcast %shift_left3A_1673 : i32 to vector<16xi32>
        %shift_left3A_1675 = arith.shli %get3A_1672, %shift_left3A_1674 : vector<16xi32>
        %bitcast_convert_type3A_1676 = tpu.bitcast %shift_left3A_1675 : vector<16xi32> -> vector<16xf32>
        %bitcast_convert_type3A_1677 = tpu.bitcast %get3A_1672 : vector<16xi32> -> vector<16xf32>
        %mul3A_1678 = arith.mulf %gather3A_1629, %bitcast_convert_type3A_1676 : vector<16xf32>
        %mul3A_1679 = arith.mulf %gather3A_1629, %bitcast_convert_type3A_1677 : vector<16xf32>
        %get3A_1680 = arith.index_cast %add3A_1613 : i32 to index
        %get3A_1681 = arith.constant 80 : index
        %get3A_1682 = tpu.vector_load %arg12[%get3A_1680, %get3A_1681] {strides = array<i32>} : memref<392x128xi32, #tpu.memory_space<vmem>>, vector<16xi32>,
        %shift_left3A_1683 = arith.constant 16 : i32
        %shift_left3A_1684 = vector.broadcast %shift_left3A_1683 : i32 to vector<16xi32>
        %shift_left3A_1685 = arith.shli %get3A_1682, %shift_left3A_1684 : vector<16xi32>
        %bitcast_convert_type3A_1686 = tpu.bitcast %shift_left3A_1685 : vector<16xi32> -> vector<16xf32>
        %bitcast_convert_type3A_1687 = tpu.bitcast %get3A_1682 : vector<16xi32> -> vector<16xf32>
        %mul3A_1688 = arith.mulf %gather3A_1629, %bitcast_convert_type3A_1686 : vector<16xf32>
        %mul3A_1689 = arith.mulf %gather3A_1629, %bitcast_convert_type3A_1687 : vector<16xf32>
        %get3A_1690 = arith.index_cast %add3A_1613 : i32 to index
        %get3A_1691 = arith.constant 96 : index
        %get3A_1692 = tpu.vector_load %arg12[%get3A_1690, %get3A_1691] {strides = array<i32>} : memref<392x128xi32, #tpu.memory_space<vmem>>, vector<16xi32>,
        %shift_left3A_1693 = arith.constant 16 : i32
        %shift_left3A_1694 = vector.broadcast %shift_left3A_1693 : i32 to vector<16xi32>
        %shift_left3A_1695 = arith.shli %get3A_1692, %shift_left3A_1694 : vector<16xi32>
        %bitcast_convert_type3A_1696 = tpu.bitcast %shift_left3A_1695 : vector<16xi32> -> vector<16xf32>
        %bitcast_convert_type3A_1697 = tpu.bitcast %get3A_1692 : vector<16xi32> -> vector<16xf32>
        %mul3A_1698 = arith.mulf %gather3A_1629, %bitcast_convert_type3A_1696 : vector<16xf32>
        %mul3A_1699 = arith.mulf %gather3A_1629, %bitcast_convert_type3A_1697 : vector<16xf32>
        %get3A_1700 = arith.index_cast %add3A_1613 : i32 to index
        %get3A_1701 = arith.constant 112 : index
        %get3A_1702 = tpu.vector_load %arg12[%get3A_1700, %get3A_1701] {strides = array<i32>} : memref<392x128xi32, #tpu.memory_space<vmem>>, vector<16xi32>,
        %shift_left3A_1703 = arith.constant 16 : i32
        %shift_left3A_1704 = vector.broadcast %shift_left3A_1703 : i32 to vector<16xi32>
        %shift_left3A_1705 = arith.shli %get3A_1702, %shift_left3A_1704 : vector<16xi32>
        %bitcast_convert_type3A_1706 = tpu.bitcast %shift_left3A_1705 : vector<16xi32> -> vector<16xf32>
        %bitcast_convert_type3A_1707 = tpu.bitcast %get3A_1702 : vector<16xi32> -> vector<16xf32>
        %mul3A_1708 = arith.mulf %gather3A_1629, %bitcast_convert_type3A_1706 : vector<16xf32>
        %mul3A_1709 = arith.mulf %gather3A_1629, %bitcast_convert_type3A_1707 : vector<16xf32>
        %add3A_1710 = arith.addf %add3A_1592, %mul3A_1638 : vector<16xf32>
        %add3A_1711 = arith.addf %add3A_1593, %mul3A_1639 : vector<16xf32>
        %add3A_1712 = arith.addf %add3A_1594, %mul3A_1648 : vector<16xf32>
        %add3A_1713 = arith.addf %add3A_1595, %mul3A_1649 : vector<16xf32>
        %add3A_1714 = arith.addf %add3A_1596, %mul3A_1658 : vector<16xf32>
        %add3A_1715 = arith.addf %add3A_1597, %mul3A_1659 : vector<16xf32>
        %add3A_1716 = arith.addf %add3A_1598, %mul3A_1668 : vector<16xf32>
        %add3A_1717 = arith.addf %add3A_1599, %mul3A_1669 : vector<16xf32>
        %add3A_1718 = arith.addf %add3A_1600, %mul3A_1678 : vector<16xf32>
        %add3A_1719 = arith.addf %add3A_1601, %mul3A_1679 : vector<16xf32>
        %add3A_1720 = arith.addf %add3A_1602, %mul3A_1688 : vector<16xf32>
        %add3A_1721 = arith.addf %add3A_1603, %mul3A_1689 : vector<16xf32>
        %add3A_1722 = arith.addf %add3A_1604, %mul3A_1698 : vector<16xf32>
        %add3A_1723 = arith.addf %add3A_1605, %mul3A_1699 : vector<16xf32>
        %add3A_1724 = arith.addf %add3A_1606, %mul3A_1708 : vector<16xf32>
        %add3A_1725 = arith.addf %add3A_1607, %mul3A_1709 : vector<16xf32>
        %mul3A_1726 = arith.constant 4 : i32
        %mul3A_1727 = arith.muli %mul3A_1726, %scan3A_1389 : i32
        %add3A_1728 = arith.constant 196 : i32
        %add3A_1729 = arith.addi %add3A_1728, %mul3A_1727 : i32
        %add3A_1730 = arith.constant 1 : i32
        %add3A_1731 = arith.addi %add3A_1729, %add3A_1730 : i32
        %mul3A_1732 = arith.constant 4 : i32
        %mul3A_1733 = arith.muli %mul3A_1732, %scan3A_1389 : i32
        %add3A_1734 = arith.constant 448 : i32
        %add3A_1735 = arith.addi %add3A_1734, %mul3A_1733 : i32
        %add3A_1736 = arith.constant 1 : i32
        %add3A_1737 = arith.addi %add3A_1735, %add3A_1736 : i32
        %broadcast_in_dim3A_1738 = vector.broadcast %add3A_1737 : i32 to vector<16xi32>
        %gather3A_1739 = tpu.vector_load_idx %arg11[%broadcast_in_dim3A_1738] : memref<896xf32, #tpu.memory_space<vmem>>[vector<16xi32>], vector<16xf32>,
        %mul3A_1740 = arith.constant 4 : i32
        %mul3A_1741 = arith.muli %mul3A_1740, %scan3A_1389 : i32
        %add3A_1742 = arith.constant 672 : i32
        %add3A_1743 = arith.addi %add3A_1742, %mul3A_1741 : i32
        %add3A_1744 = arith.constant 1 : i32
        %add3A_1745 = arith.addi %add3A_1743, %add3A_1744 : i32
        %broadcast_in_dim3A_1746 = vector.broadcast %add3A_1745 : i32 to vector<16xi32>
        %gather3A_1747 = tpu.vector_load_idx %arg11[%broadcast_in_dim3A_1746] : memref<896xf32, #tpu.memory_space<vmem>>[vector<16xi32>], vector<16xf32>,
        %get3A_1748 = arith.index_cast %add3A_1731 : i32 to index
        %get3A_1749 = arith.constant 0 : index
        %get3A_1750 = tpu.vector_load %arg12[%get3A_1748, %get3A_1749] {strides = array<i32>} : memref<392x128xi32, #tpu.memory_space<vmem>>, vector<16xi32>,
        %shift_left3A_1751 = arith.constant 16 : i32
        %shift_left3A_1752 = vector.broadcast %shift_left3A_1751 : i32 to vector<16xi32>
        %shift_left3A_1753 = arith.shli %get3A_1750, %shift_left3A_1752 : vector<16xi32>
        %bitcast_convert_type3A_1754 = tpu.bitcast %shift_left3A_1753 : vector<16xi32> -> vector<16xf32>
        %bitcast_convert_type3A_1755 = tpu.bitcast %get3A_1750 : vector<16xi32> -> vector<16xf32>
        %mul3A_1756 = arith.mulf %gather3A_1739, %bitcast_convert_type3A_1754 : vector<16xf32>
        %mul3A_1757 = arith.mulf %gather3A_1739, %bitcast_convert_type3A_1755 : vector<16xf32>
        %get3A_1758 = arith.index_cast %add3A_1731 : i32 to index
        %get3A_1759 = arith.constant 16 : index
        %get3A_1760 = tpu.vector_load %arg12[%get3A_1758, %get3A_1759] {strides = array<i32>} : memref<392x128xi32, #tpu.memory_space<vmem>>, vector<16xi32>,
        %shift_left3A_1761 = arith.constant 16 : i32
        %shift_left3A_1762 = vector.broadcast %shift_left3A_1761 : i32 to vector<16xi32>
        %shift_left3A_1763 = arith.shli %get3A_1760, %shift_left3A_1762 : vector<16xi32>
        %bitcast_convert_type3A_1764 = tpu.bitcast %shift_left3A_1763 : vector<16xi32> -> vector<16xf32>
        %bitcast_convert_type3A_1765 = tpu.bitcast %get3A_1760 : vector<16xi32> -> vector<16xf32>
        %mul3A_1766 = arith.mulf %gather3A_1739, %bitcast_convert_type3A_1764 : vector<16xf32>
        %mul3A_1767 = arith.mulf %gather3A_1739, %bitcast_convert_type3A_1765 : vector<16xf32>
        %get3A_1768 = arith.index_cast %add3A_1731 : i32 to index
        %get3A_1769 = arith.constant 32 : index
        %get3A_1770 = tpu.vector_load %arg12[%get3A_1768, %get3A_1769] {strides = array<i32>} : memref<392x128xi32, #tpu.memory_space<vmem>>, vector<16xi32>,
        %shift_left3A_1771 = arith.constant 16 : i32
        %shift_left3A_1772 = vector.broadcast %shift_left3A_1771 : i32 to vector<16xi32>
        %shift_left3A_1773 = arith.shli %get3A_1770, %shift_left3A_1772 : vector<16xi32>
        %bitcast_convert_type3A_1774 = tpu.bitcast %shift_left3A_1773 : vector<16xi32> -> vector<16xf32>
        %bitcast_convert_type3A_1775 = tpu.bitcast %get3A_1770 : vector<16xi32> -> vector<16xf32>
        %mul3A_1776 = arith.mulf %gather3A_1739, %bitcast_convert_type3A_1774 : vector<16xf32>
        %mul3A_1777 = arith.mulf %gather3A_1739, %bitcast_convert_type3A_1775 : vector<16xf32>
        %get3A_1778 = arith.index_cast %add3A_1731 : i32 to index
        %get3A_1779 = arith.constant 48 : index
        %get3A_1780 = tpu.vector_load %arg12[%get3A_1778, %get3A_1779] {strides = array<i32>} : memref<392x128xi32, #tpu.memory_space<vmem>>, vector<16xi32>,
        %shift_left3A_1781 = arith.constant 16 : i32
        %shift_left3A_1782 = vector.broadcast %shift_left3A_1781 : i32 to vector<16xi32>
        %shift_left3A_1783 = arith.shli %get3A_1780, %shift_left3A_1782 : vector<16xi32>
        %bitcast_convert_type3A_1784 = tpu.bitcast %shift_left3A_1783 : vector<16xi32> -> vector<16xf32>
        %bitcast_convert_type3A_1785 = tpu.bitcast %get3A_1780 : vector<16xi32> -> vector<16xf32>
        %mul3A_1786 = arith.mulf %gather3A_1739, %bitcast_convert_type3A_1784 : vector<16xf32>
        %mul3A_1787 = arith.mulf %gather3A_1739, %bitcast_convert_type3A_1785 : vector<16xf32>
        %get3A_1788 = arith.index_cast %add3A_1731 : i32 to index
        %get3A_1789 = arith.constant 64 : index
        %get3A_1790 = tpu.vector_load %arg12[%get3A_1788, %get3A_1789] {strides = array<i32>} : memref<392x128xi32, #tpu.memory_space<vmem>>, vector<16xi32>,
        %shift_left3A_1791 = arith.constant 16 : i32
        %shift_left3A_1792 = vector.broadcast %shift_left3A_1791 : i32 to vector<16xi32>
        %shift_left3A_1793 = arith.shli %get3A_1790, %shift_left3A_1792 : vector<16xi32>
        %bitcast_convert_type3A_1794 = tpu.bitcast %shift_left3A_1793 : vector<16xi32> -> vector<16xf32>
        %bitcast_convert_type3A_1795 = tpu.bitcast %get3A_1790 : vector<16xi32> -> vector<16xf32>
        %mul3A_1796 = arith.mulf %gather3A_1747, %bitcast_convert_type3A_1794 : vector<16xf32>
        %mul3A_1797 = arith.mulf %gather3A_1747, %bitcast_convert_type3A_1795 : vector<16xf32>
        %get3A_1798 = arith.index_cast %add3A_1731 : i32 to index
        %get3A_1799 = arith.constant 80 : index
        %get3A_1800 = tpu.vector_load %arg12[%get3A_1798, %get3A_1799] {strides = array<i32>} : memref<392x128xi32, #tpu.memory_space<vmem>>, vector<16xi32>,
        %shift_left3A_1801 = arith.constant 16 : i32
        %shift_left3A_1802 = vector.broadcast %shift_left3A_1801 : i32 to vector<16xi32>
        %shift_left3A_1803 = arith.shli %get3A_1800, %shift_left3A_1802 : vector<16xi32>
        %bitcast_convert_type3A_1804 = tpu.bitcast %shift_left3A_1803 : vector<16xi32> -> vector<16xf32>
        %bitcast_convert_type3A_1805 = tpu.bitcast %get3A_1800 : vector<16xi32> -> vector<16xf32>
        %mul3A_1806 = arith.mulf %gather3A_1747, %bitcast_convert_type3A_1804 : vector<16xf32>
        %mul3A_1807 = arith.mulf %gather3A_1747, %bitcast_convert_type3A_1805 : vector<16xf32>
        %get3A_1808 = arith.index_cast %add3A_1731 : i32 to index
        %get3A_1809 = arith.constant 96 : index
        %get3A_1810 = tpu.vector_load %arg12[%get3A_1808, %get3A_1809] {strides = array<i32>} : memref<392x128xi32, #tpu.memory_space<vmem>>, vector<16xi32>,
        %shift_left3A_1811 = arith.constant 16 : i32
        %shift_left3A_1812 = vector.broadcast %shift_left3A_1811 : i32 to vector<16xi32>
        %shift_left3A_1813 = arith.shli %get3A_1810, %shift_left3A_1812 : vector<16xi32>
        %bitcast_convert_type3A_1814 = tpu.bitcast %shift_left3A_1813 : vector<16xi32> -> vector<16xf32>
        %bitcast_convert_type3A_1815 = tpu.bitcast %get3A_1810 : vector<16xi32> -> vector<16xf32>
        %mul3A_1816 = arith.mulf %gather3A_1747, %bitcast_convert_type3A_1814 : vector<16xf32>
        %mul3A_1817 = arith.mulf %gather3A_1747, %bitcast_convert_type3A_1815 : vector<16xf32>
        %get3A_1818 = arith.index_cast %add3A_1731 : i32 to index
        %get3A_1819 = arith.constant 112 : index
        %get3A_1820 = tpu.vector_load %arg12[%get3A_1818, %get3A_1819] {strides = array<i32>} : memref<392x128xi32, #tpu.memory_space<vmem>>, vector<16xi32>,
        %shift_left3A_1821 = arith.constant 16 : i32
        %shift_left3A_1822 = vector.broadcast %shift_left3A_1821 : i32 to vector<16xi32>
        %shift_left3A_1823 = arith.shli %get3A_1820, %shift_left3A_1822 : vector<16xi32>
        %bitcast_convert_type3A_1824 = tpu.bitcast %shift_left3A_1823 : vector<16xi32> -> vector<16xf32>
        %bitcast_convert_type3A_1825 = tpu.bitcast %get3A_1820 : vector<16xi32> -> vector<16xf32>
        %mul3A_1826 = arith.mulf %gather3A_1747, %bitcast_convert_type3A_1824 : vector<16xf32>
        %mul3A_1827 = arith.mulf %gather3A_1747, %bitcast_convert_type3A_1825 : vector<16xf32>
        %add3A_1828 = arith.addf %add3A_1710, %mul3A_1756 : vector<16xf32>
        %add3A_1829 = arith.addf %add3A_1711, %mul3A_1757 : vector<16xf32>
        %add3A_1830 = arith.addf %add3A_1712, %mul3A_1766 : vector<16xf32>
        %add3A_1831 = arith.addf %add3A_1713, %mul3A_1767 : vector<16xf32>
        %add3A_1832 = arith.addf %add3A_1714, %mul3A_1776 : vector<16xf32>
        %add3A_1833 = arith.addf %add3A_1715, %mul3A_1777 : vector<16xf32>
        %add3A_1834 = arith.addf %add3A_1716, %mul3A_1786 : vector<16xf32>
        %add3A_1835 = arith.addf %add3A_1717, %mul3A_1787 : vector<16xf32>
        %add3A_1836 = arith.addf %add3A_1718, %mul3A_1796 : vector<16xf32>
        %add3A_1837 = arith.addf %add3A_1719, %mul3A_1797 : vector<16xf32>
        %add3A_1838 = arith.addf %add3A_1720, %mul3A_1806 : vector<16xf32>
        %add3A_1839 = arith.addf %add3A_1721, %mul3A_1807 : vector<16xf32>
        %add3A_1840 = arith.addf %add3A_1722, %mul3A_1816 : vector<16xf32>
        %add3A_1841 = arith.addf %add3A_1723, %mul3A_1817 : vector<16xf32>
        %add3A_1842 = arith.addf %add3A_1724, %mul3A_1826 : vector<16xf32>
        %add3A_1843 = arith.addf %add3A_1725, %mul3A_1827 : vector<16xf32>
        %mul3A_1844 = arith.constant 4 : i32
        %mul3A_1845 = arith.muli %mul3A_1844, %scan3A_1389 : i32
        %add3A_1846 = arith.constant 0 : i32
        %add3A_1847 = arith.addi %add3A_1846, %mul3A_1845 : i32
        %add3A_1848 = arith.constant 2 : i32
        %add3A_1849 = arith.addi %add3A_1847, %add3A_1848 : i32
        %mul3A_1850 = arith.constant 4 : i32
        %mul3A_1851 = arith.muli %mul3A_1850, %scan3A_1389 : i32
        %add3A_1852 = arith.constant 0 : i32
        %add3A_1853 = arith.addi %add3A_1852, %mul3A_1851 : i32
        %add3A_1854 = arith.constant 2 : i32
        %add3A_1855 = arith.addi %add3A_1853, %add3A_1854 : i32
        %broadcast_in_dim3A_1856 = vector.broadcast %add3A_1855 : i32 to vector<16xi32>
        %gather3A_1857 = tpu.vector_load_idx %arg11[%broadcast_in_dim3A_1856] : memref<896xf32, #tpu.memory_space<vmem>>[vector<16xi32>], vector<16xf32>,
        %mul3A_1858 = arith.constant 4 : i32
        %mul3A_1859 = arith.muli %mul3A_1858, %scan3A_1389 : i32
        %add3A_1860 = arith.constant 224 : i32
        %add3A_1861 = arith.addi %add3A_1860, %mul3A_1859 : i32
        %add3A_1862 = arith.constant 2 : i32
        %add3A_1863 = arith.addi %add3A_1861, %add3A_1862 : i32
        %broadcast_in_dim3A_1864 = vector.broadcast %add3A_1863 : i32 to vector<16xi32>
        %gather3A_1865 = tpu.vector_load_idx %arg11[%broadcast_in_dim3A_1864] : memref<896xf32, #tpu.memory_space<vmem>>[vector<16xi32>], vector<16xf32>,
        %get3A_1866 = arith.index_cast %add3A_1849 : i32 to index
        %get3A_1867 = arith.constant 0 : index
        %get3A_1868 = tpu.vector_load %arg12[%get3A_1866, %get3A_1867] {strides = array<i32>} : memref<392x128xi32, #tpu.memory_space<vmem>>, vector<16xi32>,
        %shift_left3A_1869 = arith.constant 16 : i32
        %shift_left3A_1870 = vector.broadcast %shift_left3A_1869 : i32 to vector<16xi32>
        %shift_left3A_1871 = arith.shli %get3A_1868, %shift_left3A_1870 : vector<16xi32>
        %bitcast_convert_type3A_1872 = tpu.bitcast %shift_left3A_1871 : vector<16xi32> -> vector<16xf32>
        %bitcast_convert_type3A_1873 = tpu.bitcast %get3A_1868 : vector<16xi32> -> vector<16xf32>
        %mul3A_1874 = arith.mulf %gather3A_1857, %bitcast_convert_type3A_1872 : vector<16xf32>
        %mul3A_1875 = arith.mulf %gather3A_1857, %bitcast_convert_type3A_1873 : vector<16xf32>
        %get3A_1876 = arith.index_cast %add3A_1849 : i32 to index
        %get3A_1877 = arith.constant 16 : index
        %get3A_1878 = tpu.vector_load %arg12[%get3A_1876, %get3A_1877] {strides = array<i32>} : memref<392x128xi32, #tpu.memory_space<vmem>>, vector<16xi32>,
        %shift_left3A_1879 = arith.constant 16 : i32
        %shift_left3A_1880 = vector.broadcast %shift_left3A_1879 : i32 to vector<16xi32>
        %shift_left3A_1881 = arith.shli %get3A_1878, %shift_left3A_1880 : vector<16xi32>
        %bitcast_convert_type3A_1882 = tpu.bitcast %shift_left3A_1881 : vector<16xi32> -> vector<16xf32>
        %bitcast_convert_type3A_1883 = tpu.bitcast %get3A_1878 : vector<16xi32> -> vector<16xf32>
        %mul3A_1884 = arith.mulf %gather3A_1857, %bitcast_convert_type3A_1882 : vector<16xf32>
        %mul3A_1885 = arith.mulf %gather3A_1857, %bitcast_convert_type3A_1883 : vector<16xf32>
        %get3A_1886 = arith.index_cast %add3A_1849 : i32 to index
        %get3A_1887 = arith.constant 32 : index
        %get3A_1888 = tpu.vector_load %arg12[%get3A_1886, %get3A_1887] {strides = array<i32>} : memref<392x128xi32, #tpu.memory_space<vmem>>, vector<16xi32>,
        %shift_left3A_1889 = arith.constant 16 : i32
        %shift_left3A_1890 = vector.broadcast %shift_left3A_1889 : i32 to vector<16xi32>
        %shift_left3A_1891 = arith.shli %get3A_1888, %shift_left3A_1890 : vector<16xi32>
        %bitcast_convert_type3A_1892 = tpu.bitcast %shift_left3A_1891 : vector<16xi32> -> vector<16xf32>
        %bitcast_convert_type3A_1893 = tpu.bitcast %get3A_1888 : vector<16xi32> -> vector<16xf32>
        %mul3A_1894 = arith.mulf %gather3A_1857, %bitcast_convert_type3A_1892 : vector<16xf32>
        %mul3A_1895 = arith.mulf %gather3A_1857, %bitcast_convert_type3A_1893 : vector<16xf32>
        %get3A_1896 = arith.index_cast %add3A_1849 : i32 to index
        %get3A_1897 = arith.constant 48 : index
        %get3A_1898 = tpu.vector_load %arg12[%get3A_1896, %get3A_1897] {strides = array<i32>} : memref<392x128xi32, #tpu.memory_space<vmem>>, vector<16xi32>,
        %shift_left3A_1899 = arith.constant 16 : i32
        %shift_left3A_1900 = vector.broadcast %shift_left3A_1899 : i32 to vector<16xi32>
        %shift_left3A_1901 = arith.shli %get3A_1898, %shift_left3A_1900 : vector<16xi32>
        %bitcast_convert_type3A_1902 = tpu.bitcast %shift_left3A_1901 : vector<16xi32> -> vector<16xf32>
        %bitcast_convert_type3A_1903 = tpu.bitcast %get3A_1898 : vector<16xi32> -> vector<16xf32>
        %mul3A_1904 = arith.mulf %gather3A_1857, %bitcast_convert_type3A_1902 : vector<16xf32>
        %mul3A_1905 = arith.mulf %gather3A_1857, %bitcast_convert_type3A_1903 : vector<16xf32>
        %get3A_1906 = arith.index_cast %add3A_1849 : i32 to index
        %get3A_1907 = arith.constant 64 : index
        %get3A_1908 = tpu.vector_load %arg12[%get3A_1906, %get3A_1907] {strides = array<i32>} : memref<392x128xi32, #tpu.memory_space<vmem>>, vector<16xi32>,
        %shift_left3A_1909 = arith.constant 16 : i32
        %shift_left3A_1910 = vector.broadcast %shift_left3A_1909 : i32 to vector<16xi32>
        %shift_left3A_1911 = arith.shli %get3A_1908, %shift_left3A_1910 : vector<16xi32>
        %bitcast_convert_type3A_1912 = tpu.bitcast %shift_left3A_1911 : vector<16xi32> -> vector<16xf32>
        %bitcast_convert_type3A_1913 = tpu.bitcast %get3A_1908 : vector<16xi32> -> vector<16xf32>
        %mul3A_1914 = arith.mulf %gather3A_1865, %bitcast_convert_type3A_1912 : vector<16xf32>
        %mul3A_1915 = arith.mulf %gather3A_1865, %bitcast_convert_type3A_1913 : vector<16xf32>
        %get3A_1916 = arith.index_cast %add3A_1849 : i32 to index
        %get3A_1917 = arith.constant 80 : index
        %get3A_1918 = tpu.vector_load %arg12[%get3A_1916, %get3A_1917] {strides = array<i32>} : memref<392x128xi32, #tpu.memory_space<vmem>>, vector<16xi32>,
        %shift_left3A_1919 = arith.constant 16 : i32
        %shift_left3A_1920 = vector.broadcast %shift_left3A_1919 : i32 to vector<16xi32>
        %shift_left3A_1921 = arith.shli %get3A_1918, %shift_left3A_1920 : vector<16xi32>
        %bitcast_convert_type3A_1922 = tpu.bitcast %shift_left3A_1921 : vector<16xi32> -> vector<16xf32>
        %bitcast_convert_type3A_1923 = tpu.bitcast %get3A_1918 : vector<16xi32> -> vector<16xf32>
        %mul3A_1924 = arith.mulf %gather3A_1865, %bitcast_convert_type3A_1922 : vector<16xf32>
        %mul3A_1925 = arith.mulf %gather3A_1865, %bitcast_convert_type3A_1923 : vector<16xf32>
        %get3A_1926 = arith.index_cast %add3A_1849 : i32 to index
        %get3A_1927 = arith.constant 96 : index
        %get3A_1928 = tpu.vector_load %arg12[%get3A_1926, %get3A_1927] {strides = array<i32>} : memref<392x128xi32, #tpu.memory_space<vmem>>, vector<16xi32>,
        %shift_left3A_1929 = arith.constant 16 : i32
        %shift_left3A_1930 = vector.broadcast %shift_left3A_1929 : i32 to vector<16xi32>
        %shift_left3A_1931 = arith.shli %get3A_1928, %shift_left3A_1930 : vector<16xi32>
        %bitcast_convert_type3A_1932 = tpu.bitcast %shift_left3A_1931 : vector<16xi32> -> vector<16xf32>
        %bitcast_convert_type3A_1933 = tpu.bitcast %get3A_1928 : vector<16xi32> -> vector<16xf32>
        %mul3A_1934 = arith.mulf %gather3A_1865, %bitcast_convert_type3A_1932 : vector<16xf32>
        %mul3A_1935 = arith.mulf %gather3A_1865, %bitcast_convert_type3A_1933 : vector<16xf32>
        %get3A_1936 = arith.index_cast %add3A_1849 : i32 to index
        %get3A_1937 = arith.constant 112 : index
        %get3A_1938 = tpu.vector_load %arg12[%get3A_1936, %get3A_1937] {strides = array<i32>} : memref<392x128xi32, #tpu.memory_space<vmem>>, vector<16xi32>,
        %shift_left3A_1939 = arith.constant 16 : i32
        %shift_left3A_1940 = vector.broadcast %shift_left3A_1939 : i32 to vector<16xi32>
        %shift_left3A_1941 = arith.shli %get3A_1938, %shift_left3A_1940 : vector<16xi32>
        %bitcast_convert_type3A_1942 = tpu.bitcast %shift_left3A_1941 : vector<16xi32> -> vector<16xf32>
        %bitcast_convert_type3A_1943 = tpu.bitcast %get3A_1938 : vector<16xi32> -> vector<16xf32>
        %mul3A_1944 = arith.mulf %gather3A_1865, %bitcast_convert_type3A_1942 : vector<16xf32>
        %mul3A_1945 = arith.mulf %gather3A_1865, %bitcast_convert_type3A_1943 : vector<16xf32>
        %add3A_1946 = arith.addf %add3A_1828, %mul3A_1874 : vector<16xf32>
        %add3A_1947 = arith.addf %add3A_1829, %mul3A_1875 : vector<16xf32>
        %add3A_1948 = arith.addf %add3A_1830, %mul3A_1884 : vector<16xf32>
        %add3A_1949 = arith.addf %add3A_1831, %mul3A_1885 : vector<16xf32>
        %add3A_1950 = arith.addf %add3A_1832, %mul3A_1894 : vector<16xf32>
        %add3A_1951 = arith.addf %add3A_1833, %mul3A_1895 : vector<16xf32>
        %add3A_1952 = arith.addf %add3A_1834, %mul3A_1904 : vector<16xf32>
        %add3A_1953 = arith.addf %add3A_1835, %mul3A_1905 : vector<16xf32>
        %add3A_1954 = arith.addf %add3A_1836, %mul3A_1914 : vector<16xf32>
        %add3A_1955 = arith.addf %add3A_1837, %mul3A_1915 : vector<16xf32>
        %add3A_1956 = arith.addf %add3A_1838, %mul3A_1924 : vector<16xf32>
        %add3A_1957 = arith.addf %add3A_1839, %mul3A_1925 : vector<16xf32>
        %add3A_1958 = arith.addf %add3A_1840, %mul3A_1934 : vector<16xf32>
        %add3A_1959 = arith.addf %add3A_1841, %mul3A_1935 : vector<16xf32>
        %add3A_1960 = arith.addf %add3A_1842, %mul3A_1944 : vector<16xf32>
        %add3A_1961 = arith.addf %add3A_1843, %mul3A_1945 : vector<16xf32>
        %mul3A_1962 = arith.constant 4 : i32
        %mul3A_1963 = arith.muli %mul3A_1962, %scan3A_1389 : i32
        %add3A_1964 = arith.constant 196 : i32
        %add3A_1965 = arith.addi %add3A_1964, %mul3A_1963 : i32
        %add3A_1966 = arith.constant 2 : i32
        %add3A_1967 = arith.addi %add3A_1965, %add3A_1966 : i32
        %mul3A_1968 = arith.constant 4 : i32
        %mul3A_1969 = arith.muli %mul3A_1968, %scan3A_1389 : i32
        %add3A_1970 = arith.constant 448 : i32
        %add3A_1971 = arith.addi %add3A_1970, %mul3A_1969 : i32
        %add3A_1972 = arith.constant 2 : i32
        %add3A_1973 = arith.addi %add3A_1971, %add3A_1972 : i32
        %broadcast_in_dim3A_1974 = vector.broadcast %add3A_1973 : i32 to vector<16xi32>
        %gather3A_1975 = tpu.vector_load_idx %arg11[%broadcast_in_dim3A_1974] : memref<896xf32, #tpu.memory_space<vmem>>[vector<16xi32>], vector<16xf32>,
        %mul3A_1976 = arith.constant 4 : i32
        %mul3A_1977 = arith.muli %mul3A_1976, %scan3A_1389 : i32
        %add3A_1978 = arith.constant 672 : i32
        %add3A_1979 = arith.addi %add3A_1978, %mul3A_1977 : i32
        %add3A_1980 = arith.constant 2 : i32
        %add3A_1981 = arith.addi %add3A_1979, %add3A_1980 : i32
        %broadcast_in_dim3A_1982 = vector.broadcast %add3A_1981 : i32 to vector<16xi32>
        %gather3A_1983 = tpu.vector_load_idx %arg11[%broadcast_in_dim3A_1982] : memref<896xf32, #tpu.memory_space<vmem>>[vector<16xi32>], vector<16xf32>,
        %get3A_1984 = arith.index_cast %add3A_1967 : i32 to index
        %get3A_1985 = arith.constant 0 : index
        %get3A_1986 = tpu.vector_load %arg12[%get3A_1984, %get3A_1985] {strides = array<i32>} : memref<392x128xi32, #tpu.memory_space<vmem>>, vector<16xi32>,
        %shift_left3A_1987 = arith.constant 16 : i32
        %shift_left3A_1988 = vector.broadcast %shift_left3A_1987 : i32 to vector<16xi32>
        %shift_left3A_1989 = arith.shli %get3A_1986, %shift_left3A_1988 : vector<16xi32>
        %bitcast_convert_type3A_1990 = tpu.bitcast %shift_left3A_1989 : vector<16xi32> -> vector<16xf32>
        %bitcast_convert_type3A_1991 = tpu.bitcast %get3A_1986 : vector<16xi32> -> vector<16xf32>
        %mul3A_1992 = arith.mulf %gather3A_1975, %bitcast_convert_type3A_1990 : vector<16xf32>
        %mul3A_1993 = arith.mulf %gather3A_1975, %bitcast_convert_type3A_1991 : vector<16xf32>
        %get3A_1994 = arith.index_cast %add3A_1967 : i32 to index
        %get3A_1995 = arith.constant 16 : index
        %get3A_1996 = tpu.vector_load %arg12[%get3A_1994, %get3A_1995] {strides = array<i32>} : memref<392x128xi32, #tpu.memory_space<vmem>>, vector<16xi32>,
        %shift_left3A_1997 = arith.constant 16 : i32
        %shift_left3A_1998 = vector.broadcast %shift_left3A_1997 : i32 to vector<16xi32>
        %shift_left3A_1999 = arith.shli %get3A_1996, %shift_left3A_1998 : vector<16xi32>
        %bitcast_convert_type3A_2000 = tpu.bitcast %shift_left3A_1999 : vector<16xi32> -> vector<16xf32>
        %bitcast_convert_type3A_2001 = tpu.bitcast %get3A_1996 : vector<16xi32> -> vector<16xf32>
        %mul3A_2002 = arith.mulf %gather3A_1975, %bitcast_convert_type3A_2000 : vector<16xf32>
        %mul3A_2003 = arith.mulf %gather3A_1975, %bitcast_convert_type3A_2001 : vector<16xf32>
        %get3A_2004 = arith.index_cast %add3A_1967 : i32 to index
        %get3A_2005 = arith.constant 32 : index
        %get3A_2006 = tpu.vector_load %arg12[%get3A_2004, %get3A_2005] {strides = array<i32>} : memref<392x128xi32, #tpu.memory_space<vmem>>, vector<16xi32>,
        %shift_left3A_2007 = arith.constant 16 : i32
        %shift_left3A_2008 = vector.broadcast %shift_left3A_2007 : i32 to vector<16xi32>
        %shift_left3A_2009 = arith.shli %get3A_2006, %shift_left3A_2008 : vector<16xi32>
        %bitcast_convert_type3A_2010 = tpu.bitcast %shift_left3A_2009 : vector<16xi32> -> vector<16xf32>
        %bitcast_convert_type3A_2011 = tpu.bitcast %get3A_2006 : vector<16xi32> -> vector<16xf32>
        %mul3A_2012 = arith.mulf %gather3A_1975, %bitcast_convert_type3A_2010 : vector<16xf32>
        %mul3A_2013 = arith.mulf %gather3A_1975, %bitcast_convert_type3A_2011 : vector<16xf32>
        %get3A_2014 = arith.index_cast %add3A_1967 : i32 to index
        %get3A_2015 = arith.constant 48 : index
        %get3A_2016 = tpu.vector_load %arg12[%get3A_2014, %get3A_2015] {strides = array<i32>} : memref<392x128xi32, #tpu.memory_space<vmem>>, vector<16xi32>,
        %shift_left3A_2017 = arith.constant 16 : i32
        %shift_left3A_2018 = vector.broadcast %shift_left3A_2017 : i32 to vector<16xi32>
        %shift_left3A_2019 = arith.shli %get3A_2016, %shift_left3A_2018 : vector<16xi32>
        %bitcast_convert_type3A_2020 = tpu.bitcast %shift_left3A_2019 : vector<16xi32> -> vector<16xf32>
        %bitcast_convert_type3A_2021 = tpu.bitcast %get3A_2016 : vector<16xi32> -> vector<16xf32>
        %mul3A_2022 = arith.mulf %gather3A_1975, %bitcast_convert_type3A_2020 : vector<16xf32>
        %mul3A_2023 = arith.mulf %gather3A_1975, %bitcast_convert_type3A_2021 : vector<16xf32>
        %get3A_2024 = arith.index_cast %add3A_1967 : i32 to index
        %get3A_2025 = arith.constant 64 : index
        %get3A_2026 = tpu.vector_load %arg12[%get3A_2024, %get3A_2025] {strides = array<i32>} : memref<392x128xi32, #tpu.memory_space<vmem>>, vector<16xi32>,
        %shift_left3A_2027 = arith.constant 16 : i32
        %shift_left3A_2028 = vector.broadcast %shift_left3A_2027 : i32 to vector<16xi32>
        %shift_left3A_2029 = arith.shli %get3A_2026, %shift_left3A_2028 : vector<16xi32>
        %bitcast_convert_type3A_2030 = tpu.bitcast %shift_left3A_2029 : vector<16xi32> -> vector<16xf32>
        %bitcast_convert_type3A_2031 = tpu.bitcast %get3A_2026 : vector<16xi32> -> vector<16xf32>
        %mul3A_2032 = arith.mulf %gather3A_1983, %bitcast_convert_type3A_2030 : vector<16xf32>
        %mul3A_2033 = arith.mulf %gather3A_1983, %bitcast_convert_type3A_2031 : vector<16xf32>
        %get3A_2034 = arith.index_cast %add3A_1967 : i32 to index
        %get3A_2035 = arith.constant 80 : index
        %get3A_2036 = tpu.vector_load %arg12[%get3A_2034, %get3A_2035] {strides = array<i32>} : memref<392x128xi32, #tpu.memory_space<vmem>>, vector<16xi32>,
        %shift_left3A_2037 = arith.constant 16 : i32
        %shift_left3A_2038 = vector.broadcast %shift_left3A_2037 : i32 to vector<16xi32>
        %shift_left3A_2039 = arith.shli %get3A_2036, %shift_left3A_2038 : vector<16xi32>
        %bitcast_convert_type3A_2040 = tpu.bitcast %shift_left3A_2039 : vector<16xi32> -> vector<16xf32>
        %bitcast_convert_type3A_2041 = tpu.bitcast %get3A_2036 : vector<16xi32> -> vector<16xf32>
        %mul3A_2042 = arith.mulf %gather3A_1983, %bitcast_convert_type3A_2040 : vector<16xf32>
        %mul3A_2043 = arith.mulf %gather3A_1983, %bitcast_convert_type3A_2041 : vector<16xf32>
        %get3A_2044 = arith.index_cast %add3A_1967 : i32 to index
        %get3A_2045 = arith.constant 96 : index
        %get3A_2046 = tpu.vector_load %arg12[%get3A_2044, %get3A_2045] {strides = array<i32>} : memref<392x128xi32, #tpu.memory_space<vmem>>, vector<16xi32>,
        %shift_left3A_2047 = arith.constant 16 : i32
        %shift_left3A_2048 = vector.broadcast %shift_left3A_2047 : i32 to vector<16xi32>
        %shift_left3A_2049 = arith.shli %get3A_2046, %shift_left3A_2048 : vector<16xi32>
        %bitcast_convert_type3A_2050 = tpu.bitcast %shift_left3A_2049 : vector<16xi32> -> vector<16xf32>
        %bitcast_convert_type3A_2051 = tpu.bitcast %get3A_2046 : vector<16xi32> -> vector<16xf32>
        %mul3A_2052 = arith.mulf %gather3A_1983, %bitcast_convert_type3A_2050 : vector<16xf32>
        %mul3A_2053 = arith.mulf %gather3A_1983, %bitcast_convert_type3A_2051 : vector<16xf32>
        %get3A_2054 = arith.index_cast %add3A_1967 : i32 to index
        %get3A_2055 = arith.constant 112 : index
        %get3A_2056 = tpu.vector_load %arg12[%get3A_2054, %get3A_2055] {strides = array<i32>} : memref<392x128xi32, #tpu.memory_space<vmem>>, vector<16xi32>,
        %shift_left3A_2057 = arith.constant 16 : i32
        %shift_left3A_2058 = vector.broadcast %shift_left3A_2057 : i32 to vector<16xi32>
        %shift_left3A_2059 = arith.shli %get3A_2056, %shift_left3A_2058 : vector<16xi32>
        %bitcast_convert_type3A_2060 = tpu.bitcast %shift_left3A_2059 : vector<16xi32> -> vector<16xf32>
        %bitcast_convert_type3A_2061 = tpu.bitcast %get3A_2056 : vector<16xi32> -> vector<16xf32>
        %mul3A_2062 = arith.mulf %gather3A_1983, %bitcast_convert_type3A_2060 : vector<16xf32>
        %mul3A_2063 = arith.mulf %gather3A_1983, %bitcast_convert_type3A_2061 : vector<16xf32>
        %add3A_2064 = arith.addf %add3A_1946, %mul3A_1992 : vector<16xf32>
        %add3A_2065 = arith.addf %add3A_1947, %mul3A_1993 : vector<16xf32>
        %add3A_2066 = arith.addf %add3A_1948, %mul3A_2002 : vector<16xf32>
        %add3A_2067 = arith.addf %add3A_1949, %mul3A_2003 : vector<16xf32>
        %add3A_2068 = arith.addf %add3A_1950, %mul3A_2012 : vector<16xf32>
        %add3A_2069 = arith.addf %add3A_1951, %mul3A_2013 : vector<16xf32>
        %add3A_2070 = arith.addf %add3A_1952, %mul3A_2022 : vector<16xf32>
        %add3A_2071 = arith.addf %add3A_1953, %mul3A_2023 : vector<16xf32>
        %add3A_2072 = arith.addf %add3A_1954, %mul3A_2032 : vector<16xf32>
        %add3A_2073 = arith.addf %add3A_1955, %mul3A_2033 : vector<16xf32>
        %add3A_2074 = arith.addf %add3A_1956, %mul3A_2042 : vector<16xf32>
        %add3A_2075 = arith.addf %add3A_1957, %mul3A_2043 : vector<16xf32>
        %add3A_2076 = arith.addf %add3A_1958, %mul3A_2052 : vector<16xf32>
        %add3A_2077 = arith.addf %add3A_1959, %mul3A_2053 : vector<16xf32>
        %add3A_2078 = arith.addf %add3A_1960, %mul3A_2062 : vector<16xf32>
        %add3A_2079 = arith.addf %add3A_1961, %mul3A_2063 : vector<16xf32>
        %mul3A_2080 = arith.constant 4 : i32
        %mul3A_2081 = arith.muli %mul3A_2080, %scan3A_1389 : i32
        %add3A_2082 = arith.constant 0 : i32
        %add3A_2083 = arith.addi %add3A_2082, %mul3A_2081 : i32
        %add3A_2084 = arith.constant 3 : i32
        %add3A_2085 = arith.addi %add3A_2083, %add3A_2084 : i32
        %mul3A_2086 = arith.constant 4 : i32
        %mul3A_2087 = arith.muli %mul3A_2086, %scan3A_1389 : i32
        %add3A_2088 = arith.constant 0 : i32
        %add3A_2089 = arith.addi %add3A_2088, %mul3A_2087 : i32
        %add3A_2090 = arith.constant 3 : i32
        %add3A_2091 = arith.addi %add3A_2089, %add3A_2090 : i32
        %broadcast_in_dim3A_2092 = vector.broadcast %add3A_2091 : i32 to vector<16xi32>
        %gather3A_2093 = tpu.vector_load_idx %arg11[%broadcast_in_dim3A_2092] : memref<896xf32, #tpu.memory_space<vmem>>[vector<16xi32>], vector<16xf32>,
        %mul3A_2094 = arith.constant 4 : i32
        %mul3A_2095 = arith.muli %mul3A_2094, %scan3A_1389 : i32
        %add3A_2096 = arith.constant 224 : i32
        %add3A_2097 = arith.addi %add3A_2096, %mul3A_2095 : i32
        %add3A_2098 = arith.constant 3 : i32
        %add3A_2099 = arith.addi %add3A_2097, %add3A_2098 : i32
        %broadcast_in_dim3A_2100 = vector.broadcast %add3A_2099 : i32 to vector<16xi32>
        %gather3A_2101 = tpu.vector_load_idx %arg11[%broadcast_in_dim3A_2100] : memref<896xf32, #tpu.memory_space<vmem>>[vector<16xi32>], vector<16xf32>,
        %get3A_2102 = arith.index_cast %add3A_2085 : i32 to index
        %get3A_2103 = arith.constant 0 : index
        %get3A_2104 = tpu.vector_load %arg12[%get3A_2102, %get3A_2103] {strides = array<i32>} : memref<392x128xi32, #tpu.memory_space<vmem>>, vector<16xi32>,
        %shift_left3A_2105 = arith.constant 16 : i32
        %shift_left3A_2106 = vector.broadcast %shift_left3A_2105 : i32 to vector<16xi32>
        %shift_left3A_2107 = arith.shli %get3A_2104, %shift_left3A_2106 : vector<16xi32>
        %bitcast_convert_type3A_2108 = tpu.bitcast %shift_left3A_2107 : vector<16xi32> -> vector<16xf32>
        %bitcast_convert_type3A_2109 = tpu.bitcast %get3A_2104 : vector<16xi32> -> vector<16xf32>
        %mul3A_2110 = arith.mulf %gather3A_2093, %bitcast_convert_type3A_2108 : vector<16xf32>
        %mul3A_2111 = arith.mulf %gather3A_2093, %bitcast_convert_type3A_2109 : vector<16xf32>
        %get3A_2112 = arith.index_cast %add3A_2085 : i32 to index
        %get3A_2113 = arith.constant 16 : index
        %get3A_2114 = tpu.vector_load %arg12[%get3A_2112, %get3A_2113] {strides = array<i32>} : memref<392x128xi32, #tpu.memory_space<vmem>>, vector<16xi32>,
        %shift_left3A_2115 = arith.constant 16 : i32
        %shift_left3A_2116 = vector.broadcast %shift_left3A_2115 : i32 to vector<16xi32>
        %shift_left3A_2117 = arith.shli %get3A_2114, %shift_left3A_2116 : vector<16xi32>
        %bitcast_convert_type3A_2118 = tpu.bitcast %shift_left3A_2117 : vector<16xi32> -> vector<16xf32>
        %bitcast_convert_type3A_2119 = tpu.bitcast %get3A_2114 : vector<16xi32> -> vector<16xf32>
        %mul3A_2120 = arith.mulf %gather3A_2093, %bitcast_convert_type3A_2118 : vector<16xf32>
        %mul3A_2121 = arith.mulf %gather3A_2093, %bitcast_convert_type3A_2119 : vector<16xf32>
        %get3A_2122 = arith.index_cast %add3A_2085 : i32 to index
        %get3A_2123 = arith.constant 32 : index
        %get3A_2124 = tpu.vector_load %arg12[%get3A_2122, %get3A_2123] {strides = array<i32>} : memref<392x128xi32, #tpu.memory_space<vmem>>, vector<16xi32>,
        %shift_left3A_2125 = arith.constant 16 : i32
        %shift_left3A_2126 = vector.broadcast %shift_left3A_2125 : i32 to vector<16xi32>
        %shift_left3A_2127 = arith.shli %get3A_2124, %shift_left3A_2126 : vector<16xi32>
        %bitcast_convert_type3A_2128 = tpu.bitcast %shift_left3A_2127 : vector<16xi32> -> vector<16xf32>
        %bitcast_convert_type3A_2129 = tpu.bitcast %get3A_2124 : vector<16xi32> -> vector<16xf32>
        %mul3A_2130 = arith.mulf %gather3A_2093, %bitcast_convert_type3A_2128 : vector<16xf32>
        %mul3A_2131 = arith.mulf %gather3A_2093, %bitcast_convert_type3A_2129 : vector<16xf32>
        %get3A_2132 = arith.index_cast %add3A_2085 : i32 to index
        %get3A_2133 = arith.constant 48 : index
        %get3A_2134 = tpu.vector_load %arg12[%get3A_2132, %get3A_2133] {strides = array<i32>} : memref<392x128xi32, #tpu.memory_space<vmem>>, vector<16xi32>,
        %shift_left3A_2135 = arith.constant 16 : i32
        %shift_left3A_2136 = vector.broadcast %shift_left3A_2135 : i32 to vector<16xi32>
        %shift_left3A_2137 = arith.shli %get3A_2134, %shift_left3A_2136 : vector<16xi32>
        %bitcast_convert_type3A_2138 = tpu.bitcast %shift_left3A_2137 : vector<16xi32> -> vector<16xf32>
        %bitcast_convert_type3A_2139 = tpu.bitcast %get3A_2134 : vector<16xi32> -> vector<16xf32>
        %mul3A_2140 = arith.mulf %gather3A_2093, %bitcast_convert_type3A_2138 : vector<16xf32>
        %mul3A_2141 = arith.mulf %gather3A_2093, %bitcast_convert_type3A_2139 : vector<16xf32>
        %get3A_2142 = arith.index_cast %add3A_2085 : i32 to index
        %get3A_2143 = arith.constant 64 : index
        %get3A_2144 = tpu.vector_load %arg12[%get3A_2142, %get3A_2143] {strides = array<i32>} : memref<392x128xi32, #tpu.memory_space<vmem>>, vector<16xi32>,
        %shift_left3A_2145 = arith.constant 16 : i32
        %shift_left3A_2146 = vector.broadcast %shift_left3A_2145 : i32 to vector<16xi32>
        %shift_left3A_2147 = arith.shli %get3A_2144, %shift_left3A_2146 : vector<16xi32>
        %bitcast_convert_type3A_2148 = tpu.bitcast %shift_left3A_2147 : vector<16xi32> -> vector<16xf32>
        %bitcast_convert_type3A_2149 = tpu.bitcast %get3A_2144 : vector<16xi32> -> vector<16xf32>
        %mul3A_2150 = arith.mulf %gather3A_2101, %bitcast_convert_type3A_2148 : vector<16xf32>
        %mul3A_2151 = arith.mulf %gather3A_2101, %bitcast_convert_type3A_2149 : vector<16xf32>
        %get3A_2152 = arith.index_cast %add3A_2085 : i32 to index
        %get3A_2153 = arith.constant 80 : index
        %get3A_2154 = tpu.vector_load %arg12[%get3A_2152, %get3A_2153] {strides = array<i32>} : memref<392x128xi32, #tpu.memory_space<vmem>>, vector<16xi32>,
        %shift_left3A_2155 = arith.constant 16 : i32
        %shift_left3A_2156 = vector.broadcast %shift_left3A_2155 : i32 to vector<16xi32>
        %shift_left3A_2157 = arith.shli %get3A_2154, %shift_left3A_2156 : vector<16xi32>
        %bitcast_convert_type3A_2158 = tpu.bitcast %shift_left3A_2157 : vector<16xi32> -> vector<16xf32>
        %bitcast_convert_type3A_2159 = tpu.bitcast %get3A_2154 : vector<16xi32> -> vector<16xf32>
        %mul3A_2160 = arith.mulf %gather3A_2101, %bitcast_convert_type3A_2158 : vector<16xf32>
        %mul3A_2161 = arith.mulf %gather3A_2101, %bitcast_convert_type3A_2159 : vector<16xf32>
        %get3A_2162 = arith.index_cast %add3A_2085 : i32 to index
        %get3A_2163 = arith.constant 96 : index
        %get3A_2164 = tpu.vector_load %arg12[%get3A_2162, %get3A_2163] {strides = array<i32>} : memref<392x128xi32, #tpu.memory_space<vmem>>, vector<16xi32>,
        %shift_left3A_2165 = arith.constant 16 : i32
        %shift_left3A_2166 = vector.broadcast %shift_left3A_2165 : i32 to vector<16xi32>
        %shift_left3A_2167 = arith.shli %get3A_2164, %shift_left3A_2166 : vector<16xi32>
        %bitcast_convert_type3A_2168 = tpu.bitcast %shift_left3A_2167 : vector<16xi32> -> vector<16xf32>
        %bitcast_convert_type3A_2169 = tpu.bitcast %get3A_2164 : vector<16xi32> -> vector<16xf32>
        %mul3A_2170 = arith.mulf %gather3A_2101, %bitcast_convert_type3A_2168 : vector<16xf32>
        %mul3A_2171 = arith.mulf %gather3A_2101, %bitcast_convert_type3A_2169 : vector<16xf32>
        %get3A_2172 = arith.index_cast %add3A_2085 : i32 to index
        %get3A_2173 = arith.constant 112 : index
        %get3A_2174 = tpu.vector_load %arg12[%get3A_2172, %get3A_2173] {strides = array<i32>} : memref<392x128xi32, #tpu.memory_space<vmem>>, vector<16xi32>,
        %shift_left3A_2175 = arith.constant 16 : i32
        %shift_left3A_2176 = vector.broadcast %shift_left3A_2175 : i32 to vector<16xi32>
        %shift_left3A_2177 = arith.shli %get3A_2174, %shift_left3A_2176 : vector<16xi32>
        %bitcast_convert_type3A_2178 = tpu.bitcast %shift_left3A_2177 : vector<16xi32> -> vector<16xf32>
        %bitcast_convert_type3A_2179 = tpu.bitcast %get3A_2174 : vector<16xi32> -> vector<16xf32>
        %mul3A_2180 = arith.mulf %gather3A_2101, %bitcast_convert_type3A_2178 : vector<16xf32>
        %mul3A_2181 = arith.mulf %gather3A_2101, %bitcast_convert_type3A_2179 : vector<16xf32>
        %add3A_2182 = arith.addf %add3A_2064, %mul3A_2110 : vector<16xf32>
        %add3A_2183 = arith.addf %add3A_2065, %mul3A_2111 : vector<16xf32>
        %add3A_2184 = arith.addf %add3A_2066, %mul3A_2120 : vector<16xf32>
        %add3A_2185 = arith.addf %add3A_2067, %mul3A_2121 : vector<16xf32>
        %add3A_2186 = arith.addf %add3A_2068, %mul3A_2130 : vector<16xf32>
        %add3A_2187 = arith.addf %add3A_2069, %mul3A_2131 : vector<16xf32>
        %add3A_2188 = arith.addf %add3A_2070, %mul3A_2140 : vector<16xf32>
        %add3A_2189 = arith.addf %add3A_2071, %mul3A_2141 : vector<16xf32>
        %add3A_2190 = arith.addf %add3A_2072, %mul3A_2150 : vector<16xf32>
        %add3A_2191 = arith.addf %add3A_2073, %mul3A_2151 : vector<16xf32>
        %add3A_2192 = arith.addf %add3A_2074, %mul3A_2160 : vector<16xf32>
        %add3A_2193 = arith.addf %add3A_2075, %mul3A_2161 : vector<16xf32>
        %add3A_2194 = arith.addf %add3A_2076, %mul3A_2170 : vector<16xf32>
        %add3A_2195 = arith.addf %add3A_2077, %mul3A_2171 : vector<16xf32>
        %add3A_2196 = arith.addf %add3A_2078, %mul3A_2180 : vector<16xf32>
        %add3A_2197 = arith.addf %add3A_2079, %mul3A_2181 : vector<16xf32>
        %mul3A_2198 = arith.constant 4 : i32
        %mul3A_2199 = arith.muli %mul3A_2198, %scan3A_1389 : i32
        %add3A_2200 = arith.constant 196 : i32
        %add3A_2201 = arith.addi %add3A_2200, %mul3A_2199 : i32
        %add3A_2202 = arith.constant 3 : i32
        %add3A_2203 = arith.addi %add3A_2201, %add3A_2202 : i32
        %mul3A_2204 = arith.constant 4 : i32
        %mul3A_2205 = arith.muli %mul3A_2204, %scan3A_1389 : i32
        %add3A_2206 = arith.constant 448 : i32
        %add3A_2207 = arith.addi %add3A_2206, %mul3A_2205 : i32
        %add3A_2208 = arith.constant 3 : i32
        %add3A_2209 = arith.addi %add3A_2207, %add3A_2208 : i32
        %broadcast_in_dim3A_2210 = vector.broadcast %add3A_2209 : i32 to vector<16xi32>
        %gather3A_2211 = tpu.vector_load_idx %arg11[%broadcast_in_dim3A_2210] : memref<896xf32, #tpu.memory_space<vmem>>[vector<16xi32>], vector<16xf32>,
        %mul3A_2212 = arith.constant 4 : i32
        %mul3A_2213 = arith.muli %mul3A_2212, %scan3A_1389 : i32
        %add3A_2214 = arith.constant 672 : i32
        %add3A_2215 = arith.addi %add3A_2214, %mul3A_2213 : i32
        %add3A_2216 = arith.constant 3 : i32
        %add3A_2217 = arith.addi %add3A_2215, %add3A_2216 : i32
        %broadcast_in_dim3A_2218 = vector.broadcast %add3A_2217 : i32 to vector<16xi32>
        %gather3A_2219 = tpu.vector_load_idx %arg11[%broadcast_in_dim3A_2218] : memref<896xf32, #tpu.memory_space<vmem>>[vector<16xi32>], vector<16xf32>,
        %get3A_2220 = arith.index_cast %add3A_2203 : i32 to index
        %get3A_2221 = arith.constant 0 : index
        %get3A_2222 = tpu.vector_load %arg12[%get3A_2220, %get3A_2221] {strides = array<i32>} : memref<392x128xi32, #tpu.memory_space<vmem>>, vector<16xi32>,
        %shift_left3A_2223 = arith.constant 16 : i32
        %shift_left3A_2224 = vector.broadcast %shift_left3A_2223 : i32 to vector<16xi32>
        %shift_left3A_2225 = arith.shli %get3A_2222, %shift_left3A_2224 : vector<16xi32>
        %bitcast_convert_type3A_2226 = tpu.bitcast %shift_left3A_2225 : vector<16xi32> -> vector<16xf32>
        %bitcast_convert_type3A_2227 = tpu.bitcast %get3A_2222 : vector<16xi32> -> vector<16xf32>
        %mul3A_2228 = arith.mulf %gather3A_2211, %bitcast_convert_type3A_2226 : vector<16xf32>
        %mul3A_2229 = arith.mulf %gather3A_2211, %bitcast_convert_type3A_2227 : vector<16xf32>
        %get3A_2230 = arith.index_cast %add3A_2203 : i32 to index
        %get3A_2231 = arith.constant 16 : index
        %get3A_2232 = tpu.vector_load %arg12[%get3A_2230, %get3A_2231] {strides = array<i32>} : memref<392x128xi32, #tpu.memory_space<vmem>>, vector<16xi32>,
        %shift_left3A_2233 = arith.constant 16 : i32
        %shift_left3A_2234 = vector.broadcast %shift_left3A_2233 : i32 to vector<16xi32>
        %shift_left3A_2235 = arith.shli %get3A_2232, %shift_left3A_2234 : vector<16xi32>
        %bitcast_convert_type3A_2236 = tpu.bitcast %shift_left3A_2235 : vector<16xi32> -> vector<16xf32>
        %bitcast_convert_type3A_2237 = tpu.bitcast %get3A_2232 : vector<16xi32> -> vector<16xf32>
        %mul3A_2238 = arith.mulf %gather3A_2211, %bitcast_convert_type3A_2236 : vector<16xf32>
        %mul3A_2239 = arith.mulf %gather3A_2211, %bitcast_convert_type3A_2237 : vector<16xf32>
        %get3A_2240 = arith.index_cast %add3A_2203 : i32 to index
        %get3A_2241 = arith.constant 32 : index
        %get3A_2242 = tpu.vector_load %arg12[%get3A_2240, %get3A_2241] {strides = array<i32>} : memref<392x128xi32, #tpu.memory_space<vmem>>, vector<16xi32>,
        %shift_left3A_2243 = arith.constant 16 : i32
        %shift_left3A_2244 = vector.broadcast %shift_left3A_2243 : i32 to vector<16xi32>
        %shift_left3A_2245 = arith.shli %get3A_2242, %shift_left3A_2244 : vector<16xi32>
        %bitcast_convert_type3A_2246 = tpu.bitcast %shift_left3A_2245 : vector<16xi32> -> vector<16xf32>
        %bitcast_convert_type3A_2247 = tpu.bitcast %get3A_2242 : vector<16xi32> -> vector<16xf32>
        %mul3A_2248 = arith.mulf %gather3A_2211, %bitcast_convert_type3A_2246 : vector<16xf32>
        %mul3A_2249 = arith.mulf %gather3A_2211, %bitcast_convert_type3A_2247 : vector<16xf32>
        %get3A_2250 = arith.index_cast %add3A_2203 : i32 to index
        %get3A_2251 = arith.constant 48 : index
        %get3A_2252 = tpu.vector_load %arg12[%get3A_2250, %get3A_2251] {strides = array<i32>} : memref<392x128xi32, #tpu.memory_space<vmem>>, vector<16xi32>,
        %shift_left3A_2253 = arith.constant 16 : i32
        %shift_left3A_2254 = vector.broadcast %shift_left3A_2253 : i32 to vector<16xi32>
        %shift_left3A_2255 = arith.shli %get3A_2252, %shift_left3A_2254 : vector<16xi32>
        %bitcast_convert_type3A_2256 = tpu.bitcast %shift_left3A_2255 : vector<16xi32> -> vector<16xf32>
        %bitcast_convert_type3A_2257 = tpu.bitcast %get3A_2252 : vector<16xi32> -> vector<16xf32>
        %mul3A_2258 = arith.mulf %gather3A_2211, %bitcast_convert_type3A_2256 : vector<16xf32>
        %mul3A_2259 = arith.mulf %gather3A_2211, %bitcast_convert_type3A_2257 : vector<16xf32>
        %get3A_2260 = arith.index_cast %add3A_2203 : i32 to index
        %get3A_2261 = arith.constant 64 : index
        %get3A_2262 = tpu.vector_load %arg12[%get3A_2260, %get3A_2261] {strides = array<i32>} : memref<392x128xi32, #tpu.memory_space<vmem>>, vector<16xi32>,
        %shift_left3A_2263 = arith.constant 16 : i32
        %shift_left3A_2264 = vector.broadcast %shift_left3A_2263 : i32 to vector<16xi32>
        %shift_left3A_2265 = arith.shli %get3A_2262, %shift_left3A_2264 : vector<16xi32>
        %bitcast_convert_type3A_2266 = tpu.bitcast %shift_left3A_2265 : vector<16xi32> -> vector<16xf32>
        %bitcast_convert_type3A_2267 = tpu.bitcast %get3A_2262 : vector<16xi32> -> vector<16xf32>
        %mul3A_2268 = arith.mulf %gather3A_2219, %bitcast_convert_type3A_2266 : vector<16xf32>
        %mul3A_2269 = arith.mulf %gather3A_2219, %bitcast_convert_type3A_2267 : vector<16xf32>
        %get3A_2270 = arith.index_cast %add3A_2203 : i32 to index
        %get3A_2271 = arith.constant 80 : index
        %get3A_2272 = tpu.vector_load %arg12[%get3A_2270, %get3A_2271] {strides = array<i32>} : memref<392x128xi32, #tpu.memory_space<vmem>>, vector<16xi32>,
        %shift_left3A_2273 = arith.constant 16 : i32
        %shift_left3A_2274 = vector.broadcast %shift_left3A_2273 : i32 to vector<16xi32>
        %shift_left3A_2275 = arith.shli %get3A_2272, %shift_left3A_2274 : vector<16xi32>
        %bitcast_convert_type3A_2276 = tpu.bitcast %shift_left3A_2275 : vector<16xi32> -> vector<16xf32>
        %bitcast_convert_type3A_2277 = tpu.bitcast %get3A_2272 : vector<16xi32> -> vector<16xf32>
        %mul3A_2278 = arith.mulf %gather3A_2219, %bitcast_convert_type3A_2276 : vector<16xf32>
        %mul3A_2279 = arith.mulf %gather3A_2219, %bitcast_convert_type3A_2277 : vector<16xf32>
        %get3A_2280 = arith.index_cast %add3A_2203 : i32 to index
        %get3A_2281 = arith.constant 96 : index
        %get3A_2282 = tpu.vector_load %arg12[%get3A_2280, %get3A_2281] {strides = array<i32>} : memref<392x128xi32, #tpu.memory_space<vmem>>, vector<16xi32>,
        %shift_left3A_2283 = arith.constant 16 : i32
        %shift_left3A_2284 = vector.broadcast %shift_left3A_2283 : i32 to vector<16xi32>
        %shift_left3A_2285 = arith.shli %get3A_2282, %shift_left3A_2284 : vector<16xi32>
        %bitcast_convert_type3A_2286 = tpu.bitcast %shift_left3A_2285 : vector<16xi32> -> vector<16xf32>
        %bitcast_convert_type3A_2287 = tpu.bitcast %get3A_2282 : vector<16xi32> -> vector<16xf32>
        %mul3A_2288 = arith.mulf %gather3A_2219, %bitcast_convert_type3A_2286 : vector<16xf32>
        %mul3A_2289 = arith.mulf %gather3A_2219, %bitcast_convert_type3A_2287 : vector<16xf32>
        %get3A_2290 = arith.index_cast %add3A_2203 : i32 to index
        %get3A_2291 = arith.constant 112 : index
        %get3A_2292 = tpu.vector_load %arg12[%get3A_2290, %get3A_2291] {strides = array<i32>} : memref<392x128xi32, #tpu.memory_space<vmem>>, vector<16xi32>,
        %shift_left3A_2293 = arith.constant 16 : i32
        %shift_left3A_2294 = vector.broadcast %shift_left3A_2293 : i32 to vector<16xi32>
        %shift_left3A_2295 = arith.shli %get3A_2292, %shift_left3A_2294 : vector<16xi32>
        %bitcast_convert_type3A_2296 = tpu.bitcast %shift_left3A_2295 : vector<16xi32> -> vector<16xf32>
        %bitcast_convert_type3A_2297 = tpu.bitcast %get3A_2292 : vector<16xi32> -> vector<16xf32>
        %mul3A_2298 = arith.mulf %gather3A_2219, %bitcast_convert_type3A_2296 : vector<16xf32>
        %mul3A_2299 = arith.mulf %gather3A_2219, %bitcast_convert_type3A_2297 : vector<16xf32>
        %add3A_2300 = arith.addf %add3A_2182, %mul3A_2228 : vector<16xf32>
        %add3A_2301 = arith.addf %add3A_2183, %mul3A_2229 : vector<16xf32>
        %add3A_2302 = arith.addf %add3A_2184, %mul3A_2238 : vector<16xf32>
        %add3A_2303 = arith.addf %add3A_2185, %mul3A_2239 : vector<16xf32>
        %add3A_2304 = arith.addf %add3A_2186, %mul3A_2248 : vector<16xf32>
        %add3A_2305 = arith.addf %add3A_2187, %mul3A_2249 : vector<16xf32>
        %add3A_2306 = arith.addf %add3A_2188, %mul3A_2258 : vector<16xf32>
        %add3A_2307 = arith.addf %add3A_2189, %mul3A_2259 : vector<16xf32>
        %add3A_2308 = arith.addf %add3A_2190, %mul3A_2268 : vector<16xf32>
        %add3A_2309 = arith.addf %add3A_2191, %mul3A_2269 : vector<16xf32>
        %add3A_2310 = arith.addf %add3A_2192, %mul3A_2278 : vector<16xf32>
        %add3A_2311 = arith.addf %add3A_2193, %mul3A_2279 : vector<16xf32>
        %add3A_2312 = arith.addf %add3A_2194, %mul3A_2288 : vector<16xf32>
        %add3A_2313 = arith.addf %add3A_2195, %mul3A_2289 : vector<16xf32>
        %add3A_2314 = arith.addf %add3A_2196, %mul3A_2298 : vector<16xf32>
        %add3A_2315 = arith.addf %add3A_2197, %mul3A_2299 : vector<16xf32>
        %add3A_2316 = arith.addf %add3A_2300, %add3A_2308 : vector<16xf32>
        %add3A_2317 = arith.addf %add3A_2301, %add3A_2309 : vector<16xf32>
        %add3A_2318 = arith.addf %add3A_2302, %add3A_2310 : vector<16xf32>
        %add3A_2319 = arith.addf %add3A_2303, %add3A_2311 : vector<16xf32>
        %add3A_2320 = arith.addf %add3A_2304, %add3A_2312 : vector<16xf32>
        %add3A_2321 = arith.addf %add3A_2305, %add3A_2313 : vector<16xf32>
        %add3A_2322 = arith.addf %add3A_2306, %add3A_2314 : vector<16xf32>
        %add3A_2323 = arith.addf %add3A_2307, %add3A_2315 : vector<16xf32>
        %add3A_2324 = arith.constant 0 : i32
        %add3A_2325 = vector.broadcast %add3A_2324 : i32 to vector<16xi32>
        %add3A_2326 = arith.addi %iota3A, %add3A_2325 : vector<16xi32>
        %add3A_2327 = arith.constant 0 : i32
        %add3A_2328 = vector.broadcast %add3A_2327 : i32 to vector<16xi32>
        %add3A_2329 = arith.addi %add3A_2326, %add3A_2328 : vector<16xi32>
        %mul3A_2330 = arith.constant 49 : i32
        %mul3A_2331 = vector.broadcast %mul3A_2330 : i32 to vector<16xi32>
        %mul3A_2332 = arith.muli %add3A_2329, %mul3A_2331 : vector<16xi32>
        %add3A_2333 = vector.broadcast %scan3A_1389 : i32 to vector<16xi32>
        %add3A_2334 = arith.addi %mul3A_2332, %add3A_2333 : vector<16xi32>
        tpu.vector_store_idx %arg13[%add3A_2334], %add3A_2316 : memref<6272xf32, #tpu.memory_space<vmem>>[vector<16xi32>], vector<16xf32>,
        %add3A_2335 = arith.constant 0 : i32
        %add3A_2336 = vector.broadcast %add3A_2335 : i32 to vector<16xi32>
        %add3A_2337 = arith.addi %iota3A, %add3A_2336 : vector<16xi32>
        %add3A_2338 = arith.constant 16 : i32
        %add3A_2339 = vector.broadcast %add3A_2338 : i32 to vector<16xi32>
        %add3A_2340 = arith.addi %add3A_2337, %add3A_2339 : vector<16xi32>
        %mul3A_2341 = arith.constant 49 : i32
        %mul3A_2342 = vector.broadcast %mul3A_2341 : i32 to vector<16xi32>
        %mul3A_2343 = arith.muli %add3A_2340, %mul3A_2342 : vector<16xi32>
        %add3A_2344 = vector.broadcast %scan3A_1389 : i32 to vector<16xi32>
        %add3A_2345 = arith.addi %mul3A_2343, %add3A_2344 : vector<16xi32>
        tpu.vector_store_idx %arg13[%add3A_2345], %add3A_2317 : memref<6272xf32, #tpu.memory_space<vmem>>[vector<16xi32>], vector<16xf32>,
        %add3A_2346 = arith.constant 32 : i32
        %add3A_2347 = vector.broadcast %add3A_2346 : i32 to vector<16xi32>
        %add3A_2348 = arith.addi %iota3A, %add3A_2347 : vector<16xi32>
        %add3A_2349 = arith.constant 0 : i32
        %add3A_2350 = vector.broadcast %add3A_2349 : i32 to vector<16xi32>
        %add3A_2351 = arith.addi %add3A_2348, %add3A_2350 : vector<16xi32>
        %mul3A_2352 = arith.constant 49 : i32
        %mul3A_2353 = vector.broadcast %mul3A_2352 : i32 to vector<16xi32>
        %mul3A_2354 = arith.muli %add3A_2351, %mul3A_2353 : vector<16xi32>
        %add3A_2355 = vector.broadcast %scan3A_1389 : i32 to vector<16xi32>
        %add3A_2356 = arith.addi %mul3A_2354, %add3A_2355 : vector<16xi32>
        tpu.vector_store_idx %arg13[%add3A_2356], %add3A_2318 : memref<6272xf32, #tpu.memory_space<vmem>>[vector<16xi32>], vector<16xf32>,
        %add3A_2357 = arith.constant 32 : i32
        %add3A_2358 = vector.broadcast %add3A_2357 : i32 to vector<16xi32>
        %add3A_2359 = arith.addi %iota3A, %add3A_2358 : vector<16xi32>
        %add3A_2360 = arith.constant 16 : i32
        %add3A_2361 = vector.broadcast %add3A_2360 : i32 to vector<16xi32>
        %add3A_2362 = arith.addi %add3A_2359, %add3A_2361 : vector<16xi32>
        %mul3A_2363 = arith.constant 49 : i32
        %mul3A_2364 = vector.broadcast %mul3A_2363 : i32 to vector<16xi32>
        %mul3A_2365 = arith.muli %add3A_2362, %mul3A_2364 : vector<16xi32>
        %add3A_2366 = vector.broadcast %scan3A_1389 : i32 to vector<16xi32>
        %add3A_2367 = arith.addi %mul3A_2365, %add3A_2366 : vector<16xi32>
        tpu.vector_store_idx %arg13[%add3A_2367], %add3A_2319 : memref<6272xf32, #tpu.memory_space<vmem>>[vector<16xi32>], vector<16xf32>,
        %add3A_2368 = arith.constant 64 : i32
        %add3A_2369 = vector.broadcast %add3A_2368 : i32 to vector<16xi32>
        %add3A_2370 = arith.addi %iota3A, %add3A_2369 : vector<16xi32>
        %add3A_2371 = arith.constant 0 : i32
        %add3A_2372 = vector.broadcast %add3A_2371 : i32 to vector<16xi32>
        %add3A_2373 = arith.addi %add3A_2370, %add3A_2372 : vector<16xi32>
        %mul3A_2374 = arith.constant 49 : i32
        %mul3A_2375 = vector.broadcast %mul3A_2374 : i32 to vector<16xi32>
        %mul3A_2376 = arith.muli %add3A_2373, %mul3A_2375 : vector<16xi32>
        %add3A_2377 = vector.broadcast %scan3A_1389 : i32 to vector<16xi32>
        %add3A_2378 = arith.addi %mul3A_2376, %add3A_2377 : vector<16xi32>
        tpu.vector_store_idx %arg13[%add3A_2378], %add3A_2320 : memref<6272xf32, #tpu.memory_space<vmem>>[vector<16xi32>], vector<16xf32>,
        %add3A_2379 = arith.constant 64 : i32
        %add3A_2380 = vector.broadcast %add3A_2379 : i32 to vector<16xi32>
        %add3A_2381 = arith.addi %iota3A, %add3A_2380 : vector<16xi32>
        %add3A_2382 = arith.constant 16 : i32
        %add3A_2383 = vector.broadcast %add3A_2382 : i32 to vector<16xi32>
        %add3A_2384 = arith.addi %add3A_2381, %add3A_2383 : vector<16xi32>
        %mul3A_2385 = arith.constant 49 : i32
        %mul3A_2386 = vector.broadcast %mul3A_2385 : i32 to vector<16xi32>
        %mul3A_2387 = arith.muli %add3A_2384, %mul3A_2386 : vector<16xi32>
        %add3A_2388 = vector.broadcast %scan3A_1389 : i32 to vector<16xi32>
        %add3A_2389 = arith.addi %mul3A_2387, %add3A_2388 : vector<16xi32>
        tpu.vector_store_idx %arg13[%add3A_2389], %add3A_2321 : memref<6272xf32, #tpu.memory_space<vmem>>[vector<16xi32>], vector<16xf32>,
        %add3A_2390 = arith.constant 96 : i32
        %add3A_2391 = vector.broadcast %add3A_2390 : i32 to vector<16xi32>
        %add3A_2392 = arith.addi %iota3A, %add3A_2391 : vector<16xi32>
        %add3A_2393 = arith.constant 0 : i32
        %add3A_2394 = vector.broadcast %add3A_2393 : i32 to vector<16xi32>
        %add3A_2395 = arith.addi %add3A_2392, %add3A_2394 : vector<16xi32>
        %mul3A_2396 = arith.constant 49 : i32
        %mul3A_2397 = vector.broadcast %mul3A_2396 : i32 to vector<16xi32>
        %mul3A_2398 = arith.muli %add3A_2395, %mul3A_2397 : vector<16xi32>
        %add3A_2399 = vector.broadcast %scan3A_1389 : i32 to vector<16xi32>
        %add3A_2400 = arith.addi %mul3A_2398, %add3A_2399 : vector<16xi32>
        tpu.vector_store_idx %arg13[%add3A_2400], %add3A_2322 : memref<6272xf32, #tpu.memory_space<vmem>>[vector<16xi32>], vector<16xf32>,
        %add3A_2401 = arith.constant 96 : i32
        %add3A_2402 = vector.broadcast %add3A_2401 : i32 to vector<16xi32>
        %add3A_2403 = arith.addi %iota3A, %add3A_2402 : vector<16xi32>
        %add3A_2404 = arith.constant 16 : i32
        %add3A_2405 = vector.broadcast %add3A_2404 : i32 to vector<16xi32>
        %add3A_2406 = arith.addi %add3A_2403, %add3A_2405 : vector<16xi32>
        %mul3A_2407 = arith.constant 49 : i32
        %mul3A_2408 = vector.broadcast %mul3A_2407 : i32 to vector<16xi32>
        %mul3A_2409 = arith.muli %add3A_2406, %mul3A_2408 : vector<16xi32>
        %add3A_2410 = vector.broadcast %scan3A_1389 : i32 to vector<16xi32>
        %add3A_2411 = arith.addi %mul3A_2409, %add3A_2410 : vector<16xi32>
        tpu.vector_store_idx %arg13[%add3A_2411], %add3A_2323 : memref<6272xf32, #tpu.memory_space<vmem>>[vector<16xi32>], vector<16xf32>,
      }
      %scan3A_1385 = arith.constant 21 : i32
      %mul3A_1386 = arith.constant 32 : i32
      %mul3A_1387 = arith.muli %add3A, %mul3A_1386 : i32
      %add3A_1388 = arith.addi %mul3A_1387, %scan3A_7 : i32
      "tpu.region"() ({
        %run_scoped3A = tpu.sem_alloc : memref<!tpu.dma_semaphore, #tpu.memory_space<semaphore_mem>>
        %dma_start3A_1389 = arith.constant 0 : i32
        %dma_start3A_1390 = tpu.memref_slice %arg6[%add3A_1388, %dma_start3A_1389] : memref<1024x6272xf32, #tpu.memory_space<hbm>> -> memref<1x6272xf32, #tpu.memory_space<hbm>>
        %dma_start3A_1391 = tpu.memref_squeeze %dma_start3A_1390 : memref<1x6272xf32, #tpu.memory_space<hbm>> -> memref<6272xf32, #tpu.memory_space<hbm>>
        %dma_start3A_1392 = arith.constant 0 : i32
        %dma_start3A_1393 = tpu.memref_slice %arg6[%add3A_1388, %dma_start3A_1392] : memref<1024x6272xf32, #tpu.memory_space<hbm>> -> memref<1x6272xf32, #tpu.memory_space<hbm>>
        %dma_start3A_1394 = tpu.memref_squeeze %dma_start3A_1393 : memref<1x6272xf32, #tpu.memory_space<hbm>> -> memref<6272xf32, #tpu.memory_space<hbm>>
        tpu.enqueue_dma source(%arg13 : memref<6272xf32, #tpu.memory_space<vmem>>) target(%dma_start3A_1394 : memref<6272xf32, #tpu.memory_space<hbm>>) target_semaphore(%run_scoped3A : memref<!tpu.dma_semaphore, #tpu.memory_space<semaphore_mem>>)
        %dma_wait3A_1395 = arith.constant 0 : i32
        %dma_wait3A_1396 = tpu.memref_slice %arg6[%add3A_1388, %dma_wait3A_1395] : memref<1024x6272xf32, #tpu.memory_space<hbm>> -> memref<1x6272xf32, #tpu.memory_space<hbm>>
        %dma_wait3A_1397 = tpu.memref_squeeze %dma_wait3A_1396 : memref<1x6272xf32, #tpu.memory_space<hbm>> -> memref<6272xf32, #tpu.memory_space<hbm>>
        %dma_wait3A_1398 = arith.constant 0 : i32
        %dma_wait3A_1399 = tpu.memref_slice %arg6[%add3A_1388, %dma_wait3A_1398] : memref<1024x6272xf32, #tpu.memory_space<hbm>> -> memref<1x6272xf32, #tpu.memory_space<hbm>>
        %dma_wait3A_1400 = tpu.memref_squeeze %dma_wait3A_1399 : memref<1x6272xf32, #tpu.memory_space<hbm>> -> memref<6272xf32, #tpu.memory_space<hbm>>
        tpu.wait_dma2 semaphore(%run_scoped3A : memref<!tpu.dma_semaphore, #tpu.memory_space<semaphore_mem>>) src(%arg13 : memref<6272xf32, #tpu.memory_space<vmem>>) dst(%dma_wait3A_1400 : memref<6272xf32, #tpu.memory_space<hbm>>)
        tpu.yield
      }) : () -> ()
    }
    %scan3A_6 = arith.constant 32 : i32
    return
  }
}

</mosaic_0001>

<sc_bundles>
// kernel: _roi_align_sc.4.cloned.1.call-start
scs
__scs_entry_jumppad:
0x0: {  	(pc) =	sbr.rel $0x88, $3  }
0x1: {  	(tag) =	ssettag $0x0;
	lr =	simm.s32 $0x1  }
0x2: {  	[smem:$0x3F9D] =	sst lr;
	_ =	strace $0xD0000000  }
0x3: {  	_ = 	snop  }
0x4: {  	_ = 	snop  }
0x5: {  	_ = 	snop  }
0x6: {  	_ = 	snop  }
0x7: {  	_ = 	snop  }
__scs_overlays_trampoline_lowered:
0x8: {  	[smem:$0x3FAC] =	sst s0  }
0x9: {  	[smem:$0x3FAD] =	sst s1  }
0xa: {  	[smem:$0x3FAE] =	sst s2  }
0xb: {  	[smem:$0x3FAF] =	sst s3  }
0xc: {  	[smem:$0x3FB0] =	sst s4  }
0xd: {  	[smem:$0x3FB1] =	sst s5  }
0xe: {  	[smem:$0x3FB2] =	sst s6  }
0xf: {  	[smem:$0x3FB3] =	sst s7  }
0x10: {  	[smem:$0x3FB4] =	sst s8  }
0x11: {  	[smem:$0x3FB5] =	sst s9;
	s0 =	simm.s32 @!p0 $0x0  }
0x12: {  	s1 =	sld [smem:$0x3F9B];
	s0 =	simm.s32 @p0 $0x1  }
0x13: {  	[smem:$0x3FB6] =	sst s0;
	s0 =	simm.s32 @!p1 $0x0  }
0x14: {  	s2 =	sld [smem:$0x3F9A];
	s0 =	simm.s32 @p1 $0x1  }
0x15: {  	[smem:$0x3FB7] =	sst s0;
	s0 =	simm.s32 @!p2 $0x0  }
0x16: {  	s3 =	sld [smem:$0x3FDB];
	s0 =	simm.s32 @p2 $0x1  }
0x17: {  	s4 =	simm.s32 $0x1BF5;
	[smem:$0x3FB9] =	sst s0  }
0x18: {  	s0 =	sld [smem:$0x3F9C];
	_ =	swait.ge [sflag:s4], $0x0  }
0x19: {  	s7 =	sld [smem:$0x3F9D]  }
0x1a: {  	s8 =	sadd.s32 $0xFFFFE003, lr  }
0x1b: {  	s9 =	sadd.s32 $0xFFFFFEF7, lr;
	s5 =	simm.s32 $0xFFFFFFFF;
	p2 =	slt.u32 s8, $0xFFFFF086  }
0x1c: {  	p1 =	slt.u32 s9, $0xF7A;
	s5 =	simm.s32 @!p2 $0x0  }
0x1d: {  	s5 =	simm.s32 @p1 $0x1;
	p0 =	seq.s32 s7, s2  }
0x1e: {  	s7 =	smul.u32 @!p0 $0xF7A, s2;
	p2 =	seq.s32 @!p0 s5, $0x0  }
0x1f: {  	s9 =	smul.u32 $0xF7A, s1;
	s8 =	simm.s32 @!p0 $0x1BF5;
	p2 =	por !p2, p0  }
0x20: {  	[sflag:s8] =	ssyncset.s32 @!p0 $0xFFFFF086;
	s6 =	sadd.s32 @!p0 s3, s7;
	s7 =	simm.s32 @!p0 $0x108  }
0x21: {  	s3 =	sadd.s32 s3, s9;
	s6 =	sadd.s32 @!p0 $0x88, s6;
	s7 =	simm.s32 @p2 $0x1082  }
0x22: {  	[simem:s7], [sflag:s8] =	dma.local @!p0 [hbm:s6], $0xF7A  }
0x23: {  	s9 =	sor.u32 $0xD0000000, s2;
	s6 =	simm.s32 $0x108;
	_ =	swait.ge @!p0 [sflag:s8], $0x0  }
0x24: {  	s3 =	sadd.s32 $0x88, s3;
	s6 =	simm.s32 @!p1 $0x1082;
	[sflag:s4] =	ssyncset.s32 $0xFFFFF086  }
0x25: {  	[simem:s6], [sflag:s4] =	dma.local [hbm:s3], $0xF7A  }
0x26: {  	[smem:$0x3F9D] =	sst s1;
	(tag) =	ssettag s2;
	_ =	strace s9  }
0x27: {  	s1 =	sld [smem:$0x3FAD]  }
0x28: {  	s2 =	sld [smem:$0x3FAE]  }
0x29: {  	s4 =	sld [smem:$0x3FB0]  }
0x2a: {  	p0 =	seq.s32 s5, $0x0;
	s5 =	sld [smem:$0x3FB1]  }
0x2b: {  	s6 =	sld [smem:$0x3FB2]  }
0x2c: {  	s7 =	sld [smem:$0x3FB3]  }
0x2d: {  	s3 =	simm.s32 $0x108;
	s8 =	sld [smem:$0x3FB4]  }
0x2e: {  	s3 =	simm.s32 @!p0 $0x1082;
	s9 =	sld [smem:$0x3FB5]  }
0x2f: {  	lr =	sadd.s32 s0, s3;
	s0 =	sld [smem:$0x3FAC]  }
0x30: {  	s3 =	sld [smem:$0x3FAF]  }
0x31: {  	[smem:$0x3FB8] =	sst s10  }
0x32: {  	s10 =	sld [smem:$0x3FB6];
	_ =	sdelay $0x3  }
0x33: {  	p0 =	seq.s32 s10, $0x1;
	s10 =	sld [smem:$0x3FB8];
	_ =	sdelay $0x3  }
0x34: {  	[smem:$0x3FB8] =	sst s10  }
0x35: {  	s10 =	sld [smem:$0x3FB7];
	_ =	sdelay $0x3  }
0x36: {  	p1 =	seq.s32 s10, $0x1;
	s10 =	sld [smem:$0x3FB8];
	_ =	sdelay $0x3  }
0x37: {  	[smem:$0x3FB8] =	sst s10  }
0x38: {  	s10 =	sld [smem:$0x3FB9]  }
0x39: {  	_ = 	snop;
	(pc) =	sbr.ind lr, $3  }
0x3a: {  	_ = 	snop  }
0x3b: {  	_ = 	snop  }
0x3c: {  	p2 =	seq.s32 s10, $0x1;
	s10 =	sld [smem:$0x3FB8]  }
0x3d: {  	_ =	shalt  }
0x3e: {  	_ =	shalt  }
0x3f: {  	_ =	shalt  }
0x40: {  	_ =	shalt  }
0x41: {  	_ =	shalt  }
0x42: {  	_ =	shalt  }
0x43: {  	_ =	shalt  }
0x44: {  	_ =	shalt  }
0x45: {  	_ =	shalt  }
0x46: {  	_ =	shalt  }
0x47: {  	_ =	shalt  }
0x48: {  	_ =	shalt  }
0x49: {  	_ =	shalt  }
0x4a: {  	_ =	shalt  }
0x4b: {  	_ =	shalt  }
0x4c: {  	_ =	shalt  }
0x4d: {  	_ =	shalt  }
0x4e: {  	_ =	shalt  }
0x4f: {  	_ =	shalt  }
0x50: {  	_ =	shalt  }
0x51: {  	_ =	shalt  }
0x52: {  	_ =	shalt  }
0x53: {  	_ =	shalt  }
0x54: {  	_ =	shalt  }
0x55: {  	_ =	shalt  }
0x56: {  	_ =	shalt  }
0x57: {  	_ =	shalt  }
0x58: {  	_ =	shalt  }
0x59: {  	_ =	shalt  }
0x5a: {  	_ =	shalt  }
0x5b: {  	_ =	shalt  }
0x5c: {  	_ =	shalt  }
0x5d: {  	_ =	shalt  }
0x5e: {  	_ =	shalt  }
0x5f: {  	_ =	shalt  }
0x60: {  	_ =	shalt  }
0x61: {  	_ =	shalt  }
0x62: {  	_ =	shalt  }
0x63: {  	_ =	shalt  }
0x64: {  	_ =	shalt  }
0x65: {  	_ =	shalt  }
0x66: {  	_ =	shalt  }
0x67: {  	_ =	shalt  }
0x68: {  	_ =	shalt  }
0x69: {  	_ =	shalt  }
0x6a: {  	_ =	shalt  }
0x6b: {  	_ =	shalt  }
0x6c: {  	_ =	shalt  }
0x6d: {  	_ =	shalt  }
0x6e: {  	_ =	shalt  }
0x6f: {  	_ =	shalt  }
0x70: {  	_ =	shalt  }
0x71: {  	_ =	shalt  }
0x72: {  	_ =	shalt  }
0x73: {  	_ =	shalt  }
0x74: {  	_ =	shalt  }
0x75: {  	_ =	shalt  }
0x76: {  	_ =	shalt  }
0x77: {  	_ =	shalt  }
0x78: {  	_ =	shalt  }
0x79: {  	_ =	shalt  }
0x7a: {  	_ =	shalt  }
0x7b: {  	_ =	shalt  }
0x7c: {  	_ =	shalt  }
0x7d: {  	_ =	shalt  }
0x7e: {  	_ =	shalt  }
0x7f: {  	_ =	shalt  }
0x80: {  	_ =	shalt  }
0x81: {  	_ =	shalt  }
0x82: {  	_ =	shalt  }
0x83: {  	_ =	shalt  }
0x84: {  	_ =	shalt  }
0x85: {  	_ =	shalt  }
0x86: {  	_ =	shalt  }
0x87: {  	_ =	shalt  }
.Lfunc_end0:
.L_simem_size_0:
called_computation_lowered:
.L_overlay_start_0:
0x88: {  	s2 =	sld [smem:$0x3FD9]  }
0x89: {  	s3 =	sld [smem:$0x3FFE];
	_ =	sdelay $0x1  }
0x8a: {  	s1 =	srdreg.scid  }
0x8b: {  	s0 =	sand.u32 $0x1, s1  }
0x8c: {  	s17 =	sshll.u32 s0, $0xA;
	s2 =	sadd.s32 s3, s2  }
0x8d: {  	s2 =	sadd.s32 s2, s17  }
0x8e: {  	[smem:$0x3FC4] =	sst s2  }
0x8f: {  	_ = 	snop  }
0x90: {  	s2 =	sld [smem:$0x3FC9];
	(tm) =	ssettm $0x1  }
0x91: {  	s18 =	sld [smem:$0x3FFB];
	_ =	sdelay $0x3  }
0x92: {  	_ =	strace s18  }
0x93: {  	s3 =	sld [smem:$0x3FFC];
	_ =	sdelay $0x3  }
0x94: {  	_ =	strace s3  }
0x95: {  	s3 =	sld [smem:$0x3FFD];
	_ =	sdelay $0x3  }
0x96: {  	_ =	strace s3  }
0x97: {  	_ =	strace $0x8FFFFFFF  }
0x98: {  	s19 =	sld [smem:$0x3FDB];
	_ =	sdelay $0x1  }
0x99: {  	s4 =	simm.s32 $_scs_section_size  }
0x9a: {  	s5 =	simm.s32 $_size__tile_overlayer_lowered;
	s6 =	simm.s32 $_tile_overlayer_lowered  }
0x9b: {  	s22 =	simm.s32 $0x1BFF;
	s21 =	sshll.u32 s6, $0x1;
	s3 =	sadd.s32 s4, s19  }
0x9c: {  	s7 =	simm.s32 $0x0;
	s20 =	sshll.u32 s5, $0x1;
	s5 =	sadd.s32 s21, s3  }
0x9d: {  	[timem:s7], [sflag:s22] =	dma.local [hbm:s5], s20  }
0x9e: {  	_ =	swait.ge [sflag:s22], s20  }
0x9f: {  	s4 =	ssub.s32 $0x0, s20;
	[sflag:s22] =	ssyncset.done $0x0  }
0xa0: {  	[sflag:s22] =	ssyncadd.s32 s4;
	_ =	sdelay $0x1  }
0xa1: {  	s23 =	simm.s32 $0x1B8B  }
0xa2: {  	_ =	swait.ge [sflag:s23], $0x1  }
0xa3: {  	[sflag:s23] =	ssyncset.done $0x0  }
0xa4: {  	s25 =	simm.s32 $0x1B8E;
	s24 =	sld [smem:$0x3FFE];
	[sflag:s23] =	ssyncadd.s32 $0xFFFFFFFF  }
0xa5: {  	s26 =	simm.s32 $execute0_lowered;
	[smem:$0x3FD2] =	sst s25  }
0xa6: {  	s5 =	sshll.u32 s26, $0x1;
	_ =	strace $0x80000046;
	[dreg:$0x1] =	wrdreg $0xFFFFFFFF  }
0xa7: {  	s28 =	simm.s32 $_size_execute0_lowered;
	s3 =	sadd.s32 s3, s5;
	[dreg:$0x0] =	wrdreg $0x0  }
0xa8: {  	s5 =	sshll.u32 s28, $0x1;
	[dreg:$0x2] =	wrdreg s3  }
0xa9: {  	[dreg:$0x3] =	wrdreg s5  }
0xaa: {  	[dreg:$0x4] =	wrdreg $0xC0  }
0xab: {  	_ =	task [dreg:s7], $0x5FFFF  }
0xac: {  	[dreg:$0x1] =	wrdreg $0xFFFFFFFF  }
0xad: {  	[dreg:$0x0] =	wrdreg $0x60  }
0xae: {  	[dreg:$0x2] =	wrdreg s2  }
0xaf: {  	[dreg:$0x3] =	wrdreg s24  }
0xb0: {  	[dreg:$0x4] =	wrdreg $0x9  }
0xb1: {  	_ =	task.clear_ibuf [dreg:s7], $0x5FFFF;
	_ =	strace $0x90000046  }
0xb2: {  	s29 =	simm.s32 $0x9;
	_ =	strace $0x80000048  }
0xb3: {  	_ =	swait.ge [sflag:s29], $0x1  }
0xb4: {  	[sflag:s29] =	ssyncadd.s32 $0xFFFFFFFF  }
0xb5: {  	_ =	strace $0x90000048  }
0xb6: {  	_ =	sfence  }
0xb7: {  	s30 =	sld [smem:$0x0];
	_ =	sdelay $0x2  }
0xb8: {  	s31 =	sshll.u32 s1, $0xD;
	s1 =	sshrl.u32 s1, $0x2  }
0xb9: {  	s3 =	sand.u32 $0x4000, s31;
	s1 =	sadd.s32 s1, s30  }
0xba: {  	s0 =	sor.u32 s3, s0;
	s1 =	sshll.u32 s1, $0x11  }
0xbb: {  	s0 =	sor.u32 s1, s0  }
0xbc: {  	s0 =	sadd.s32 $0x8F2B, s0  }
0xbd: {  	[sflag:s0] =	ssyncadd.remote.s32 $0x1  }
0xbe: {  	_ =	sfence.sel $0xFFFF  }
0xbf: {  	[dreg:$0x0] =	wrdreg $0xFFFFFFFF;
	(pc) =	sbr.abs _section_cstart, $3  }
0xc0: {  	[dreg:$0x1] =	wrdreg $0xFFFFFFFF  }
0xc1: {  	_ =	task.clear_ibuf [dreg:s7], $0x2FFFF;
	_ =	strace $0x9FFFFFFF  }
0xc2: {  	(tm) =	ssettm $0x7FFFFFFF  }
0xc3: {  	_ =	shalt  }
tec
execute0_lowered:
.L_overlay_start_1:
0x0: {  	(tag) =	ssettag $0x1  }
0x1: {  	s1 =	rddreg [dreg:$0x0]  }
0x2: {  	s4 =	rddreg [dreg:$0x1]  }
0x3: {  	s0 =	rddreg [dreg:$0x2];
	s3 =	simm.s32 $0x0;
	s5 =	srdreg.scid  }
0x4: {  	s2 =	stileid.u32;
	s9 =	simm.s32 $0x1;
	s10 =	simm.s32 $0x5400  }
0x5: {  	s11 =	simm.s32 $0x2;
	s12 =	simm.s32 $0x0;
	s5 =	sand.u32 $0x1, s5  }
0x6: {  	[smem:$0x7FF] =	sst s3;
	s7 =	sshll.u32 s2, $0x1;
	s6 =	ssub.s32 $0x2, s5  }
0x7: {  	s4 =	sadd.s32 $0x800, s4;
	s5 =	sor.u32 s5, s7;
	s8 =	sshrl.u32 s6, $0x1  }
0x8: {  	_ =	strace $0x80000047;
	s5 =	smul.u32 $0xA00, s5;
	s31 =	ssub.s32 s6, s8  }
0x9: {  	s6 =	sadd.s32 $0xA00, s1;
	s8 =	simm.s32 $0x5000;
	s7 =	smax.u32 s31, $0x1  }
.LBB2_1:
0xa: {  	s13 =	simm.s32 $0x0  }
.LBB2_2:
0xb: {  	s14 =	smul.u32 $0xA0, s13;
	_ =	sdelay $0x1  }
0xc: {  	s14 =	sadd.s32 s5, s14  }
0xd: {  	p0 =	slt.s32 s14, $0x137E0;
	s15 =	smov.u32 s14  }
0xe: {  	s16 =	smov.u32 s14;
	s15 =	simm.s32 @!p0 $0x137E0;
	p0 =	slt.s32 s14, $0x137D8  }
0xf: {  	s15 =	sshll.u32 s15, $0x4;
	s16 =	simm.s32 @!p0 $0x137D8  }
0x10: {  	s17 =	simm.s32 $0x0;
	s15 =	sadd.s32 s1, s15;
	s31 =	sshll.u32 s16, $0x4  }
0x11: {  	[tilespmem:s17], [sflag:$0x1] =	stream.linear.gather [hbm4b:s15+s17], $0x5000, $0x38;
	[tilespmem:$0xA400] =	vst v63  }
0x12: {  	s15 =	sadd.s32 s31, s6  }
0x13: {  	[tilespmem:s8], [sflag:$0x1] =	stream.linear.gather [hbm4b:s15+s17], $0x400, $0x38;
	[tilespmem:$0xA400] =	vst v63  }
0x14: {  	_ =	swait.ge [sflag:s9], $0x5000  }
0x15: {  	[sflag:s9] =	ssyncset.done $0x0  }
0x16: {  	[sflag:s9] =	ssyncadd.s32 $0xFFFFB000  }
0x17: {  	_ =	swait.ge [sflag:s9], $0x400  }
0x18: {  	[sflag:s9] =	ssyncset.done $0x0  }
0x19: {  	[sflag:s9] =	ssyncadd.s32 $0xFFFFFC00  }
0x1a: {  	v0 =	vld [tilespmem:$0x0]  }
0x1b: {  	v1 =	vld [tilespmem:$0x10]  }
0x1c: {  	v2 =	vld [tilespmem:$0x5000]  }
0x1d: {  	v3 =	vld [tilespmem:$0x5010]  }
0x1e: {  	v4 =	vld [tilespmem:$0x20]  }
0x1f: {  	v5 =	vld [tilespmem:$0x30]  }
0x20: {  	v6 =	vld [tilespmem:$0x5020]  }
0x21: {  	v7 =	vld [tilespmem:$0x5030]  }
0x22: {  	v8 =	vld [tilespmem:$0x40]  }
0x23: {  	v9 =	vld [tilespmem:$0x50];
	v0 =	vadd.s32 $0x8000, v0;
	v1 =	vadd.s32 $0x8000, v1;
	v2 =	vadd.s32 $0x8000, v2  }
0x24: {  	v10 =	vld [tilespmem:$0x5040];
	v3 =	vadd.s32 $0x8000, v3;
	v0 =	vshrl.u32 v0, $0x10;
	v1 =	vand.u32 $0xFFFF0000, v1  }
0x25: {  	v11 =	vld [tilespmem:$0x70];
	v0 =	vor.u32 v0, v1;
	v1 =	vshrl.u32 v2, $0x10;
	v2 =	vand.u32 $0xFFFF0000, v3  }
0x26: {  	v3 =	vld [tilespmem:$0x5050];
	v1 =	vor.u32 v1, v2;
	v2 =	vadd.s32 $0x8000, v4;
	v4 =	vadd.s32 $0x8000, v5  }
0x27: {  	v6 =	vadd.s32 $0x8000, v6;
	v5 =	vld [tilespmem:$0x60];
	v2 =	vshrl.u32 v2, $0x10;
	v4 =	vand.u32 $0xFFFF0000, v4  }
0x28: {  	v12 =	vld [tilespmem:$0x5070];
	v2 =	vor.u32 v2, v4;
	v4 =	vshrl.u32 v6, $0x10;
	v6 =	vadd.s32 $0x8000, v7  }
0x29: {  	v8 =	vadd.s32 $0x8000, v8;
	v9 =	vadd.s32 $0x8000, v9;
	v7 =	vld [tilespmem:$0x5060];
	v6 =	vand.u32 $0xFFFF0000, v6  }
0x2a: {  	[tilespmem:$0x5400] =	vst v0;
	v0 =	vor.u32 v4, v6;
	v4 =	vshrl.u32 v8, $0x10;
	v6 =	vand.u32 $0xFFFF0000, v9  }
0x2b: {  	[tilespmem:$0xA3C0] =	vst v1;
	v3 =	vadd.s32 $0x8000, v3;
	v1 =	vor.u32 v4, v6;
	v4 =	vadd.s32 $0x8000, v10  }
0x2c: {  	[tilespmem:$0x5410] =	vst v2;
	v3 =	vand.u32 $0xFFFF0000, v3;
	v2 =	vshrl.u32 v4, $0x10;
	v4 =	vadd.s32 $0x8000, v5  }
0x2d: {  	[tilespmem:$0xA3D0] =	vst v0;
	v0 =	vor.u32 v2, v3;
	v2 =	vshrl.u32 v4, $0x10;
	v3 =	vadd.s32 $0x8000, v11  }
0x2e: {  	[tilespmem:$0x5420] =	vst v1;
	v4 =	vadd.s32 $0x8000, v12;
	v1 =	vand.u32 $0xFFFF0000, v3;
	v3 =	vadd.s32 $0x8000, v7  }
0x2f: {  	[tilespmem:$0xA3E0] =	vst v0;
	v0 =	vor.u32 v2, v1;
	v1 =	vshrl.u32 v3, $0x10;
	v2 =	vand.u32 $0xFFFF0000, v4  }
0x30: {  	[tilespmem:$0x5430] =	vst v0;
	v0 =	vor.u32 v1, v2  }
0x31: {  	s16 =	simm.s32 $0x0;
	[tilespmem:$0xA3F0] =	vst v0  }
0x32: {  	v1 =	vld [tilespmem:s16+$0xE0]  }
0x33: {  	v2 =	vld [tilespmem:s16+$0xF0]  }
0x34: {  	v5 =	vld [tilespmem:s16+$0x80]  }
0x35: {  	v6 =	vld [tilespmem:s16+$0x90]  }
0x36: {  	v3 =	vld [tilespmem:s16+$0xA0]  }
0x37: {  	v4 =	vld [tilespmem:s16+$0xB0]  }
0x38: {  	v0 =	vld [tilespmem:s16+$0xC0];
	v1 =	vadd.s32 $0x8000, v1;
	v7 =	vadd.s32 $0x8000, v2  }
0x39: {  	s15 =	simm.s32 $0x80;
	v5 =	vadd.s32 $0x8000, v5;
	v2 =	vld [tilespmem:s16+$0xD0];
	v8 =	vshrl.u32 v1, $0x10;
	v63 =	vand.u32 $0xFFFF0000, v7  }
0x3a: {  	s17 =	simm.s32 $0x400;
	v1 =	vld [tilespmem:s15+$0xE0];
	v5 =	vshrl.u32 v5, $0x10;
	v7 =	vadd.s32 $0x8000, v6;
	v6 =	vor.u32 v8, v63  }
.LBB2_3:
0x3b: {  	p0 =	sne.s32 s17, $0x13C00;
	v8 =	vld [tilespmem:s15+$0xF0];
	v7 =	vand.u32 $0xFFFF0000, v7;
	v3 =	vadd.s32 $0x8000, v3;
	[tilespmem:s16+$0x5470] =	vst v6  }
0x3c: {  	v9 =	vld [tilespmem:s15+$0x80];
	v5 =	vor.u32 v5, v7;
	v7 =	vshrl.u32 v3, $0x10;
	v3 =	vadd.s32 $0x8000, v4;
	[tilespmem:s16+$0x54B0] =	vst v6  }
0x3d: {  	v6 =	vld [tilespmem:s15+$0x90];
	[tilespmem:s16+$0x5480] =	vst v5;
	v4 =	vand.u32 $0xFFFF0000, v3;
	v0 =	vadd.s32 $0x8000, v0  }
.Ltmp0:
0x3e: {  	v3 =	vld [tilespmem:s15+$0xA0];
	[tilespmem:s16+$0x5440] =	vst v5;
	v5 =	vor.u32 v7, v4;
	v7 =	vshrl.u32 v0, $0x10;
	v0 =	vadd.s32 $0x8000, v2;
	(pc) =	sbr.rel @p0 .LBB2_3-.Ltmp0, $4  }
0x3f: {  	v4 =	vld [tilespmem:s15+$0xB0];
	[tilespmem:s16+$0x5490] =	vst v5;
	v2 =	vand.u32 $0xFFFF0000, v0  }
0x40: {  	v1 =	vadd.s32 $0x8000, v1;
	v0 =	vld [tilespmem:s15+$0xC0];
	v8 =	vadd.s32 $0x8000, v8;
	[tilespmem:s16+$0x5450] =	vst v5;
	v10 =	vor.u32 v7, v2  }
0x41: {  	s18 =	sshra.s32 s17, $0x2;
	v5 =	vadd.s32 $0x8000, v9;
	v2 =	vld [tilespmem:s15+$0xD0];
	v9 =	vshrl.u32 v1, $0x10;
	v8 =	vand.u32 $0xFFFF0000, v8;
	[tilespmem:s16+$0x54A0] =	vst v10  }
0x42: {  	s17 =	sadd.s32 $0x200, s17;
	v1 =	vld [tilespmem:s18+$0xE0];
	v5 =	vshrl.u32 v5, $0x10;
	v7 =	vadd.s32 $0x8000, v6;
	v6 =	vor.u32 v9, v8;
	[tilespmem:s16+$0x5460] =	vst v10;
	s16 =	smov.u32 s15;
	s15 =	smov.u32 s18  }
0x43: {  	v8 =	vld [tilespmem:s15+$0xF0];
	[tilespmem:s16+$0x5470] =	vst v6;
	v7 =	vand.u32 $0xFFFF0000, v7  }
0x44: {  	v3 =	vadd.s32 $0x8000, v3;
	v9 =	vld [tilespmem:s15+$0x80];
	[tilespmem:s16+$0x54B0] =	vst v6;
	v5 =	vor.u32 v5, v7;
	v4 =	vadd.s32 $0x8000, v4  }
0x45: {  	v3 =	vshrl.u32 v3, $0x10;
	v6 =	vld [tilespmem:s15+$0x90];
	[tilespmem:s16+$0x5480] =	vst v5;
	v4 =	vand.u32 $0xFFFF0000, v4  }
0x46: {  	v0 =	vadd.s32 $0x8000, v0;
	v49 =	vld [tilespmem:s15+$0xA0];
	[tilespmem:s16+$0x5440] =	vst v5;
	v3 =	vor.u32 v3, v4;
	v2 =	vadd.s32 $0x8000, v2  }
0x47: {  	v0 =	vshrl.u32 v0, $0x10;
	v50 =	vld [tilespmem:s15+$0xB0];
	[tilespmem:s16+$0x5490] =	vst v3;
	v2 =	vand.u32 $0xFFFF0000, v2  }
0x48: {  	v1 =	vadd.s32 $0x8000, v1;
	v5 =	vld [tilespmem:s15+$0xC0];
	[tilespmem:s16+$0x5450] =	vst v3;
	v51 =	vadd.s32 $0x8000, v8;
	v0 =	vor.u32 v0, v2  }
0x49: {  	v1 =	vshrl.u32 v1, $0x10;
	v52 =	vld [tilespmem:s15+$0xD0];
	v3 =	vand.u32 $0xFFFF0000, v51;
	[tilespmem:s16+$0x54A0] =	vst v0  }
0x4a: {  	v53 =	vadd.s32 $0x8000, v9;
	[tilespmem:s16+$0x5460] =	vst v0;
	v6 =	vadd.s32 $0x8000, v6;
	v1 =	vor.u32 v1, v3  }
0x4b: {  	v54 =	vshrl.u32 v53, $0x10;
	v55 =	vand.u32 $0xFFFF0000, v6;
	[tilespmem:s15+$0x5470] =	vst v1  }
0x4c: {  	v56 =	vadd.s32 $0x8000, v49;
	[tilespmem:s15+$0x54B0] =	vst v1;
	v0 =	vor.u32 v54, v55;
	v57 =	vadd.s32 $0x8000, v50  }
0x4d: {  	v58 =	vshrl.u32 v56, $0x10;
	[tilespmem:s15+$0x5480] =	vst v0;
	v3 =	vand.u32 $0xFFFF0000, v57  }
0x4e: {  	v59 =	vadd.s32 $0x8000, v5;
	[tilespmem:s15+$0x5440] =	vst v0;
	v60 =	vor.u32 v58, v3;
	v61 =	vadd.s32 $0x8000, v52  }
0x4f: {  	v62 =	vshrl.u32 v59, $0x10;
	[tilespmem:s15+$0x5490] =	vst v60;
	v1 =	vand.u32 $0xFFFF0000, v61  }
0x50: {  	s13 =	sadd.s32 $0x1, s13;
	[tilespmem:s15+$0x5450] =	vst v60;
	v63 =	vor.u32 v62, v1  }
0x51: {  	s14 =	sshll.u32 s14, $0x4;
	p0 =	sne.s32 s13, $0x10;
	[tilespmem:s15+$0x54A0] =	vst v63  }
.Ltmp1:
0x52: {  	s14 =	sadd.s32 s4, s14;
	[tilespmem:s15+$0x5460] =	vst v63;
	(pc) =	sbr.rel @p0 .LBB2_2-.Ltmp1, $4  }
0x53: {  	[hbm4b:s14+s3] =	stream.linear.scatter [tilespmem:s10], [sflag:$0x2], $0x5000, $0x38;
	[tilespmem:$0xA400] =	vst v63  }
0x54: {  	_ =	swait.ge [sflag:s11], $0x5000  }
0x55: {  	[sflag:s11] =	ssyncset.done $0x0  }
0x56: {  	[sflag:s11] =	ssyncadd.s32 $0xFFFFB000  }
0x57: {  	s12 =	sadd.s32 $0x1, s12  }
0x58: {  	p0 =	sne.s32 s12, s7  }
.Ltmp2:
0x59: {  	_ = 	snop;
	(pc) =	sbr.rel @p0 .LBB2_1-.Ltmp2, $1  }
0x5a: {  	_ =	sdelay $0x3  }
0x5b: {  	_ =	sfence.sel $0x180000  }
0x5c: {  	[bflag:$0x0] =	sbarrier.arrive $0xFFFF  }
0x5d: {  	p0 =	sne.s32 s2, $0x0;
	_ =	strace $0x90000047  }
0x5e: {  	s0 =	sadd.s32 @!p0 $0x100000, s0;
	[bflag:$0x2] =	sbarrier.arrive $0xFFFF  }
0x5f: {  	[sflag:s0] =	ssyncadd.tile.s32 @!p0 $0x1;
	_ =	shalt  }
.Lfunc_end2:
_tile_overlayer_lowered:
.L_overlay_start_2:
0x60: {  	(tag) =	ssettag $0x2  }
0x61: {  	s0 =	rddreg [dreg:$0x0];
	s2 =	stileid.u32  }
0x62: {  	s1 =	rddreg [dreg:$0x1];
	p0 =	sne.s32 s2, $0x0  }
0x63: {  	s3 =	rddreg [dreg:$0x2];
	[bflag:$0x3] =	sbarrier.arrive $0xFFFF;
	s2 =	simm.s32 @!p0 $0x1C03  }
0x64: {  	[timem:s3], [sflag:s2] =	dma.local @!p0 [hbm:s0], s1  }
0x65: {  	s0 =	simm.s32 @!p0 $0x3  }
0x66: {  	_ =	swait.ge @!p0 [sflag:s0], s1  }
0x67: {  	s1 =	ssub.s32 @!p0 $0x0, s1;
	[sflag:s0] =	ssyncset.done @!p0 $0x0  }
0x68: {  	[sflag:s0] =	ssyncadd.s32 @!p0 s1  }
0x69: {  	[bflag:$0x3] =	sbarrier.arrive $0xFFFF  }
0x6a: {  	_ =	shalt  }

// kernel: _roi_align_sc.7.cloned.1.call-start
scs
__scs_entry_jumppad:
0x0: {  	(pc) =	sbr.rel $0x88, $3  }
0x1: {  	(tag) =	ssettag $0x0;
	lr =	simm.s32 $0x1  }
0x2: {  	[smem:$0x3F9D] =	sst lr;
	_ =	strace $0xD0000000  }
0x3: {  	_ = 	snop  }
0x4: {  	_ = 	snop  }
0x5: {  	_ = 	snop  }
0x6: {  	_ = 	snop  }
0x7: {  	_ = 	snop  }
__scs_overlays_trampoline_lowered:
0x8: {  	[smem:$0x3FAC] =	sst s0  }
0x9: {  	[smem:$0x3FAD] =	sst s1  }
0xa: {  	[smem:$0x3FAE] =	sst s2  }
0xb: {  	[smem:$0x3FAF] =	sst s3  }
0xc: {  	[smem:$0x3FB0] =	sst s4  }
0xd: {  	[smem:$0x3FB1] =	sst s5  }
0xe: {  	[smem:$0x3FB2] =	sst s6  }
0xf: {  	[smem:$0x3FB3] =	sst s7  }
0x10: {  	[smem:$0x3FB4] =	sst s8  }
0x11: {  	[smem:$0x3FB5] =	sst s9;
	s0 =	simm.s32 @!p0 $0x0  }
0x12: {  	s1 =	sld [smem:$0x3F9B];
	s0 =	simm.s32 @p0 $0x1  }
0x13: {  	[smem:$0x3FB6] =	sst s0;
	s0 =	simm.s32 @!p1 $0x0  }
0x14: {  	s2 =	sld [smem:$0x3F9A];
	s0 =	simm.s32 @p1 $0x1  }
0x15: {  	[smem:$0x3FB7] =	sst s0;
	s0 =	simm.s32 @!p2 $0x0  }
0x16: {  	s3 =	sld [smem:$0x3FDB];
	s0 =	simm.s32 @p2 $0x1  }
0x17: {  	s4 =	simm.s32 $0x1BF5;
	[smem:$0x3FB9] =	sst s0  }
0x18: {  	s0 =	sld [smem:$0x3F9C];
	_ =	swait.ge [sflag:s4], $0x0  }
0x19: {  	s7 =	sld [smem:$0x3F9D]  }
0x1a: {  	s8 =	sadd.s32 $0xFFFFE003, lr  }
0x1b: {  	s9 =	sadd.s32 $0xFFFFFEF7, lr;
	s5 =	simm.s32 $0xFFFFFFFF;
	p2 =	slt.u32 s8, $0xFFFFF086  }
0x1c: {  	p1 =	slt.u32 s9, $0xF7A;
	s5 =	simm.s32 @!p2 $0x0  }
0x1d: {  	s5 =	simm.s32 @p1 $0x1;
	p0 =	seq.s32 s7, s2  }
0x1e: {  	s7 =	smul.u32 @!p0 $0xF7A, s2;
	p2 =	seq.s32 @!p0 s5, $0x0  }
0x1f: {  	s9 =	smul.u32 $0xF7A, s1;
	s8 =	simm.s32 @!p0 $0x1BF5;
	p2 =	por !p2, p0  }
0x20: {  	[sflag:s8] =	ssyncset.s32 @!p0 $0xFFFFF086;
	s6 =	sadd.s32 @!p0 s3, s7;
	s7 =	simm.s32 @!p0 $0x108  }
0x21: {  	s3 =	sadd.s32 s3, s9;
	s6 =	sadd.s32 @!p0 $0x88, s6;
	s7 =	simm.s32 @p2 $0x1082  }
0x22: {  	[simem:s7], [sflag:s8] =	dma.local @!p0 [hbm:s6], $0xF7A  }
0x23: {  	s9 =	sor.u32 $0xD0000000, s2;
	s6 =	simm.s32 $0x108;
	_ =	swait.ge @!p0 [sflag:s8], $0x0  }
0x24: {  	s3 =	sadd.s32 $0x88, s3;
	s6 =	simm.s32 @!p1 $0x1082;
	[sflag:s4] =	ssyncset.s32 $0xFFFFF086  }
0x25: {  	[simem:s6], [sflag:s4] =	dma.local [hbm:s3], $0xF7A  }
0x26: {  	[smem:$0x3F9D] =	sst s1;
	(tag) =	ssettag s2;
	_ =	strace s9  }
0x27: {  	s1 =	sld [smem:$0x3FAD]  }
0x28: {  	s2 =	sld [smem:$0x3FAE]  }
0x29: {  	s4 =	sld [smem:$0x3FB0]  }
0x2a: {  	p0 =	seq.s32 s5, $0x0;
	s5 =	sld [smem:$0x3FB1]  }
0x2b: {  	s6 =	sld [smem:$0x3FB2]  }
0x2c: {  	s7 =	sld [smem:$0x3FB3]  }
0x2d: {  	s3 =	simm.s32 $0x108;
	s8 =	sld [smem:$0x3FB4]  }
0x2e: {  	s3 =	simm.s32 @!p0 $0x1082;
	s9 =	sld [smem:$0x3FB5]  }
0x2f: {  	lr =	sadd.s32 s0, s3;
	s0 =	sld [smem:$0x3FAC]  }
0x30: {  	s3 =	sld [smem:$0x3FAF]  }
0x31: {  	[smem:$0x3FB8] =	sst s10  }
0x32: {  	s10 =	sld [smem:$0x3FB6];
	_ =	sdelay $0x3  }
0x33: {  	p0 =	seq.s32 s10, $0x1;
	s10 =	sld [smem:$0x3FB8];
	_ =	sdelay $0x3  }
0x34: {  	[smem:$0x3FB8] =	sst s10  }
0x35: {  	s10 =	sld [smem:$0x3FB7];
	_ =	sdelay $0x3  }
0x36: {  	p1 =	seq.s32 s10, $0x1;
	s10 =	sld [smem:$0x3FB8];
	_ =	sdelay $0x3  }
0x37: {  	[smem:$0x3FB8] =	sst s10  }
0x38: {  	s10 =	sld [smem:$0x3FB9]  }
0x39: {  	_ = 	snop;
	(pc) =	sbr.ind lr, $3  }
0x3a: {  	_ = 	snop  }
0x3b: {  	_ = 	snop  }
0x3c: {  	p2 =	seq.s32 s10, $0x1;
	s10 =	sld [smem:$0x3FB8]  }
0x3d: {  	_ =	shalt  }
0x3e: {  	_ =	shalt  }
0x3f: {  	_ =	shalt  }
0x40: {  	_ =	shalt  }
0x41: {  	_ =	shalt  }
0x42: {  	_ =	shalt  }
0x43: {  	_ =	shalt  }
0x44: {  	_ =	shalt  }
0x45: {  	_ =	shalt  }
0x46: {  	_ =	shalt  }
0x47: {  	_ =	shalt  }
0x48: {  	_ =	shalt  }
0x49: {  	_ =	shalt  }
0x4a: {  	_ =	shalt  }
0x4b: {  	_ =	shalt  }
0x4c: {  	_ =	shalt  }
0x4d: {  	_ =	shalt  }
0x4e: {  	_ =	shalt  }
0x4f: {  	_ =	shalt  }
0x50: {  	_ =	shalt  }
0x51: {  	_ =	shalt  }
0x52: {  	_ =	shalt  }
0x53: {  	_ =	shalt  }
0x54: {  	_ =	shalt  }
0x55: {  	_ =	shalt  }
0x56: {  	_ =	shalt  }
0x57: {  	_ =	shalt  }
0x58: {  	_ =	shalt  }
0x59: {  	_ =	shalt  }
0x5a: {  	_ =	shalt  }
0x5b: {  	_ =	shalt  }
0x5c: {  	_ =	shalt  }
0x5d: {  	_ =	shalt  }
0x5e: {  	_ =	shalt  }
0x5f: {  	_ =	shalt  }
0x60: {  	_ =	shalt  }
0x61: {  	_ =	shalt  }
0x62: {  	_ =	shalt  }
0x63: {  	_ =	shalt  }
0x64: {  	_ =	shalt  }
0x65: {  	_ =	shalt  }
0x66: {  	_ =	shalt  }
0x67: {  	_ =	shalt  }
0x68: {  	_ =	shalt  }
0x69: {  	_ =	shalt  }
0x6a: {  	_ =	shalt  }
0x6b: {  	_ =	shalt  }
0x6c: {  	_ =	shalt  }
0x6d: {  	_ =	shalt  }
0x6e: {  	_ =	shalt  }
0x6f: {  	_ =	shalt  }
0x70: {  	_ =	shalt  }
0x71: {  	_ =	shalt  }
0x72: {  	_ =	shalt  }
0x73: {  	_ =	shalt  }
0x74: {  	_ =	shalt  }
0x75: {  	_ =	shalt  }
0x76: {  	_ =	shalt  }
0x77: {  	_ =	shalt  }
0x78: {  	_ =	shalt  }
0x79: {  	_ =	shalt  }
0x7a: {  	_ =	shalt  }
0x7b: {  	_ =	shalt  }
0x7c: {  	_ =	shalt  }
0x7d: {  	_ =	shalt  }
0x7e: {  	_ =	shalt  }
0x7f: {  	_ =	shalt  }
0x80: {  	_ =	shalt  }
0x81: {  	_ =	shalt  }
0x82: {  	_ =	shalt  }
0x83: {  	_ =	shalt  }
0x84: {  	_ =	shalt  }
0x85: {  	_ =	shalt  }
0x86: {  	_ =	shalt  }
0x87: {  	_ =	shalt  }
.Lfunc_end0:
.L_simem_size_0:
called_computation.1_lowered:
.L_overlay_start_0:
0x88: {  	s2 =	sld [smem:$0x3FD9]  }
0x89: {  	s3 =	sld [smem:$0x3FFE];
	_ =	sdelay $0x1  }
0x8a: {  	s1 =	srdreg.scid  }
0x8b: {  	s0 =	sand.u32 $0x1, s1  }
0x8c: {  	s17 =	sshll.u32 s0, $0xA;
	s2 =	sadd.s32 s3, s2  }
0x8d: {  	s2 =	sadd.s32 s2, s17  }
0x8e: {  	[smem:$0x3FC4] =	sst s2  }
0x8f: {  	_ = 	snop  }
0x90: {  	s2 =	sld [smem:$0x3FC8]  }
0x91: {  	s18 =	sld [smem:$0x3FC7]  }
0x92: {  	s4 =	sld [smem:$0x3FC6]  }
0x93: {  	s5 =	sld [smem:$0x3FD0];
	(tm) =	ssettm $0x1  }
0x94: {  	s6 =	sld [smem:$0x3FFB];
	_ =	sdelay $0x3  }
0x95: {  	_ =	strace s6  }
0x96: {  	s6 =	sld [smem:$0x3FFC];
	_ =	sdelay $0x3  }
0x97: {  	_ =	strace s6  }
0x98: {  	s6 =	sld [smem:$0x3FFD];
	_ =	sdelay $0x3  }
0x99: {  	_ =	strace s6  }
0x9a: {  	_ =	strace $0x8FFFFFFF  }
0x9b: {  	s19 =	sld [smem:$0x3FDB];
	_ =	sdelay $0x1  }
0x9c: {  	s7 =	simm.s32 $_scs_section_size  }
0x9d: {  	s8 =	simm.s32 $_size__tile_overlayer_lowered;
	s9 =	simm.s32 $_tile_overlayer_lowered  }
0x9e: {  	s22 =	simm.s32 $0x1BFF;
	s21 =	sshll.u32 s9, $0x1;
	s6 =	sadd.s32 s7, s19  }
0x9f: {  	s10 =	simm.s32 $0x0;
	s20 =	sshll.u32 s8, $0x1;
	s8 =	sadd.s32 s21, s6  }
0xa0: {  	[timem:s10], [sflag:s22] =	dma.local [hbm:s8], s20  }
0xa1: {  	_ =	swait.ge [sflag:s22], s20  }
0xa2: {  	s7 =	ssub.s32 $0x0, s20;
	[sflag:s22] =	ssyncset.done $0x0  }
0xa3: {  	[sflag:s22] =	ssyncadd.s32 s7;
	_ =	sdelay $0x1  }
0xa4: {  	s23 =	simm.s32 $0x1B8B  }
0xa5: {  	_ =	swait.ge [sflag:s23], $0x1  }
0xa6: {  	[sflag:s23] =	ssyncset.done $0x0  }
0xa7: {  	s25 =	simm.s32 $0x1B8E;
	s24 =	sld [smem:$0x3FFE];
	[sflag:s23] =	ssyncadd.s32 $0xFFFFFFFF  }
0xa8: {  	s26 =	simm.s32 $execute0_lowered;
	[smem:$0x3FD2] =	sst s25  }
0xa9: {  	s8 =	sshll.u32 s26, $0x1;
	_ =	strace $0x80000049;
	[dreg:$0x1] =	wrdreg $0xFFFFFFFF  }
0xaa: {  	s28 =	simm.s32 $_size_execute0_lowered;
	s6 =	sadd.s32 s6, s8;
	[dreg:$0x0] =	wrdreg $0x0  }
0xab: {  	s8 =	sshll.u32 s28, $0x1;
	[dreg:$0x2] =	wrdreg s6  }
0xac: {  	[dreg:$0x3] =	wrdreg s8  }
0xad: {  	[dreg:$0x4] =	wrdreg $0xC0  }
0xae: {  	_ =	task [dreg:s10], $0x5FFFF  }
0xaf: {  	[dreg:$0x1] =	wrdreg $0xFFFFFFFF  }
0xb0: {  	[dreg:$0x0] =	wrdreg $0x60  }
0xb1: {  	[dreg:$0x2] =	wrdreg s24  }
0xb2: {  	[dreg:$0x3] =	wrdreg s2  }
0xb3: {  	[dreg:$0x4] =	wrdreg s18  }
0xb4: {  	[dreg:$0x5] =	wrdreg s4  }
0xb5: {  	[dreg:$0x6] =	wrdreg s5  }
0xb6: {  	[dreg:$0x7] =	wrdreg $0x9  }
0xb7: {  	_ =	task.clear_ibuf [dreg:s10], $0x8FFFF;
	_ =	strace $0x90000049  }
0xb8: {  	s29 =	simm.s32 $0x9;
	_ =	strace $0x8000004B  }
0xb9: {  	_ =	swait.ge [sflag:s29], $0x1  }
0xba: {  	[sflag:s29] =	ssyncadd.s32 $0xFFFFFFFF  }
0xbb: {  	_ =	strace $0x9000004B  }
0xbc: {  	_ =	sfence  }
0xbd: {  	s30 =	sld [smem:$0x0];
	_ =	sdelay $0x2  }
0xbe: {  	s31 =	sshll.u32 s1, $0xD;
	s1 =	sshrl.u32 s1, $0x2  }
0xbf: {  	s3 =	sand.u32 $0x4000, s31;
	s1 =	sadd.s32 s1, s30  }
0xc0: {  	s0 =	sor.u32 s3, s0;
	s1 =	sshll.u32 s1, $0x11  }
0xc1: {  	s0 =	sor.u32 s1, s0  }
0xc2: {  	s0 =	sadd.s32 $0x8F2B, s0  }
0xc3: {  	[sflag:s0] =	ssyncadd.remote.s32 $0x1  }
0xc4: {  	_ =	sfence.sel $0xFFFF  }
0xc5: {  	[dreg:$0x0] =	wrdreg $0xFFFFFFFF;
	(pc) =	sbr.abs _section_cstart, $3  }
0xc6: {  	[dreg:$0x1] =	wrdreg $0xFFFFFFFF  }
0xc7: {  	_ =	task.clear_ibuf [dreg:s10], $0x2FFFF;
	_ =	strace $0x9FFFFFFF  }
0xc8: {  	(tm) =	ssettm $0x7FFFFFFF  }
0xc9: {  	_ =	shalt  }
tec
execute0_lowered:
.L_overlay_start_1:
0x0: {  	(tag) =	ssettag $0x1  }
0x1: {  	s0 =	rddreg [dreg:$0x0]  }
0x2: {  	s1 =	rddreg [dreg:$0x1]  }
0x3: {  	s3 =	rddreg [dreg:$0x4];
	s4 =	simm.s32 $0x0  }
0x4: {  	s5 =	srdreg.scid;
	s2 =	stileid.u32;
	s10 =	simm.s32 $0x100  }
0x5: {  	s11 =	simm.s32 $0x3;
	s12 =	simm.s32 $0x200;
	s13 =	simm.s32 $0x70  }
0x6: {  	s14 =	simm.s32 $0x300;
	s15 =	simm.s32 $0x880;
	s16 =	simm.s32 $0x400  }
0x7: {  	s17 =	simm.s32 $0x6A80;
	s18 =	simm.s32 $0x54;
	s19 =	simm.s32 $0x380  }
0x8: {  	s20 =	simm.s32 $0x4080;
	s21 =	simm.s32 $0x480;
	s22 =	simm.s32 $0xA280  }
0x9: {  	s23 =	simm.s32 $0x1;
	s24 =	simm.s32 $0x500;
	s25 =	simm.s32 $0xCC80  }
0xa: {  	s26 =	simm.s32 $0x2;
	s28 =	simm.s32 $0x80;
	s5 =	sand.u32 $0x1, s5  }
0xb: {  	s29 =	simm.s32 $0x0;
	[smem:$0x7FF] =	sst s4;
	s7 =	ssub.s32 $0x2, s5  }
0xc: {  	s9 =	sshll.u32 s2, $0x6;
	s5 =	sshll.u32 s5, $0x5;
	s8 =	sshrl.u32 s7, $0x1  }
0xd: {  	v1 =	vlaneseq.u32;
	s6 =	sadd.s32 $0x800, s0;
	s31 =	ssub.s32 s7, s8;
	s7 =	sor.u32 s5, s9  }
0xe: {  	v0 =	vimm.f32 $0.0e+00;
	v1 =	vmul.u32 $0x31, v1;
	_ =	strace $0x8000004A;
	s8 =	sadd.s32 s1, s7;
	s9 =	smax.u32 s31, $0x1  }
.LBB2_1:
0xf: {  	s0 =	rddreg [dreg:$0x2]  }
0x10: {  	[tilespmem:s10], [sflag:$0x3] =	stream.linear.gather [hbm4b:s0+s4], $0x100, $0x38;
	[tilespmem:$0xE500] =	vst v63  }
0x11: {  	_ =	swait.ge [sflag:s11], $0x100  }
0x12: {  	[sflag:s11] =	ssyncset.done $0x0  }
0x13: {  	[sflag:s11] =	ssyncadd.s32 $0xFFFFFF00  }
0x14: {  	s31 =	rddreg [dreg:$0x3]  }
0x15: {  	[tilespmem:s12], [sflag:$0x3] =	stream.linear.gather [hbm4b:s31+s4], $0x100, $0x38;
	[tilespmem:$0xE500] =	vst v63  }
0x16: {  	_ =	swait.ge [sflag:s11], $0x100  }
0x17: {  	[sflag:s11] =	ssyncset.done $0x0  }
0x18: {  	[sflag:s11] =	ssyncadd.s32 $0xFFFFFF00  }
0x19: {  	[tilespmem:s4], [sflag:$0x3] =	stream.linear.gather [hbm4b:s8+s4], $0x100, $0x38;
	[tilespmem:$0xE500] =	vst v63  }
0x1a: {  	_ =	swait.ge [sflag:s11], $0x100  }
0x1b: {  	[sflag:s11] =	ssyncset.done $0x0  }
0x1c: {  	s30 =	simm.s32 $0x0;
	[sflag:s11] =	ssyncadd.s32 $0xFFFFFF00  }
.LBB2_2:
0x1d: {  	s0 =	sshll.u32 s30, $0x3  }
0x1e: {  	s1 =	sor.u32 $0x2, s0  }
0x1f: {  	s2 =	sor.u32 $0x3, s0;
	v2 =	vmov s1  }
0x20: {  	v3 =	vmov s2;
	v2 =	vbroadcast v2, $0x0  }
0x21: {  	v3 =	vbroadcast v3, $0x0  }
0x22: {  	v9 =	vld [tilespmem:$0x200];
	s5 =	sor.u32 $0x4, s0  }
0x23: {  	v13 =	vld [tilespmem:$0x110];
	v4 =	vmov s5;
	s2 =	sor.u32 $0x5, s0  }
0x24: {  	v14 =	vld [tilespmem:$0x210];
	v4 =	vbroadcast v4, $0x0;
	v5 =	vmov s2  }
0x25: {  	s31 =	simm.s32 $0x0;
	v19 =	vld [tilespmem:$0x120];
	v7 =	vbroadcast v5, $0x0  }
0x26: {  	v8 =	vld.idx.msk [tilespmem:v2+s31+$0x0], $0xffff  }
0x27: {  	v5 =	vld.idx.msk [tilespmem:v3+s31+$0x0], $0xffff  }
0x28: {  	s5 =	sor.u32 $0x1, s0;
	v2 =	vmov s0;
	v3 =	vld [tilespmem:$0x100]  }
0x29: {  	v21 =	vld [tilespmem:$0x220];
	v6 =	vmov s5;
	v2 =	vbroadcast v2, $0x0  }
0x2a: {  	v10 =	vbroadcast v6, $0x0;
	v6 =	vld.idx.msk [tilespmem:v4+s31+$0x0], $0xffff  }
0x2b: {  	v7 =	vld.idx.msk [tilespmem:v7+s31+$0x0], $0xffff;
	_ =	sdelay $0x1  }
0x2c: {  	v3 =	vmul.f32 v3, v5;
	v9 =	vmul.f32 v9, v8  }
0x2d: {  	v13 =	vmul.f32 v13, v5;
	v14 =	vmul.f32 v14, v8  }
0x2e: {  	v19 =	vmul.f32 v19, v5;
	v21 =	vmul.f32 v21, v8;
	v4 =	vld.idx.msk [tilespmem:v2+s31+$0x0], $0xffff  }
0x2f: {  	v2 =	vld.idx.msk [tilespmem:v10+s31+$0x0], $0xffff;
	v53 =	vmul.f32 v9, v6;
	v11 =	vmul.f32 v3, v7  }
0x30: {  	s0 =	sor.u32 $0x6, s0;
	v9 =	vmul.f32 v9, v7;
	v3 =	vmul.f32 v3, v6  }
0x31: {  	v55 =	vmov s0;
	v32 =	vmul.f32 v21, v6;
	v33 =	vmul.f32 v19, v7  }
0x32: {  	v57 =	vmul.f32 v13, v7;
	v10 =	vsub.f32 v53, v11;
	v3 =	vadd.f32 v9, v3  }
0x33: {  	v21 =	vmul.f32 v21, v7;
	v19 =	vmul.f32 v19, v6;
	v35 =	vsub.f32 v32, v33  }
0x34: {  	v13 =	vmul.f32 v13, v6;
	v54 =	vadd.f32 v10, v4;
	v3 =	vadd.f32 v3, v2  }
0x35: {  	v36 =	vadd.f32 v21, v19;
	v10 =	vbroadcast v55, $0x0;
	v39 =	vadd.f32 v35, v4  }
0x36: {  	v56 =	vmax.f32 v54, $0.0e+00;
	v12 =	vmax.f32 v3, $0.0e+00;
	vm0 =	vgt.f32 v3, $-1.000000000e+00  }
0x37: {  	vm1 =	vlt.f32 v3, $2.000000000e+02;
	vm2 =	vgt.f32 v54, $-1.000000000e+00;
	v3 =	vmul.f32 v14, v6  }
0x38: {  	v14 =	vmul.f32 v14, v7;
	vm10 =	vlt.f32 v54, $2.000000000e+02;
	vm5 =	vgt.f32 v39, $-1.000000000e+00  }
0x39: {  	vm6 =	vlt.f32 v39, $2.000000000e+02;
	v11 =	vmin.f32 v56, $1.990000000e+02;
	v12 =	vmin.f32 v12, $1.990000000e+02  }
0x3a: {  	vm0 =	vmand vm0, vm2;
	v15 =	vtrunc.f32 v11;
	v16 =	vtrunc.f32 v12  }
0x3b: {  	vm0 =	vmand vm0, vm1;
	v3 =	vsub.f32 v3, v57;
	v59 =	vadd.f32 v14, v13  }
0x3c: {  	v14 =	vmax.f32 v39, $0.0e+00;
	v24 =	vcvt.f32.s32 v15;
	v26 =	vcvt.f32.s32 v16  }
0x3d: {  	vm0 =	vmand vm10, vm0;
	v62 =	vadd.f32 v3, v4;
	v18 =	vadd.f32 v59, v2  }
0x3e: {  	v61 =	vsel vm0, $0x3E800000, v0;
	v15 =	vcvt.s32.f32 v24;
	v16 =	vcvt.s32.f32 v26  }
0x3f: {  	v10 =	vld.idx.msk [tilespmem:v10+s31+$0x0], $0xffff;
	v29 =	vmax.f32 v62, $0.0e+00;
	v30 =	vmax.f32 v18, $0.0e+00;
	vm11 =	vgt.f32 v18, $-1.000000000e+00  }
0x40: {  	vm12 =	vlt.f32 v18, $2.000000000e+02;
	vm13 =	vgt.f32 v62, $-1.000000000e+00;
	v18 =	vadd.f32 v36, v2  }
0x41: {  	v15 =	vsub.f32 v11, v15;
	v12 =	vsub.f32 v12, v16;
	v20 =	vmin.f32 v29, $1.990000000e+02  }
0x42: {  	vm14 =	vlt.f32 v62, $2.000000000e+02;
	vm0 =	vmand vm11, vm13;
	v11 =	vtrunc.f32 v20  }
0x43: {  	v41 =	vmax.f32 v18, $0.0e+00;
	v58 =	vsub.f32 $1.000000000e+00, v15;
	v17 =	vsub.f32 $1.000000000e+00, v12  }
0x44: {  	v10 =	vtrunc.f32 v10;
	v25 =	vcvt.f32.s32 v11;
	v19 =	vmin.f32 v41, $1.990000000e+02  }
0x45: {  	vm0 =	vmand vm0, vm12;
	v3 =	vcvt.f32.s32 v10;
	v28 =	vtrunc.f32 v19  }
0x46: {  	vm15 =	vgt.f32 v18, $-1.000000000e+00;
	v60 =	vmul.f32 v58, v17;
	v63 =	vmul.f32 v17, v15  }
0x47: {  	v16 =	vmul.f32 v58, v12;
	v17 =	vmin.f32 v30, $1.990000000e+02;
	v31 =	vcvt.s32.f32 v25  }
0x48: {  	v12 =	vmul.f32 v15, v12;
	v30 =	vmin.f32 v14, $1.990000000e+02;
	v22 =	vtrunc.f32 v17  }
0x49: {  	v27 =	vcvt.f32.s32 v22;
	v10 =	vmul.f32 v16, v61;
	v16 =	vsub.f32 v20, v31;
	v31 =	vld [tilespmem:$0x230]  }
0x4a: {  	vm4 =	vlt.f32 v18, $2.000000000e+02;
	v28 =	vcvt.f32.s32 v28;
	v14 =	vtrunc.f32 v30  }
0x4b: {  	vm0 =	vmand vm14, vm0;
	v9 =	vmul.f32 v60, v61;
	v22 =	vcvt.s32.f32 v27  }
0x4c: {  	v38 =	vsel vm0, $0x3E800000, v0;
	v11 =	vmul.f32 v63, v61;
	v15 =	vmul.f32 v12, v61  }
0x4d: {  	v42 =	vld [tilespmem:$0x130];
	v29 =	vcvt.f32.s32 v14;
	v34 =	vsub.f32 $1.000000000e+00, v16;
	v17 =	vsub.f32 v17, v22  }
0x4e: {  	vm0 =	vmand vm15, vm5;
	v32 =	vcvt.s32.f32 v28;
	v31 =	vmul.f32 v31, v8  }
0x4f: {  	v43 =	vcvt.s32.f32 v29;
	v23 =	vsub.f32 $1.000000000e+00, v17;
	v22 =	vmul.f32 v34, v17  }
0x50: {  	vm0 =	vmand vm0, vm4;
	v45 =	vmul.f32 v31, v6;
	v31 =	vmul.f32 v31, v7  }
0x51: {  	vm0 =	vmand vm6, vm0;
	v37 =	vmul.f32 v34, v23;
	v40 =	vmul.f32 v23, v16  }
0x52: {  	v44 =	vsub.f32 v19, v32;
	v13 =	vmul.f32 v22, v38;
	v23 =	vmul.f32 v42, v5  }
0x53: {  	v54 =	vld [tilespmem:$0x140];
	v22 =	vsub.f32 v30, v43;
	v16 =	vmul.f32 v16, v17;
	v12 =	vmul.f32 v37, v38  }
0x54: {  	v33 =	vsub.f32 $1.000000000e+00, v44;
	v43 =	vld [tilespmem:$0x250];
	v14 =	vmul.f32 v40, v38;
	v46 =	vmul.f32 v23, v7  }
0x55: {  	v23 =	vmul.f32 v23, v6;
	v47 =	vsub.f32 $1.000000000e+00, v22;
	v19 =	vmul.f32 v16, v38  }
0x56: {  	v50 =	vsel vm0, $0x3E800000, v0;
	v52 =	vmul.f32 v33, v22;
	v37 =	vld [tilespmem:$0x240];
	v22 =	vmul.f32 v22, v44  }
0x57: {  	v18 =	vsub.f32 v45, v46;
	v49 =	vmul.f32 v47, v33;
	v35 =	vmul.f32 v47, v44  }
0x58: {  	v48 =	vadd.f32 v31, v23;
	v33 =	vmul.f32 v54, v5;
	v23 =	vmul.f32 v22, v50  }
0x59: {  	v43 =	vmul.f32 v43, v8;
	v51 =	vadd.f32 v18, v4;
	v16 =	vmul.f32 v49, v50  }
0x5a: {  	v34 =	vadd.f32 v48, v2;
	v17 =	vmul.f32 v35, v50;
	v58 =	vmul.f32 v33, v7  }
0x5b: {  	v29 =	vadd.s32 v3, v29;
	v33 =	vmul.f32 v33, v6;
	v37 =	vmul.f32 v37, v8  }
0x5c: {  	v18 =	vmax.f32 v51, $0.0e+00;
	v53 =	vmax.f32 v34, $0.0e+00;
	vm7 =	vgt.f32 v34, $-1.000000000e+00  }
0x5d: {  	vm8 =	vlt.f32 v34, $2.000000000e+02;
	vm9 =	vgt.f32 v51, $-1.000000000e+00;
	vm10 =	vlt.f32 v51, $2.000000000e+02  }
0x5e: {  	v51 =	vmul.u32 $0xC8, v26;
	v36 =	vmin.f32 v18, $1.990000000e+02;
	v57 =	vmul.f32 v37, v6  }
0x5f: {  	v20 =	vmin.f32 v53, $1.990000000e+02;
	v59 =	vmul.f32 v37, v7;
	v18 =	vtrunc.f32 v36  }
0x60: {  	vm0 =	vmand vm7, vm9;
	v55 =	vtrunc.f32 v20;
	v32 =	vcvt.f32.s32 v18  }
0x61: {  	v53 =	vmul.f32 v43, v6;
	v31 =	vcvt.f32.s32 v55;
	v61 =	vadd.f32 v59, v33  }
0x62: {  	vm0 =	vmand vm0, vm8;
	v18 =	vmul.f32 v52, v50;
	v56 =	vcvt.s32.f32 v32  }
0x63: {  	vm0 =	vmand vm10, vm0;
	v38 =	vcvt.s32.f32 v31;
	v41 =	vadd.f32 v61, v2  }
0x64: {  	v55 =	vmul.f32 v43, v7;
	v63 =	vsel vm0, $0x3E800000, v0;
	v35 =	vsub.f32 v36, v56  }
0x65: {  	v38 =	vsub.f32 v20, v38;
	v20 =	vsub.f32 v57, v58;
	v48 =	vmax.f32 v41, $0.0e+00  }
0x66: {  	v49 =	vld [tilespmem:$0x150];
	vm11 =	vgt.f32 v41, $-1.000000000e+00;
	vm12 =	vlt.f32 v41, $2.000000000e+02;
	v58 =	vadd.s32 v3, v24  }
0x67: {  	v30 =	vmin.f32 v48, $1.990000000e+02;
	v41 =	vadd.s32 v51, v58;
	v60 =	vsub.f32 $1.000000000e+00, v35  }
0x68: {  	v39 =	vsub.f32 $1.000000000e+00, v38;
	v40 =	vadd.f32 v20, v4;
	v50 =	vtrunc.f32 v30  }
0x69: {  	v48 =	vmul.u32 $0xC8, v27;
	[tilespmem:$0x300] =	vst v41;
	v41 =	vadd.s32 $0xC8, v41;
	v36 =	vcvt.f32.s32 v50  }
0x6a: {  	v62 =	vmul.f32 v60, v39;
	v46 =	vmul.f32 v39, v35;
	v47 =	vmax.f32 v40, $0.0e+00  }
0x6b: {  	v37 =	vmul.f32 v60, v38;
	v39 =	vmul.f32 v49, v5;
	vm13 =	vgt.f32 v40, $-1.000000000e+00  }
0x6c: {  	vm14 =	vlt.f32 v40, $2.000000000e+02;
	v35 =	vmul.f32 v35, v38;
	v49 =	vadd.s32 v3, v25  }
0x6d: {  	v42 =	vmin.f32 v47, $1.990000000e+02;
	v44 =	vcvt.s32.f32 v36;
	v20 =	vmul.f32 v62, v63  }
0x6e: {  	vm0 =	vmand vm11, vm13;
	v22 =	vtrunc.f32 v42;
	v21 =	vmul.f32 v37, v63  }
0x6f: {  	v36 =	vmul.u32 $0xC8, v36;
	v54 =	vmul.f32 v39, v7;
	v39 =	vmul.f32 v39, v6  }
0x70: {  	vm0 =	vmand vm0, vm12;
	v34 =	vcvt.f32.s32 v22;
	v30 =	vsub.f32 v30, v44  }
0x71: {  	v22 =	vmul.f32 v46, v63;
	v26 =	vsub.f32 v53, v54;
	v39 =	vadd.f32 v55, v39  }
0x72: {  	vm0 =	vmand vm14, vm0;
	v52 =	vcvt.s32.f32 v34;
	v44 =	vsub.f32 $1.000000000e+00, v30  }
0x73: {  	v40 =	vsel vm0, $0x3E800000, v0;
	v46 =	vadd.f32 v26, v4;
	v47 =	vadd.f32 v39, v2  }
0x74: {  	v26 =	vmul.f32 v35, v63;
	v45 =	vsub.f32 v42, v52;
	v42 =	vadd.s32 v48, v49  }
0x75: {  	v60 =	vmax.f32 v46, $0.0e+00;
	v61 =	vmax.f32 v47, $0.0e+00;
	vm15 =	vgt.f32 v47, $-1.000000000e+00  }
0x76: {  	v62 =	vld [tilespmem:$0x160];
	vm4 =	vlt.f32 v47, $2.000000000e+02;
	v56 =	vsub.f32 $1.000000000e+00, v45;
	v35 =	vmin.f32 v60, $1.990000000e+02  }
0x77: {  	v52 =	vld [tilespmem:$0x260];
	v59 =	vmul.f32 v44, v45;
	v38 =	vmin.f32 v61, $1.990000000e+02;
	v53 =	vtrunc.f32 v35  }
0x78: {  	vm5 =	vgt.f32 v46, $-1.000000000e+00;
	v54 =	vtrunc.f32 v38;
	v57 =	vmul.f32 v56, v44  }
0x79: {  	vm6 =	vlt.f32 v46, $2.000000000e+02;
	v63 =	vmul.f32 v56, v30;
	v37 =	vcvt.f32.s32 v53  }
0x7a: {  	vm0 =	vmand vm15, vm5;
	v39 =	vcvt.f32.s32 v54;
	v27 =	vmul.f32 v59, v40  }
0x7b: {  	vm0 =	vmand vm0, vm4;
	v44 =	vmul.f32 v62, v5;
	v30 =	vmul.f32 v45, v30  }
0x7c: {  	vm0 =	vmand vm6, vm0;
	v43 =	vmul.f32 v52, v8;
	v24 =	vmul.f32 v57, v40  }
0x7d: {  	v62 =	vmul.u32 $0xC8, v28;
	v55 =	vcvt.s32.f32 v37;
	v56 =	vcvt.s32.f32 v39  }
0x7e: {  	v53 =	vmul.u32 $0xC8, v31;
	v52 =	vld [tilespmem:$0x270];
	v58 =	vmul.f32 v44, v7;
	v44 =	vmul.f32 v44, v6  }
0x7f: {  	v45 =	vsel vm0, $0x3E800000, v0;
	v57 =	vmul.f32 v43, v6;
	v43 =	vmul.f32 v43, v7  }
0x80: {  	v25 =	vmul.f32 v63, v40;
	v33 =	vsub.f32 v35, v55;
	v35 =	vsub.f32 v38, v56  }
0x81: {  	v30 =	vmul.f32 v30, v40;
	v38 =	vsub.f32 v57, v58;
	v43 =	vadd.f32 v43, v44  }
0x82: {  	v39 =	vmul.u32 $0xC8, v39;
	v59 =	vsub.f32 $1.000000000e+00, v33;
	v60 =	vsub.f32 $1.000000000e+00, v35  }
0x83: {  	v37 =	vadd.s32 v3, v37;
	v58 =	vld [tilespmem:$0x170];
	v52 =	vmul.f32 v52, v8;
	v38 =	vadd.f32 v38, v4  }
0x84: {  	v46 =	vadd.f32 v43, v2;
	v61 =	vmul.f32 v59, v60;
	v63 =	vmul.f32 v60, v33  }
0x85: {  	v43 =	vadd.s32 v62, v29;
	v51 =	vmul.f32 v59, v35;
	v62 =	vmul.f32 v52, v6  }
0x86: {  	v33 =	vmul.f32 v33, v35;
	v56 =	vmax.f32 v38, $0.0e+00;
	v57 =	vmax.f32 v46, $0.0e+00  }
0x87: {  	vm7 =	vgt.f32 v46, $-1.000000000e+00;
	v28 =	vmul.f32 v61, v45;
	v31 =	vmul.f32 v63, v45  }
0x88: {  	v44 =	vmin.f32 v56, $1.990000000e+02;
	v29 =	vmul.f32 v51, v45;
	v49 =	vmul.f32 v58, v5  }
0x89: {  	v47 =	vmin.f32 v57, $1.990000000e+02;
	v56 =	vmul.f32 v52, v7;
	v35 =	vmul.f32 v33, v45  }
0x8a: {  	vm8 =	vgt.f32 v38, $-1.000000000e+00;
	v59 =	vtrunc.f32 v44;
	v50 =	vtrunc.f32 v47  }
0x8b: {  	vm9 =	vlt.f32 v46, $2.000000000e+02;
	v48 =	vcvt.f32.s32 v59;
	v50 =	vcvt.f32.s32 v50  }
0x8c: {  	vm10 =	vlt.f32 v38, $2.000000000e+02;
	v63 =	vmul.f32 v49, v7;
	v49 =	vmul.f32 v49, v6  }
0x8d: {  	vm0 =	vmand vm7, vm8;
	v60 =	vcvt.s32.f32 v48;
	v61 =	vcvt.s32.f32 v50  }
0x8e: {  	vm0 =	vmand vm0, vm9;
	v46 =	vsub.f32 v62, v63;
	v58 =	vadd.f32 v56, v49  }
0x8f: {  	vm0 =	vmand vm10, vm0;
	v40 =	vsub.f32 v44, v60;
	v44 =	vsub.f32 v47, v61  }
0x90: {  	v51 =	vsel vm0, $0x3E800000, v0;
	v46 =	vadd.f32 v46, v4;
	v54 =	vadd.f32 v58, v2  }
0x91: {  	v60 =	vadd.s32 v3, v32;
	v38 =	vsub.f32 $1.000000000e+00, v40;
	v57 =	vsub.f32 $1.000000000e+00, v44  }
0x92: {  	v58 =	vadd.s32 v3, v34;
	v45 =	vadd.s32 v53, v60;
	v61 =	vmax.f32 v46, $0.0e+00  }
0x93: {  	v63 =	vld [tilespmem:$0x180];
	v62 =	vmax.f32 v54, $0.0e+00;
	v55 =	vmin.f32 v61, $1.990000000e+02;
	v59 =	vmul.f32 v38, v57  }
0x94: {  	v56 =	vmin.f32 v62, $1.990000000e+02;
	v52 =	vmul.f32 v57, v40;
	v38 =	vmul.f32 v38, v44;
	v57 =	vld [tilespmem:$0x280]  }
0x95: {  	vm11 =	vgt.f32 v54, $-1.000000000e+00;
	v53 =	vtrunc.f32 v55;
	v49 =	vtrunc.f32 v56  }
0x96: {  	vm12 =	vlt.f32 v54, $2.000000000e+02;
	v47 =	vcvt.f32.s32 v53;
	v49 =	vcvt.f32.s32 v49  }
0x97: {  	vm13 =	vgt.f32 v46, $-1.000000000e+00;
	v33 =	vmul.f32 v59, v51;
	v32 =	vmul.f32 v52, v51  }
0x98: {  	vm14 =	vlt.f32 v46, $2.000000000e+02;
	v34 =	vmul.f32 v38, v51;
	v52 =	vmul.f32 v63, v5  }
0x99: {  	vm0 =	vmand vm11, vm13;
	v59 =	vcvt.s32.f32 v47;
	v61 =	vmul.f32 v57, v8  }
0x9a: {  	vm0 =	vmand vm0, vm12;
	v38 =	vmul.f32 v40, v44;
	v60 =	vcvt.s32.f32 v49  }
0x9b: {  	v63 =	vmul.f32 v52, v7;
	v54 =	vsub.f32 v55, v59;
	v62 =	vmul.f32 v61, v6  }
0x9c: {  	v52 =	vmul.f32 v52, v6;
	v40 =	vsub.f32 v56, v60;
	v53 =	vmul.f32 v61, v7  }
0x9d: {  	v44 =	vadd.s32 v36, v58;
	v60 =	vsub.f32 $1.000000000e+00, v54;
	v36 =	vsub.f32 v62, v63  }
0x9e: {  	vm0 =	vmand vm14, vm0;
	v61 =	vsub.f32 $1.000000000e+00, v40;
	v62 =	vadd.f32 v53, v52  }
0x9f: {  	v38 =	vmul.f32 v38, v51;
	v55 =	vsel vm0, $0x3E800000, v0;
	v53 =	vadd.f32 v36, v4  }
0xa0: {  	v63 =	vmul.f32 v60, v61;
	v46 =	vmul.f32 v61, v54;
	v58 =	vadd.f32 v62, v2  }
0xa1: {  	v52 =	vmul.f32 v60, v40;
	v54 =	vmul.f32 v54, v40;
	v59 =	vmax.f32 v53, $0.0e+00  }
0xa2: {  	v36 =	vmul.f32 v63, v55;
	v60 =	vmax.f32 v58, $0.0e+00;
	v56 =	vmin.f32 v59, $1.990000000e+02  }
0xa3: {  	v40 =	vmul.f32 v46, v55;
	v57 =	vmin.f32 v60, $1.990000000e+02;
	v59 =	vld [tilespmem:$0x190];
	v61 =	vtrunc.f32 v56  }
0xa4: {  	v50 =	vmul.u32 $0xC8, v50;
	v60 =	vtrunc.f32 v57;
	v51 =	vcvt.f32.s32 v61;
	v61 =	vld [tilespmem:$0x290]  }
0xa5: {  	v46 =	vadd.s32 v39, v37;
	v39 =	vmul.f32 v52, v55;
	v60 =	vcvt.f32.s32 v60  }
0xa6: {  	[tilespmem:$0x7E0] =	vst v30;
	v37 =	vmul.f32 v54, v55;
	v30 =	vadd.s32 $0xC8, v46;
	vm15 =	vgt.f32 v58, $-1.000000000e+00  }
0xa7: {  	vm5 =	vgt.f32 v53, $-1.000000000e+00;
	v62 =	vcvt.s32.f32 v51;
	v63 =	vcvt.s32.f32 v60  }
0xa8: {  	vm4 =	vlt.f32 v58, $2.000000000e+02;
	vm0 =	vmand vm15, vm5;
	v55 =	vmul.f32 v59, v5  }
0xa9: {  	v52 =	vsub.f32 v56, v62;
	v54 =	vsub.f32 v57, v63;
	v62 =	vmul.f32 v61, v8  }
0xaa: {  	vm6 =	vlt.f32 v53, $2.000000000e+02;
	vm0 =	vmand vm0, vm4;
	v59 =	vmul.f32 v55, v7  }
0xab: {  	v53 =	vsub.f32 $1.000000000e+00, v52;
	v57 =	vsub.f32 $1.000000000e+00, v54;
	v63 =	vmul.f32 v62, v6  }
0xac: {  	vm0 =	vmand vm6, vm0;
	v55 =	vmul.f32 v55, v6;
	v56 =	vmul.f32 v62, v7  }
0xad: {  	v61 =	vadd.s32 $0xC8, v42;
	v58 =	vsub.f32 v63, v59;
	v59 =	vmul.f32 v53, v57  }
0xae: {  	[tilespmem:$0x400] =	vst v41;
	v55 =	vadd.f32 v56, v55;
	v56 =	vsel vm0, $0x3E800000, v0;
	v57 =	vmul.f32 v57, v52  }
0xaf: {  	[tilespmem:$0x310] =	vst v42;
	v42 =	vadd.s32 v3, v48;
	v52 =	vmul.f32 v52, v54;
	v41 =	vmul.f32 v59, v56  }
0xb0: {  	[tilespmem:$0x5E0] =	vst v11;
	v59 =	vmul.f32 v53, v54;
	v53 =	vadd.f32 v58, v4;
	v55 =	vadd.f32 v55, v2  }
0xb1: {  	[tilespmem:$0x6C0] =	vst v10;
	v42 =	vadd.s32 v50, v42;
	v11 =	vmul.f32 v57, v56;
	v10 =	vmul.f32 v52, v56  }
0xb2: {  	[tilespmem:$0x500] =	vst v9;
	v54 =	vld [tilespmem:$0x2A0];
	v9 =	vmul.f32 v59, v56;
	v62 =	vmax.f32 v53, $0.0e+00;
	v63 =	vmax.f32 v55, $0.0e+00  }
0xb3: {  	[tilespmem:$0x7A0] =	vst v15;
	v58 =	vld [tilespmem:$0x1A0];
	vm7 =	vgt.f32 v55, $-1.000000000e+00;
	vm8 =	vlt.f32 v55, $2.000000000e+02;
	vm9 =	vgt.f32 v53, $-1.000000000e+00  }
0xb4: {  	[tilespmem:$0x6D0] =	vst v13;
	vm10 =	vlt.f32 v53, $2.000000000e+02;
	v56 =	vadd.s32 $0xC8, v43;
	v15 =	vmin.f32 v62, $1.990000000e+02  }
0xb5: {  	[tilespmem:$0x510] =	vst v12;
	v55 =	vmul.u32 $0xC8, v60;
	v52 =	vmin.f32 v63, $1.990000000e+02;
	v62 =	vtrunc.f32 v15  }
0xb6: {  	[tilespmem:$0x5F0] =	vst v14;
	vm0 =	vmand vm7, vm9;
	v63 =	vtrunc.f32 v52;
	v48 =	vcvt.f32.s32 v62  }
0xb7: {  	[tilespmem:$0x420] =	vst v56;
	v56 =	vmul.u32 $0xC8, v49;
	v50 =	vcvt.f32.s32 v63;
	v63 =	vmul.f32 v54, v8  }
0xb8: {  	[tilespmem:$0x7B0] =	vst v19;
	vm0 =	vmand vm0, vm8;
	v62 =	vmul.f32 v58, v5;
	v59 =	vcvt.s32.f32 v48  }
0xb9: {  	[tilespmem:$0x410] =	vst v61;
	vm0 =	vmand vm10, vm0;
	v61 =	vcvt.s32.f32 v50;
	v57 =	vmul.f32 v63, v6  }
0xba: {  	[tilespmem:$0x350] =	vst v46;
	v58 =	vmul.f32 v62, v7;
	v13 =	vmul.f32 v62, v6;
	v46 =	vmul.u32 $0xC8, v50  }
0xbb: {  	[tilespmem:$0x7C0] =	vst v23;
	v50 =	vadd.s32 v3, v48;
	v15 =	vsub.f32 v15, v59;
	v19 =	vsub.f32 v52, v61  }
0xbc: {  	[tilespmem:$0x520] =	vst v16;
	v49 =	vld [tilespmem:$0x2B0];
	v61 =	vmul.f32 v63, v7;
	v14 =	vsub.f32 v57, v58;
	v63 =	vadd.s32 $0xC8, v45  }
0xbd: {  	[tilespmem:$0x7D0] =	vst v26;
	v57 =	vsel vm0, $0x3E800000, v0;
	v59 =	vsub.f32 $1.000000000e+00, v15;
	v62 =	vsub.f32 $1.000000000e+00, v19  }
0xbe: {  	[tilespmem:$0x330] =	vst v45;
	v45 =	vadd.s32 $0xC8, v42;
	v26 =	vadd.s32 v46, v50;
	v13 =	vadd.f32 v61, v13  }
0xbf: {  	[tilespmem:$0x6E0] =	vst v17;
	v23 =	vadd.f32 v14, v4;
	v58 =	vmul.f32 v59, v62;
	v16 =	vmul.f32 v62, v15  }
0xc0: {  	[tilespmem:$0x600] =	vst v18;
	v12 =	vmul.f32 v59, v19;
	v52 =	vadd.f32 v13, v2;
	v59 =	vadd.s32 v3, v47  }
0xc1: {  	[tilespmem:$0x430] =	vst v63;
	v63 =	vld [tilespmem:$0x1B0];
	v61 =	vmax.f32 v23, $0.0e+00;
	v15 =	vmul.f32 v15, v19;
	v19 =	vmul.f32 v49, v8  }
0xc2: {  	[tilespmem:$0x530] =	vst v20;
	vm13 =	vgt.f32 v23, $-1.000000000e+00;
	vm14 =	vlt.f32 v23, $2.000000000e+02;
	v20 =	vadd.s32 v56, v59  }
0xc3: {  	[tilespmem:$0x6F0] =	vst v21;
	v56 =	vadd.s32 $0xC8, v44;
	v14 =	vmul.f32 v58, v57;
	v13 =	vmul.f32 v16, v57  }
0xc4: {  	[tilespmem:$0x610] =	vst v22;
	v12 =	vmul.f32 v12, v57;
	v62 =	vmax.f32 v52, $0.0e+00;
	v16 =	vmin.f32 v61, $1.990000000e+02  }
0xc5: {  	[tilespmem:$0x620] =	vst v27;
	v15 =	vmul.f32 v15, v57;
	v57 =	vadd.s32 v3, v51;
	vm11 =	vgt.f32 v52, $-1.000000000e+00  }
0xc6: {  	[tilespmem:$0x540] =	vst v24;
	v60 =	vmul.f32 v63, v5;
	vm12 =	vlt.f32 v52, $2.000000000e+02;
	v61 =	vmul.f32 v19, v6  }
0xc7: {  	[tilespmem:$0x800] =	vst v38;
	v19 =	vmul.f32 v19, v7;
	v38 =	vadd.s32 $0xC8, v20;
	v18 =	vmin.f32 v62, $1.990000000e+02  }
0xc8: {  	[tilespmem:$0x440] =	vst v56;
	v56 =	vld [tilespmem:$0x2C0];
	v53 =	vtrunc.f32 v16;
	v21 =	vadd.s32 v55, v57;
	v54 =	vtrunc.f32 v18  }
0xc9: {  	[tilespmem:$0x700] =	vst v25;
	vm0 =	vmand vm11, vm13;
	v22 =	vcvt.f32.s32 v53;
	v62 =	vmul.f32 v60, v7  }
0xca: {  	[tilespmem:$0x320] =	vst v43;
	v17 =	vmul.f32 v60, v6;
	vm0 =	vmand vm0, vm12;
	v53 =	vld [tilespmem:$0x1C0];
	v43 =	vcvt.f32.s32 v54  }
0xcb: {  	[tilespmem:$0x550] =	vst v28;
	vm0 =	vmand vm14, vm0;
	v58 =	vcvt.s32.f32 v22;
	v24 =	vsub.f32 v61, v62  }
0xcc: {  	[tilespmem:$0x630] =	vst v31;
	v17 =	vadd.f32 v19, v17;
	v49 =	vsel vm0, $0x3E800000, v0;
	v59 =	vcvt.s32.f32 v43  }
0xcd: {  	[tilespmem:$0x710] =	vst v29;
	v31 =	vmul.f32 v56, v8;
	v16 =	vsub.f32 v16, v58;
	v24 =	vadd.f32 v24, v4  }
0xce: {  	[tilespmem:$0x7F0] =	vst v35;
	v22 =	vadd.s32 v3, v22;
	v17 =	vadd.f32 v17, v2;
	v18 =	vsub.f32 v18, v59  }
0xcf: {  	[tilespmem:$0x340] =	vst v44;
	v59 =	vmul.u32 $0xC8, v43;
	v62 =	vmul.f32 v53, v5;
	v43 =	vmul.f32 v31, v6  }
0xd0: {  	[tilespmem:$0x460] =	vst v45;
	v45 =	vmul.f32 v31, v7;
	v63 =	vsub.f32 $1.000000000e+00, v16;
	v51 =	vmax.f32 v24, $0.0e+00  }
0xd1: {  	[tilespmem:$0x560] =	vst v33;
	v52 =	vmax.f32 v17, $0.0e+00;
	vm15 =	vgt.f32 v17, $-1.000000000e+00;
	vm4 =	vlt.f32 v17, $2.000000000e+02  }
0xd2: {  	[tilespmem:$0x640] =	vst v32;
	vm5 =	vgt.f32 v24, $-1.000000000e+00;
	vm6 =	vlt.f32 v24, $2.000000000e+02;
	v44 =	vsub.f32 $1.000000000e+00, v18  }
0xd3: {  	[tilespmem:$0x720] =	vst v34;
	v54 =	vmin.f32 v51, $1.990000000e+02;
	v55 =	vmin.f32 v52, $1.990000000e+02;
	v46 =	vmul.f32 v62, v6  }
0xd4: {  	[tilespmem:$0x450] =	vst v30;
	v22 =	vadd.s32 v59, v22;
	v25 =	vmul.f32 v63, v18;
	v57 =	vtrunc.f32 v54  }
0xd5: {  	[tilespmem:$0x570] =	vst v36;
	vm0 =	vmand vm15, vm5;
	v58 =	vtrunc.f32 v55;
	v47 =	vmul.f32 v63, v44  }
0xd6: {  	[tilespmem:$0x650] =	vst v40;
	vm0 =	vmand vm0, vm4;
	v19 =	vmul.f32 v44, v16;
	v16 =	vmul.f32 v16, v18  }
0xd7: {  	[tilespmem:$0x730] =	vst v39;
	v35 =	vadd.s32 $0xC8, v22;
	v27 =	vcvt.f32.s32 v57;
	v29 =	vcvt.f32.s32 v58  }
0xd8: {  	[tilespmem:$0x810] =	vst v37;
	v59 =	vld [tilespmem:$0x1D0];
	v44 =	vmul.f32 v62, v7;
	v30 =	vadd.f32 v45, v46;
	v62 =	vadd.s32 $0xC8, v26  }
0xd9: {  	[tilespmem:$0x360] =	vst v42;
	vm0 =	vmand vm6, vm0;
	v25 =	vmul.f32 v25, v49;
	v23 =	vmul.f32 v47, v49  }
0xda: {  	[tilespmem:$0x580] =	vst v41;
	v36 =	vsel vm0, $0x3E800000, v0;
	v19 =	vmul.f32 v19, v49;
	v16 =	vmul.f32 v16, v49  }
0xdb: {  	[tilespmem:$0x380] =	vst v20;
	v60 =	vcvt.s32.f32 v27;
	v61 =	vcvt.s32.f32 v29;
	v20 =	vsub.f32 v43, v44  }
0xdc: {  	[tilespmem:$0x660] =	vst v11;
	v47 =	vadd.s32 $0xC8, v21;
	v50 =	vmul.u32 $0xC8, v29;
	v51 =	vadd.f32 v30, v2  }
0xdd: {  	[tilespmem:$0x820] =	vst v10;
	v27 =	vadd.s32 v3, v27;
	v5 =	vmul.f32 v59, v5;
	v63 =	vsub.f32 v54, v60  }
0xde: {  	[tilespmem:$0x740] =	vst v9;
	v42 =	vsub.f32 v55, v61;
	v20 =	vadd.f32 v20, v4;
	v54 =	vmax.f32 v51, $0.0e+00  }
0xdf: {  	[tilespmem:$0x3A0] =	vst v26;
	v60 =	vadd.s32 v50, v27;
	vm7 =	vgt.f32 v51, $-1.000000000e+00;
	vm9 =	vlt.f32 v51, $2.000000000e+02  }
0xe0: {  	[tilespmem:$0x480] =	vst v38;
	v55 =	vld [tilespmem:$0x2D0];
	v57 =	vmin.f32 v54, $1.990000000e+02;
	v48 =	vsub.f32 $1.000000000e+00, v63;
	v49 =	vsub.f32 $1.000000000e+00, v42  }
0xe1: {  	[tilespmem:$0x390] =	vst v21;
	v53 =	vmax.f32 v20, $0.0e+00;
	v56 =	vmul.f32 v63, v42;
	v61 =	vtrunc.f32 v57  }
0xe2: {  	[tilespmem:$0x590] =	vst v14;
	v30 =	vmin.f32 v53, $1.990000000e+02;
	v21 =	vcvt.f32.s32 v61;
	v52 =	vmul.f32 v48, v49  }
0xe3: {  	[tilespmem:$0x670] =	vst v13;
	v43 =	vadd.s32 $0xC8, v60;
	v24 =	vmul.f32 v49, v63;
	v58 =	vtrunc.f32 v30  }
0xe4: {  	[tilespmem:$0x750] =	vst v12;
	vm8 =	vgt.f32 v20, $-1.000000000e+00;
	v31 =	vmul.f32 v48, v42;
	v18 =	vcvt.f32.s32 v58  }
0xe5: {  	[tilespmem:$0x830] =	vst v15;
	vm10 =	vlt.f32 v20, $2.000000000e+02;
	v11 =	vmul.f32 v56, v36;
	v8 =	vmul.f32 v55, v8  }
0xe6: {  	[tilespmem:$0x3B0] =	vst v22;
	vm1 =	vmand vm7, vm8;
	v27 =	vcvt.s32.f32 v21;
	v63 =	vcvt.s32.f32 v18  }
0xe7: {  	[tilespmem:$0x4B0] =	vst v35;
	vm1 =	vmand vm1, vm9;
	v34 =	vmul.f32 v8, v6;
	v8 =	vmul.f32 v8, v7  }
0xe8: {  	[tilespmem:$0x4A0] =	vst v62;
	vm11 =	vmand vm10, vm1;
	v7 =	vmul.f32 v5, v7;
	v5 =	vmul.f32 v5, v6  }
0xe9: {  	[tilespmem:$0x490] =	vst v47;
	v51 =	vmul.u32 $0xC8, v21;
	v10 =	vsub.f32 v57, v27;
	v33 =	vsub.f32 v30, v63  }
0xea: {  	[tilespmem:$0x760] =	vst v25;
	v37 =	vmul.f32 v52, v36;
	v7 =	vsub.f32 v34, v7;
	v5 =	vadd.f32 v8, v5  }
0xeb: {  	[tilespmem:$0x5A0] =	vst v23;
	v39 =	vmul.f32 v24, v36;
	v40 =	vsub.f32 $1.000000000e+00, v10;
	v38 =	vsub.f32 $1.000000000e+00, v33  }
0xec: {  	[tilespmem:$0x680] =	vst v19;
	v41 =	vmul.f32 v31, v36;
	v4 =	vadd.f32 v7, v4;
	v2 =	vadd.f32 v5, v2  }
0xed: {  	[tilespmem:$0x840] =	vst v16;
	v44 =	vsel vm11, $0x3E800000, v0;
	v52 =	vadd.s32 v3, v18;
	v8 =	vmul.f32 v40, v33  }
0xee: {  	[tilespmem:$0x3C0] =	vst v60;
	v42 =	vmul.f32 v38, v40;
	v45 =	vmax.f32 v4, $0.0e+00;
	v46 =	vmax.f32 v2, $0.0e+00  }
0xef: {  	[tilespmem:$0x4C0] =	vst v43;
	v8 =	vmul.f32 v8, v44;
	v47 =	vmin.f32 v45, $1.990000000e+02;
	v48 =	vmin.f32 v46, $1.990000000e+02  }
0xf0: {  	[tilespmem:$0x850] =	vst v11;
	v6 =	vadd.s32 v51, v52;
	v49 =	vtrunc.f32 v47;
	v19 =	vtrunc.f32 v48  }
0xf1: {  	[tilespmem:$0x3D0] =	vst v6;
	v6 =	vadd.s32 $0xC8, v6;
	v5 =	vcvt.f32.s32 v49;
	v50 =	vcvt.f32.s32 v19  }
0xf2: {  	[tilespmem:$0x5B0] =	vst v37;
	v13 =	vmul.f32 v38, v10;
	v10 =	vmul.f32 v33, v10;
	vm12 =	vgt.f32 v2, $-1.000000000e+00  }
0xf3: {  	[tilespmem:$0x690] =	vst v39;
	vm14 =	vgt.f32 v4, $-1.000000000e+00;
	v53 =	vcvt.s32.f32 v5;
	v54 =	vcvt.s32.f32 v50  }
0xf4: {  	[tilespmem:$0x770] =	vst v41;
	vm13 =	vlt.f32 v2, $2.000000000e+02;
	vm15 =	vlt.f32 v4, $2.000000000e+02;
	vm0 =	vmand vm12, vm14  }
0xf5: {  	[tilespmem:$0x4D0] =	vst v6;
	v7 =	vmul.f32 v42, v44;
	v9 =	vsub.f32 v47, v53;
	v56 =	vsub.f32 v48, v54  }
0xf6: {  	v55 =	vmul.f32 v13, v44;
	v10 =	vmul.f32 v10, v44;
	[tilespmem:$0x6A0] =	vst v8;
	vm0 =	vmand vm0, vm13  }
0xf7: {  	[tilespmem:$0x5C0] =	vst v7;
	v58 =	vmul.u32 $0xC8, v50;
	v2 =	vsub.f32 $1.000000000e+00, v9;
	v57 =	vsub.f32 $1.000000000e+00, v56  }
0xf8: {  	vm0 =	vmand vm15, vm0;
	[tilespmem:$0x780] =	vst v55;
	v3 =	vadd.s32 v3, v5;
	v63 =	vmul.f32 v9, v56  }
0xf9: {  	[tilespmem:$0x860] =	vst v10;
	v60 =	vsel vm0, $0x3E800000, v0;
	v3 =	vadd.s32 v58, v3;
	v59 =	vmul.f32 v2, v57  }
0xfa: {  	v62 =	vadd.s32 $0xC8, v3;
	[tilespmem:$0x3E0] =	vst v3;
	v61 =	vmul.f32 v57, v9;
	v4 =	vmul.f32 v63, v60  }
0xfb: {  	[tilespmem:$0x4E0] =	vst v62;
	v2 =	vmul.f32 v2, v56;
	v5 =	vmul.f32 v59, v60  }
0xfc: {  	v3 =	vmul.f32 v61, v60;
	[tilespmem:$0x870] =	vst v4  }
0xfd: {  	v2 =	vmul.f32 v2, v60;
	[tilespmem:$0x5D0] =	vst v5  }
0xfe: {  	[tilespmem:$0x6B0] =	vst v3  }
0xff: {  	[tilespmem:$0x790] =	vst v2  }
0x100: {  	[tilespmem:s15], [sflag:$0x1] =	stream.indirect.gather [hbm4b:s6+s13], $0x80, s14, s13, $0xb8;
	[tilespmem:$0xE500] =	vst v63  }
0x101: {  	_ = 	snop  }
0x102: {  	[tilespmem:s17], [sflag:$0x1] =	stream.indirect.gather [hbm4b:s6+s13], $0x80, s16, s13, $0xb8;
	[tilespmem:$0xE500] =	vst v63  }
0x103: {  	_ = 	snop  }
0x104: {  	[tilespmem:s20], [sflag:$0x2] =	stream.indirect.gather [hbm4b:s6+s18], $0x80, s19, s18, $0xb8;
	[tilespmem:$0xE500] =	vst v63  }
0x105: {  	_ = 	snop  }
0x106: {  	[tilespmem:s22], [sflag:$0x2] =	stream.indirect.gather [hbm4b:s6+s18], $0x80, s21, s18, $0xb8;
	[tilespmem:$0xE500] =	vst v63  }
0x107: {  	_ =	swait.ge [sflag:s23], $0x3800  }
0x108: {  	[sflag:s23] =	ssyncset.done $0x0  }
0x109: {  	[sflag:s23] =	ssyncadd.s32 $0xFFFFC800  }
0x10a: {  	_ =	swait.ge [sflag:s23], $0x3800  }
0x10b: {  	[sflag:s23] =	ssyncset.done $0x0  }
0x10c: {  	s5 =	simm.s32 $0x0;
	s0 =	simm.s32 $0x0;
	[sflag:s23] =	ssyncadd.s32 $0xFFFFC800  }
.LBB2_3:
0x10d: {  	s1 =	sadd.s32 $0xE0, s31  }
0x10e: {  	v3 =	vmov s1;
	s1 =	sshra.s32 s0, $0x2  }
0x10f: {  	v4 =	vld [tilespmem:s1+$0x880]  }
0x110: {  	v6 =	vld [tilespmem:s1+$0x890]  }
0x111: {  	v7 =	vld [tilespmem:s1+$0x8A0]  }
0x112: {  	v8 =	vld [tilespmem:s1+$0x8B0]  }
0x113: {  	v2 =	vmov s31;
	v9 =	vld [tilespmem:s1+$0x8C0]  }
0x114: {  	v2 =	vand.u32 $0xFFFFFFFC, v2;
	v11 =	vld [tilespmem:s1+$0x8D0]  }
0x115: {  	v2 =	vbroadcast v2, $0x0;
	v13 =	vld [tilespmem:s1+$0x8E0]  }
0x116: {  	v15 =	vld [tilespmem:s1+$0x8F0]  }
0x117: {  	s2 =	sadd.s32 $0x1C0, s31;
	v18 =	vld [tilespmem:s1+$0x6A80]  }
0x118: {  	v5 =	vmov s2;
	s2 =	sadd.s32 $0x2A0, s31;
	v3 =	vand.u32 $0xFFFFFFFC, v3;
	v19 =	vld [tilespmem:s1+$0x6A90]  }
0x119: {  	v5 =	vand.u32 $0xFFFFFFFC, v5;
	v14 =	vmov s2;
	v22 =	vld [tilespmem:s1+$0x6AA0];
	s2 =	sadd.s32 $0x1, s31;
	v3 =	vbroadcast v3, $0x0  }
0x11a: {  	v24 =	vld [tilespmem:s1+$0x6AB0];
	v5 =	vbroadcast v5, $0x0;
	v14 =	vand.u32 $0xFFFFFFFC, v14;
	v27 =	vmov s2;
	s2 =	sadd.s32 $0xE1, s31  }
0x11b: {  	v14 =	vbroadcast v14, $0x0;
	v27 =	vand.u32 $0xFFFFFFFD, v27;
	v32 =	vmov s2;
	s2 =	sadd.s32 $0x1C1, s31;
	v2 =	vld.idx.msk [tilespmem:v2+s24+$0x0], $0xffff  }
0x11c: {  	v26 =	vld [tilespmem:s1+$0x6AC0];
	v27 =	vbroadcast v27, $0x0;
	v32 =	vand.u32 $0xFFFFFFFD, v32;
	v51 =	vmov s2;
	s2 =	sadd.s32 $0x2A1, s31  }
0x11d: {  	v28 =	vld [tilespmem:s1+$0x6AD0];
	v32 =	vbroadcast v32, $0x0;
	v59 =	vmov s2;
	v10 =	vshll.u32 v4, $0x10  }
0x11e: {  	v31 =	vld [tilespmem:s1+$0x6AE0];
	v12 =	vshll.u32 v6, $0x10;
	v16 =	vshll.u32 v7, $0x10;
	v17 =	vshll.u32 v8, $0x10  }
0x11f: {  	v20 =	vshll.u32 v11, $0x10;
	v21 =	vshll.u32 v13, $0x10;
	v23 =	vshll.u32 v15, $0x10;
	v3 =	vld.idx.msk [tilespmem:v3+s24+$0x0], $0xffff  }
0x120: {  	v34 =	vld [tilespmem:s1+$0x6AF0];
	v35 =	vshll.u32 v18, $0x10;
	v10 =	vmul.f32 v10, v2;
	v4 =	vmul.f32 v4, v2  }
0x121: {  	v39 =	vld [tilespmem:s1+$0x900];
	v25 =	vshll.u32 v19, $0x10;
	v12 =	vmul.f32 v12, v2;
	v6 =	vmul.f32 v6, v2  }
0x122: {  	v41 =	vld [tilespmem:s1+$0x910];
	v29 =	vshll.u32 v22, $0x10;
	v16 =	vmul.f32 v16, v2;
	v7 =	vmul.f32 v7, v2  }
0x123: {  	v5 =	vld.idx.msk [tilespmem:v5+s24+$0x0], $0xffff;
	v17 =	vmul.f32 v17, v2;
	v2 =	vmul.f32 v8, v2;
	v8 =	vshll.u32 v9, $0x10  }
0x124: {  	v44 =	vld [tilespmem:s1+$0x920];
	v30 =	vshll.u32 v24, $0x10;
	v36 =	vshll.u32 v26, $0x10;
	v8 =	vmul.f32 v8, v3  }
0x125: {  	v45 =	vld [tilespmem:s1+$0x930];
	v33 =	vshll.u32 v28, $0x10;
	v9 =	vmul.f32 v9, v3;
	v20 =	vmul.f32 v20, v3  }
0x126: {  	v47 =	vld [tilespmem:s1+$0x940];
	v37 =	vshll.u32 v31, $0x10;
	v11 =	vmul.f32 v11, v3;
	v21 =	vmul.f32 v21, v3  }
0x127: {  	v42 =	vshll.u32 v34, $0x10;
	v14 =	vld.idx.msk [tilespmem:v14+s24+$0x0], $0xffff;
	v13 =	vmul.f32 v13, v3;
	v23 =	vmul.f32 v23, v3  }
0x128: {  	v50 =	vld [tilespmem:s1+$0x950];
	v46 =	vshll.u32 v39, $0x10;
	v3 =	vmul.f32 v15, v3;
	v15 =	vmul.f32 v35, v5  }
0x129: {  	v53 =	vld [tilespmem:s1+$0x960];
	v49 =	vshll.u32 v41, $0x10;
	v18 =	vmul.f32 v18, v5;
	v25 =	vmul.f32 v25, v5  }
0x12a: {  	v52 =	vshll.u32 v44, $0x10;
	v19 =	vmul.f32 v19, v5;
	v29 =	vmul.f32 v29, v5  }
0x12b: {  	v54 =	vshll.u32 v45, $0x10;
	v22 =	vmul.f32 v22, v5;
	v30 =	vmul.f32 v30, v5  }
0x12c: {  	v55 =	vshll.u32 v47, $0x10;
	v5 =	vmul.f32 v24, v5;
	v24 =	vmul.f32 v36, v14  }
0x12d: {  	v57 =	vshll.u32 v50, $0x10;
	v38 =	vld.idx.msk [tilespmem:v27+s24+$0x0], $0xffff;
	v26 =	vmul.f32 v26, v14;
	v33 =	vmul.f32 v33, v14  }
0x12e: {  	s2 =	sadd.s32 $0x2, s31;
	v35 =	vshll.u32 v53, $0x10;
	v28 =	vmul.f32 v28, v14;
	v40 =	vmul.f32 v31, v14  }
0x12f: {  	v43 =	vmul.f32 v42, v14;
	v42 =	vmov s2;
	v10 =	vadd.f32 v15, v10  }
0x130: {  	v4 =	vadd.f32 v18, v4;
	v12 =	vadd.f32 v25, v12;
	v15 =	vmul.f32 v37, v14  }
0x131: {  	v6 =	vadd.f32 v19, v6;
	v16 =	vadd.f32 v29, v16;
	v14 =	vmul.f32 v34, v14  }
0x132: {  	v7 =	vadd.f32 v22, v7;
	v48 =	vmul.f32 v46, v38;
	v19 =	vmul.f32 v39, v38  }
0x133: {  	v17 =	vadd.f32 v30, v17;
	v22 =	vmul.f32 v41, v38;
	v29 =	vmul.f32 v52, v38  }
0x134: {  	v2 =	vadd.f32 v5, v2;
	v31 =	vmul.f32 v54, v38;
	v18 =	vmul.f32 v45, v38  }
0x135: {  	s2 =	sadd.s32 $0xE2, s31;
	v34 =	vand.u32 $0xFFFFFFFD, v59;
	v5 =	vadd.f32 v24, v8;
	v9 =	vadd.f32 v26, v9  }
0x136: {  	v58 =	vld [tilespmem:s1+$0x970];
	v45 =	vmov s2;
	v20 =	vadd.f32 v33, v20;
	v11 =	vadd.f32 v28, v11  }
0x137: {  	v36 =	vld [tilespmem:s1+$0x6B10];
	v13 =	vadd.f32 v40, v13;
	v23 =	vadd.f32 v43, v23;
	v24 =	vmul.f32 v49, v38  }
0x138: {  	v8 =	vld.idx.msk [tilespmem:v32+s24+$0x0], $0xffff;
	v28 =	vand.u32 $0xFFFFFFFD, v51;
	v26 =	vmul.f32 v44, v38;
	v15 =	vadd.f32 v15, v21  }
0x139: {  	v37 =	vld [tilespmem:s1+$0x6B20];
	v60 =	vbroadcast v34, $0x0;
	v3 =	vadd.f32 v14, v3;
	v10 =	vadd.f32 v48, v10  }
0x13a: {  	v41 =	vld [tilespmem:s1+$0x6B40];
	v30 =	vand.u32 $0xFFFFFFFE, v45;
	v4 =	vadd.f32 v19, v4;
	v6 =	vadd.f32 v22, v6  }
0x13b: {  	v39 =	vld [tilespmem:s1+$0x6B30];
	v28 =	vbroadcast v28, $0x0;
	v16 =	vadd.f32 v29, v16;
	v17 =	vadd.f32 v31, v17  }
0x13c: {  	v43 =	vld [tilespmem:s1+$0x6B50];
	v2 =	vadd.f32 v18, v2;
	v30 =	vbroadcast v30, $0x0;
	v12 =	vadd.f32 v24, v12  }
0x13d: {  	v46 =	vld [tilespmem:s1+$0x6B60];
	v7 =	vadd.f32 v26, v7;
	v40 =	vshll.u32 v36, $0x10;
	v56 =	vmul.f32 v55, v8  }
0x13e: {  	v34 =	vld [tilespmem:s1+$0x6B00];
	v44 =	vshll.u32 v37, $0x10;
	v25 =	vmul.f32 v47, v8;
	v32 =	vmul.f32 v57, v8  }
0x13f: {  	v48 =	vshll.u32 v41, $0x10;
	v27 =	vmul.f32 v50, v8;
	v61 =	vmul.f32 v35, v8;
	v14 =	vld.idx.msk [tilespmem:v60+s24+$0x0], $0xffff  }
0x140: {  	v63 =	vmul.f32 v53, v8;
	v35 =	vshll.u32 v58, $0x10;
	v47 =	vshll.u32 v39, $0x10;
	v50 =	vld [tilespmem:s1+$0x6B70]  }
0x141: {  	v49 =	vshll.u32 v43, $0x10;
	v62 =	vld.idx.msk [tilespmem:v28+s24+$0x0], $0xffff;
	v28 =	vmul.f32 v35, v8;
	v5 =	vadd.f32 v56, v5  }
0x142: {  	v52 =	vld [tilespmem:s1+$0x980];
	v8 =	vmul.f32 v58, v8;
	v11 =	vadd.f32 v27, v11;
	v27 =	vand.u32 $0xFFFFFFFE, v42  }
0x143: {  	v9 =	vadd.f32 v25, v9;
	v27 =	vbroadcast v27, $0x0;
	v38 =	vadd.f32 v28, v23  }
0x144: {  	v3 =	vadd.f32 v8, v3;
	v23 =	vmul.f32 v48, v14;
	v25 =	vmul.f32 v41, v14  }
0x145: {  	v56 =	vld [tilespmem:s1+$0x990];
	v55 =	vshll.u32 v50, $0x10;
	v33 =	vmul.f32 v49, v14;
	v28 =	vmul.f32 v43, v14  }
0x146: {  	v58 =	vld [tilespmem:s1+$0x9A0];
	v8 =	vshll.u32 v34, $0x10;
	v53 =	vmul.f32 v46, v14;
	v57 =	vmul.f32 v55, v14  }
0x147: {  	v59 =	vld [tilespmem:s1+$0x9B0];
	v60 =	vshll.u32 v52, $0x10;
	v8 =	vmul.f32 v8, v62;
	v26 =	vmul.f32 v34, v62  }
0x148: {  	v13 =	vadd.f32 v63, v13;
	v63 =	vld [tilespmem:s1+$0x9D0];
	v24 =	vmul.f32 v40, v62;
	v18 =	vmul.f32 v36, v62  }
0x149: {  	v20 =	vadd.f32 v32, v20;
	v29 =	vmul.f32 v44, v62;
	v21 =	vmul.f32 v37, v62  }
0x14a: {  	v15 =	vadd.f32 v61, v15;
	v61 =	vld [tilespmem:s1+$0x9C0];
	v32 =	vmul.f32 v47, v62;
	v22 =	vmul.f32 v39, v62  }
0x14b: {  	v54 =	vld.idx.msk [tilespmem:v30+s24+$0x0], $0xffff;
	v34 =	vshll.u32 v56, $0x10;
	v35 =	vshll.u32 v58, $0x10;
	v5 =	vadd.f32 v23, v5  }
0x14c: {  	v37 =	vshll.u32 v59, $0x10;
	v9 =	vadd.f32 v25, v9;
	v20 =	vadd.f32 v33, v20  }
0x14d: {  	s2 =	sadd.s32 $0x1C2, s31;
	v40 =	vshll.u32 v63, $0x10;
	v11 =	vadd.f32 v28, v11;
	v13 =	vadd.f32 v53, v13  }
0x14e: {  	v19 =	vadd.f32 v57, v38;
	v33 =	vmov s2;
	v8 =	vadd.f32 v8, v10  }
0x14f: {  	v38 =	vshll.u32 v61, $0x10;
	v4 =	vadd.f32 v26, v4;
	v12 =	vadd.f32 v24, v12  }
0x150: {  	v41 =	vld [tilespmem:s1+$0x9F0];
	v23 =	vmul.f32 v63, v54;
	v6 =	vadd.f32 v18, v6;
	v16 =	vadd.f32 v29, v16  }
0x151: {  	v36 =	vld [tilespmem:s1+$0x9E0];
	v10 =	vshll.u32 v46, $0x10;
	v7 =	vadd.f32 v21, v7;
	v17 =	vadd.f32 v32, v17  }
0x152: {  	v51 =	vld.idx.msk [tilespmem:v27+s24+$0x0], $0xffff;
	v2 =	vadd.f32 v22, v2;
	v39 =	vmul.f32 v38, v54;
	v26 =	vmul.f32 v61, v54  }
0x153: {  	s2 =	sadd.s32 $0x2A2, s31;
	v27 =	vand.u32 $0xFFFFFFFE, v33;
	v32 =	vmul.f32 v40, v54;
	v10 =	vmul.f32 v10, v14  }
0x154: {  	v42 =	vmov s2;
	v14 =	vmul.f32 v50, v14;
	v27 =	vbroadcast v27, $0x0  }
0x155: {  	v49 =	vld [tilespmem:s1+$0x6B90];
	v11 =	vadd.f32 v23, v11;
	v50 =	vshll.u32 v41, $0x10;
	v5 =	vadd.f32 v39, v5  }
0x156: {  	v53 =	vld [tilespmem:s1+$0x6BC0];
	v9 =	vadd.f32 v26, v9;
	v21 =	vmul.f32 v41, v54;
	v48 =	vmul.f32 v36, v54  }
0x157: {  	v20 =	vadd.f32 v32, v20;
	v62 =	vmul.f32 v60, v51;
	v18 =	vmul.f32 v52, v51  }
0x158: {  	v47 =	vld [tilespmem:s1+$0x6B80];
	v10 =	vadd.f32 v10, v15;
	v28 =	vmul.f32 v34, v51;
	v22 =	vmul.f32 v56, v51  }
0x159: {  	v43 =	vshll.u32 v36, $0x10;
	v36 =	vld [tilespmem:s1+$0x6BF0];
	v29 =	vmul.f32 v35, v51;
	v25 =	vmul.f32 v58, v51  }
0x15a: {  	v3 =	vadd.f32 v14, v3;
	v31 =	vmul.f32 v37, v51;
	v15 =	vmul.f32 v59, v51;
	v51 =	vld [tilespmem:s1+$0x6BA0]  }
0x15b: {  	v55 =	vshll.u32 v49, $0x10;
	v46 =	vmul.f32 v43, v54;
	v61 =	vshll.u32 v53, $0x10;
	v52 =	vld [tilespmem:s1+$0x6BB0]  }
0x15c: {  	s2 =	sadd.s32 $0x3, s31;
	v34 =	vand.u32 $0xFFFFFFFE, v42;
	v13 =	vadd.f32 v48, v13;
	v56 =	vld [tilespmem:s1+$0x6BD0];
	v3 =	vadd.f32 v21, v3  }
0x15d: {  	v60 =	vmov s2;
	s2 =	sadd.s32 $0xE3, s31;
	v10 =	vadd.f32 v46, v10;
	v8 =	vadd.f32 v62, v8;
	v44 =	vld.idx.msk [tilespmem:v27+s24+$0x0], $0xffff  }
0x15e: {  	v59 =	vld [tilespmem:s1+$0x6BE0];
	v37 =	vmov s2;
	v4 =	vadd.f32 v18, v4;
	v12 =	vadd.f32 v28, v12  }
0x15f: {  	v42 =	vld [tilespmem:s1+$0xA00];
	v6 =	vadd.f32 v22, v6;
	v16 =	vadd.f32 v29, v16;
	v29 =	vmul.f32 v50, v54  }
0x160: {  	v48 =	vld [tilespmem:s1+$0xA30];
	v45 =	vbroadcast v34, $0x0;
	v7 =	vadd.f32 v25, v7;
	v17 =	vadd.f32 v31, v17  }
0x161: {  	v2 =	vadd.f32 v15, v2;
	v54 =	vshll.u32 v47, $0x10;
	v50 =	vld [tilespmem:s1+$0xA40];
	v19 =	vadd.f32 v29, v19  }
0x162: {  	v57 =	vshll.u32 v51, $0x10;
	v40 =	vld.idx.msk [tilespmem:v60+s24+$0x0], $0xffff;
	v26 =	vmul.f32 v54, v44;
	v22 =	vmul.f32 v47, v44  }
0x163: {  	v58 =	vshll.u32 v52, $0x10;
	v27 =	vmul.f32 v55, v44;
	v25 =	vmul.f32 v49, v44  }
0x164: {  	v63 =	vshll.u32 v56, $0x10;
	v46 =	vld.idx.msk [tilespmem:v37+s24+$0x0], $0xffff;
	v30 =	vmul.f32 v57, v44;
	v15 =	vmul.f32 v51, v44  }
0x165: {  	v39 =	vshll.u32 v59, $0x10;
	v60 =	vld [tilespmem:s1+$0xA70];
	v31 =	vmul.f32 v58, v44;
	v14 =	vmul.f32 v52, v44  }
0x166: {  	v18 =	vld.idx.msk [tilespmem:v45+s24+$0x0], $0xffff;
	v45 =	vshll.u32 v36, $0x10;
	v49 =	vshll.u32 v42, $0x10;
	v57 =	vshll.u32 v48, $0x10  }
0x167: {  	v58 =	vshll.u32 v50, $0x10;
	v8 =	vadd.f32 v26, v8;
	v24 =	vmul.f32 v49, v40  }
0x168: {  	v6 =	vadd.f32 v25, v6;
	v25 =	vmul.f32 v42, v40;
	v33 =	vmul.f32 v57, v40  }
0x169: {  	v44 =	vld [tilespmem:s1+$0xA10];
	v4 =	vadd.f32 v22, v4;
	v21 =	vmul.f32 v48, v40;
	v22 =	vmul.f32 v58, v46  }
0x16a: {  	v47 =	vld [tilespmem:s1+$0xA20];
	v2 =	vadd.f32 v14, v2;
	v26 =	vmul.f32 v50, v46;
	v14 =	vmul.f32 v60, v46  }
0x16b: {  	v52 =	vld [tilespmem:s1+$0xA50];
	v12 =	vadd.f32 v27, v12;
	v62 =	vmul.f32 v61, v18;
	v23 =	vmul.f32 v53, v18  }
0x16c: {  	v55 =	vld [tilespmem:s1+$0xA60];
	v16 =	vadd.f32 v30, v16;
	v38 =	vmul.f32 v63, v18;
	v28 =	vmul.f32 v56, v18  }
0x16d: {  	v7 =	vadd.f32 v15, v7;
	v41 =	vmul.f32 v39, v18;
	v43 =	vmul.f32 v59, v18  }
0x16e: {  	s2 =	sadd.s32 $0x1C3, s31;
	v17 =	vadd.f32 v31, v17;
	v29 =	vmul.f32 v45, v18;
	v18 =	vmul.f32 v36, v18  }
0x16f: {  	v51 =	vshll.u32 v44, $0x10;
	v53 =	vmov s2;
	v15 =	vmul.f32 v44, v40  }
0x170: {  	v54 =	vshll.u32 v47, $0x10;
	v59 =	vshll.u32 v52, $0x10;
	v8 =	vadd.f32 v24, v8  }
0x171: {  	v4 =	vadd.f32 v25, v4;
	v37 =	vmul.f32 v55, v46;
	v39 =	vshll.u32 v60, $0x10  }
0x172: {  	s2 =	sadd.s32 $0x2A3, s31;
	v17 =	vadd.f32 v33, v17;
	v2 =	vadd.f32 v21, v2;
	v27 =	vmul.f32 v51, v40  }
0x173: {  	v56 =	vmov s2;
	v5 =	vadd.f32 v62, v5;
	v9 =	vadd.f32 v23, v9  }
0x174: {  	v42 =	vld [tilespmem:s1+$0x6C40];
	v30 =	vmul.f32 v54, v40;
	v20 =	vadd.f32 v38, v20;
	v11 =	vadd.f32 v28, v11  }
0x175: {  	v36 =	vld [tilespmem:s1+$0x6C00];
	v61 =	vmul.f32 v59, v46;
	v10 =	vadd.f32 v41, v10;
	v13 =	vadd.f32 v43, v13  }
0x176: {  	v19 =	vadd.f32 v29, v19;
	v23 =	vmul.f32 v47, v40;
	v3 =	vadd.f32 v18, v3;
	v38 =	vld [tilespmem:s1+$0x6C10]  }
0x177: {  	v28 =	vmul.f32 v52, v46;
	v62 =	vshll.u32 v55, $0x10;
	v6 =	vadd.f32 v15, v6;
	v29 =	vld.idx.msk [tilespmem:v53+s24+$0x0], $0xffff  }
0x178: {  	v40 =	vld [tilespmem:s1+$0x6C20];
	v24 =	vmul.f32 v62, v46;
	v12 =	vadd.f32 v27, v12;
	v16 =	vadd.f32 v30, v16  }
0x179: {  	v41 =	vld [tilespmem:s1+$0x6C30];
	v30 =	vmul.f32 v39, v46;
	v7 =	vadd.f32 v23, v7;
	v5 =	vadd.f32 v22, v5  }
0x17a: {  	v44 =	vld [tilespmem:s1+$0x6C50];
	v49 =	vshll.u32 v42, $0x10;
	v9 =	vadd.f32 v26, v9;
	v18 =	vadd.f32 v61, v20  }
0x17b: {  	v11 =	vadd.f32 v28, v11;
	v13 =	vadd.f32 v37, v13;
	v43 =	vshll.u32 v36, $0x10;
	v63 =	vld.idx.msk [tilespmem:v56+s24+$0x0], $0xffff  }
0x17c: {  	v47 =	vld [tilespmem:s1+$0x6C60];
	v10 =	vadd.f32 v24, v10;
	v45 =	vshll.u32 v38, $0x10;
	v24 =	vmul.f32 v43, v29  }
0x17d: {  	v46 =	vshll.u32 v40, $0x10;
	v15 =	vmul.f32 v36, v29;
	v27 =	vmul.f32 v45, v29  }
0x17e: {  	v52 =	vld [tilespmem:s1+$0x6C70];
	v48 =	vshll.u32 v41, $0x10;
	v23 =	vmul.f32 v38, v29;
	v28 =	vmul.f32 v46, v29  }
0x17f: {  	v14 =	vadd.f32 v14, v3;
	v21 =	vmul.f32 v40, v29;
	v31 =	vmul.f32 v48, v29  }
0x180: {  	v51 =	vshll.u32 v44, $0x10;
	v22 =	vmul.f32 v41, v29;
	v50 =	vmul.f32 v49, v63  }
0x181: {  	v54 =	vshll.u32 v47, $0x10;
	v3 =	vmul.f32 v42, v63;
	v53 =	vmul.f32 v51, v63  }
0x182: {  	v19 =	vadd.f32 v30, v19;
	v26 =	vmul.f32 v44, v63;
	v55 =	vmul.f32 v54, v63  }
0x183: {  	v25 =	vmul.f32 v52, v63;
	v8 =	vadd.f32 v24, v8;
	v15 =	vadd.f32 v15, v4  }
0x184: {  	v12 =	vadd.f32 v27, v12;
	v4 =	vmul.f32 v47, v63;
	v23 =	vadd.f32 v23, v6  }
0x185: {  	v16 =	vadd.f32 v28, v16;
	v6 =	vshll.u32 v52, $0x10;
	v21 =	vadd.f32 v21, v7  }
0x186: {  	v17 =	vadd.f32 v31, v17;
	v22 =	vadd.f32 v22, v2;
	v2 =	vadd.s32 $0x310, v1  }
0x187: {  	v56 =	vmul.f32 v6, v63;
	v5 =	vadd.f32 v50, v5;
	v6 =	vadd.f32 v3, v9  }
0x188: {  	v7 =	vadd.f32 v53, v18;
	v9 =	vadd.f32 v26, v11;
	v11 =	vadd.s32 s5, v1  }
0x189: {  	v10 =	vadd.f32 v55, v10;
	v57 =	vadd.s32 s5, v2;
	v3 =	vadd.s32 $0x620, v1  }
0x18a: {  	v13 =	vadd.f32 v4, v13;
	v58 =	vadd.s32 s5, v3;
	v4 =	vadd.s32 $0x930, v1  }
0x18b: {  	v8 =	vadd.f32 v5, v8;
	v59 =	vadd.s32 s5, v4;
	v5 =	vadd.s32 $0xC40, v1  }
0x18c: {  	v15 =	vadd.f32 v6, v15;
	v6 =	vadd.s32 $0xF50, v1;
	v60 =	vadd.s32 s5, v5  }
0x18d: {  	v12 =	vadd.f32 v7, v12;
	v7 =	vadd.s32 $0x1260, v1;
	[tilespmem:v11+s25+$0x0] =	vst.idx.msk $0xffff, v8;
	v11 =	vadd.s32 s5, v6  }
0x18e: {  	v9 =	vadd.f32 v9, v23;
	v61 =	vadd.s32 s5, v7;
	v8 =	vadd.s32 $0x1570, v1;
	[tilespmem:v57+s25+$0x0] =	vst.idx.msk $0xffff, v15  }
0x18f: {  	p0 =	sne.s32 s0, $0xD800;
	v62 =	vadd.f32 v56, v19;
	v10 =	vadd.f32 v10, v16;
	v63 =	vadd.s32 s5, v8;
	[tilespmem:v58+s25+$0x0] =	vst.idx.msk $0xffff, v12  }
.Ltmp0:
0x190: {  	v14 =	vadd.f32 v25, v14;
	v13 =	vadd.f32 v13, v21;
	[tilespmem:v59+s25+$0x0] =	vst.idx.msk $0xffff, v9;
	(pc) =	sbr.rel @p0 .LBB2_3-.Ltmp0, $4  }
0x191: {  	v9 =	vadd.f32 v62, v17;
	[tilespmem:v60+s25+$0x0] =	vst.idx.msk $0xffff, v10  }
0x192: {  	v10 =	vadd.f32 v14, v22;
	[tilespmem:v11+s25+$0x0] =	vst.idx.msk $0xffff, v13  }
0x193: {  	[tilespmem:v61+s25+$0x0] =	vst.idx.msk $0xffff, v9  }
0x194: {  	s0 =	sadd.s32 $0x800, s0;
	s31 =	sadd.s32 $0x4, s31;
	s5 =	sadd.s32 $0x1, s5;
	[tilespmem:v63+s25+$0x0] =	vst.idx.msk $0xffff, v10  }
0x195: {  	_ =	swait.ge [sflag:s26], $0x2A00  }
0x196: {  	[sflag:s26] =	ssyncset.done $0x0  }
0x197: {  	[sflag:s26] =	ssyncadd.s32 $0xFFFFD600  }
0x198: {  	_ =	swait.ge [sflag:s26], $0x2A00  }
0x199: {  	s0 =	simm.s32 $0x1C;
	[sflag:s26] =	ssyncset.done $0x0  }
0x19a: {  	s5 =	simm.s32 $0x0;
	s31 =	simm.s32 $0x230;
	[sflag:s26] =	ssyncadd.s32 $0xFFFFD600  }
.LBB2_5:
0x19b: {  	s1 =	sadd.s32 $0xFFFFFE40, s31  }
0x19c: {  	v9 =	vmov s1;
	s1 =	sshra.s32 s5, $0x2  }
0x19d: {  	v11 =	vld [tilespmem:s1+$0x4080]  }
0x19e: {  	v13 =	vld [tilespmem:s1+$0x4090]  }
0x19f: {  	v12 =	vmov s31;
	v14 =	vld [tilespmem:s1+$0x40A0]  }
0x1a0: {  	v12 =	vand.u32 $0xFFFFFFFC, v12;
	v15 =	vld [tilespmem:s1+$0x40B0]  }
0x1a1: {  	v12 =	vbroadcast v12, $0x0;
	v17 =	vld [tilespmem:s1+$0x40C0]  }
0x1a2: {  	v18 =	vld [tilespmem:s1+$0x40D0]  }
0x1a3: {  	v9 =	vand.u32 $0xFFFFFFFC, v9;
	v20 =	vld [tilespmem:s1+$0x40E0]  }
0x1a4: {  	s2 =	sadd.s32 $0xFFFFFF20, s31;
	v22 =	vld [tilespmem:s1+$0x40F0];
	v9 =	vbroadcast v9, $0x0  }
0x1a5: {  	v10 =	vmov s2;
	s2 =	sadd.s32 $0xE0, s31;
	v25 =	vld [tilespmem:s1+$0xA280]  }
0x1a6: {  	v10 =	vand.u32 $0xFFFFFFFC, v10;
	v16 =	vmov s2;
	v26 =	vld [tilespmem:s1+$0xA290];
	s2 =	sadd.s32 $0xFFFFFE41, s31  }
0x1a7: {  	v10 =	vbroadcast v10, $0x0;
	v35 =	vmov s2;
	s2 =	sadd.s32 $0xFFFFFF21, s31;
	v12 =	vld.idx.msk [tilespmem:v12+s24+$0x0], $0xffff  }
0x1a8: {  	v29 =	vld [tilespmem:s1+$0xA2A0];
	v16 =	vand.u32 $0xFFFFFFFC, v16;
	v35 =	vand.u32 $0xFFFFFFFD, v35;
	v62 =	vmov s2;
	s2 =	sadd.s32 $0x1, s31  }
0x1a9: {  	v31 =	vld [tilespmem:s1+$0xA2B0];
	v16 =	vbroadcast v16, $0x0;
	v35 =	vbroadcast v35, $0x0;
	v53 =	vmov s2;
	s2 =	sadd.s32 $0xE1, s31  }
0x1aa: {  	v57 =	vmov s2;
	v19 =	vshll.u32 v11, $0x10;
	v21 =	vshll.u32 v13, $0x10;
	v9 =	vld.idx.msk [tilespmem:v9+s24+$0x0], $0xffff  }
0x1ab: {  	v32 =	vld [tilespmem:s1+$0xA2C0];
	v23 =	vshll.u32 v14, $0x10;
	v24 =	vshll.u32 v15, $0x10;
	v59 =	vshll.u32 v17, $0x10  }
0x1ac: {  	v34 =	vld [tilespmem:s1+$0xA2D0];
	v60 =	vshll.u32 v25, $0x10;
	v33 =	vshll.u32 v26, $0x10;
	v25 =	vmul.f32 v25, v12  }
0x1ad: {  	v36 =	vld [tilespmem:s1+$0xA2E0];
	v37 =	vshll.u32 v29, $0x10;
	v33 =	vmul.f32 v33, v12;
	v26 =	vmul.f32 v26, v12  }
0x1ae: {  	v38 =	vshll.u32 v31, $0x10;
	v10 =	vld.idx.msk [tilespmem:v10+s24+$0x0], $0xffff;
	v37 =	vmul.f32 v37, v12;
	v29 =	vmul.f32 v29, v12  }
0x1af: {  	v41 =	vld [tilespmem:s1+$0xA2F0];
	v27 =	vshll.u32 v18, $0x10;
	v38 =	vmul.f32 v38, v12;
	v19 =	vmul.f32 v19, v9  }
0x1b0: {  	v43 =	vld [tilespmem:s1+$0x4110];
	v28 =	vshll.u32 v20, $0x10;
	v11 =	vmul.f32 v11, v9;
	v21 =	vmul.f32 v21, v9  }
0x1b1: {  	v45 =	vld [tilespmem:s1+$0x4120];
	v30 =	vshll.u32 v22, $0x10;
	v13 =	vmul.f32 v13, v9;
	v23 =	vmul.f32 v23, v9  }
0x1b2: {  	v47 =	vld [tilespmem:s1+$0x4130];
	v61 =	vshll.u32 v32, $0x10;
	v14 =	vmul.f32 v14, v9;
	v24 =	vmul.f32 v24, v9  }
0x1b3: {  	v39 =	vshll.u32 v34, $0x10;
	v16 =	vld.idx.msk [tilespmem:v16+s24+$0x0], $0xffff;
	v9 =	vmul.f32 v15, v9;
	v15 =	vmul.f32 v59, v10  }
0x1b4: {  	v49 =	vld [tilespmem:s1+$0x4140];
	v40 =	vshll.u32 v36, $0x10;
	v17 =	vmul.f32 v17, v10;
	v27 =	vmul.f32 v27, v10  }
0x1b5: {  	v44 =	vshll.u32 v41, $0x10;
	v18 =	vmul.f32 v18, v10;
	v28 =	vmul.f32 v28, v10  }
0x1b6: {  	v50 =	vshll.u32 v43, $0x10;
	v20 =	vmul.f32 v20, v10;
	v30 =	vmul.f32 v30, v10  }
0x1b7: {  	v51 =	vshll.u32 v45, $0x10;
	v10 =	vmul.f32 v22, v10;
	v22 =	vmul.f32 v60, v12  }
0x1b8: {  	v54 =	vshll.u32 v47, $0x10;
	v12 =	vmul.f32 v31, v12;
	v31 =	vmul.f32 v61, v16  }
0x1b9: {  	v56 =	vshll.u32 v49, $0x10;
	v32 =	vmul.f32 v32, v16;
	v39 =	vmul.f32 v39, v16  }
0x1ba: {  	v63 =	vld.idx.msk [tilespmem:v35+s24+$0x0], $0xffff;
	v59 =	vand.u32 $0xFFFFFFFD, v57;
	v34 =	vmul.f32 v34, v16;
	v40 =	vmul.f32 v40, v16  }
0x1bb: {  	v42 =	vmul.f32 v36, v16;
	v19 =	vadd.f32 v22, v19;
	v11 =	vadd.f32 v25, v11  }
0x1bc: {  	v46 =	vmul.f32 v44, v16;
	v21 =	vadd.f32 v33, v21;
	v13 =	vadd.f32 v26, v13  }
0x1bd: {  	v16 =	vmul.f32 v41, v16;
	v23 =	vadd.f32 v37, v23;
	v14 =	vadd.f32 v29, v14  }
0x1be: {  	v22 =	vand.u32 $0xFFFFFFFD, v62;
	v24 =	vadd.f32 v38, v24;
	v9 =	vadd.f32 v12, v9  }
0x1bf: {  	v52 =	vld [tilespmem:s1+$0x4150];
	v29 =	vmul.f32 v43, v63;
	v22 =	vbroadcast v22, $0x0;
	v12 =	vadd.f32 v31, v15  }
0x1c0: {  	v55 =	vld [tilespmem:s1+$0x4160];
	v35 =	vmul.f32 v51, v63;
	v17 =	vadd.f32 v32, v17;
	v27 =	vadd.f32 v39, v27  }
0x1c1: {  	v37 =	vld [tilespmem:s1+$0x4100];
	v38 =	vmul.f32 v54, v63;
	v18 =	vadd.f32 v34, v18;
	v28 =	vadd.f32 v40, v28  }
0x1c2: {  	v25 =	vmul.f32 v47, v63;
	v47 =	vld [tilespmem:s1+$0xA320];
	v20 =	vadd.f32 v42, v20;
	v30 =	vadd.f32 v46, v30  }
0x1c3: {  	v34 =	vmul.f32 v50, v63;
	v15 =	vmul.f32 v45, v63;
	v42 =	vld [tilespmem:s1+$0x4170];
	v10 =	vadd.f32 v16, v10  }
0x1c4: {  	v40 =	vbroadcast v59, $0x0;
	v46 =	vld [tilespmem:s1+$0xA310];
	v13 =	vadd.f32 v29, v13;
	v23 =	vadd.f32 v35, v23  }
0x1c5: {  	v60 =	vshll.u32 v52, $0x10;
	v24 =	vadd.f32 v38, v24;
	v9 =	vadd.f32 v25, v9;
	v22 =	vld.idx.msk [tilespmem:v22+s24+$0x0], $0xffff  }
0x1c6: {  	v62 =	vshll.u32 v55, $0x10;
	v50 =	vld [tilespmem:s1+$0xA340];
	v21 =	vadd.f32 v34, v21;
	v14 =	vadd.f32 v15, v14  }
0x1c7: {  	s2 =	sadd.s32 $0xFFFFFE42, s31;
	v48 =	vshll.u32 v37, $0x10;
	v26 =	vmul.f32 v37, v63;
	v37 =	vand.u32 $0xFFFFFFFD, v53  }
0x1c8: {  	v44 =	vld [tilespmem:s1+$0xA300];
	v53 =	vmov s2;
	v54 =	vshll.u32 v47, $0x10;
	v37 =	vbroadcast v37, $0x0  }
0x1c9: {  	v31 =	vmul.f32 v48, v63;
	v45 =	vshll.u32 v42, $0x10;
	v48 =	vld [tilespmem:s1+$0xA330];
	v35 =	vand.u32 $0xFFFFFFFE, v53  }
0x1ca: {  	v51 =	vshll.u32 v46, $0x10;
	v32 =	vld.idx.msk [tilespmem:v40+s24+$0x0], $0xffff;
	v35 =	vbroadcast v35, $0x0;
	v58 =	vmul.f32 v56, v22  }
0x1cb: {  	v57 =	vshll.u32 v50, $0x10;
	v33 =	vmul.f32 v49, v22;
	v61 =	vmul.f32 v60, v22  }
0x1cc: {  	v59 =	vld [tilespmem:s1+$0xA370];
	v11 =	vadd.f32 v26, v11;
	v36 =	vmul.f32 v52, v22;
	v63 =	vmul.f32 v62, v22  }
0x1cd: {  	v19 =	vadd.f32 v31, v19;
	v43 =	vmul.f32 v55, v22;
	v34 =	vmul.f32 v45, v22  }
0x1ce: {  	v41 =	vld.idx.msk [tilespmem:v37+s24+$0x0], $0xffff;
	v22 =	vmul.f32 v42, v22;
	v49 =	vshll.u32 v44, $0x10;
	v56 =	vshll.u32 v48, $0x10  }
0x1cf: {  	s2 =	sadd.s32 $0xFFFFFF22, s31;
	v29 =	vmul.f32 v57, v32;
	v31 =	vmul.f32 v50, v32;
	v12 =	vadd.f32 v58, v12  }
0x1d0: {  	v60 =	vmov s2;
	v17 =	vadd.f32 v33, v17;
	v16 =	vadd.f32 v61, v27  }
0x1d1: {  	v52 =	vld [tilespmem:s1+$0xA350];
	v50 =	vmul.f32 v59, v32;
	v18 =	vadd.f32 v36, v18;
	v26 =	vadd.f32 v63, v28  }
0x1d2: {  	v55 =	vld [tilespmem:s1+$0xA360];
	v62 =	vand.u32 $0xFFFFFFFE, v60;
	v20 =	vadd.f32 v43, v20;
	v30 =	vadd.f32 v34, v30  }
0x1d3: {  	v10 =	vadd.f32 v22, v10;
	v22 =	vmul.f32 v49, v41;
	v15 =	vmul.f32 v44, v41  }
0x1d4: {  	v12 =	vadd.f32 v29, v12;
	v33 =	vmul.f32 v51, v41;
	v25 =	vmul.f32 v46, v41  }
0x1d5: {  	v17 =	vadd.f32 v31, v17;
	v36 =	vmul.f32 v54, v41;
	v27 =	vmul.f32 v47, v41  }
0x1d6: {  	v10 =	vadd.f32 v50, v10;
	v38 =	vmul.f32 v56, v41;
	v28 =	vmul.f32 v48, v41  }
0x1d7: {  	s2 =	sadd.s32 $0x2, s31;
	v58 =	vshll.u32 v52, $0x10;
	v34 =	vmul.f32 v52, v32;
	v61 =	vshll.u32 v55, $0x10  }
0x1d8: {  	v45 =	vmul.f32 v55, v32;
	v47 =	vshll.u32 v59, $0x10;
	v55 =	vmov s2  }
0x1d9: {  	v63 =	vld.idx.msk [tilespmem:v35+s24+$0x0], $0xffff;
	v39 =	vmul.f32 v58, v32;
	v43 =	vmul.f32 v61, v32;
	v19 =	vadd.f32 v22, v19  }
0x1da: {  	v44 =	vld [tilespmem:s1+$0x4180];
	v48 =	vmul.f32 v47, v32;
	v11 =	vadd.f32 v15, v11;
	v15 =	vadd.f32 v33, v21  }
0x1db: {  	v46 =	vld [tilespmem:s1+$0x4190];
	v35 =	vand.u32 $0xFFFFFFFE, v55;
	v13 =	vadd.f32 v25, v13;
	v23 =	vadd.f32 v36, v23  }
0x1dc: {  	v49 =	vld [tilespmem:s1+$0x41A0];
	s2 =	sadd.s32 $0xE2, s31;
	v22 =	vbroadcast v62, $0x0;
	v14 =	vadd.f32 v27, v14;
	v24 =	vadd.f32 v38, v24  }
0x1dd: {  	v51 =	vld [tilespmem:s1+$0x41B0];
	v60 =	vmov s2;
	v9 =	vadd.f32 v28, v9;
	v18 =	vadd.f32 v34, v18  }
0x1de: {  	v54 =	vld [tilespmem:s1+$0x41C0];
	v20 =	vadd.f32 v45, v20;
	v35 =	vbroadcast v35, $0x0;
	v16 =	vadd.f32 v39, v16  }
0x1df: {  	v40 =	vand.u32 $0xFFFFFFFE, v60;
	v26 =	vadd.f32 v43, v26;
	v28 =	vadd.f32 v48, v30  }
0x1e0: {  	v56 =	vld [tilespmem:s1+$0x41D0];
	v40 =	vbroadcast v40, $0x0;
	v52 =	vshll.u32 v44, $0x10;
	v53 =	vshll.u32 v46, $0x10  }
0x1e1: {  	v59 =	vld [tilespmem:s1+$0x41E0];
	v25 =	vmul.f32 v44, v63;
	v27 =	vmul.f32 v46, v63;
	v57 =	vshll.u32 v49, $0x10  }
0x1e2: {  	v58 =	vshll.u32 v51, $0x10;
	v29 =	vmul.f32 v49, v63;
	v21 =	vmul.f32 v51, v63;
	v22 =	vld.idx.msk [tilespmem:v22+s24+$0x0], $0xffff  }
0x1e3: {  	v61 =	vshll.u32 v54, $0x10;
	v49 =	vld [tilespmem:s1+$0xA380];
	v30 =	vmul.f32 v52, v63;
	v33 =	vmul.f32 v53, v63  }
0x1e4: {  	v37 =	vmul.f32 v57, v63;
	v38 =	vmul.f32 v58, v63;
	v63 =	vld [tilespmem:s1+$0x41F0];
	v11 =	vadd.f32 v25, v11  }
0x1e5: {  	v62 =	vshll.u32 v56, $0x10;
	v51 =	vld [tilespmem:s1+$0xA390];
	v13 =	vadd.f32 v27, v13;
	v14 =	vadd.f32 v29, v14  }
0x1e6: {  	v46 =	vshll.u32 v59, $0x10;
	v9 =	vadd.f32 v21, v9;
	v19 =	vadd.f32 v30, v19;
	v47 =	vld.idx.msk [tilespmem:v35+s24+$0x0], $0xffff  }
0x1e7: {  	v15 =	vadd.f32 v33, v15;
	v23 =	vadd.f32 v37, v23;
	v32 =	vmul.f32 v61, v22  }
0x1e8: {  	v24 =	vadd.f32 v38, v24;
	v34 =	vmul.f32 v54, v22;
	v45 =	vmul.f32 v62, v22  }
0x1e9: {  	v53 =	vld [tilespmem:s1+$0xA3A0];
	v52 =	vshll.u32 v63, $0x10;
	v36 =	vmul.f32 v56, v22;
	v48 =	vmul.f32 v46, v22  }
0x1ea: {  	v55 =	vshll.u32 v49, $0x10;
	v50 =	vmul.f32 v59, v22;
	v35 =	vmul.f32 v52, v22  }
0x1eb: {  	v58 =	vld [tilespmem:s1+$0xA3D0];
	v57 =	vshll.u32 v51, $0x10;
	v22 =	vmul.f32 v63, v22;
	v30 =	vmul.f32 v55, v47  }
0x1ec: {  	v21 =	vld.idx.msk [tilespmem:v40+s24+$0x0], $0xffff;
	v59 =	vmul.f32 v49, v47;
	v60 =	vmul.f32 v57, v47;
	v12 =	vadd.f32 v32, v12  }
0x1ed: {  	v54 =	vld [tilespmem:s1+$0xA3B0];
	v29 =	vmul.f32 v51, v47;
	v17 =	vadd.f32 v34, v17;
	v16 =	vadd.f32 v45, v16  }
0x1ee: {  	s2 =	sadd.s32 $0xFFFFFE43, s31;
	v56 =	vld [tilespmem:s1+$0xA3C0];
	v61 =	vshll.u32 v53, $0x10;
	v18 =	vadd.f32 v36, v18;
	v26 =	vadd.f32 v48, v26  }
0x1ef: {  	v62 =	vld [tilespmem:s1+$0xA3E0];
	v63 =	vmov s2;
	v20 =	vadd.f32 v50, v20;
	v28 =	vadd.f32 v35, v28  }
0x1f0: {  	v46 =	vld [tilespmem:s1+$0xA3F0];
	v10 =	vadd.f32 v22, v10;
	v34 =	vmul.f32 v61, v47;
	v32 =	vmul.f32 v53, v47  }
0x1f1: {  	v51 =	vld [tilespmem:s1+$0x4200];
	v45 =	vshll.u32 v58, $0x10;
	v19 =	vadd.f32 v30, v19;
	v11 =	vadd.f32 v59, v11  }
0x1f2: {  	v55 =	vld [tilespmem:s1+$0x4220];
	v35 =	vmul.f32 v58, v21;
	v15 =	vadd.f32 v60, v15;
	v13 =	vadd.f32 v29, v13  }
0x1f3: {  	v39 =	vmul.f32 v45, v21;
	v23 =	vadd.f32 v34, v23;
	v14 =	vadd.f32 v32, v14  }
0x1f4: {  	v18 =	vadd.f32 v35, v18;
	v43 =	vshll.u32 v54, $0x10;
	v25 =	vmul.f32 v54, v47  }
0x1f5: {  	v53 =	vld [tilespmem:s1+$0x4210];
	v44 =	vshll.u32 v56, $0x10;
	v33 =	vmul.f32 v56, v21;
	v48 =	vshll.u32 v62, $0x10  }
0x1f6: {  	v52 =	vmul.f32 v62, v21;
	v54 =	vshll.u32 v46, $0x10;
	v16 =	vadd.f32 v39, v16  }
0x1f7: {  	s2 =	sadd.s32 $0xFFFFFF23, s31;
	v58 =	vld [tilespmem:s1+$0x4240];
	v57 =	vshll.u32 v51, $0x10;
	v61 =	vshll.u32 v55, $0x10;
	v38 =	vmul.f32 v43, v47  }
0x1f8: {  	v49 =	vld.idx.msk [tilespmem:v63+s24+$0x0], $0xffff;
	v31 =	vmul.f32 v44, v21;
	v47 =	vmov s2;
	v50 =	vmul.f32 v48, v21  }
0x1f9: {  	v60 =	vld [tilespmem:s1+$0x4250];
	v34 =	vmul.f32 v54, v21;
	v21 =	vmul.f32 v46, v21;
	v9 =	vadd.f32 v25, v9  }
0x1fa: {  	v56 =	vld [tilespmem:s1+$0x4230];
	s2 =	sadd.s32 $0x3, s31;
	v17 =	vadd.f32 v33, v17;
	v20 =	vadd.f32 v52, v20;
	v59 =	vshll.u32 v53, $0x10  }
0x1fb: {  	v62 =	vld [tilespmem:s1+$0x4260];
	v63 =	vmov s2;
	v24 =	vadd.f32 v38, v24;
	v12 =	vadd.f32 v31, v12  }
0x1fc: {  	v48 =	vld [tilespmem:s1+$0x4270];
	s2 =	sadd.s32 $0xE3, s31;
	v46 =	vshll.u32 v58, $0x10;
	v26 =	vadd.f32 v50, v26;
	v28 =	vadd.f32 v34, v28  }
0x1fd: {  	v54 =	vld [tilespmem:s1+$0xA400];
	v45 =	vmov s2;
	v29 =	vmul.f32 v57, v49;
	v27 =	vmul.f32 v51, v49  }
0x1fe: {  	v10 =	vadd.f32 v21, v10;
	v34 =	vmul.f32 v59, v49;
	v32 =	vmul.f32 v53, v49;
	v31 =	vld.idx.msk [tilespmem:v47+s24+$0x0], $0xffff  }
0x1ff: {  	v36 =	vmul.f32 v61, v49;
	v44 =	vshll.u32 v56, $0x10;
	v22 =	vmul.f32 v56, v49;
	v56 =	vld [tilespmem:s1+$0xA410]  }
0x200: {  	v25 =	vmul.f32 v55, v49;
	v50 =	vshll.u32 v62, $0x10;
	v57 =	vld [tilespmem:s1+$0xA420];
	v39 =	vmul.f32 v44, v49  }
0x201: {  	v59 =	vld [tilespmem:s1+$0xA440];
	v47 =	vshll.u32 v60, $0x10;
	v19 =	vadd.f32 v29, v19;
	v11 =	vadd.f32 v27, v11  }
0x202: {  	v61 =	vld [tilespmem:s1+$0xA450];
	v55 =	vshll.u32 v48, $0x10;
	v15 =	vadd.f32 v34, v15;
	v13 =	vadd.f32 v32, v13  }
0x203: {  	v51 =	vld.idx.msk [tilespmem:v63+s24+$0x0], $0xffff;
	v23 =	vadd.f32 v36, v23;
	v14 =	vadd.f32 v25, v14;
	v33 =	vmul.f32 v46, v31  }
0x204: {  	v9 =	vadd.f32 v22, v9;
	v30 =	vmul.f32 v58, v31;
	v49 =	vmul.f32 v47, v31  }
0x205: {  	v24 =	vadd.f32 v39, v24;
	v35 =	vmul.f32 v60, v31;
	v29 =	vmul.f32 v50, v31  }
0x206: {  	v44 =	vshll.u32 v57, $0x10;
	v53 =	vmul.f32 v62, v31;
	v36 =	vmul.f32 v55, v31  }
0x207: {  	v31 =	vmul.f32 v48, v31;
	v60 =	vshll.u32 v54, $0x10;
	v62 =	vshll.u32 v56, $0x10  }
0x208: {  	v47 =	vshll.u32 v59, $0x10;
	v48 =	vshll.u32 v61, $0x10;
	v25 =	vmul.f32 v54, v51  }
0x209: {  	v52 =	vld.idx.msk [tilespmem:v45+s24+$0x0], $0xffff;
	v55 =	vadd.s32 s0, v3;
	v34 =	vmul.f32 v62, v51;
	v22 =	vmul.f32 v56, v51  }
0x20a: {  	v63 =	vld [tilespmem:s1+$0xA460];
	v54 =	vadd.s32 s0, v2;
	v12 =	vadd.f32 v33, v12;
	v17 =	vadd.f32 v30, v17  }
0x20b: {  	v45 =	vld [tilespmem:s1+$0xA470];
	v56 =	vadd.s32 s0, v4;
	v16 =	vadd.f32 v49, v16;
	v18 =	vadd.f32 v35, v18  }
0x20c: {  	v26 =	vadd.f32 v29, v26;
	v10 =	vadd.f32 v31, v10;
	v31 =	vmul.f32 v60, v51  }
0x20d: {  	v28 =	vadd.f32 v36, v28;
	v36 =	vmul.f32 v44, v51;
	v30 =	vmul.f32 v57, v51  }
0x20e: {  	v20 =	vadd.f32 v53, v20;
	v27 =	vmul.f32 v47, v52;
	v29 =	vmul.f32 v59, v52  }
0x20f: {  	v39 =	vmul.f32 v48, v52;
	v33 =	vmul.f32 v61, v52;
	v49 =	vshll.u32 v63, $0x10  }
0x210: {  	v58 =	vld [tilespmem:s1+$0xA430];
	v35 =	vmul.f32 v63, v52;
	v50 =	vshll.u32 v45, $0x10;
	v11 =	vadd.f32 v25, v11  }
0x211: {  	v53 =	vadd.s32 s0, v1;
	v15 =	vadd.f32 v34, v15;
	v13 =	vadd.f32 v22, v13  }
0x212: {  	v57 =	vadd.s32 s0, v5;
	v19 =	vadd.f32 v31, v19;
	v14 =	vadd.f32 v30, v14  }
0x213: {  	v40 =	vmul.f32 v49, v52;
	v12 =	vadd.f32 v27, v12;
	v17 =	vadd.f32 v29, v17  }
0x214: {  	v41 =	vmul.f32 v50, v52;
	v16 =	vadd.f32 v39, v16;
	v18 =	vadd.f32 v33, v18  }
0x215: {  	v59 =	vadd.f32 v35, v20;
	v46 =	vshll.u32 v58, $0x10;
	v26 =	vadd.f32 v40, v26  }
0x216: {  	v21 =	vmul.f32 v58, v51;
	v60 =	vadd.f32 v41, v28;
	v12 =	vadd.f32 v12, v19  }
0x217: {  	v38 =	vmul.f32 v46, v51;
	v51 =	vmul.f32 v45, v52;
	v11 =	vadd.f32 v17, v11  }
0x218: {  	v58 =	vadd.s32 s0, v6;
	v52 =	vadd.f32 v36, v23;
	v15 =	vadd.f32 v16, v15;
	[tilespmem:v53+s25+$0x0] =	vst.idx.msk $0xffff, v12  }
0x219: {  	v13 =	vadd.f32 v18, v13;
	v14 =	vadd.f32 v59, v14;
	[tilespmem:v54+s25+$0x0] =	vst.idx.msk $0xffff, v11;
	v11 =	vadd.s32 s0, v7  }
0x21a: {  	p0 =	sne.s32 s5, $0xA000;
	v62 =	vadd.s32 s0, v8;
	v24 =	vadd.f32 v38, v24;
	v61 =	vadd.f32 v26, v52;
	[tilespmem:v55+s25+$0x0] =	vst.idx.msk $0xffff, v15  }
.Ltmp1:
0x21b: {  	v9 =	vadd.f32 v21, v9;
	v10 =	vadd.f32 v51, v10;
	[tilespmem:v56+s25+$0x0] =	vst.idx.msk $0xffff, v13;
	(pc) =	sbr.rel @p0 .LBB2_5-.Ltmp1, $4  }
0x21c: {  	v63 =	vadd.f32 v60, v24;
	[tilespmem:v57+s25+$0x0] =	vst.idx.msk $0xffff, v61  }
0x21d: {  	v9 =	vadd.f32 v10, v9;
	[tilespmem:v58+s25+$0x0] =	vst.idx.msk $0xffff, v14  }
0x21e: {  	[tilespmem:v11+s25+$0x0] =	vst.idx.msk $0xffff, v63  }
0x21f: {  	s5 =	sadd.s32 $0x800, s5;
	s31 =	sadd.s32 $0x4, s31;
	s0 =	sadd.s32 $0x1, s0;
	[tilespmem:v62+s25+$0x0] =	vst.idx.msk $0xffff, v9  }
0x220: {  	s0 =	sor.u32 s7, s30  }
0x221: {  	s0 =	sshrl.u32 s0, $0x3  }
0x222: {  	s1 =	sshll.u32 s30, $0x7;
	s0 =	smul.u32 $0xC400, s0  }
0x223: {  	s1 =	sand.u32 $0x380, s1  }
0x224: {  	s30 =	sadd.s32 $0x1, s30;
	s0 =	sor.u32 s1, s0  }
0x225: {  	p0 =	sne.s32 s30, $0x20;
	s0 =	sshrl.u32 s0, $0x3  }
.Ltmp2:
0x226: {  	s0 =	sadd.s32 s3, s0;
	(pc) =	sbr.rel @p0 .LBB2_2-.Ltmp2, $4  }
0x227: {  	[hbm4b:s0+s28] =	stream.strided.scatter [tilespmem:s25], [sflag:$0x3], $0x1880, s16, s28, $0x38;
	[tilespmem:$0xE500] =	vst v63  }
0x228: {  	_ =	swait.ge [sflag:s11], $0x1880  }
0x229: {  	[sflag:s11] =	ssyncset.done $0x0  }
0x22a: {  	[sflag:s11] =	ssyncadd.s32 $0xFFFFE780  }
0x22b: {  	s29 =	sadd.s32 $0x1, s29  }
0x22c: {  	p0 =	sne.s32 s29, s9  }
.Ltmp3:
0x22d: {  	_ = 	snop;
	(pc) =	sbr.rel @p0 .LBB2_1-.Ltmp3, $1  }
0x22e: {  	_ =	sdelay $0x3  }
0x22f: {  	_ =	sfence.sel $0x180000  }
0x230: {  	[bflag:$0x0] =	sbarrier.arrive $0xFFFF  }
0x231: {  	_ =	strace $0x9000004A  }
0x232: {  	s0 =	stileid.u32;
	[bflag:$0x2] =	sbarrier.arrive $0xFFFF  }
0x233: {  	p0 =	sne.s32 s0, $0x0;
	s0 =	rddreg [dreg:$0x5]  }
0x234: {  	s0 =	sadd.s32 @!p0 $0x100000, s0  }
0x235: {  	[sflag:s0] =	ssyncadd.tile.s32 @!p0 $0x1;
	_ =	shalt  }
.Lfunc_end2:
_tile_overlayer_lowered:
.L_overlay_start_2:
0x236: {  	(tag) =	ssettag $0x2  }
0x237: {  	s0 =	rddreg [dreg:$0x0];
	s2 =	stileid.u32  }
0x238: {  	s1 =	rddreg [dreg:$0x1];
	p0 =	sne.s32 s2, $0x0  }
0x239: {  	s3 =	rddreg [dreg:$0x2];
	[bflag:$0x3] =	sbarrier.arrive $0xFFFF;
	s2 =	simm.s32 @!p0 $0x1C03  }
0x23a: {  	[timem:s3], [sflag:s2] =	dma.local @!p0 [hbm:s0], s1  }
0x23b: {  	s0 =	simm.s32 @!p0 $0x3  }
0x23c: {  	_ =	swait.ge @!p0 [sflag:s0], s1  }
0x23d: {  	s1 =	ssub.s32 @!p0 $0x0, s1;
	[sflag:s0] =	ssyncset.done @!p0 $0x0  }
0x23e: {  	[sflag:s0] =	ssyncadd.s32 @!p0 s1  }
0x23f: {  	[bflag:$0x3] =	sbarrier.arrive $0xFFFF  }
0x240: {  	_ =	shalt  }

</sc_bundles>
